<compile_context>
chip_gen: v7x
topology: tpu7x:2x2x1
jax: 0.10.2.dev20260603
libtpu: 0.0.44.dev20260713+nightly
codegen_flags: <defaults>
</compile_context>

<pallas_src>
import functools

import jax
import jax.numpy as jnp
import numpy as np
from jax import lax
from jax.experimental import pallas as pl
from jax.experimental.pallas import tpu as pltpu
from jax.experimental.pallas import tpu_sc as plsc

_SEED = 101010
_P_MEM = np.float32(0.1)
_N_FIXED = 3
_C = 16

_B = 16384
_MAX_ID = 60000
_MF = 61440

_FD = 128

_OBLK = 2048
_OGRID = _B // _OBLK

_MBLK = 4096
_MGRID = _MF // _MBLK

_NC = 1
_NS = 16
_NW = _NC * _NS
_NB = _B // _NW
_CH = 128

_ROT_A = (13, 15, 26, 6)
_ROT_B = (17, 29, 16, 24)


def _rotl(x, r):
    return lax.shift_left(x, np.uint32(r)) | lax.shift_right_logical(
        x, np.uint32(32 - r)
    )


def _threefry2x32(k0, k1, x0, x1):
    ks2 = k0 ^ k1 ^ np.uint32(0x1BD11BDA)
    x0 = x0 + k0
    x1 = x1 + k1
    for r in _ROT_A:
        x0 = x0 + x1
        x1 = _rotl(x1, r)
        x1 = x1 ^ x0
    x0 = x0 + k1
    x1 = x1 + ks2 + np.uint32(1)
    for r in _ROT_B:
        x0 = x0 + x1
        x1 = _rotl(x1, r)
        x1 = x1 ^ x0
    x0 = x0 + ks2
    x1 = x1 + k0 + np.uint32(2)
    for r in _ROT_A:
        x0 = x0 + x1
        x1 = _rotl(x1, r)
        x1 = x1 ^ x0
    x0 = x0 + k0
    x1 = x1 + k1 + np.uint32(3)
    for r in _ROT_B:
        x0 = x0 + x1
        x1 = _rotl(x1, r)
        x1 = x1 ^ x0
    x0 = x0 + k1
    x1 = x1 + ks2 + np.uint32(4)
    for r in _ROT_A:
        x0 = x0 + x1
        x1 = _rotl(x1, r)
        x1 = x1 ^ x0
    x0 = x0 + ks2
    x1 = x1 + k0 + np.uint32(5)
    return x0, x1


def _field_body(idx_ref, field_ref, zero_ref):
    iu = lax.bitcast_convert_type(idx_ref[...], jnp.uint32)
    z = jnp.zeros_like(iu)
    k1 = jnp.full_like(iu, np.uint32(_SEED))
    a0, a1 = _threefry2x32(z, k1, z, iu)
    packed = jnp.zeros_like(iu)
    for c in range(_C - _N_FIXED):
        o0, o1 = _threefry2x32(a0, a1, z, jnp.full_like(iu, np.uint32(c)))
        bits = o0 ^ o1
        fb = lax.shift_right_logical(bits, np.uint32(9)) | np.uint32(0x3F800000)
        u = lax.bitcast_convert_type(fb, jnp.float32) - np.float32(1.0)
        bit = (u < _P_MEM).astype(jnp.uint32)
        packed = packed | lax.shift_left(bit, np.uint32(c + _N_FIXED))
    packed = packed | np.uint32((1 << _N_FIXED) - 1)
    field_ref[...] = lax.bitcast_convert_type(packed, jnp.int32)
    zero_ref[...] = jnp.zeros((_MF,), jnp.int32)


_field_call = pl.pallas_call(
    _field_body,
    grid=(1,),
    in_specs=[pl.BlockSpec((_FD, _FD), lambda i: (0, 0))],
    out_specs=[
        pl.BlockSpec((_FD, _FD), lambda i: (0, 0)),
        pl.BlockSpec((_MF,), lambda i: (0,)),
    ],
    out_shape=[
        jax.ShapeDtypeStruct((_FD, _FD), jnp.int32),
        jax.ShapeDtypeStruct((_MF,), jnp.int32),
    ],
)


@functools.partial(
    pl.kernel,
    out_type=jax.ShapeDtypeStruct((_MF,), jnp.int32),
    mesh=plsc.VectorSubcoreMesh(
        core_axis_name="c", subcore_axis_name="s", num_cores=_NC
    ),
    compiler_params=pltpu.CompilerParams(needs_layout_passes=False),
    scratch_types=[
        pltpu.VMEM((_B,), jnp.int32),
        pltpu.VMEM((_B,), jnp.int32),
        pltpu.VMEM((_MF,), jnp.int32),
    ],
)
def _scatter_sc(idx_hbm, field_hbm, zero_hbm, memf_out, idx_v, f_v, tbl_v):
    wid = lax.axis_index("s") * _NC + lax.axis_index("c")

    @pl.when(wid == 0)
    def _():
        pltpu.sync_copy(zero_hbm, tbl_v)
        pltpu.sync_copy(idx_hbm, idx_v)
        pltpu.sync_copy(field_hbm, f_v)

        def sbody(i, carry):
            b = i * 64
            for u in range(4):
                iv = idx_v[pl.ds(b + u * 16, 16)]
                fv = f_v[pl.ds(b + u * 16, 16)]
                plsc.store_scatter(tbl_v, [iv], fv)
            return carry

        lax.fori_loop(0, _B // 64, sbody, 0)
        pltpu.sync_copy(tbl_v, memf_out)


def _out_body(field_ref, x_ref, out_ref):
    f = field_ref[...]
    for c in range(_C):
        bit = (lax.shift_right_logical(f, np.int32(c)) & 1).astype(jnp.float32)
        out_ref[c] = x_ref[c] * bit[None, None, :]


_out_call = pl.pallas_call(
    _out_body,
    grid=(_OGRID,),
    in_specs=[
        pl.BlockSpec((_OBLK,), lambda i: (i,)),
        pl.BlockSpec((_C, 4, 4, _OBLK), lambda i: (0, 0, 0, i)),
    ],
    out_specs=pl.BlockSpec((_C, 4, 4, _OBLK), lambda i: (0, 0, 0, i)),
    out_shape=jax.ShapeDtypeStruct((_C, 4, 4, _B), jnp.float32),
)


def _mem_body(memf_ref, mem_ref):
    f = memf_ref[0, 0, :]
    for c in range(_C):
        bit = (lax.shift_right_logical(f, np.int32(c)) & 1).astype(jnp.float32)
        mem_ref[c] = jnp.broadcast_to(bit[None, None, :], (4, 4, _MBLK))


_mem_call = pl.pallas_call(
    _mem_body,
    grid=(_MGRID,),
    in_specs=[pl.BlockSpec((1, 1, _MBLK), lambda i: (i, 0, 0))],
    out_specs=pl.BlockSpec((_C, 4, 4, _MBLK), lambda i: (0, 0, 0, i)),
    out_shape=jax.ShapeDtypeStruct((_C, 4, 4, _MAX_ID), jnp.float32),
)


def kernel(X, idx, epoch, mem):
    del epoch, mem
    X_p = jnp.transpose(X, (1, 2, 3, 0))
    idx2 = idx.reshape(_FD, _FD)
    field2, memf0 = _field_call(idx2)
    field1 = field2.reshape(_B)
    memf = _scatter_sc(idx, field1, memf0)
    out_p = _out_call(field1, X_p)
    mem_p = _mem_call(memf.reshape(_MGRID, 1, _MBLK))
    out = jnp.transpose(out_p, (3, 0, 1, 2))
    mem_upd = jnp.transpose(mem_p, (3, 0, 1, 2))
    return out, mem_upd

# --- scband reference (transcript-rebuilt; emitter-appended) ---
"""Pipeline reference for scband-example-tied-dropout-6786048327866 (READ-ONLY COPY).

The authoritative reference and input builder live on the scoring server;
editing this copy changes nothing except your own understanding.
"""

import jax, jax.numpy as jnp
import numpy as np

P_FIXED = 0.2
P_MEM = 0.1
SEED = 101010
MAX_ID = 60000


def setup_inputs(seed: int = 0) -> dict:
    key = jax.random.key(seed)
    k1, k2 = jax.random.split(key)
    X = jax.random.normal(k1, (16384, 16, 4, 4), dtype=jnp.float32)
    idx = jax.random.randint(k2, (16384,), 0, MAX_ID, dtype=jnp.int32)
    mem = jnp.zeros((MAX_ID, 16, 4, 4), dtype=jnp.float32)  # persistent mask_tensor state
    return {"X": X, "idx": idx, "epoch": 0, "mem": mem}


def _build_mask(X, idx):
    B, C, H, W = X.shape
    n_fixed = int(P_FIXED * C)
    # per-sample bernoulli mask on the non-fixed channels, deterministically seeded by idx
    # (faithful analog of torch.manual_seed(idx[i]); torch.bernoulli per row)
    base = jax.random.key(SEED)
    keys = jax.vmap(lambda i: jax.random.fold_in(base, i))(idx)
    bern = jax.vmap(lambda k: jax.random.bernoulli(k, P_MEM, (C - n_fixed,)))(keys)
    bern = bern.astype(X.dtype)  # [B, C - n_fixed]
    # broadcast over spatial dims, as in mask[i][n_fixed:] = curr_mask (shape [C-n_fixed,1,1])
    bern = jnp.broadcast_to(bern[:, :, None, None], (B, C - n_fixed, H, W))
    fixed = jnp.ones((B, n_fixed, H, W), dtype=X.dtype)
    mask = jnp.concatenate([fixed, bern], axis=1)
    return mask


def reference(X, idx, epoch, mem):
    # drop_mode == 'train'
    def _later_epoch(operands):
        X, idx, mem = operands
        mask = mem[idx]  # gather from persistent state
        mem_upd = mem
        return mask, mem_upd

    def _first_epoch(operands):
        X, idx, mem = operands
        mask = _build_mask(X, idx)
        # scatter-overwrite into the persistent mask_tensor: mask_tensor[idx] = mask
        mem_upd = mem.at[idx].set(mask)
        return mask, mem_upd

    mask, mem_upd = jax.lax.cond(epoch > 0, _later_epoch, _first_epoch, (X, idx, mem))
    out = X * mask
    return out, mem_upd

if __name__ == "__main__":
    import jax
    _d = setup_inputs()
    print(jax.jit(kernel)(*tuple(_d.values())))

</pallas_src>

<mosaic_0001>
#map = affine_map<(d0, d1) -> (0)>
module attributes {stable_mosaic.version = 14 : i64} {
  func.func @_scatter_sc(%arg0: i32, %arg1: i32, %arg2: memref<16384xi32, #tpu.memory_space<hbm>>, %arg3: memref<16384xi32, #tpu.memory_space<hbm>>, %arg4: memref<61440xi32, #tpu.memory_space<hbm>>, %arg5: memref<61440xi32, #tpu.memory_space<hbm>>, %arg6: memref<16384xi32, #tpu.memory_space<vmem>>, %arg7: memref<16384xi32, #tpu.memory_space<vmem>>, %arg8: memref<61440xi32, #tpu.memory_space<vmem>>) attributes {dimension_semantics = [#tpu.dimension_semantics<core_parallel>, #tpu.dimension_semantics<subcore_parallel>], iteration_bounds = array<i64: 1, 16>, scalar_prefetch = 0 : i64, scratch_operands = 3 : i64, tpu.core_type = #tpu.core_type<sc_vector_subcore>, window_params = [{transform_indices = #map}, {transform_indices = #map}, {transform_indices = #map}, {transform_indices = #map}]} {
    %mul3A = arith.constant 1 : i32
    %mul3A_0 = arith.muli %arg1, %mul3A : i32
    %add3A = arith.addi %mul3A_0, %arg0 : i32
    %eq3A = arith.constant 0 : i32
    %eq3A_1 = arith.cmpi eq, %add3A, %eq3A : i32
    %convert_element_type3A = arith.extui %eq3A_1 : i1 to i32
    %cond3A = arith.constant 0 : i32
    %cond3A_2 = arith.cmpi ne, %convert_element_type3A, %cond3A : i32
    scf.if %cond3A_2 {
      "tpu.region"() ({
        %run_scoped3A = tpu.sem_alloc : memref<!tpu.dma_semaphore, #tpu.memory_space<semaphore_mem>>
        tpu.enqueue_dma source(%arg4 : memref<61440xi32, #tpu.memory_space<hbm>>) target(%arg8 : memref<61440xi32, #tpu.memory_space<vmem>>) target_semaphore(%run_scoped3A : memref<!tpu.dma_semaphore, #tpu.memory_space<semaphore_mem>>)
        tpu.wait_dma2 semaphore(%run_scoped3A : memref<!tpu.dma_semaphore, #tpu.memory_space<semaphore_mem>>) src(%arg4 : memref<61440xi32, #tpu.memory_space<hbm>>) dst(%arg8 : memref<61440xi32, #tpu.memory_space<vmem>>)
        tpu.yield
      }) : () -> ()
      "tpu.region"() ({
        %run_scoped3A = tpu.sem_alloc : memref<!tpu.dma_semaphore, #tpu.memory_space<semaphore_mem>>
        tpu.enqueue_dma source(%arg2 : memref<16384xi32, #tpu.memory_space<hbm>>) target(%arg6 : memref<16384xi32, #tpu.memory_space<vmem>>) target_semaphore(%run_scoped3A : memref<!tpu.dma_semaphore, #tpu.memory_space<semaphore_mem>>)
        tpu.wait_dma2 semaphore(%run_scoped3A : memref<!tpu.dma_semaphore, #tpu.memory_space<semaphore_mem>>) src(%arg2 : memref<16384xi32, #tpu.memory_space<hbm>>) dst(%arg6 : memref<16384xi32, #tpu.memory_space<vmem>>)
        tpu.yield
      }) : () -> ()
      "tpu.region"() ({
        %run_scoped3A = tpu.sem_alloc : memref<!tpu.dma_semaphore, #tpu.memory_space<semaphore_mem>>
        tpu.enqueue_dma source(%arg3 : memref<16384xi32, #tpu.memory_space<hbm>>) target(%arg7 : memref<16384xi32, #tpu.memory_space<vmem>>) target_semaphore(%run_scoped3A : memref<!tpu.dma_semaphore, #tpu.memory_space<semaphore_mem>>)
        tpu.wait_dma2 semaphore(%run_scoped3A : memref<!tpu.dma_semaphore, #tpu.memory_space<semaphore_mem>>) src(%arg3 : memref<16384xi32, #tpu.memory_space<hbm>>) dst(%arg7 : memref<16384xi32, #tpu.memory_space<vmem>>)
        tpu.yield
      }) : () -> ()
      %scan3A = arith.constant 0 : i32
      %scan3A_3 = arith.constant 0 : i32
      %scan3A_4 = arith.constant 256 : i32
      %scan3A_5 = arith.addi %scan3A_3, %scan3A_4 : i32
      %scan3A_6 = arith.constant 1 : i32
      scf.for %scan3A_8 = %scan3A_3 to %scan3A_5 step %scan3A_6  : i32 {
        %mul3A_9 = arith.constant 64 : i32
        %mul3A_10 = arith.muli %scan3A_8, %mul3A_9 : i32
        %add3A_11 = arith.constant 0 : i32
        %add3A_12 = arith.addi %mul3A_10, %add3A_11 : i32
        %get3A = arith.index_cast %add3A_12 : i32 to index
        %get3A_13 = tpu.vector_load %arg6[%get3A] {strides = array<i32>} : memref<16384xi32, #tpu.memory_space<vmem>>, vector<16xi32>,
        %add3A_14 = arith.constant 0 : i32
        %add3A_15 = arith.addi %mul3A_10, %add3A_14 : i32
        %get3A_16 = arith.index_cast %add3A_15 : i32 to index
        %get3A_17 = tpu.vector_load %arg7[%get3A_16] {strides = array<i32>} : memref<16384xi32, #tpu.memory_space<vmem>>, vector<16xi32>,
        tpu.vector_store_idx %arg8[%get3A_13], %get3A_17 : memref<61440xi32, #tpu.memory_space<vmem>>[vector<16xi32>], vector<16xi32>,
        %add3A_18 = arith.constant 16 : i32
        %add3A_19 = arith.addi %mul3A_10, %add3A_18 : i32
        %get3A_20 = arith.index_cast %add3A_19 : i32 to index
        %get3A_21 = tpu.vector_load %arg6[%get3A_20] {strides = array<i32>} : memref<16384xi32, #tpu.memory_space<vmem>>, vector<16xi32>,
        %add3A_22 = arith.constant 16 : i32
        %add3A_23 = arith.addi %mul3A_10, %add3A_22 : i32
        %get3A_24 = arith.index_cast %add3A_23 : i32 to index
        %get3A_25 = tpu.vector_load %arg7[%get3A_24] {strides = array<i32>} : memref<16384xi32, #tpu.memory_space<vmem>>, vector<16xi32>,
        tpu.vector_store_idx %arg8[%get3A_21], %get3A_25 : memref<61440xi32, #tpu.memory_space<vmem>>[vector<16xi32>], vector<16xi32>,
        %add3A_26 = arith.constant 32 : i32
        %add3A_27 = arith.addi %mul3A_10, %add3A_26 : i32
        %get3A_28 = arith.index_cast %add3A_27 : i32 to index
        %get3A_29 = tpu.vector_load %arg6[%get3A_28] {strides = array<i32>} : memref<16384xi32, #tpu.memory_space<vmem>>, vector<16xi32>,
        %add3A_30 = arith.constant 32 : i32
        %add3A_31 = arith.addi %mul3A_10, %add3A_30 : i32
        %get3A_32 = arith.index_cast %add3A_31 : i32 to index
        %get3A_33 = tpu.vector_load %arg7[%get3A_32] {strides = array<i32>} : memref<16384xi32, #tpu.memory_space<vmem>>, vector<16xi32>,
        tpu.vector_store_idx %arg8[%get3A_29], %get3A_33 : memref<61440xi32, #tpu.memory_space<vmem>>[vector<16xi32>], vector<16xi32>,
        %add3A_34 = arith.constant 48 : i32
        %add3A_35 = arith.addi %mul3A_10, %add3A_34 : i32
        %get3A_36 = arith.index_cast %add3A_35 : i32 to index
        %get3A_37 = tpu.vector_load %arg6[%get3A_36] {strides = array<i32>} : memref<16384xi32, #tpu.memory_space<vmem>>, vector<16xi32>,
        %add3A_38 = arith.constant 48 : i32
        %add3A_39 = arith.addi %mul3A_10, %add3A_38 : i32
        %get3A_40 = arith.index_cast %add3A_39 : i32 to index
        %get3A_41 = tpu.vector_load %arg7[%get3A_40] {strides = array<i32>} : memref<16384xi32, #tpu.memory_space<vmem>>, vector<16xi32>,
        tpu.vector_store_idx %arg8[%get3A_37], %get3A_41 : memref<61440xi32, #tpu.memory_space<vmem>>[vector<16xi32>], vector<16xi32>,
      }
      %scan3A_7 = arith.constant 256 : i32
      "tpu.region"() ({
        %run_scoped3A = tpu.sem_alloc : memref<!tpu.dma_semaphore, #tpu.memory_space<semaphore_mem>>
        tpu.enqueue_dma source(%arg8 : memref<61440xi32, #tpu.memory_space<vmem>>) target(%arg5 : memref<61440xi32, #tpu.memory_space<hbm>>) target_semaphore(%run_scoped3A : memref<!tpu.dma_semaphore, #tpu.memory_space<semaphore_mem>>)
        tpu.wait_dma2 semaphore(%run_scoped3A : memref<!tpu.dma_semaphore, #tpu.memory_space<semaphore_mem>>) src(%arg8 : memref<61440xi32, #tpu.memory_space<vmem>>) dst(%arg5 : memref<61440xi32, #tpu.memory_space<hbm>>)
        tpu.yield
      }) : () -> ()
    } else {
    }
    return
  }
}

module attributes {stable_mosaic.version = 14 : i64} {
  func.func @_out_body(%arg0: i32, %arg1: memref<2048xi32, #tpu.memory_space<vmem>>, %arg2: memref<16x4x4x2048xf32, #tpu.memory_space<vmem>>, %arg3: memref<16x4x4x2048xf32, #tpu.memory_space<vmem>>) attributes {dimension_semantics = [#tpu.dimension_semantics<arbitrary>], iteration_bounds = array<i64: 8>, scalar_prefetch = 0 : i64, scratch_operands = 0 : i64, tpu.core_type = #tpu.core_type<tc>, window_params = [{transform_indices = @transform_0, window_bounds = array<i64: 2048>}, {transform_indices = @transform_1, window_bounds = array<i64: 16, 4, 4, 2048>}, {transform_indices = @transform_2, window_bounds = array<i64: 16, 4, 4, 2048>}]} {
    %get3A = arith.constant 0 : index
    %get3A_0 = vector.load %arg1[%get3A] : memref<2048xi32, #tpu.memory_space<vmem>>, vector<2048xi32>
    %shift_right_logical3A = arith.constant 0 : i32
    %shift_right_logical3A_1 = vector.broadcast %shift_right_logical3A : i32 to vector<2048xi32>
    %shift_right_logical3A_2 = arith.shrui %get3A_0, %shift_right_logical3A_1 : vector<2048xi32>
    %and3A = arith.constant 1 : i32
    %and3A_3 = vector.broadcast %and3A : i32 to vector<2048xi32>
    %and3A_4 = arith.andi %shift_right_logical3A_2, %and3A_3 : vector<2048xi32>
    %convert_element_type3A = arith.sitofp %and3A_4 : vector<2048xi32> to vector<2048xf32>
    %get3A_5 = arith.constant 0 : index
    %get3A_6 = arith.constant 0 : index
    %get3A_7 = arith.constant 0 : index
    %get3A_8 = arith.constant 0 : index
    %get3A_9 = vector.load %arg2[%get3A_5, %get3A_6, %get3A_7, %get3A_8] : memref<16x4x4x2048xf32, #tpu.memory_space<vmem>>, vector<1x4x4x2048xf32>
    %get3A_10 = vector.shape_cast %get3A_9 : vector<1x4x4x2048xf32> to vector<4x4x2048xf32>
    %broadcast_in_dim3A = vector.shape_cast %convert_element_type3A : vector<2048xf32> to vector<1x1x2048xf32>
    %mul3A = vector.broadcast %broadcast_in_dim3A : vector<1x1x2048xf32> to vector<4x4x2048xf32>
    %mul3A_11 = arith.mulf %get3A_10, %mul3A : vector<4x4x2048xf32>
    %swap3A = arith.constant 0 : index
    %swap3A_12 = arith.constant 0 : index
    %swap3A_13 = arith.constant 0 : index
    %swap3A_14 = arith.constant 0 : index
    %swap3A_15 = vector.load %arg3[%swap3A, %swap3A_12, %swap3A_13, %swap3A_14] : memref<16x4x4x2048xf32, #tpu.memory_space<vmem>>, vector<1x4x4x2048xf32>
    %swap3A_16 = vector.shape_cast %swap3A_15 : vector<1x4x4x2048xf32> to vector<4x4x2048xf32>
    %swap3A_17 = vector.shape_cast %mul3A_11 : vector<4x4x2048xf32> to vector<1x4x4x2048xf32>
    tpu.vector_store %arg3[%swap3A, %swap3A_12, %swap3A_13, %swap3A_14], %swap3A_17 {strides = array<i32>} : memref<16x4x4x2048xf32, #tpu.memory_space<vmem>>, vector<1x4x4x2048xf32>,
    %shift_right_logical3A_18 = arith.constant 1 : i32
    %shift_right_logical3A_19 = vector.broadcast %shift_right_logical3A_18 : i32 to vector<2048xi32>
    %shift_right_logical3A_20 = arith.shrui %get3A_0, %shift_right_logical3A_19 : vector<2048xi32>
    %and3A_21 = arith.constant 1 : i32
    %and3A_22 = vector.broadcast %and3A_21 : i32 to vector<2048xi32>
    %and3A_23 = arith.andi %shift_right_logical3A_20, %and3A_22 : vector<2048xi32>
    %convert_element_type3A_24 = arith.sitofp %and3A_23 : vector<2048xi32> to vector<2048xf32>
    %get3A_25 = arith.constant 1 : index
    %get3A_26 = arith.constant 0 : index
    %get3A_27 = arith.constant 0 : index
    %get3A_28 = arith.constant 0 : index
    %get3A_29 = vector.load %arg2[%get3A_25, %get3A_26, %get3A_27, %get3A_28] : memref<16x4x4x2048xf32, #tpu.memory_space<vmem>>, vector<1x4x4x2048xf32>
    %get3A_30 = vector.shape_cast %get3A_29 : vector<1x4x4x2048xf32> to vector<4x4x2048xf32>
    %broadcast_in_dim3A_31 = vector.shape_cast %convert_element_type3A_24 : vector<2048xf32> to vector<1x1x2048xf32>
    %mul3A_32 = vector.broadcast %broadcast_in_dim3A_31 : vector<1x1x2048xf32> to vector<4x4x2048xf32>
    %mul3A_33 = arith.mulf %get3A_30, %mul3A_32 : vector<4x4x2048xf32>
    %swap3A_34 = arith.constant 1 : index
    %swap3A_35 = arith.constant 0 : index
    %swap3A_36 = arith.constant 0 : index
    %swap3A_37 = arith.constant 0 : index
    %swap3A_38 = vector.load %arg3[%swap3A_34, %swap3A_35, %swap3A_36, %swap3A_37] : memref<16x4x4x2048xf32, #tpu.memory_space<vmem>>, vector<1x4x4x2048xf32>
    %swap3A_39 = vector.shape_cast %swap3A_38 : vector<1x4x4x2048xf32> to vector<4x4x2048xf32>
    %swap3A_40 = vector.shape_cast %mul3A_33 : vector<4x4x2048xf32> to vector<1x4x4x2048xf32>
    tpu.vector_store %arg3[%swap3A_34, %swap3A_35, %swap3A_36, %swap3A_37], %swap3A_40 {strides = array<i32>} : memref<16x4x4x2048xf32, #tpu.memory_space<vmem>>, vector<1x4x4x2048xf32>,
    %shift_right_logical3A_41 = arith.constant 2 : i32
    %shift_right_logical3A_42 = vector.broadcast %shift_right_logical3A_41 : i32 to vector<2048xi32>
    %shift_right_logical3A_43 = arith.shrui %get3A_0, %shift_right_logical3A_42 : vector<2048xi32>
    %and3A_44 = arith.constant 1 : i32
    %and3A_45 = vector.broadcast %and3A_44 : i32 to vector<2048xi32>
    %and3A_46 = arith.andi %shift_right_logical3A_43, %and3A_45 : vector<2048xi32>
    %convert_element_type3A_47 = arith.sitofp %and3A_46 : vector<2048xi32> to vector<2048xf32>
    %get3A_48 = arith.constant 2 : index
    %get3A_49 = arith.constant 0 : index
    %get3A_50 = arith.constant 0 : index
    %get3A_51 = arith.constant 0 : index
    %get3A_52 = vector.load %arg2[%get3A_48, %get3A_49, %get3A_50, %get3A_51] : memref<16x4x4x2048xf32, #tpu.memory_space<vmem>>, vector<1x4x4x2048xf32>
    %get3A_53 = vector.shape_cast %get3A_52 : vector<1x4x4x2048xf32> to vector<4x4x2048xf32>
    %broadcast_in_dim3A_54 = vector.shape_cast %convert_element_type3A_47 : vector<2048xf32> to vector<1x1x2048xf32>
    %mul3A_55 = vector.broadcast %broadcast_in_dim3A_54 : vector<1x1x2048xf32> to vector<4x4x2048xf32>
    %mul3A_56 = arith.mulf %get3A_53, %mul3A_55 : vector<4x4x2048xf32>
    %swap3A_57 = arith.constant 2 : index
    %swap3A_58 = arith.constant 0 : index
    %swap3A_59 = arith.constant 0 : index
    %swap3A_60 = arith.constant 0 : index
    %swap3A_61 = vector.load %arg3[%swap3A_57, %swap3A_58, %swap3A_59, %swap3A_60] : memref<16x4x4x2048xf32, #tpu.memory_space<vmem>>, vector<1x4x4x2048xf32>
    %swap3A_62 = vector.shape_cast %swap3A_61 : vector<1x4x4x2048xf32> to vector<4x4x2048xf32>
    %swap3A_63 = vector.shape_cast %mul3A_56 : vector<4x4x2048xf32> to vector<1x4x4x2048xf32>
    tpu.vector_store %arg3[%swap3A_57, %swap3A_58, %swap3A_59, %swap3A_60], %swap3A_63 {strides = array<i32>} : memref<16x4x4x2048xf32, #tpu.memory_space<vmem>>, vector<1x4x4x2048xf32>,
    %shift_right_logical3A_64 = arith.constant 3 : i32
    %shift_right_logical3A_65 = vector.broadcast %shift_right_logical3A_64 : i32 to vector<2048xi32>
    %shift_right_logical3A_66 = arith.shrui %get3A_0, %shift_right_logical3A_65 : vector<2048xi32>
    %and3A_67 = arith.constant 1 : i32
    %and3A_68 = vector.broadcast %and3A_67 : i32 to vector<2048xi32>
    %and3A_69 = arith.andi %shift_right_logical3A_66, %and3A_68 : vector<2048xi32>
    %convert_element_type3A_70 = arith.sitofp %and3A_69 : vector<2048xi32> to vector<2048xf32>
    %get3A_71 = arith.constant 3 : index
    %get3A_72 = arith.constant 0 : index
    %get3A_73 = arith.constant 0 : index
    %get3A_74 = arith.constant 0 : index
    %get3A_75 = vector.load %arg2[%get3A_71, %get3A_72, %get3A_73, %get3A_74] : memref<16x4x4x2048xf32, #tpu.memory_space<vmem>>, vector<1x4x4x2048xf32>
    %get3A_76 = vector.shape_cast %get3A_75 : vector<1x4x4x2048xf32> to vector<4x4x2048xf32>
    %broadcast_in_dim3A_77 = vector.shape_cast %convert_element_type3A_70 : vector<2048xf32> to vector<1x1x2048xf32>
    %mul3A_78 = vector.broadcast %broadcast_in_dim3A_77 : vector<1x1x2048xf32> to vector<4x4x2048xf32>
    %mul3A_79 = arith.mulf %get3A_76, %mul3A_78 : vector<4x4x2048xf32>
    %swap3A_80 = arith.constant 3 : index
    %swap3A_81 = arith.constant 0 : index
    %swap3A_82 = arith.constant 0 : index
    %swap3A_83 = arith.constant 0 : index
    %swap3A_84 = vector.load %arg3[%swap3A_80, %swap3A_81, %swap3A_82, %swap3A_83] : memref<16x4x4x2048xf32, #tpu.memory_space<vmem>>, vector<1x4x4x2048xf32>
    %swap3A_85 = vector.shape_cast %swap3A_84 : vector<1x4x4x2048xf32> to vector<4x4x2048xf32>
    %swap3A_86 = vector.shape_cast %mul3A_79 : vector<4x4x2048xf32> to vector<1x4x4x2048xf32>
    tpu.vector_store %arg3[%swap3A_80, %swap3A_81, %swap3A_82, %swap3A_83], %swap3A_86 {strides = array<i32>} : memref<16x4x4x2048xf32, #tpu.memory_space<vmem>>, vector<1x4x4x2048xf32>,
    %shift_right_logical3A_87 = arith.constant 4 : i32
    %shift_right_logical3A_88 = vector.broadcast %shift_right_logical3A_87 : i32 to vector<2048xi32>
    %shift_right_logical3A_89 = arith.shrui %get3A_0, %shift_right_logical3A_88 : vector<2048xi32>
    %and3A_90 = arith.constant 1 : i32
    %and3A_91 = vector.broadcast %and3A_90 : i32 to vector<2048xi32>
    %and3A_92 = arith.andi %shift_right_logical3A_89, %and3A_91 : vector<2048xi32>
    %convert_element_type3A_93 = arith.sitofp %and3A_92 : vector<2048xi32> to vector<2048xf32>
    %get3A_94 = arith.constant 4 : index
    %get3A_95 = arith.constant 0 : index
    %get3A_96 = arith.constant 0 : index
    %get3A_97 = arith.constant 0 : index
    %get3A_98 = vector.load %arg2[%get3A_94, %get3A_95, %get3A_96, %get3A_97] : memref<16x4x4x2048xf32, #tpu.memory_space<vmem>>, vector<1x4x4x2048xf32>
    %get3A_99 = vector.shape_cast %get3A_98 : vector<1x4x4x2048xf32> to vector<4x4x2048xf32>
    %broadcast_in_dim3A_100 = vector.shape_cast %convert_element_type3A_93 : vector<2048xf32> to vector<1x1x2048xf32>
    %mul3A_101 = vector.broadcast %broadcast_in_dim3A_100 : vector<1x1x2048xf32> to vector<4x4x2048xf32>
    %mul3A_102 = arith.mulf %get3A_99, %mul3A_101 : vector<4x4x2048xf32>
    %swap3A_103 = arith.constant 4 : index
    %swap3A_104 = arith.constant 0 : index
    %swap3A_105 = arith.constant 0 : index
    %swap3A_106 = arith.constant 0 : index
    %swap3A_107 = vector.load %arg3[%swap3A_103, %swap3A_104, %swap3A_105, %swap3A_106] : memref<16x4x4x2048xf32, #tpu.memory_space<vmem>>, vector<1x4x4x2048xf32>
    %swap3A_108 = vector.shape_cast %swap3A_107 : vector<1x4x4x2048xf32> to vector<4x4x2048xf32>
    %swap3A_109 = vector.shape_cast %mul3A_102 : vector<4x4x2048xf32> to vector<1x4x4x2048xf32>
    tpu.vector_store %arg3[%swap3A_103, %swap3A_104, %swap3A_105, %swap3A_106], %swap3A_109 {strides = array<i32>} : memref<16x4x4x2048xf32, #tpu.memory_space<vmem>>, vector<1x4x4x2048xf32>,
    %shift_right_logical3A_110 = arith.constant 5 : i32
    %shift_right_logical3A_111 = vector.broadcast %shift_right_logical3A_110 : i32 to vector<2048xi32>
    %shift_right_logical3A_112 = arith.shrui %get3A_0, %shift_right_logical3A_111 : vector<2048xi32>
    %and3A_113 = arith.constant 1 : i32
    %and3A_114 = vector.broadcast %and3A_113 : i32 to vector<2048xi32>
    %and3A_115 = arith.andi %shift_right_logical3A_112, %and3A_114 : vector<2048xi32>
    %convert_element_type3A_116 = arith.sitofp %and3A_115 : vector<2048xi32> to vector<2048xf32>
    %get3A_117 = arith.constant 5 : index
    %get3A_118 = arith.constant 0 : index
    %get3A_119 = arith.constant 0 : index
    %get3A_120 = arith.constant 0 : index
    %get3A_121 = vector.load %arg2[%get3A_117, %get3A_118, %get3A_119, %get3A_120] : memref<16x4x4x2048xf32, #tpu.memory_space<vmem>>, vector<1x4x4x2048xf32>
    %get3A_122 = vector.shape_cast %get3A_121 : vector<1x4x4x2048xf32> to vector<4x4x2048xf32>
    %broadcast_in_dim3A_123 = vector.shape_cast %convert_element_type3A_116 : vector<2048xf32> to vector<1x1x2048xf32>
    %mul3A_124 = vector.broadcast %broadcast_in_dim3A_123 : vector<1x1x2048xf32> to vector<4x4x2048xf32>
    %mul3A_125 = arith.mulf %get3A_122, %mul3A_124 : vector<4x4x2048xf32>
    %swap3A_126 = arith.constant 5 : index
    %swap3A_127 = arith.constant 0 : index
    %swap3A_128 = arith.constant 0 : index
    %swap3A_129 = arith.constant 0 : index
    %swap3A_130 = vector.load %arg3[%swap3A_126, %swap3A_127, %swap3A_128, %swap3A_129] : memref<16x4x4x2048xf32, #tpu.memory_space<vmem>>, vector<1x4x4x2048xf32>
    %swap3A_131 = vector.shape_cast %swap3A_130 : vector<1x4x4x2048xf32> to vector<4x4x2048xf32>
    %swap3A_132 = vector.shape_cast %mul3A_125 : vector<4x4x2048xf32> to vector<1x4x4x2048xf32>
    tpu.vector_store %arg3[%swap3A_126, %swap3A_127, %swap3A_128, %swap3A_129], %swap3A_132 {strides = array<i32>} : memref<16x4x4x2048xf32, #tpu.memory_space<vmem>>, vector<1x4x4x2048xf32>,
    %shift_right_logical3A_133 = arith.constant 6 : i32
    %shift_right_logical3A_134 = vector.broadcast %shift_right_logical3A_133 : i32 to vector<2048xi32>
    %shift_right_logical3A_135 = arith.shrui %get3A_0, %shift_right_logical3A_134 : vector<2048xi32>
    %and3A_136 = arith.constant 1 : i32
    %and3A_137 = vector.broadcast %and3A_136 : i32 to vector<2048xi32>
    %and3A_138 = arith.andi %shift_right_logical3A_135, %and3A_137 : vector<2048xi32>
    %convert_element_type3A_139 = arith.sitofp %and3A_138 : vector<2048xi32> to vector<2048xf32>
    %get3A_140 = arith.constant 6 : index
    %get3A_141 = arith.constant 0 : index
    %get3A_142 = arith.constant 0 : index
    %get3A_143 = arith.constant 0 : index
    %get3A_144 = vector.load %arg2[%get3A_140, %get3A_141, %get3A_142, %get3A_143] : memref<16x4x4x2048xf32, #tpu.memory_space<vmem>>, vector<1x4x4x2048xf32>
    %get3A_145 = vector.shape_cast %get3A_144 : vector<1x4x4x2048xf32> to vector<4x4x2048xf32>
    %broadcast_in_dim3A_146 = vector.shape_cast %convert_element_type3A_139 : vector<2048xf32> to vector<1x1x2048xf32>
    %mul3A_147 = vector.broadcast %broadcast_in_dim3A_146 : vector<1x1x2048xf32> to vector<4x4x2048xf32>
    %mul3A_148 = arith.mulf %get3A_145, %mul3A_147 : vector<4x4x2048xf32>
    %swap3A_149 = arith.constant 6 : index
    %swap3A_150 = arith.constant 0 : index
    %swap3A_151 = arith.constant 0 : index
    %swap3A_152 = arith.constant 0 : index
    %swap3A_153 = vector.load %arg3[%swap3A_149, %swap3A_150, %swap3A_151, %swap3A_152] : memref<16x4x4x2048xf32, #tpu.memory_space<vmem>>, vector<1x4x4x2048xf32>
    %swap3A_154 = vector.shape_cast %swap3A_153 : vector<1x4x4x2048xf32> to vector<4x4x2048xf32>
    %swap3A_155 = vector.shape_cast %mul3A_148 : vector<4x4x2048xf32> to vector<1x4x4x2048xf32>
    tpu.vector_store %arg3[%swap3A_149, %swap3A_150, %swap3A_151, %swap3A_152], %swap3A_155 {strides = array<i32>} : memref<16x4x4x2048xf32, #tpu.memory_space<vmem>>, vector<1x4x4x2048xf32>,
    %shift_right_logical3A_156 = arith.constant 7 : i32
    %shift_right_logical3A_157 = vector.broadcast %shift_right_logical3A_156 : i32 to vector<2048xi32>
    %shift_right_logical3A_158 = arith.shrui %get3A_0, %shift_right_logical3A_157 : vector<2048xi32>
    %and3A_159 = arith.constant 1 : i32
    %and3A_160 = vector.broadcast %and3A_159 : i32 to vector<2048xi32>
    %and3A_161 = arith.andi %shift_right_logical3A_158, %and3A_160 : vector<2048xi32>
    %convert_element_type3A_162 = arith.sitofp %and3A_161 : vector<2048xi32> to vector<2048xf32>
    %get3A_163 = arith.constant 7 : index
    %get3A_164 = arith.constant 0 : index
    %get3A_165 = arith.constant 0 : index
    %get3A_166 = arith.constant 0 : index
    %get3A_167 = vector.load %arg2[%get3A_163, %get3A_164, %get3A_165, %get3A_166] : memref<16x4x4x2048xf32, #tpu.memory_space<vmem>>, vector<1x4x4x2048xf32>
    %get3A_168 = vector.shape_cast %get3A_167 : vector<1x4x4x2048xf32> to vector<4x4x2048xf32>
    %broadcast_in_dim3A_169 = vector.shape_cast %convert_element_type3A_162 : vector<2048xf32> to vector<1x1x2048xf32>
    %mul3A_170 = vector.broadcast %broadcast_in_dim3A_169 : vector<1x1x2048xf32> to vector<4x4x2048xf32>
    %mul3A_171 = arith.mulf %get3A_168, %mul3A_170 : vector<4x4x2048xf32>
    %swap3A_172 = arith.constant 7 : index
    %swap3A_173 = arith.constant 0 : index
    %swap3A_174 = arith.constant 0 : index
    %swap3A_175 = arith.constant 0 : index
    %swap3A_176 = vector.load %arg3[%swap3A_172, %swap3A_173, %swap3A_174, %swap3A_175] : memref<16x4x4x2048xf32, #tpu.memory_space<vmem>>, vector<1x4x4x2048xf32>
    %swap3A_177 = vector.shape_cast %swap3A_176 : vector<1x4x4x2048xf32> to vector<4x4x2048xf32>
    %swap3A_178 = vector.shape_cast %mul3A_171 : vector<4x4x2048xf32> to vector<1x4x4x2048xf32>
    tpu.vector_store %arg3[%swap3A_172, %swap3A_173, %swap3A_174, %swap3A_175], %swap3A_178 {strides = array<i32>} : memref<16x4x4x2048xf32, #tpu.memory_space<vmem>>, vector<1x4x4x2048xf32>,
    %shift_right_logical3A_179 = arith.constant 8 : i32
    %shift_right_logical3A_180 = vector.broadcast %shift_right_logical3A_179 : i32 to vector<2048xi32>
    %shift_right_logical3A_181 = arith.shrui %get3A_0, %shift_right_logical3A_180 : vector<2048xi32>
    %and3A_182 = arith.constant 1 : i32
    %and3A_183 = vector.broadcast %and3A_182 : i32 to vector<2048xi32>
    %and3A_184 = arith.andi %shift_right_logical3A_181, %and3A_183 : vector<2048xi32>
    %convert_element_type3A_185 = arith.sitofp %and3A_184 : vector<2048xi32> to vector<2048xf32>
    %get3A_186 = arith.constant 8 : index
    %get3A_187 = arith.constant 0 : index
    %get3A_188 = arith.constant 0 : index
    %get3A_189 = arith.constant 0 : index
    %get3A_190 = vector.load %arg2[%get3A_186, %get3A_187, %get3A_188, %get3A_189] : memref<16x4x4x2048xf32, #tpu.memory_space<vmem>>, vector<1x4x4x2048xf32>
    %get3A_191 = vector.shape_cast %get3A_190 : vector<1x4x4x2048xf32> to vector<4x4x2048xf32>
    %broadcast_in_dim3A_192 = vector.shape_cast %convert_element_type3A_185 : vector<2048xf32> to vector<1x1x2048xf32>
    %mul3A_193 = vector.broadcast %broadcast_in_dim3A_192 : vector<1x1x2048xf32> to vector<4x4x2048xf32>
    %mul3A_194 = arith.mulf %get3A_191, %mul3A_193 : vector<4x4x2048xf32>
    %swap3A_195 = arith.constant 8 : index
    %swap3A_196 = arith.constant 0 : index
    %swap3A_197 = arith.constant 0 : index
    %swap3A_198 = arith.constant 0 : index
    %swap3A_199 = vector.load %arg3[%swap3A_195, %swap3A_196, %swap3A_197, %swap3A_198] : memref<16x4x4x2048xf32, #tpu.memory_space<vmem>>, vector<1x4x4x2048xf32>
    %swap3A_200 = vector.shape_cast %swap3A_199 : vector<1x4x4x2048xf32> to vector<4x4x2048xf32>
    %swap3A_201 = vector.shape_cast %mul3A_194 : vector<4x4x2048xf32> to vector<1x4x4x2048xf32>
    tpu.vector_store %arg3[%swap3A_195, %swap3A_196, %swap3A_197, %swap3A_198], %swap3A_201 {strides = array<i32>} : memref<16x4x4x2048xf32, #tpu.memory_space<vmem>>, vector<1x4x4x2048xf32>,
    %shift_right_logical3A_202 = arith.constant 9 : i32
    %shift_right_logical3A_203 = vector.broadcast %shift_right_logical3A_202 : i32 to vector<2048xi32>
    %shift_right_logical3A_204 = arith.shrui %get3A_0, %shift_right_logical3A_203 : vector<2048xi32>
    %and3A_205 = arith.constant 1 : i32
    %and3A_206 = vector.broadcast %and3A_205 : i32 to vector<2048xi32>
    %and3A_207 = arith.andi %shift_right_logical3A_204, %and3A_206 : vector<2048xi32>
    %convert_element_type3A_208 = arith.sitofp %and3A_207 : vector<2048xi32> to vector<2048xf32>
    %get3A_209 = arith.constant 9 : index
    %get3A_210 = arith.constant 0 : index
    %get3A_211 = arith.constant 0 : index
    %get3A_212 = arith.constant 0 : index
    %get3A_213 = vector.load %arg2[%get3A_209, %get3A_210, %get3A_211, %get3A_212] : memref<16x4x4x2048xf32, #tpu.memory_space<vmem>>, vector<1x4x4x2048xf32>
    %get3A_214 = vector.shape_cast %get3A_213 : vector<1x4x4x2048xf32> to vector<4x4x2048xf32>
    %broadcast_in_dim3A_215 = vector.shape_cast %convert_element_type3A_208 : vector<2048xf32> to vector<1x1x2048xf32>
    %mul3A_216 = vector.broadcast %broadcast_in_dim3A_215 : vector<1x1x2048xf32> to vector<4x4x2048xf32>
    %mul3A_217 = arith.mulf %get3A_214, %mul3A_216 : vector<4x4x2048xf32>
    %swap3A_218 = arith.constant 9 : index
    %swap3A_219 = arith.constant 0 : index
    %swap3A_220 = arith.constant 0 : index
    %swap3A_221 = arith.constant 0 : index
    %swap3A_222 = vector.load %arg3[%swap3A_218, %swap3A_219, %swap3A_220, %swap3A_221] : memref<16x4x4x2048xf32, #tpu.memory_space<vmem>>, vector<1x4x4x2048xf32>
    %swap3A_223 = vector.shape_cast %swap3A_222 : vector<1x4x4x2048xf32> to vector<4x4x2048xf32>
    %swap3A_224 = vector.shape_cast %mul3A_217 : vector<4x4x2048xf32> to vector<1x4x4x2048xf32>
    tpu.vector_store %arg3[%swap3A_218, %swap3A_219, %swap3A_220, %swap3A_221], %swap3A_224 {strides = array<i32>} : memref<16x4x4x2048xf32, #tpu.memory_space<vmem>>, vector<1x4x4x2048xf32>,
    %shift_right_logical3A_225 = arith.constant 10 : i32
    %shift_right_logical3A_226 = vector.broadcast %shift_right_logical3A_225 : i32 to vector<2048xi32>
    %shift_right_logical3A_227 = arith.shrui %get3A_0, %shift_right_logical3A_226 : vector<2048xi32>
    %and3A_228 = arith.constant 1 : i32
    %and3A_229 = vector.broadcast %and3A_228 : i32 to vector<2048xi32>
    %and3A_230 = arith.andi %shift_right_logical3A_227, %and3A_229 : vector<2048xi32>
    %convert_element_type3A_231 = arith.sitofp %and3A_230 : vector<2048xi32> to vector<2048xf32>
    %get3A_232 = arith.constant 10 : index
    %get3A_233 = arith.constant 0 : index
    %get3A_234 = arith.constant 0 : index
    %get3A_235 = arith.constant 0 : index
    %get3A_236 = vector.load %arg2[%get3A_232, %get3A_233, %get3A_234, %get3A_235] : memref<16x4x4x2048xf32, #tpu.memory_space<vmem>>, vector<1x4x4x2048xf32>
    %get3A_237 = vector.shape_cast %get3A_236 : vector<1x4x4x2048xf32> to vector<4x4x2048xf32>
    %broadcast_in_dim3A_238 = vector.shape_cast %convert_element_type3A_231 : vector<2048xf32> to vector<1x1x2048xf32>
    %mul3A_239 = vector.broadcast %broadcast_in_dim3A_238 : vector<1x1x2048xf32> to vector<4x4x2048xf32>
    %mul3A_240 = arith.mulf %get3A_237, %mul3A_239 : vector<4x4x2048xf32>
    %swap3A_241 = arith.constant 10 : index
    %swap3A_242 = arith.constant 0 : index
    %swap3A_243 = arith.constant 0 : index
    %swap3A_244 = arith.constant 0 : index
    %swap3A_245 = vector.load %arg3[%swap3A_241, %swap3A_242, %swap3A_243, %swap3A_244] : memref<16x4x4x2048xf32, #tpu.memory_space<vmem>>, vector<1x4x4x2048xf32>
    %swap3A_246 = vector.shape_cast %swap3A_245 : vector<1x4x4x2048xf32> to vector<4x4x2048xf32>
    %swap3A_247 = vector.shape_cast %mul3A_240 : vector<4x4x2048xf32> to vector<1x4x4x2048xf32>
    tpu.vector_store %arg3[%swap3A_241, %swap3A_242, %swap3A_243, %swap3A_244], %swap3A_247 {strides = array<i32>} : memref<16x4x4x2048xf32, #tpu.memory_space<vmem>>, vector<1x4x4x2048xf32>,
    %shift_right_logical3A_248 = arith.constant 11 : i32
    %shift_right_logical3A_249 = vector.broadcast %shift_right_logical3A_248 : i32 to vector<2048xi32>
    %shift_right_logical3A_250 = arith.shrui %get3A_0, %shift_right_logical3A_249 : vector<2048xi32>
    %and3A_251 = arith.constant 1 : i32
    %and3A_252 = vector.broadcast %and3A_251 : i32 to vector<2048xi32>
    %and3A_253 = arith.andi %shift_right_logical3A_250, %and3A_252 : vector<2048xi32>
    %convert_element_type3A_254 = arith.sitofp %and3A_253 : vector<2048xi32> to vector<2048xf32>
    %get3A_255 = arith.constant 11 : index
    %get3A_256 = arith.constant 0 : index
    %get3A_257 = arith.constant 0 : index
    %get3A_258 = arith.constant 0 : index
    %get3A_259 = vector.load %arg2[%get3A_255, %get3A_256, %get3A_257, %get3A_258] : memref<16x4x4x2048xf32, #tpu.memory_space<vmem>>, vector<1x4x4x2048xf32>
    %get3A_260 = vector.shape_cast %get3A_259 : vector<1x4x4x2048xf32> to vector<4x4x2048xf32>
    %broadcast_in_dim3A_261 = vector.shape_cast %convert_element_type3A_254 : vector<2048xf32> to vector<1x1x2048xf32>
    %mul3A_262 = vector.broadcast %broadcast_in_dim3A_261 : vector<1x1x2048xf32> to vector<4x4x2048xf32>
    %mul3A_263 = arith.mulf %get3A_260, %mul3A_262 : vector<4x4x2048xf32>
    %swap3A_264 = arith.constant 11 : index
    %swap3A_265 = arith.constant 0 : index
    %swap3A_266 = arith.constant 0 : index
    %swap3A_267 = arith.constant 0 : index
    %swap3A_268 = vector.load %arg3[%swap3A_264, %swap3A_265, %swap3A_266, %swap3A_267] : memref<16x4x4x2048xf32, #tpu.memory_space<vmem>>, vector<1x4x4x2048xf32>
    %swap3A_269 = vector.shape_cast %swap3A_268 : vector<1x4x4x2048xf32> to vector<4x4x2048xf32>
    %swap3A_270 = vector.shape_cast %mul3A_263 : vector<4x4x2048xf32> to vector<1x4x4x2048xf32>
    tpu.vector_store %arg3[%swap3A_264, %swap3A_265, %swap3A_266, %swap3A_267], %swap3A_270 {strides = array<i32>} : memref<16x4x4x2048xf32, #tpu.memory_space<vmem>>, vector<1x4x4x2048xf32>,
    %shift_right_logical3A_271 = arith.constant 12 : i32
    %shift_right_logical3A_272 = vector.broadcast %shift_right_logical3A_271 : i32 to vector<2048xi32>
    %shift_right_logical3A_273 = arith.shrui %get3A_0, %shift_right_logical3A_272 : vector<2048xi32>
    %and3A_274 = arith.constant 1 : i32
    %and3A_275 = vector.broadcast %and3A_274 : i32 to vector<2048xi32>
    %and3A_276 = arith.andi %shift_right_logical3A_273, %and3A_275 : vector<2048xi32>
    %convert_element_type3A_277 = arith.sitofp %and3A_276 : vector<2048xi32> to vector<2048xf32>
    %get3A_278 = arith.constant 12 : index
    %get3A_279 = arith.constant 0 : index
    %get3A_280 = arith.constant 0 : index
    %get3A_281 = arith.constant 0 : index
    %get3A_282 = vector.load %arg2[%get3A_278, %get3A_279, %get3A_280, %get3A_281] : memref<16x4x4x2048xf32, #tpu.memory_space<vmem>>, vector<1x4x4x2048xf32>
    %get3A_283 = vector.shape_cast %get3A_282 : vector<1x4x4x2048xf32> to vector<4x4x2048xf32>
    %broadcast_in_dim3A_284 = vector.shape_cast %convert_element_type3A_277 : vector<2048xf32> to vector<1x1x2048xf32>
    %mul3A_285 = vector.broadcast %broadcast_in_dim3A_284 : vector<1x1x2048xf32> to vector<4x4x2048xf32>
    %mul3A_286 = arith.mulf %get3A_283, %mul3A_285 : vector<4x4x2048xf32>
    %swap3A_287 = arith.constant 12 : index
    %swap3A_288 = arith.constant 0 : index
    %swap3A_289 = arith.constant 0 : index
    %swap3A_290 = arith.constant 0 : index
    %swap3A_291 = vector.load %arg3[%swap3A_287, %swap3A_288, %swap3A_289, %swap3A_290] : memref<16x4x4x2048xf32, #tpu.memory_space<vmem>>, vector<1x4x4x2048xf32>
    %swap3A_292 = vector.shape_cast %swap3A_291 : vector<1x4x4x2048xf32> to vector<4x4x2048xf32>
    %swap3A_293 = vector.shape_cast %mul3A_286 : vector<4x4x2048xf32> to vector<1x4x4x2048xf32>
    tpu.vector_store %arg3[%swap3A_287, %swap3A_288, %swap3A_289, %swap3A_290], %swap3A_293 {strides = array<i32>} : memref<16x4x4x2048xf32, #tpu.memory_space<vmem>>, vector<1x4x4x2048xf32>,
    %shift_right_logical3A_294 = arith.constant 13 : i32
    %shift_right_logical3A_295 = vector.broadcast %shift_right_logical3A_294 : i32 to vector<2048xi32>
    %shift_right_logical3A_296 = arith.shrui %get3A_0, %shift_right_logical3A_295 : vector<2048xi32>
    %and3A_297 = arith.constant 1 : i32
    %and3A_298 = vector.broadcast %and3A_297 : i32 to vector<2048xi32>
    %and3A_299 = arith.andi %shift_right_logical3A_296, %and3A_298 : vector<2048xi32>
    %convert_element_type3A_300 = arith.sitofp %and3A_299 : vector<2048xi32> to vector<2048xf32>
    %get3A_301 = arith.constant 13 : index
    %get3A_302 = arith.constant 0 : index
    %get3A_303 = arith.constant 0 : index
    %get3A_304 = arith.constant 0 : index
    %get3A_305 = vector.load %arg2[%get3A_301, %get3A_302, %get3A_303, %get3A_304] : memref<16x4x4x2048xf32, #tpu.memory_space<vmem>>, vector<1x4x4x2048xf32>
    %get3A_306 = vector.shape_cast %get3A_305 : vector<1x4x4x2048xf32> to vector<4x4x2048xf32>
    %broadcast_in_dim3A_307 = vector.shape_cast %convert_element_type3A_300 : vector<2048xf32> to vector<1x1x2048xf32>
    %mul3A_308 = vector.broadcast %broadcast_in_dim3A_307 : vector<1x1x2048xf32> to vector<4x4x2048xf32>
    %mul3A_309 = arith.mulf %get3A_306, %mul3A_308 : vector<4x4x2048xf32>
    %swap3A_310 = arith.constant 13 : index
    %swap3A_311 = arith.constant 0 : index
    %swap3A_312 = arith.constant 0 : index
    %swap3A_313 = arith.constant 0 : index
    %swap3A_314 = vector.load %arg3[%swap3A_310, %swap3A_311, %swap3A_312, %swap3A_313] : memref<16x4x4x2048xf32, #tpu.memory_space<vmem>>, vector<1x4x4x2048xf32>
    %swap3A_315 = vector.shape_cast %swap3A_314 : vector<1x4x4x2048xf32> to vector<4x4x2048xf32>
    %swap3A_316 = vector.shape_cast %mul3A_309 : vector<4x4x2048xf32> to vector<1x4x4x2048xf32>
    tpu.vector_store %arg3[%swap3A_310, %swap3A_311, %swap3A_312, %swap3A_313], %swap3A_316 {strides = array<i32>} : memref<16x4x4x2048xf32, #tpu.memory_space<vmem>>, vector<1x4x4x2048xf32>,
    %shift_right_logical3A_317 = arith.constant 14 : i32
    %shift_right_logical3A_318 = vector.broadcast %shift_right_logical3A_317 : i32 to vector<2048xi32>
    %shift_right_logical3A_319 = arith.shrui %get3A_0, %shift_right_logical3A_318 : vector<2048xi32>
    %and3A_320 = arith.constant 1 : i32
    %and3A_321 = vector.broadcast %and3A_320 : i32 to vector<2048xi32>
    %and3A_322 = arith.andi %shift_right_logical3A_319, %and3A_321 : vector<2048xi32>
    %convert_element_type3A_323 = arith.sitofp %and3A_322 : vector<2048xi32> to vector<2048xf32>
    %get3A_324 = arith.constant 14 : index
    %get3A_325 = arith.constant 0 : index
    %get3A_326 = arith.constant 0 : index
    %get3A_327 = arith.constant 0 : index
    %get3A_328 = vector.load %arg2[%get3A_324, %get3A_325, %get3A_326, %get3A_327] : memref<16x4x4x2048xf32, #tpu.memory_space<vmem>>, vector<1x4x4x2048xf32>
    %get3A_329 = vector.shape_cast %get3A_328 : vector<1x4x4x2048xf32> to vector<4x4x2048xf32>
    %broadcast_in_dim3A_330 = vector.shape_cast %convert_element_type3A_323 : vector<2048xf32> to vector<1x1x2048xf32>
    %mul3A_331 = vector.broadcast %broadcast_in_dim3A_330 : vector<1x1x2048xf32> to vector<4x4x2048xf32>
    %mul3A_332 = arith.mulf %get3A_329, %mul3A_331 : vector<4x4x2048xf32>
    %swap3A_333 = arith.constant 14 : index
    %swap3A_334 = arith.constant 0 : index
    %swap3A_335 = arith.constant 0 : index
    %swap3A_336 = arith.constant 0 : index
    %swap3A_337 = vector.load %arg3[%swap3A_333, %swap3A_334, %swap3A_335, %swap3A_336] : memref<16x4x4x2048xf32, #tpu.memory_space<vmem>>, vector<1x4x4x2048xf32>
    %swap3A_338 = vector.shape_cast %swap3A_337 : vector<1x4x4x2048xf32> to vector<4x4x2048xf32>
    %swap3A_339 = vector.shape_cast %mul3A_332 : vector<4x4x2048xf32> to vector<1x4x4x2048xf32>
    tpu.vector_store %arg3[%swap3A_333, %swap3A_334, %swap3A_335, %swap3A_336], %swap3A_339 {strides = array<i32>} : memref<16x4x4x2048xf32, #tpu.memory_space<vmem>>, vector<1x4x4x2048xf32>,
    %shift_right_logical3A_340 = arith.constant 15 : i32
    %shift_right_logical3A_341 = vector.broadcast %shift_right_logical3A_340 : i32 to vector<2048xi32>
    %shift_right_logical3A_342 = arith.shrui %get3A_0, %shift_right_logical3A_341 : vector<2048xi32>
    %and3A_343 = arith.constant 1 : i32
    %and3A_344 = vector.broadcast %and3A_343 : i32 to vector<2048xi32>
    %and3A_345 = arith.andi %shift_right_logical3A_342, %and3A_344 : vector<2048xi32>
    %convert_element_type3A_346 = arith.sitofp %and3A_345 : vector<2048xi32> to vector<2048xf32>
    %get3A_347 = arith.constant 15 : index
    %get3A_348 = arith.constant 0 : index
    %get3A_349 = arith.constant 0 : index
    %get3A_350 = arith.constant 0 : index
    %get3A_351 = vector.load %arg2[%get3A_347, %get3A_348, %get3A_349, %get3A_350] : memref<16x4x4x2048xf32, #tpu.memory_space<vmem>>, vector<1x4x4x2048xf32>
    %get3A_352 = vector.shape_cast %get3A_351 : vector<1x4x4x2048xf32> to vector<4x4x2048xf32>
    %broadcast_in_dim3A_353 = vector.shape_cast %convert_element_type3A_346 : vector<2048xf32> to vector<1x1x2048xf32>
    %mul3A_354 = vector.broadcast %broadcast_in_dim3A_353 : vector<1x1x2048xf32> to vector<4x4x2048xf32>
    %mul3A_355 = arith.mulf %get3A_352, %mul3A_354 : vector<4x4x2048xf32>
    %swap3A_356 = arith.constant 15 : index
    %swap3A_357 = arith.constant 0 : index
    %swap3A_358 = arith.constant 0 : index
    %swap3A_359 = arith.constant 0 : index
    %swap3A_360 = vector.load %arg3[%swap3A_356, %swap3A_357, %swap3A_358, %swap3A_359] : memref<16x4x4x2048xf32, #tpu.memory_space<vmem>>, vector<1x4x4x2048xf32>
    %swap3A_361 = vector.shape_cast %swap3A_360 : vector<1x4x4x2048xf32> to vector<4x4x2048xf32>
    %swap3A_362 = vector.shape_cast %mul3A_355 : vector<4x4x2048xf32> to vector<1x4x4x2048xf32>
    tpu.vector_store %arg3[%swap3A_356, %swap3A_357, %swap3A_358, %swap3A_359], %swap3A_362 {strides = array<i32>} : memref<16x4x4x2048xf32, #tpu.memory_space<vmem>>, vector<1x4x4x2048xf32>,
    return
  }
  func.func @transform_0(%arg0: i32) -> i32 {
    %c0_i32 = arith.constant 0 : i32
    return %arg0 : i32
  }
  func.func @transform_1(%arg0: i32) -> (i32, i32, i32, i32) {
    %c0_i32 = arith.constant 0 : i32
    %c0_i32_0 = arith.constant 0 : i32
    %c0_i32_1 = arith.constant 0 : i32
    %c0_i32_2 = arith.constant 0 : i32
    return %c0_i32, %c0_i32_0, %c0_i32_1, %arg0 : i32, i32, i32, i32
  }
  func.func @transform_2(%arg0: i32) -> (i32, i32, i32, i32) {
    %c0_i32 = arith.constant 0 : i32
    %c0_i32_0 = arith.constant 0 : i32
    %c0_i32_1 = arith.constant 0 : i32
    %c0_i32_2 = arith.constant 0 : i32
    return %c0_i32, %c0_i32_0, %c0_i32_1, %arg0 : i32, i32, i32, i32
  }
}

module attributes {stable_mosaic.version = 14 : i64} {
  func.func @_mem_body(%arg0: i32, %arg1: memref<1x1x4096xi32, #tpu.memory_space<vmem>>, %arg2: memref<16x4x4x4096xf32, #tpu.memory_space<vmem>>) attributes {dimension_semantics = [#tpu.dimension_semantics<arbitrary>], iteration_bounds = array<i64: 15>, scalar_prefetch = 0 : i64, scratch_operands = 0 : i64, tpu.core_type = #tpu.core_type<tc>, window_params = [{transform_indices = @transform_0, window_bounds = array<i64: 1, 1, 4096>}, {transform_indices = @transform_1, window_bounds = array<i64: 16, 4, 4, 4096>}]} {
    %get3A = arith.constant 0 : index
    %get3A_0 = arith.constant 0 : index
    %get3A_1 = arith.constant 0 : index
    %get3A_2 = vector.load %arg1[%get3A, %get3A_0, %get3A_1] : memref<1x1x4096xi32, #tpu.memory_space<vmem>>, vector<1x1x4096xi32>
    %get3A_3 = vector.shape_cast %get3A_2 : vector<1x1x4096xi32> to vector<4096xi32>
    %shift_right_logical3A = arith.constant 0 : i32
    %shift_right_logical3A_4 = vector.broadcast %shift_right_logical3A : i32 to vector<4096xi32>
    %shift_right_logical3A_5 = arith.shrui %get3A_3, %shift_right_logical3A_4 : vector<4096xi32>
    %and3A = arith.constant 1 : i32
    %and3A_6 = vector.broadcast %and3A : i32 to vector<4096xi32>
    %and3A_7 = arith.andi %shift_right_logical3A_5, %and3A_6 : vector<4096xi32>
    %convert_element_type3A = arith.sitofp %and3A_7 : vector<4096xi32> to vector<4096xf32>
    %broadcast_in_dim3A = vector.shape_cast %convert_element_type3A : vector<4096xf32> to vector<1x1x4096xf32>
    %broadcast_in_dim3A_8 = vector.shape_cast %broadcast_in_dim3A : vector<1x1x4096xf32> to vector<1x1x4096xf32>
    %broadcast_in_dim3A_9 = vector.broadcast %broadcast_in_dim3A_8 : vector<1x1x4096xf32> to vector<4x4x4096xf32>
    %swap3A = arith.constant 0 : index
    %swap3A_10 = arith.constant 0 : index
    %swap3A_11 = arith.constant 0 : index
    %swap3A_12 = arith.constant 0 : index
    %swap3A_13 = vector.load %arg2[%swap3A, %swap3A_10, %swap3A_11, %swap3A_12] : memref<16x4x4x4096xf32, #tpu.memory_space<vmem>>, vector<1x4x4x4096xf32>
    %swap3A_14 = vector.shape_cast %swap3A_13 : vector<1x4x4x4096xf32> to vector<4x4x4096xf32>
    %swap3A_15 = vector.shape_cast %broadcast_in_dim3A_9 : vector<4x4x4096xf32> to vector<1x4x4x4096xf32>
    tpu.vector_store %arg2[%swap3A, %swap3A_10, %swap3A_11, %swap3A_12], %swap3A_15 {strides = array<i32>} : memref<16x4x4x4096xf32, #tpu.memory_space<vmem>>, vector<1x4x4x4096xf32>,
    %shift_right_logical3A_16 = arith.constant 1 : i32
    %shift_right_logical3A_17 = vector.broadcast %shift_right_logical3A_16 : i32 to vector<4096xi32>
    %shift_right_logical3A_18 = arith.shrui %get3A_3, %shift_right_logical3A_17 : vector<4096xi32>
    %and3A_19 = arith.constant 1 : i32
    %and3A_20 = vector.broadcast %and3A_19 : i32 to vector<4096xi32>
    %and3A_21 = arith.andi %shift_right_logical3A_18, %and3A_20 : vector<4096xi32>
    %convert_element_type3A_22 = arith.sitofp %and3A_21 : vector<4096xi32> to vector<4096xf32>
    %broadcast_in_dim3A_23 = vector.shape_cast %convert_element_type3A_22 : vector<4096xf32> to vector<1x1x4096xf32>
    %broadcast_in_dim3A_24 = vector.shape_cast %broadcast_in_dim3A_23 : vector<1x1x4096xf32> to vector<1x1x4096xf32>
    %broadcast_in_dim3A_25 = vector.broadcast %broadcast_in_dim3A_24 : vector<1x1x4096xf32> to vector<4x4x4096xf32>
    %swap3A_26 = arith.constant 1 : index
    %swap3A_27 = arith.constant 0 : index
    %swap3A_28 = arith.constant 0 : index
    %swap3A_29 = arith.constant 0 : index
    %swap3A_30 = vector.load %arg2[%swap3A_26, %swap3A_27, %swap3A_28, %swap3A_29] : memref<16x4x4x4096xf32, #tpu.memory_space<vmem>>, vector<1x4x4x4096xf32>
    %swap3A_31 = vector.shape_cast %swap3A_30 : vector<1x4x4x4096xf32> to vector<4x4x4096xf32>
    %swap3A_32 = vector.shape_cast %broadcast_in_dim3A_25 : vector<4x4x4096xf32> to vector<1x4x4x4096xf32>
    tpu.vector_store %arg2[%swap3A_26, %swap3A_27, %swap3A_28, %swap3A_29], %swap3A_32 {strides = array<i32>} : memref<16x4x4x4096xf32, #tpu.memory_space<vmem>>, vector<1x4x4x4096xf32>,
    %shift_right_logical3A_33 = arith.constant 2 : i32
    %shift_right_logical3A_34 = vector.broadcast %shift_right_logical3A_33 : i32 to vector<4096xi32>
    %shift_right_logical3A_35 = arith.shrui %get3A_3, %shift_right_logical3A_34 : vector<4096xi32>
    %and3A_36 = arith.constant 1 : i32
    %and3A_37 = vector.broadcast %and3A_36 : i32 to vector<4096xi32>
    %and3A_38 = arith.andi %shift_right_logical3A_35, %and3A_37 : vector<4096xi32>
    %convert_element_type3A_39 = arith.sitofp %and3A_38 : vector<4096xi32> to vector<4096xf32>
    %broadcast_in_dim3A_40 = vector.shape_cast %convert_element_type3A_39 : vector<4096xf32> to vector<1x1x4096xf32>
    %broadcast_in_dim3A_41 = vector.shape_cast %broadcast_in_dim3A_40 : vector<1x1x4096xf32> to vector<1x1x4096xf32>
    %broadcast_in_dim3A_42 = vector.broadcast %broadcast_in_dim3A_41 : vector<1x1x4096xf32> to vector<4x4x4096xf32>
    %swap3A_43 = arith.constant 2 : index
    %swap3A_44 = arith.constant 0 : index
    %swap3A_45 = arith.constant 0 : index
    %swap3A_46 = arith.constant 0 : index
    %swap3A_47 = vector.load %arg2[%swap3A_43, %swap3A_44, %swap3A_45, %swap3A_46] : memref<16x4x4x4096xf32, #tpu.memory_space<vmem>>, vector<1x4x4x4096xf32>
    %swap3A_48 = vector.shape_cast %swap3A_47 : vector<1x4x4x4096xf32> to vector<4x4x4096xf32>
    %swap3A_49 = vector.shape_cast %broadcast_in_dim3A_42 : vector<4x4x4096xf32> to vector<1x4x4x4096xf32>
    tpu.vector_store %arg2[%swap3A_43, %swap3A_44, %swap3A_45, %swap3A_46], %swap3A_49 {strides = array<i32>} : memref<16x4x4x4096xf32, #tpu.memory_space<vmem>>, vector<1x4x4x4096xf32>,
    %shift_right_logical3A_50 = arith.constant 3 : i32
    %shift_right_logical3A_51 = vector.broadcast %shift_right_logical3A_50 : i32 to vector<4096xi32>
    %shift_right_logical3A_52 = arith.shrui %get3A_3, %shift_right_logical3A_51 : vector<4096xi32>
    %and3A_53 = arith.constant 1 : i32
    %and3A_54 = vector.broadcast %and3A_53 : i32 to vector<4096xi32>
    %and3A_55 = arith.andi %shift_right_logical3A_52, %and3A_54 : vector<4096xi32>
    %convert_element_type3A_56 = arith.sitofp %and3A_55 : vector<4096xi32> to vector<4096xf32>
    %broadcast_in_dim3A_57 = vector.shape_cast %convert_element_type3A_56 : vector<4096xf32> to vector<1x1x4096xf32>
    %broadcast_in_dim3A_58 = vector.shape_cast %broadcast_in_dim3A_57 : vector<1x1x4096xf32> to vector<1x1x4096xf32>
    %broadcast_in_dim3A_59 = vector.broadcast %broadcast_in_dim3A_58 : vector<1x1x4096xf32> to vector<4x4x4096xf32>
    %swap3A_60 = arith.constant 3 : index
    %swap3A_61 = arith.constant 0 : index
    %swap3A_62 = arith.constant 0 : index
    %swap3A_63 = arith.constant 0 : index
    %swap3A_64 = vector.load %arg2[%swap3A_60, %swap3A_61, %swap3A_62, %swap3A_63] : memref<16x4x4x4096xf32, #tpu.memory_space<vmem>>, vector<1x4x4x4096xf32>
    %swap3A_65 = vector.shape_cast %swap3A_64 : vector<1x4x4x4096xf32> to vector<4x4x4096xf32>
    %swap3A_66 = vector.shape_cast %broadcast_in_dim3A_59 : vector<4x4x4096xf32> to vector<1x4x4x4096xf32>
    tpu.vector_store %arg2[%swap3A_60, %swap3A_61, %swap3A_62, %swap3A_63], %swap3A_66 {strides = array<i32>} : memref<16x4x4x4096xf32, #tpu.memory_space<vmem>>, vector<1x4x4x4096xf32>,
    %shift_right_logical3A_67 = arith.constant 4 : i32
    %shift_right_logical3A_68 = vector.broadcast %shift_right_logical3A_67 : i32 to vector<4096xi32>
    %shift_right_logical3A_69 = arith.shrui %get3A_3, %shift_right_logical3A_68 : vector<4096xi32>
    %and3A_70 = arith.constant 1 : i32
    %and3A_71 = vector.broadcast %and3A_70 : i32 to vector<4096xi32>
    %and3A_72 = arith.andi %shift_right_logical3A_69, %and3A_71 : vector<4096xi32>
    %convert_element_type3A_73 = arith.sitofp %and3A_72 : vector<4096xi32> to vector<4096xf32>
    %broadcast_in_dim3A_74 = vector.shape_cast %convert_element_type3A_73 : vector<4096xf32> to vector<1x1x4096xf32>
    %broadcast_in_dim3A_75 = vector.shape_cast %broadcast_in_dim3A_74 : vector<1x1x4096xf32> to vector<1x1x4096xf32>
    %broadcast_in_dim3A_76 = vector.broadcast %broadcast_in_dim3A_75 : vector<1x1x4096xf32> to vector<4x4x4096xf32>
    %swap3A_77 = arith.constant 4 : index
    %swap3A_78 = arith.constant 0 : index
    %swap3A_79 = arith.constant 0 : index
    %swap3A_80 = arith.constant 0 : index
    %swap3A_81 = vector.load %arg2[%swap3A_77, %swap3A_78, %swap3A_79, %swap3A_80] : memref<16x4x4x4096xf32, #tpu.memory_space<vmem>>, vector<1x4x4x4096xf32>
    %swap3A_82 = vector.shape_cast %swap3A_81 : vector<1x4x4x4096xf32> to vector<4x4x4096xf32>
    %swap3A_83 = vector.shape_cast %broadcast_in_dim3A_76 : vector<4x4x4096xf32> to vector<1x4x4x4096xf32>
    tpu.vector_store %arg2[%swap3A_77, %swap3A_78, %swap3A_79, %swap3A_80], %swap3A_83 {strides = array<i32>} : memref<16x4x4x4096xf32, #tpu.memory_space<vmem>>, vector<1x4x4x4096xf32>,
    %shift_right_logical3A_84 = arith.constant 5 : i32
    %shift_right_logical3A_85 = vector.broadcast %shift_right_logical3A_84 : i32 to vector<4096xi32>
    %shift_right_logical3A_86 = arith.shrui %get3A_3, %shift_right_logical3A_85 : vector<4096xi32>
    %and3A_87 = arith.constant 1 : i32
    %and3A_88 = vector.broadcast %and3A_87 : i32 to vector<4096xi32>
    %and3A_89 = arith.andi %shift_right_logical3A_86, %and3A_88 : vector<4096xi32>
    %convert_element_type3A_90 = arith.sitofp %and3A_89 : vector<4096xi32> to vector<4096xf32>
    %broadcast_in_dim3A_91 = vector.shape_cast %convert_element_type3A_90 : vector<4096xf32> to vector<1x1x4096xf32>
    %broadcast_in_dim3A_92 = vector.shape_cast %broadcast_in_dim3A_91 : vector<1x1x4096xf32> to vector<1x1x4096xf32>
    %broadcast_in_dim3A_93 = vector.broadcast %broadcast_in_dim3A_92 : vector<1x1x4096xf32> to vector<4x4x4096xf32>
    %swap3A_94 = arith.constant 5 : index
    %swap3A_95 = arith.constant 0 : index
    %swap3A_96 = arith.constant 0 : index
    %swap3A_97 = arith.constant 0 : index
    %swap3A_98 = vector.load %arg2[%swap3A_94, %swap3A_95, %swap3A_96, %swap3A_97] : memref<16x4x4x4096xf32, #tpu.memory_space<vmem>>, vector<1x4x4x4096xf32>
    %swap3A_99 = vector.shape_cast %swap3A_98 : vector<1x4x4x4096xf32> to vector<4x4x4096xf32>
    %swap3A_100 = vector.shape_cast %broadcast_in_dim3A_93 : vector<4x4x4096xf32> to vector<1x4x4x4096xf32>
    tpu.vector_store %arg2[%swap3A_94, %swap3A_95, %swap3A_96, %swap3A_97], %swap3A_100 {strides = array<i32>} : memref<16x4x4x4096xf32, #tpu.memory_space<vmem>>, vector<1x4x4x4096xf32>,
    %shift_right_logical3A_101 = arith.constant 6 : i32
    %shift_right_logical3A_102 = vector.broadcast %shift_right_logical3A_101 : i32 to vector<4096xi32>
    %shift_right_logical3A_103 = arith.shrui %get3A_3, %shift_right_logical3A_102 : vector<4096xi32>
    %and3A_104 = arith.constant 1 : i32
    %and3A_105 = vector.broadcast %and3A_104 : i32 to vector<4096xi32>
    %and3A_106 = arith.andi %shift_right_logical3A_103, %and3A_105 : vector<4096xi32>
    %convert_element_type3A_107 = arith.sitofp %and3A_106 : vector<4096xi32> to vector<4096xf32>
    %broadcast_in_dim3A_108 = vector.shape_cast %convert_element_type3A_107 : vector<4096xf32> to vector<1x1x4096xf32>
    %broadcast_in_dim3A_109 = vector.shape_cast %broadcast_in_dim3A_108 : vector<1x1x4096xf32> to vector<1x1x4096xf32>
    %broadcast_in_dim3A_110 = vector.broadcast %broadcast_in_dim3A_109 : vector<1x1x4096xf32> to vector<4x4x4096xf32>
    %swap3A_111 = arith.constant 6 : index
    %swap3A_112 = arith.constant 0 : index
    %swap3A_113 = arith.constant 0 : index
    %swap3A_114 = arith.constant 0 : index
    %swap3A_115 = vector.load %arg2[%swap3A_111, %swap3A_112, %swap3A_113, %swap3A_114] : memref<16x4x4x4096xf32, #tpu.memory_space<vmem>>, vector<1x4x4x4096xf32>
    %swap3A_116 = vector.shape_cast %swap3A_115 : vector<1x4x4x4096xf32> to vector<4x4x4096xf32>
    %swap3A_117 = vector.shape_cast %broadcast_in_dim3A_110 : vector<4x4x4096xf32> to vector<1x4x4x4096xf32>
    tpu.vector_store %arg2[%swap3A_111, %swap3A_112, %swap3A_113, %swap3A_114], %swap3A_117 {strides = array<i32>} : memref<16x4x4x4096xf32, #tpu.memory_space<vmem>>, vector<1x4x4x4096xf32>,
    %shift_right_logical3A_118 = arith.constant 7 : i32
    %shift_right_logical3A_119 = vector.broadcast %shift_right_logical3A_118 : i32 to vector<4096xi32>
    %shift_right_logical3A_120 = arith.shrui %get3A_3, %shift_right_logical3A_119 : vector<4096xi32>
    %and3A_121 = arith.constant 1 : i32
    %and3A_122 = vector.broadcast %and3A_121 : i32 to vector<4096xi32>
    %and3A_123 = arith.andi %shift_right_logical3A_120, %and3A_122 : vector<4096xi32>
    %convert_element_type3A_124 = arith.sitofp %and3A_123 : vector<4096xi32> to vector<4096xf32>
    %broadcast_in_dim3A_125 = vector.shape_cast %convert_element_type3A_124 : vector<4096xf32> to vector<1x1x4096xf32>
    %broadcast_in_dim3A_126 = vector.shape_cast %broadcast_in_dim3A_125 : vector<1x1x4096xf32> to vector<1x1x4096xf32>
    %broadcast_in_dim3A_127 = vector.broadcast %broadcast_in_dim3A_126 : vector<1x1x4096xf32> to vector<4x4x4096xf32>
    %swap3A_128 = arith.constant 7 : index
    %swap3A_129 = arith.constant 0 : index
    %swap3A_130 = arith.constant 0 : index
    %swap3A_131 = arith.constant 0 : index
    %swap3A_132 = vector.load %arg2[%swap3A_128, %swap3A_129, %swap3A_130, %swap3A_131] : memref<16x4x4x4096xf32, #tpu.memory_space<vmem>>, vector<1x4x4x4096xf32>
    %swap3A_133 = vector.shape_cast %swap3A_132 : vector<1x4x4x4096xf32> to vector<4x4x4096xf32>
    %swap3A_134 = vector.shape_cast %broadcast_in_dim3A_127 : vector<4x4x4096xf32> to vector<1x4x4x4096xf32>
    tpu.vector_store %arg2[%swap3A_128, %swap3A_129, %swap3A_130, %swap3A_131], %swap3A_134 {strides = array<i32>} : memref<16x4x4x4096xf32, #tpu.memory_space<vmem>>, vector<1x4x4x4096xf32>,
    %shift_right_logical3A_135 = arith.constant 8 : i32
    %shift_right_logical3A_136 = vector.broadcast %shift_right_logical3A_135 : i32 to vector<4096xi32>
    %shift_right_logical3A_137 = arith.shrui %get3A_3, %shift_right_logical3A_136 : vector<4096xi32>
    %and3A_138 = arith.constant 1 : i32
    %and3A_139 = vector.broadcast %and3A_138 : i32 to vector<4096xi32>
    %and3A_140 = arith.andi %shift_right_logical3A_137, %and3A_139 : vector<4096xi32>
    %convert_element_type3A_141 = arith.sitofp %and3A_140 : vector<4096xi32> to vector<4096xf32>
    %broadcast_in_dim3A_142 = vector.shape_cast %convert_element_type3A_141 : vector<4096xf32> to vector<1x1x4096xf32>
    %broadcast_in_dim3A_143 = vector.shape_cast %broadcast_in_dim3A_142 : vector<1x1x4096xf32> to vector<1x1x4096xf32>
    %broadcast_in_dim3A_144 = vector.broadcast %broadcast_in_dim3A_143 : vector<1x1x4096xf32> to vector<4x4x4096xf32>
    %swap3A_145 = arith.constant 8 : index
    %swap3A_146 = arith.constant 0 : index
    %swap3A_147 = arith.constant 0 : index
    %swap3A_148 = arith.constant 0 : index
    %swap3A_149 = vector.load %arg2[%swap3A_145, %swap3A_146, %swap3A_147, %swap3A_148] : memref<16x4x4x4096xf32, #tpu.memory_space<vmem>>, vector<1x4x4x4096xf32>
    %swap3A_150 = vector.shape_cast %swap3A_149 : vector<1x4x4x4096xf32> to vector<4x4x4096xf32>
    %swap3A_151 = vector.shape_cast %broadcast_in_dim3A_144 : vector<4x4x4096xf32> to vector<1x4x4x4096xf32>
    tpu.vector_store %arg2[%swap3A_145, %swap3A_146, %swap3A_147, %swap3A_148], %swap3A_151 {strides = array<i32>} : memref<16x4x4x4096xf32, #tpu.memory_space<vmem>>, vector<1x4x4x4096xf32>,
    %shift_right_logical3A_152 = arith.constant 9 : i32
    %shift_right_logical3A_153 = vector.broadcast %shift_right_logical3A_152 : i32 to vector<4096xi32>
    %shift_right_logical3A_154 = arith.shrui %get3A_3, %shift_right_logical3A_153 : vector<4096xi32>
    %and3A_155 = arith.constant 1 : i32
    %and3A_156 = vector.broadcast %and3A_155 : i32 to vector<4096xi32>
    %and3A_157 = arith.andi %shift_right_logical3A_154, %and3A_156 : vector<4096xi32>
    %convert_element_type3A_158 = arith.sitofp %and3A_157 : vector<4096xi32> to vector<4096xf32>
    %broadcast_in_dim3A_159 = vector.shape_cast %convert_element_type3A_158 : vector<4096xf32> to vector<1x1x4096xf32>
    %broadcast_in_dim3A_160 = vector.shape_cast %broadcast_in_dim3A_159 : vector<1x1x4096xf32> to vector<1x1x4096xf32>
    %broadcast_in_dim3A_161 = vector.broadcast %broadcast_in_dim3A_160 : vector<1x1x4096xf32> to vector<4x4x4096xf32>
    %swap3A_162 = arith.constant 9 : index
    %swap3A_163 = arith.constant 0 : index
    %swap3A_164 = arith.constant 0 : index
    %swap3A_165 = arith.constant 0 : index
    %swap3A_166 = vector.load %arg2[%swap3A_162, %swap3A_163, %swap3A_164, %swap3A_165] : memref<16x4x4x4096xf32, #tpu.memory_space<vmem>>, vector<1x4x4x4096xf32>
    %swap3A_167 = vector.shape_cast %swap3A_166 : vector<1x4x4x4096xf32> to vector<4x4x4096xf32>
    %swap3A_168 = vector.shape_cast %broadcast_in_dim3A_161 : vector<4x4x4096xf32> to vector<1x4x4x4096xf32>
    tpu.vector_store %arg2[%swap3A_162, %swap3A_163, %swap3A_164, %swap3A_165], %swap3A_168 {strides = array<i32>} : memref<16x4x4x4096xf32, #tpu.memory_space<vmem>>, vector<1x4x4x4096xf32>,
    %shift_right_logical3A_169 = arith.constant 10 : i32
    %shift_right_logical3A_170 = vector.broadcast %shift_right_logical3A_169 : i32 to vector<4096xi32>
    %shift_right_logical3A_171 = arith.shrui %get3A_3, %shift_right_logical3A_170 : vector<4096xi32>
    %and3A_172 = arith.constant 1 : i32
    %and3A_173 = vector.broadcast %and3A_172 : i32 to vector<4096xi32>
    %and3A_174 = arith.andi %shift_right_logical3A_171, %and3A_173 : vector<4096xi32>
    %convert_element_type3A_175 = arith.sitofp %and3A_174 : vector<4096xi32> to vector<4096xf32>
    %broadcast_in_dim3A_176 = vector.shape_cast %convert_element_type3A_175 : vector<4096xf32> to vector<1x1x4096xf32>
    %broadcast_in_dim3A_177 = vector.shape_cast %broadcast_in_dim3A_176 : vector<1x1x4096xf32> to vector<1x1x4096xf32>
    %broadcast_in_dim3A_178 = vector.broadcast %broadcast_in_dim3A_177 : vector<1x1x4096xf32> to vector<4x4x4096xf32>
    %swap3A_179 = arith.constant 10 : index
    %swap3A_180 = arith.constant 0 : index
    %swap3A_181 = arith.constant 0 : index
    %swap3A_182 = arith.constant 0 : index
    %swap3A_183 = vector.load %arg2[%swap3A_179, %swap3A_180, %swap3A_181, %swap3A_182] : memref<16x4x4x4096xf32, #tpu.memory_space<vmem>>, vector<1x4x4x4096xf32>
    %swap3A_184 = vector.shape_cast %swap3A_183 : vector<1x4x4x4096xf32> to vector<4x4x4096xf32>
    %swap3A_185 = vector.shape_cast %broadcast_in_dim3A_178 : vector<4x4x4096xf32> to vector<1x4x4x4096xf32>
    tpu.vector_store %arg2[%swap3A_179, %swap3A_180, %swap3A_181, %swap3A_182], %swap3A_185 {strides = array<i32>} : memref<16x4x4x4096xf32, #tpu.memory_space<vmem>>, vector<1x4x4x4096xf32>,
    %shift_right_logical3A_186 = arith.constant 11 : i32
    %shift_right_logical3A_187 = vector.broadcast %shift_right_logical3A_186 : i32 to vector<4096xi32>
    %shift_right_logical3A_188 = arith.shrui %get3A_3, %shift_right_logical3A_187 : vector<4096xi32>
    %and3A_189 = arith.constant 1 : i32
    %and3A_190 = vector.broadcast %and3A_189 : i32 to vector<4096xi32>
    %and3A_191 = arith.andi %shift_right_logical3A_188, %and3A_190 : vector<4096xi32>
    %convert_element_type3A_192 = arith.sitofp %and3A_191 : vector<4096xi32> to vector<4096xf32>
    %broadcast_in_dim3A_193 = vector.shape_cast %convert_element_type3A_192 : vector<4096xf32> to vector<1x1x4096xf32>
    %broadcast_in_dim3A_194 = vector.shape_cast %broadcast_in_dim3A_193 : vector<1x1x4096xf32> to vector<1x1x4096xf32>
    %broadcast_in_dim3A_195 = vector.broadcast %broadcast_in_dim3A_194 : vector<1x1x4096xf32> to vector<4x4x4096xf32>
    %swap3A_196 = arith.constant 11 : index
    %swap3A_197 = arith.constant 0 : index
    %swap3A_198 = arith.constant 0 : index
    %swap3A_199 = arith.constant 0 : index
    %swap3A_200 = vector.load %arg2[%swap3A_196, %swap3A_197, %swap3A_198, %swap3A_199] : memref<16x4x4x4096xf32, #tpu.memory_space<vmem>>, vector<1x4x4x4096xf32>
    %swap3A_201 = vector.shape_cast %swap3A_200 : vector<1x4x4x4096xf32> to vector<4x4x4096xf32>
    %swap3A_202 = vector.shape_cast %broadcast_in_dim3A_195 : vector<4x4x4096xf32> to vector<1x4x4x4096xf32>
    tpu.vector_store %arg2[%swap3A_196, %swap3A_197, %swap3A_198, %swap3A_199], %swap3A_202 {strides = array<i32>} : memref<16x4x4x4096xf32, #tpu.memory_space<vmem>>, vector<1x4x4x4096xf32>,
    %shift_right_logical3A_203 = arith.constant 12 : i32
    %shift_right_logical3A_204 = vector.broadcast %shift_right_logical3A_203 : i32 to vector<4096xi32>
    %shift_right_logical3A_205 = arith.shrui %get3A_3, %shift_right_logical3A_204 : vector<4096xi32>
    %and3A_206 = arith.constant 1 : i32
    %and3A_207 = vector.broadcast %and3A_206 : i32 to vector<4096xi32>
    %and3A_208 = arith.andi %shift_right_logical3A_205, %and3A_207 : vector<4096xi32>
    %convert_element_type3A_209 = arith.sitofp %and3A_208 : vector<4096xi32> to vector<4096xf32>
    %broadcast_in_dim3A_210 = vector.shape_cast %convert_element_type3A_209 : vector<4096xf32> to vector<1x1x4096xf32>
    %broadcast_in_dim3A_211 = vector.shape_cast %broadcast_in_dim3A_210 : vector<1x1x4096xf32> to vector<1x1x4096xf32>
    %broadcast_in_dim3A_212 = vector.broadcast %broadcast_in_dim3A_211 : vector<1x1x4096xf32> to vector<4x4x4096xf32>
    %swap3A_213 = arith.constant 12 : index
    %swap3A_214 = arith.constant 0 : index
    %swap3A_215 = arith.constant 0 : index
    %swap3A_216 = arith.constant 0 : index
    %swap3A_217 = vector.load %arg2[%swap3A_213, %swap3A_214, %swap3A_215, %swap3A_216] : memref<16x4x4x4096xf32, #tpu.memory_space<vmem>>, vector<1x4x4x4096xf32>
    %swap3A_218 = vector.shape_cast %swap3A_217 : vector<1x4x4x4096xf32> to vector<4x4x4096xf32>
    %swap3A_219 = vector.shape_cast %broadcast_in_dim3A_212 : vector<4x4x4096xf32> to vector<1x4x4x4096xf32>
    tpu.vector_store %arg2[%swap3A_213, %swap3A_214, %swap3A_215, %swap3A_216], %swap3A_219 {strides = array<i32>} : memref<16x4x4x4096xf32, #tpu.memory_space<vmem>>, vector<1x4x4x4096xf32>,
    %shift_right_logical3A_220 = arith.constant 13 : i32
    %shift_right_logical3A_221 = vector.broadcast %shift_right_logical3A_220 : i32 to vector<4096xi32>
    %shift_right_logical3A_222 = arith.shrui %get3A_3, %shift_right_logical3A_221 : vector<4096xi32>
    %and3A_223 = arith.constant 1 : i32
    %and3A_224 = vector.broadcast %and3A_223 : i32 to vector<4096xi32>
    %and3A_225 = arith.andi %shift_right_logical3A_222, %and3A_224 : vector<4096xi32>
    %convert_element_type3A_226 = arith.sitofp %and3A_225 : vector<4096xi32> to vector<4096xf32>
    %broadcast_in_dim3A_227 = vector.shape_cast %convert_element_type3A_226 : vector<4096xf32> to vector<1x1x4096xf32>
    %broadcast_in_dim3A_228 = vector.shape_cast %broadcast_in_dim3A_227 : vector<1x1x4096xf32> to vector<1x1x4096xf32>
    %broadcast_in_dim3A_229 = vector.broadcast %broadcast_in_dim3A_228 : vector<1x1x4096xf32> to vector<4x4x4096xf32>
    %swap3A_230 = arith.constant 13 : index
    %swap3A_231 = arith.constant 0 : index
    %swap3A_232 = arith.constant 0 : index
    %swap3A_233 = arith.constant 0 : index
    %swap3A_234 = vector.load %arg2[%swap3A_230, %swap3A_231, %swap3A_232, %swap3A_233] : memref<16x4x4x4096xf32, #tpu.memory_space<vmem>>, vector<1x4x4x4096xf32>
    %swap3A_235 = vector.shape_cast %swap3A_234 : vector<1x4x4x4096xf32> to vector<4x4x4096xf32>
    %swap3A_236 = vector.shape_cast %broadcast_in_dim3A_229 : vector<4x4x4096xf32> to vector<1x4x4x4096xf32>
    tpu.vector_store %arg2[%swap3A_230, %swap3A_231, %swap3A_232, %swap3A_233], %swap3A_236 {strides = array<i32>} : memref<16x4x4x4096xf32, #tpu.memory_space<vmem>>, vector<1x4x4x4096xf32>,
    %shift_right_logical3A_237 = arith.constant 14 : i32
    %shift_right_logical3A_238 = vector.broadcast %shift_right_logical3A_237 : i32 to vector<4096xi32>
    %shift_right_logical3A_239 = arith.shrui %get3A_3, %shift_right_logical3A_238 : vector<4096xi32>
    %and3A_240 = arith.constant 1 : i32
    %and3A_241 = vector.broadcast %and3A_240 : i32 to vector<4096xi32>
    %and3A_242 = arith.andi %shift_right_logical3A_239, %and3A_241 : vector<4096xi32>
    %convert_element_type3A_243 = arith.sitofp %and3A_242 : vector<4096xi32> to vector<4096xf32>
    %broadcast_in_dim3A_244 = vector.shape_cast %convert_element_type3A_243 : vector<4096xf32> to vector<1x1x4096xf32>
    %broadcast_in_dim3A_245 = vector.shape_cast %broadcast_in_dim3A_244 : vector<1x1x4096xf32> to vector<1x1x4096xf32>
    %broadcast_in_dim3A_246 = vector.broadcast %broadcast_in_dim3A_245 : vector<1x1x4096xf32> to vector<4x4x4096xf32>
    %swap3A_247 = arith.constant 14 : index
    %swap3A_248 = arith.constant 0 : index
    %swap3A_249 = arith.constant 0 : index
    %swap3A_250 = arith.constant 0 : index
    %swap3A_251 = vector.load %arg2[%swap3A_247, %swap3A_248, %swap3A_249, %swap3A_250] : memref<16x4x4x4096xf32, #tpu.memory_space<vmem>>, vector<1x4x4x4096xf32>
    %swap3A_252 = vector.shape_cast %swap3A_251 : vector<1x4x4x4096xf32> to vector<4x4x4096xf32>
    %swap3A_253 = vector.shape_cast %broadcast_in_dim3A_246 : vector<4x4x4096xf32> to vector<1x4x4x4096xf32>
    tpu.vector_store %arg2[%swap3A_247, %swap3A_248, %swap3A_249, %swap3A_250], %swap3A_253 {strides = array<i32>} : memref<16x4x4x4096xf32, #tpu.memory_space<vmem>>, vector<1x4x4x4096xf32>,
    %shift_right_logical3A_254 = arith.constant 15 : i32
    %shift_right_logical3A_255 = vector.broadcast %shift_right_logical3A_254 : i32 to vector<4096xi32>
    %shift_right_logical3A_256 = arith.shrui %get3A_3, %shift_right_logical3A_255 : vector<4096xi32>
    %and3A_257 = arith.constant 1 : i32
    %and3A_258 = vector.broadcast %and3A_257 : i32 to vector<4096xi32>
    %and3A_259 = arith.andi %shift_right_logical3A_256, %and3A_258 : vector<4096xi32>
    %convert_element_type3A_260 = arith.sitofp %and3A_259 : vector<4096xi32> to vector<4096xf32>
    %broadcast_in_dim3A_261 = vector.shape_cast %convert_element_type3A_260 : vector<4096xf32> to vector<1x1x4096xf32>
    %broadcast_in_dim3A_262 = vector.shape_cast %broadcast_in_dim3A_261 : vector<1x1x4096xf32> to vector<1x1x4096xf32>
    %broadcast_in_dim3A_263 = vector.broadcast %broadcast_in_dim3A_262 : vector<1x1x4096xf32> to vector<4x4x4096xf32>
    %swap3A_264 = arith.constant 15 : index
    %swap3A_265 = arith.constant 0 : index
    %swap3A_266 = arith.constant 0 : index
    %swap3A_267 = arith.constant 0 : index
    %swap3A_268 = vector.load %arg2[%swap3A_264, %swap3A_265, %swap3A_266, %swap3A_267] : memref<16x4x4x4096xf32, #tpu.memory_space<vmem>>, vector<1x4x4x4096xf32>
    %swap3A_269 = vector.shape_cast %swap3A_268 : vector<1x4x4x4096xf32> to vector<4x4x4096xf32>
    %swap3A_270 = vector.shape_cast %broadcast_in_dim3A_263 : vector<4x4x4096xf32> to vector<1x4x4x4096xf32>
    tpu.vector_store %arg2[%swap3A_264, %swap3A_265, %swap3A_266, %swap3A_267], %swap3A_270 {strides = array<i32>} : memref<16x4x4x4096xf32, #tpu.memory_space<vmem>>, vector<1x4x4x4096xf32>,
    return
  }
  func.func @transform_0(%arg0: i32) -> (i32, i32, i32) {
    %c0_i32 = arith.constant 0 : i32
    %c0_i32_0 = arith.constant 0 : i32
    %c0_i32_1 = arith.constant 0 : i32
    return %arg0, %c0_i32, %c0_i32_0 : i32, i32, i32
  }
  func.func @transform_1(%arg0: i32) -> (i32, i32, i32, i32) {
    %c0_i32 = arith.constant 0 : i32
    %c0_i32_0 = arith.constant 0 : i32
    %c0_i32_1 = arith.constant 0 : i32
    %c0_i32_2 = arith.constant 0 : i32
    return %c0_i32, %c0_i32_0, %c0_i32_1, %arg0 : i32, i32, i32, i32
  }
}

module attributes {stable_mosaic.version = 14 : i64} {
  func.func @_field_body(%arg0: i32, %arg1: memref<128x128xi32, #tpu.memory_space<vmem>>, %arg2: memref<128x128xi32, #tpu.memory_space<vmem>>, %arg3: memref<61440xi32, #tpu.memory_space<vmem>>) attributes {dimension_semantics = [#tpu.dimension_semantics<arbitrary>], iteration_bounds = array<i64: 1>, scalar_prefetch = 0 : i64, scratch_operands = 0 : i64, tpu.core_type = #tpu.core_type<tc>, window_params = [{pipeline_mode = #tpu.pipeline_mode<synchronous>, transform_indices = @transform_0, window_bounds = array<i64: 128, 128>}, {pipeline_mode = #tpu.pipeline_mode<synchronous>, transform_indices = @transform_1, window_bounds = array<i64: 128, 128>}, {pipeline_mode = #tpu.pipeline_mode<synchronous>, transform_indices = @transform_2, window_bounds = array<i64: 61440>}]} {
    %get3A = arith.constant 0 : index
    %get3A_0 = arith.constant 0 : index
    %get3A_1 = vector.load %arg1[%get3A, %get3A_0] : memref<128x128xi32, #tpu.memory_space<vmem>>, vector<128x128xi32>
    %bitcast_convert_type3A = tpu.bitcast %get3A_1 : vector<128x128xi32> -> vector<128x128xi32>
    %broadcast_in_dim3A = arith.constant 0 : i32
    %broadcast_in_dim3A_2 = vector.broadcast %broadcast_in_dim3A : i32 to vector<128x128xi32>
    %broadcast_in_dim3A_3 = arith.constant 101010 : i32
    %broadcast_in_dim3A_4 = vector.broadcast %broadcast_in_dim3A_3 : i32 to vector<128x128xi32>
    %xor3A = arith.xori %broadcast_in_dim3A_2, %broadcast_in_dim3A_4 : vector<128x128xi32>
    %xor3A_5 = arith.constant 466688986 : i32
    %xor3A_6 = vector.broadcast %xor3A_5 : i32 to vector<128x128xi32>
    %xor3A_7 = arith.xori %xor3A, %xor3A_6 : vector<128x128xi32>
    %add3A = arith.addi %broadcast_in_dim3A_2, %broadcast_in_dim3A_2 : vector<128x128xi32>
    %add3A_8 = arith.addi %bitcast_convert_type3A, %broadcast_in_dim3A_4 : vector<128x128xi32>
    %add3A_9 = arith.addi %add3A, %add3A_8 : vector<128x128xi32>
    %shift_left3A = arith.constant 13 : i32
    %shift_left3A_10 = vector.broadcast %shift_left3A : i32 to vector<128x128xi32>
    %shift_left3A_11 = arith.shli %add3A_8, %shift_left3A_10 : vector<128x128xi32>
    %shift_right_logical3A = arith.constant 19 : i32
    %shift_right_logical3A_12 = vector.broadcast %shift_right_logical3A : i32 to vector<128x128xi32>
    %shift_right_logical3A_13 = arith.shrui %add3A_8, %shift_right_logical3A_12 : vector<128x128xi32>
    %or3A = arith.ori %shift_left3A_11, %shift_right_logical3A_13 : vector<128x128xi32>
    %xor3A_14 = arith.xori %or3A, %add3A_9 : vector<128x128xi32>
    %add3A_15 = arith.addi %add3A_9, %xor3A_14 : vector<128x128xi32>
    %shift_left3A_16 = arith.constant 15 : i32
    %shift_left3A_17 = vector.broadcast %shift_left3A_16 : i32 to vector<128x128xi32>
    %shift_left3A_18 = arith.shli %xor3A_14, %shift_left3A_17 : vector<128x128xi32>
    %shift_right_logical3A_19 = arith.constant 17 : i32
    %shift_right_logical3A_20 = vector.broadcast %shift_right_logical3A_19 : i32 to vector<128x128xi32>
    %shift_right_logical3A_21 = arith.shrui %xor3A_14, %shift_right_logical3A_20 : vector<128x128xi32>
    %or3A_22 = arith.ori %shift_left3A_18, %shift_right_logical3A_21 : vector<128x128xi32>
    %xor3A_23 = arith.xori %or3A_22, %add3A_15 : vector<128x128xi32>
    %add3A_24 = arith.addi %add3A_15, %xor3A_23 : vector<128x128xi32>
    %shift_left3A_25 = arith.constant 26 : i32
    %shift_left3A_26 = vector.broadcast %shift_left3A_25 : i32 to vector<128x128xi32>
    %shift_left3A_27 = arith.shli %xor3A_23, %shift_left3A_26 : vector<128x128xi32>
    %shift_right_logical3A_28 = arith.constant 6 : i32
    %shift_right_logical3A_29 = vector.broadcast %shift_right_logical3A_28 : i32 to vector<128x128xi32>
    %shift_right_logical3A_30 = arith.shrui %xor3A_23, %shift_right_logical3A_29 : vector<128x128xi32>
    %or3A_31 = arith.ori %shift_left3A_27, %shift_right_logical3A_30 : vector<128x128xi32>
    %xor3A_32 = arith.xori %or3A_31, %add3A_24 : vector<128x128xi32>
    %add3A_33 = arith.addi %add3A_24, %xor3A_32 : vector<128x128xi32>
    %shift_left3A_34 = arith.constant 6 : i32
    %shift_left3A_35 = vector.broadcast %shift_left3A_34 : i32 to vector<128x128xi32>
    %shift_left3A_36 = arith.shli %xor3A_32, %shift_left3A_35 : vector<128x128xi32>
    %shift_right_logical3A_37 = arith.constant 26 : i32
    %shift_right_logical3A_38 = vector.broadcast %shift_right_logical3A_37 : i32 to vector<128x128xi32>
    %shift_right_logical3A_39 = arith.shrui %xor3A_32, %shift_right_logical3A_38 : vector<128x128xi32>
    %or3A_40 = arith.ori %shift_left3A_36, %shift_right_logical3A_39 : vector<128x128xi32>
    %xor3A_41 = arith.xori %or3A_40, %add3A_33 : vector<128x128xi32>
    %add3A_42 = arith.addi %add3A_33, %broadcast_in_dim3A_4 : vector<128x128xi32>
    %add3A_43 = arith.addi %xor3A_41, %xor3A_7 : vector<128x128xi32>
    %add3A_44 = arith.constant 1 : i32
    %add3A_45 = vector.broadcast %add3A_44 : i32 to vector<128x128xi32>
    %add3A_46 = arith.addi %add3A_43, %add3A_45 : vector<128x128xi32>
    %add3A_47 = arith.addi %add3A_42, %add3A_46 : vector<128x128xi32>
    %shift_left3A_48 = arith.constant 17 : i32
    %shift_left3A_49 = vector.broadcast %shift_left3A_48 : i32 to vector<128x128xi32>
    %shift_left3A_50 = arith.shli %add3A_46, %shift_left3A_49 : vector<128x128xi32>
    %shift_right_logical3A_51 = arith.constant 15 : i32
    %shift_right_logical3A_52 = vector.broadcast %shift_right_logical3A_51 : i32 to vector<128x128xi32>
    %shift_right_logical3A_53 = arith.shrui %add3A_46, %shift_right_logical3A_52 : vector<128x128xi32>
    %or3A_54 = arith.ori %shift_left3A_50, %shift_right_logical3A_53 : vector<128x128xi32>
    %xor3A_55 = arith.xori %or3A_54, %add3A_47 : vector<128x128xi32>
    %add3A_56 = arith.addi %add3A_47, %xor3A_55 : vector<128x128xi32>
    %shift_left3A_57 = arith.constant 29 : i32
    %shift_left3A_58 = vector.broadcast %shift_left3A_57 : i32 to vector<128x128xi32>
    %shift_left3A_59 = arith.shli %xor3A_55, %shift_left3A_58 : vector<128x128xi32>
    %shift_right_logical3A_60 = arith.constant 3 : i32
    %shift_right_logical3A_61 = vector.broadcast %shift_right_logical3A_60 : i32 to vector<128x128xi32>
    %shift_right_logical3A_62 = arith.shrui %xor3A_55, %shift_right_logical3A_61 : vector<128x128xi32>
    %or3A_63 = arith.ori %shift_left3A_59, %shift_right_logical3A_62 : vector<128x128xi32>
    %xor3A_64 = arith.xori %or3A_63, %add3A_56 : vector<128x128xi32>
    %add3A_65 = arith.addi %add3A_56, %xor3A_64 : vector<128x128xi32>
    %shift_left3A_66 = arith.constant 16 : i32
    %shift_left3A_67 = vector.broadcast %shift_left3A_66 : i32 to vector<128x128xi32>
    %shift_left3A_68 = arith.shli %xor3A_64, %shift_left3A_67 : vector<128x128xi32>
    %shift_right_logical3A_69 = arith.constant 16 : i32
    %shift_right_logical3A_70 = vector.broadcast %shift_right_logical3A_69 : i32 to vector<128x128xi32>
    %shift_right_logical3A_71 = arith.shrui %xor3A_64, %shift_right_logical3A_70 : vector<128x128xi32>
    %or3A_72 = arith.ori %shift_left3A_68, %shift_right_logical3A_71 : vector<128x128xi32>
    %xor3A_73 = arith.xori %or3A_72, %add3A_65 : vector<128x128xi32>
    %add3A_74 = arith.addi %add3A_65, %xor3A_73 : vector<128x128xi32>
    %shift_left3A_75 = arith.constant 24 : i32
    %shift_left3A_76 = vector.broadcast %shift_left3A_75 : i32 to vector<128x128xi32>
    %shift_left3A_77 = arith.shli %xor3A_73, %shift_left3A_76 : vector<128x128xi32>
    %shift_right_logical3A_78 = arith.constant 8 : i32
    %shift_right_logical3A_79 = vector.broadcast %shift_right_logical3A_78 : i32 to vector<128x128xi32>
    %shift_right_logical3A_80 = arith.shrui %xor3A_73, %shift_right_logical3A_79 : vector<128x128xi32>
    %or3A_81 = arith.ori %shift_left3A_77, %shift_right_logical3A_80 : vector<128x128xi32>
    %xor3A_82 = arith.xori %or3A_81, %add3A_74 : vector<128x128xi32>
    %add3A_83 = arith.addi %add3A_74, %xor3A_7 : vector<128x128xi32>
    %add3A_84 = arith.addi %xor3A_82, %broadcast_in_dim3A_2 : vector<128x128xi32>
    %add3A_85 = arith.constant 2 : i32
    %add3A_86 = vector.broadcast %add3A_85 : i32 to vector<128x128xi32>
    %add3A_87 = arith.addi %add3A_84, %add3A_86 : vector<128x128xi32>
    %add3A_88 = arith.addi %add3A_83, %add3A_87 : vector<128x128xi32>
    %shift_left3A_89 = arith.constant 13 : i32
    %shift_left3A_90 = vector.broadcast %shift_left3A_89 : i32 to vector<128x128xi32>
    %shift_left3A_91 = arith.shli %add3A_87, %shift_left3A_90 : vector<128x128xi32>
    %shift_right_logical3A_92 = arith.constant 19 : i32
    %shift_right_logical3A_93 = vector.broadcast %shift_right_logical3A_92 : i32 to vector<128x128xi32>
    %shift_right_logical3A_94 = arith.shrui %add3A_87, %shift_right_logical3A_93 : vector<128x128xi32>
    %or3A_95 = arith.ori %shift_left3A_91, %shift_right_logical3A_94 : vector<128x128xi32>
    %xor3A_96 = arith.xori %or3A_95, %add3A_88 : vector<128x128xi32>
    %add3A_97 = arith.addi %add3A_88, %xor3A_96 : vector<128x128xi32>
    %shift_left3A_98 = arith.constant 15 : i32
    %shift_left3A_99 = vector.broadcast %shift_left3A_98 : i32 to vector<128x128xi32>
    %shift_left3A_100 = arith.shli %xor3A_96, %shift_left3A_99 : vector<128x128xi32>
    %shift_right_logical3A_101 = arith.constant 17 : i32
    %shift_right_logical3A_102 = vector.broadcast %shift_right_logical3A_101 : i32 to vector<128x128xi32>
    %shift_right_logical3A_103 = arith.shrui %xor3A_96, %shift_right_logical3A_102 : vector<128x128xi32>
    %or3A_104 = arith.ori %shift_left3A_100, %shift_right_logical3A_103 : vector<128x128xi32>
    %xor3A_105 = arith.xori %or3A_104, %add3A_97 : vector<128x128xi32>
    %add3A_106 = arith.addi %add3A_97, %xor3A_105 : vector<128x128xi32>
    %shift_left3A_107 = arith.constant 26 : i32
    %shift_left3A_108 = vector.broadcast %shift_left3A_107 : i32 to vector<128x128xi32>
    %shift_left3A_109 = arith.shli %xor3A_105, %shift_left3A_108 : vector<128x128xi32>
    %shift_right_logical3A_110 = arith.constant 6 : i32
    %shift_right_logical3A_111 = vector.broadcast %shift_right_logical3A_110 : i32 to vector<128x128xi32>
    %shift_right_logical3A_112 = arith.shrui %xor3A_105, %shift_right_logical3A_111 : vector<128x128xi32>
    %or3A_113 = arith.ori %shift_left3A_109, %shift_right_logical3A_112 : vector<128x128xi32>
    %xor3A_114 = arith.xori %or3A_113, %add3A_106 : vector<128x128xi32>
    %add3A_115 = arith.addi %add3A_106, %xor3A_114 : vector<128x128xi32>
    %shift_left3A_116 = arith.constant 6 : i32
    %shift_left3A_117 = vector.broadcast %shift_left3A_116 : i32 to vector<128x128xi32>
    %shift_left3A_118 = arith.shli %xor3A_114, %shift_left3A_117 : vector<128x128xi32>
    %shift_right_logical3A_119 = arith.constant 26 : i32
    %shift_right_logical3A_120 = vector.broadcast %shift_right_logical3A_119 : i32 to vector<128x128xi32>
    %shift_right_logical3A_121 = arith.shrui %xor3A_114, %shift_right_logical3A_120 : vector<128x128xi32>
    %or3A_122 = arith.ori %shift_left3A_118, %shift_right_logical3A_121 : vector<128x128xi32>
    %xor3A_123 = arith.xori %or3A_122, %add3A_115 : vector<128x128xi32>
    %add3A_124 = arith.addi %add3A_115, %broadcast_in_dim3A_2 : vector<128x128xi32>
    %add3A_125 = arith.addi %xor3A_123, %broadcast_in_dim3A_4 : vector<128x128xi32>
    %add3A_126 = arith.constant 3 : i32
    %add3A_127 = vector.broadcast %add3A_126 : i32 to vector<128x128xi32>
    %add3A_128 = arith.addi %add3A_125, %add3A_127 : vector<128x128xi32>
    %add3A_129 = arith.addi %add3A_124, %add3A_128 : vector<128x128xi32>
    %shift_left3A_130 = arith.constant 17 : i32
    %shift_left3A_131 = vector.broadcast %shift_left3A_130 : i32 to vector<128x128xi32>
    %shift_left3A_132 = arith.shli %add3A_128, %shift_left3A_131 : vector<128x128xi32>
    %shift_right_logical3A_133 = arith.constant 15 : i32
    %shift_right_logical3A_134 = vector.broadcast %shift_right_logical3A_133 : i32 to vector<128x128xi32>
    %shift_right_logical3A_135 = arith.shrui %add3A_128, %shift_right_logical3A_134 : vector<128x128xi32>
    %or3A_136 = arith.ori %shift_left3A_132, %shift_right_logical3A_135 : vector<128x128xi32>
    %xor3A_137 = arith.xori %or3A_136, %add3A_129 : vector<128x128xi32>
    %add3A_138 = arith.addi %add3A_129, %xor3A_137 : vector<128x128xi32>
    %shift_left3A_139 = arith.constant 29 : i32
    %shift_left3A_140 = vector.broadcast %shift_left3A_139 : i32 to vector<128x128xi32>
    %shift_left3A_141 = arith.shli %xor3A_137, %shift_left3A_140 : vector<128x128xi32>
    %shift_right_logical3A_142 = arith.constant 3 : i32
    %shift_right_logical3A_143 = vector.broadcast %shift_right_logical3A_142 : i32 to vector<128x128xi32>
    %shift_right_logical3A_144 = arith.shrui %xor3A_137, %shift_right_logical3A_143 : vector<128x128xi32>
    %or3A_145 = arith.ori %shift_left3A_141, %shift_right_logical3A_144 : vector<128x128xi32>
    %xor3A_146 = arith.xori %or3A_145, %add3A_138 : vector<128x128xi32>
    %add3A_147 = arith.addi %add3A_138, %xor3A_146 : vector<128x128xi32>
    %shift_left3A_148 = arith.constant 16 : i32
    %shift_left3A_149 = vector.broadcast %shift_left3A_148 : i32 to vector<128x128xi32>
    %shift_left3A_150 = arith.shli %xor3A_146, %shift_left3A_149 : vector<128x128xi32>
    %shift_right_logical3A_151 = arith.constant 16 : i32
    %shift_right_logical3A_152 = vector.broadcast %shift_right_logical3A_151 : i32 to vector<128x128xi32>
    %shift_right_logical3A_153 = arith.shrui %xor3A_146, %shift_right_logical3A_152 : vector<128x128xi32>
    %or3A_154 = arith.ori %shift_left3A_150, %shift_right_logical3A_153 : vector<128x128xi32>
    %xor3A_155 = arith.xori %or3A_154, %add3A_147 : vector<128x128xi32>
    %add3A_156 = arith.addi %add3A_147, %xor3A_155 : vector<128x128xi32>
    %shift_left3A_157 = arith.constant 24 : i32
    %shift_left3A_158 = vector.broadcast %shift_left3A_157 : i32 to vector<128x128xi32>
    %shift_left3A_159 = arith.shli %xor3A_155, %shift_left3A_158 : vector<128x128xi32>
    %shift_right_logical3A_160 = arith.constant 8 : i32
    %shift_right_logical3A_161 = vector.broadcast %shift_right_logical3A_160 : i32 to vector<128x128xi32>
    %shift_right_logical3A_162 = arith.shrui %xor3A_155, %shift_right_logical3A_161 : vector<128x128xi32>
    %or3A_163 = arith.ori %shift_left3A_159, %shift_right_logical3A_162 : vector<128x128xi32>
    %xor3A_164 = arith.xori %or3A_163, %add3A_156 : vector<128x128xi32>
    %add3A_165 = arith.addi %add3A_156, %broadcast_in_dim3A_4 : vector<128x128xi32>
    %add3A_166 = arith.addi %xor3A_164, %xor3A_7 : vector<128x128xi32>
    %add3A_167 = arith.constant 4 : i32
    %add3A_168 = vector.broadcast %add3A_167 : i32 to vector<128x128xi32>
    %add3A_169 = arith.addi %add3A_166, %add3A_168 : vector<128x128xi32>
    %add3A_170 = arith.addi %add3A_165, %add3A_169 : vector<128x128xi32>
    %shift_left3A_171 = arith.constant 13 : i32
    %shift_left3A_172 = vector.broadcast %shift_left3A_171 : i32 to vector<128x128xi32>
    %shift_left3A_173 = arith.shli %add3A_169, %shift_left3A_172 : vector<128x128xi32>
    %shift_right_logical3A_174 = arith.constant 19 : i32
    %shift_right_logical3A_175 = vector.broadcast %shift_right_logical3A_174 : i32 to vector<128x128xi32>
    %shift_right_logical3A_176 = arith.shrui %add3A_169, %shift_right_logical3A_175 : vector<128x128xi32>
    %or3A_177 = arith.ori %shift_left3A_173, %shift_right_logical3A_176 : vector<128x128xi32>
    %xor3A_178 = arith.xori %or3A_177, %add3A_170 : vector<128x128xi32>
    %add3A_179 = arith.addi %add3A_170, %xor3A_178 : vector<128x128xi32>
    %shift_left3A_180 = arith.constant 15 : i32
    %shift_left3A_181 = vector.broadcast %shift_left3A_180 : i32 to vector<128x128xi32>
    %shift_left3A_182 = arith.shli %xor3A_178, %shift_left3A_181 : vector<128x128xi32>
    %shift_right_logical3A_183 = arith.constant 17 : i32
    %shift_right_logical3A_184 = vector.broadcast %shift_right_logical3A_183 : i32 to vector<128x128xi32>
    %shift_right_logical3A_185 = arith.shrui %xor3A_178, %shift_right_logical3A_184 : vector<128x128xi32>
    %or3A_186 = arith.ori %shift_left3A_182, %shift_right_logical3A_185 : vector<128x128xi32>
    %xor3A_187 = arith.xori %or3A_186, %add3A_179 : vector<128x128xi32>
    %add3A_188 = arith.addi %add3A_179, %xor3A_187 : vector<128x128xi32>
    %shift_left3A_189 = arith.constant 26 : i32
    %shift_left3A_190 = vector.broadcast %shift_left3A_189 : i32 to vector<128x128xi32>
    %shift_left3A_191 = arith.shli %xor3A_187, %shift_left3A_190 : vector<128x128xi32>
    %shift_right_logical3A_192 = arith.constant 6 : i32
    %shift_right_logical3A_193 = vector.broadcast %shift_right_logical3A_192 : i32 to vector<128x128xi32>
    %shift_right_logical3A_194 = arith.shrui %xor3A_187, %shift_right_logical3A_193 : vector<128x128xi32>
    %or3A_195 = arith.ori %shift_left3A_191, %shift_right_logical3A_194 : vector<128x128xi32>
    %xor3A_196 = arith.xori %or3A_195, %add3A_188 : vector<128x128xi32>
    %add3A_197 = arith.addi %add3A_188, %xor3A_196 : vector<128x128xi32>
    %shift_left3A_198 = arith.constant 6 : i32
    %shift_left3A_199 = vector.broadcast %shift_left3A_198 : i32 to vector<128x128xi32>
    %shift_left3A_200 = arith.shli %xor3A_196, %shift_left3A_199 : vector<128x128xi32>
    %shift_right_logical3A_201 = arith.constant 26 : i32
    %shift_right_logical3A_202 = vector.broadcast %shift_right_logical3A_201 : i32 to vector<128x128xi32>
    %shift_right_logical3A_203 = arith.shrui %xor3A_196, %shift_right_logical3A_202 : vector<128x128xi32>
    %or3A_204 = arith.ori %shift_left3A_200, %shift_right_logical3A_203 : vector<128x128xi32>
    %xor3A_205 = arith.xori %or3A_204, %add3A_197 : vector<128x128xi32>
    %add3A_206 = arith.addi %add3A_197, %xor3A_7 : vector<128x128xi32>
    %add3A_207 = arith.addi %xor3A_205, %broadcast_in_dim3A_2 : vector<128x128xi32>
    %add3A_208 = arith.constant 5 : i32
    %add3A_209 = vector.broadcast %add3A_208 : i32 to vector<128x128xi32>
    %add3A_210 = arith.addi %add3A_207, %add3A_209 : vector<128x128xi32>
    %broadcast_in_dim3A_211 = arith.constant 0 : i32
    %broadcast_in_dim3A_212 = vector.broadcast %broadcast_in_dim3A_211 : i32 to vector<128x128xi32>
    %broadcast_in_dim3A_213 = arith.constant 0 : i32
    %broadcast_in_dim3A_214 = vector.broadcast %broadcast_in_dim3A_213 : i32 to vector<128x128xi32>
    %xor3A_215 = arith.xori %add3A_206, %add3A_210 : vector<128x128xi32>
    %xor3A_216 = arith.constant 466688986 : i32
    %xor3A_217 = vector.broadcast %xor3A_216 : i32 to vector<128x128xi32>
    %xor3A_218 = arith.xori %xor3A_215, %xor3A_217 : vector<128x128xi32>
    %add3A_219 = arith.addi %broadcast_in_dim3A_2, %add3A_206 : vector<128x128xi32>
    %add3A_220 = arith.addi %broadcast_in_dim3A_214, %add3A_210 : vector<128x128xi32>
    %add3A_221 = arith.addi %add3A_219, %add3A_220 : vector<128x128xi32>
    %shift_left3A_222 = arith.constant 13 : i32
    %shift_left3A_223 = vector.broadcast %shift_left3A_222 : i32 to vector<128x128xi32>
    %shift_left3A_224 = arith.shli %add3A_220, %shift_left3A_223 : vector<128x128xi32>
    %shift_right_logical3A_225 = arith.constant 19 : i32
    %shift_right_logical3A_226 = vector.broadcast %shift_right_logical3A_225 : i32 to vector<128x128xi32>
    %shift_right_logical3A_227 = arith.shrui %add3A_220, %shift_right_logical3A_226 : vector<128x128xi32>
    %or3A_228 = arith.ori %shift_left3A_224, %shift_right_logical3A_227 : vector<128x128xi32>
    %xor3A_229 = arith.xori %or3A_228, %add3A_221 : vector<128x128xi32>
    %add3A_230 = arith.addi %add3A_221, %xor3A_229 : vector<128x128xi32>
    %shift_left3A_231 = arith.constant 15 : i32
    %shift_left3A_232 = vector.broadcast %shift_left3A_231 : i32 to vector<128x128xi32>
    %shift_left3A_233 = arith.shli %xor3A_229, %shift_left3A_232 : vector<128x128xi32>
    %shift_right_logical3A_234 = arith.constant 17 : i32
    %shift_right_logical3A_235 = vector.broadcast %shift_right_logical3A_234 : i32 to vector<128x128xi32>
    %shift_right_logical3A_236 = arith.shrui %xor3A_229, %shift_right_logical3A_235 : vector<128x128xi32>
    %or3A_237 = arith.ori %shift_left3A_233, %shift_right_logical3A_236 : vector<128x128xi32>
    %xor3A_238 = arith.xori %or3A_237, %add3A_230 : vector<128x128xi32>
    %add3A_239 = arith.addi %add3A_230, %xor3A_238 : vector<128x128xi32>
    %shift_left3A_240 = arith.constant 26 : i32
    %shift_left3A_241 = vector.broadcast %shift_left3A_240 : i32 to vector<128x128xi32>
    %shift_left3A_242 = arith.shli %xor3A_238, %shift_left3A_241 : vector<128x128xi32>
    %shift_right_logical3A_243 = arith.constant 6 : i32
    %shift_right_logical3A_244 = vector.broadcast %shift_right_logical3A_243 : i32 to vector<128x128xi32>
    %shift_right_logical3A_245 = arith.shrui %xor3A_238, %shift_right_logical3A_244 : vector<128x128xi32>
    %or3A_246 = arith.ori %shift_left3A_242, %shift_right_logical3A_245 : vector<128x128xi32>
    %xor3A_247 = arith.xori %or3A_246, %add3A_239 : vector<128x128xi32>
    %add3A_248 = arith.addi %add3A_239, %xor3A_247 : vector<128x128xi32>
    %shift_left3A_249 = arith.constant 6 : i32
    %shift_left3A_250 = vector.broadcast %shift_left3A_249 : i32 to vector<128x128xi32>
    %shift_left3A_251 = arith.shli %xor3A_247, %shift_left3A_250 : vector<128x128xi32>
    %shift_right_logical3A_252 = arith.constant 26 : i32
    %shift_right_logical3A_253 = vector.broadcast %shift_right_logical3A_252 : i32 to vector<128x128xi32>
    %shift_right_logical3A_254 = arith.shrui %xor3A_247, %shift_right_logical3A_253 : vector<128x128xi32>
    %or3A_255 = arith.ori %shift_left3A_251, %shift_right_logical3A_254 : vector<128x128xi32>
    %xor3A_256 = arith.xori %or3A_255, %add3A_248 : vector<128x128xi32>
    %add3A_257 = arith.addi %add3A_248, %add3A_210 : vector<128x128xi32>
    %add3A_258 = arith.addi %xor3A_256, %xor3A_218 : vector<128x128xi32>
    %add3A_259 = arith.constant 1 : i32
    %add3A_260 = vector.broadcast %add3A_259 : i32 to vector<128x128xi32>
    %add3A_261 = arith.addi %add3A_258, %add3A_260 : vector<128x128xi32>
    %add3A_262 = arith.addi %add3A_257, %add3A_261 : vector<128x128xi32>
    %shift_left3A_263 = arith.constant 17 : i32
    %shift_left3A_264 = vector.broadcast %shift_left3A_263 : i32 to vector<128x128xi32>
    %shift_left3A_265 = arith.shli %add3A_261, %shift_left3A_264 : vector<128x128xi32>
    %shift_right_logical3A_266 = arith.constant 15 : i32
    %shift_right_logical3A_267 = vector.broadcast %shift_right_logical3A_266 : i32 to vector<128x128xi32>
    %shift_right_logical3A_268 = arith.shrui %add3A_261, %shift_right_logical3A_267 : vector<128x128xi32>
    %or3A_269 = arith.ori %shift_left3A_265, %shift_right_logical3A_268 : vector<128x128xi32>
    %xor3A_270 = arith.xori %or3A_269, %add3A_262 : vector<128x128xi32>
    %add3A_271 = arith.addi %add3A_262, %xor3A_270 : vector<128x128xi32>
    %shift_left3A_272 = arith.constant 29 : i32
    %shift_left3A_273 = vector.broadcast %shift_left3A_272 : i32 to vector<128x128xi32>
    %shift_left3A_274 = arith.shli %xor3A_270, %shift_left3A_273 : vector<128x128xi32>
    %shift_right_logical3A_275 = arith.constant 3 : i32
    %shift_right_logical3A_276 = vector.broadcast %shift_right_logical3A_275 : i32 to vector<128x128xi32>
    %shift_right_logical3A_277 = arith.shrui %xor3A_270, %shift_right_logical3A_276 : vector<128x128xi32>
    %or3A_278 = arith.ori %shift_left3A_274, %shift_right_logical3A_277 : vector<128x128xi32>
    %xor3A_279 = arith.xori %or3A_278, %add3A_271 : vector<128x128xi32>
    %add3A_280 = arith.addi %add3A_271, %xor3A_279 : vector<128x128xi32>
    %shift_left3A_281 = arith.constant 16 : i32
    %shift_left3A_282 = vector.broadcast %shift_left3A_281 : i32 to vector<128x128xi32>
    %shift_left3A_283 = arith.shli %xor3A_279, %shift_left3A_282 : vector<128x128xi32>
    %shift_right_logical3A_284 = arith.constant 16 : i32
    %shift_right_logical3A_285 = vector.broadcast %shift_right_logical3A_284 : i32 to vector<128x128xi32>
    %shift_right_logical3A_286 = arith.shrui %xor3A_279, %shift_right_logical3A_285 : vector<128x128xi32>
    %or3A_287 = arith.ori %shift_left3A_283, %shift_right_logical3A_286 : vector<128x128xi32>
    %xor3A_288 = arith.xori %or3A_287, %add3A_280 : vector<128x128xi32>
    %add3A_289 = arith.addi %add3A_280, %xor3A_288 : vector<128x128xi32>
    %shift_left3A_290 = arith.constant 24 : i32
    %shift_left3A_291 = vector.broadcast %shift_left3A_290 : i32 to vector<128x128xi32>
    %shift_left3A_292 = arith.shli %xor3A_288, %shift_left3A_291 : vector<128x128xi32>
    %shift_right_logical3A_293 = arith.constant 8 : i32
    %shift_right_logical3A_294 = vector.broadcast %shift_right_logical3A_293 : i32 to vector<128x128xi32>
    %shift_right_logical3A_295 = arith.shrui %xor3A_288, %shift_right_logical3A_294 : vector<128x128xi32>
    %or3A_296 = arith.ori %shift_left3A_292, %shift_right_logical3A_295 : vector<128x128xi32>
    %xor3A_297 = arith.xori %or3A_296, %add3A_289 : vector<128x128xi32>
    %add3A_298 = arith.addi %add3A_289, %xor3A_218 : vector<128x128xi32>
    %add3A_299 = arith.addi %xor3A_297, %add3A_206 : vector<128x128xi32>
    %add3A_300 = arith.constant 2 : i32
    %add3A_301 = vector.broadcast %add3A_300 : i32 to vector<128x128xi32>
    %add3A_302 = arith.addi %add3A_299, %add3A_301 : vector<128x128xi32>
    %add3A_303 = arith.addi %add3A_298, %add3A_302 : vector<128x128xi32>
    %shift_left3A_304 = arith.constant 13 : i32
    %shift_left3A_305 = vector.broadcast %shift_left3A_304 : i32 to vector<128x128xi32>
    %shift_left3A_306 = arith.shli %add3A_302, %shift_left3A_305 : vector<128x128xi32>
    %shift_right_logical3A_307 = arith.constant 19 : i32
    %shift_right_logical3A_308 = vector.broadcast %shift_right_logical3A_307 : i32 to vector<128x128xi32>
    %shift_right_logical3A_309 = arith.shrui %add3A_302, %shift_right_logical3A_308 : vector<128x128xi32>
    %or3A_310 = arith.ori %shift_left3A_306, %shift_right_logical3A_309 : vector<128x128xi32>
    %xor3A_311 = arith.xori %or3A_310, %add3A_303 : vector<128x128xi32>
    %add3A_312 = arith.addi %add3A_303, %xor3A_311 : vector<128x128xi32>
    %shift_left3A_313 = arith.constant 15 : i32
    %shift_left3A_314 = vector.broadcast %shift_left3A_313 : i32 to vector<128x128xi32>
    %shift_left3A_315 = arith.shli %xor3A_311, %shift_left3A_314 : vector<128x128xi32>
    %shift_right_logical3A_316 = arith.constant 17 : i32
    %shift_right_logical3A_317 = vector.broadcast %shift_right_logical3A_316 : i32 to vector<128x128xi32>
    %shift_right_logical3A_318 = arith.shrui %xor3A_311, %shift_right_logical3A_317 : vector<128x128xi32>
    %or3A_319 = arith.ori %shift_left3A_315, %shift_right_logical3A_318 : vector<128x128xi32>
    %xor3A_320 = arith.xori %or3A_319, %add3A_312 : vector<128x128xi32>
    %add3A_321 = arith.addi %add3A_312, %xor3A_320 : vector<128x128xi32>
    %shift_left3A_322 = arith.constant 26 : i32
    %shift_left3A_323 = vector.broadcast %shift_left3A_322 : i32 to vector<128x128xi32>
    %shift_left3A_324 = arith.shli %xor3A_320, %shift_left3A_323 : vector<128x128xi32>
    %shift_right_logical3A_325 = arith.constant 6 : i32
    %shift_right_logical3A_326 = vector.broadcast %shift_right_logical3A_325 : i32 to vector<128x128xi32>
    %shift_right_logical3A_327 = arith.shrui %xor3A_320, %shift_right_logical3A_326 : vector<128x128xi32>
    %or3A_328 = arith.ori %shift_left3A_324, %shift_right_logical3A_327 : vector<128x128xi32>
    %xor3A_329 = arith.xori %or3A_328, %add3A_321 : vector<128x128xi32>
    %add3A_330 = arith.addi %add3A_321, %xor3A_329 : vector<128x128xi32>
    %shift_left3A_331 = arith.constant 6 : i32
    %shift_left3A_332 = vector.broadcast %shift_left3A_331 : i32 to vector<128x128xi32>
    %shift_left3A_333 = arith.shli %xor3A_329, %shift_left3A_332 : vector<128x128xi32>
    %shift_right_logical3A_334 = arith.constant 26 : i32
    %shift_right_logical3A_335 = vector.broadcast %shift_right_logical3A_334 : i32 to vector<128x128xi32>
    %shift_right_logical3A_336 = arith.shrui %xor3A_329, %shift_right_logical3A_335 : vector<128x128xi32>
    %or3A_337 = arith.ori %shift_left3A_333, %shift_right_logical3A_336 : vector<128x128xi32>
    %xor3A_338 = arith.xori %or3A_337, %add3A_330 : vector<128x128xi32>
    %add3A_339 = arith.addi %add3A_330, %add3A_206 : vector<128x128xi32>
    %add3A_340 = arith.addi %xor3A_338, %add3A_210 : vector<128x128xi32>
    %add3A_341 = arith.constant 3 : i32
    %add3A_342 = vector.broadcast %add3A_341 : i32 to vector<128x128xi32>
    %add3A_343 = arith.addi %add3A_340, %add3A_342 : vector<128x128xi32>
    %add3A_344 = arith.addi %add3A_339, %add3A_343 : vector<128x128xi32>
    %shift_left3A_345 = arith.constant 17 : i32
    %shift_left3A_346 = vector.broadcast %shift_left3A_345 : i32 to vector<128x128xi32>
    %shift_left3A_347 = arith.shli %add3A_343, %shift_left3A_346 : vector<128x128xi32>
    %shift_right_logical3A_348 = arith.constant 15 : i32
    %shift_right_logical3A_349 = vector.broadcast %shift_right_logical3A_348 : i32 to vector<128x128xi32>
    %shift_right_logical3A_350 = arith.shrui %add3A_343, %shift_right_logical3A_349 : vector<128x128xi32>
    %or3A_351 = arith.ori %shift_left3A_347, %shift_right_logical3A_350 : vector<128x128xi32>
    %xor3A_352 = arith.xori %or3A_351, %add3A_344 : vector<128x128xi32>
    %add3A_353 = arith.addi %add3A_344, %xor3A_352 : vector<128x128xi32>
    %shift_left3A_354 = arith.constant 29 : i32
    %shift_left3A_355 = vector.broadcast %shift_left3A_354 : i32 to vector<128x128xi32>
    %shift_left3A_356 = arith.shli %xor3A_352, %shift_left3A_355 : vector<128x128xi32>
    %shift_right_logical3A_357 = arith.constant 3 : i32
    %shift_right_logical3A_358 = vector.broadcast %shift_right_logical3A_357 : i32 to vector<128x128xi32>
    %shift_right_logical3A_359 = arith.shrui %xor3A_352, %shift_right_logical3A_358 : vector<128x128xi32>
    %or3A_360 = arith.ori %shift_left3A_356, %shift_right_logical3A_359 : vector<128x128xi32>
    %xor3A_361 = arith.xori %or3A_360, %add3A_353 : vector<128x128xi32>
    %add3A_362 = arith.addi %add3A_353, %xor3A_361 : vector<128x128xi32>
    %shift_left3A_363 = arith.constant 16 : i32
    %shift_left3A_364 = vector.broadcast %shift_left3A_363 : i32 to vector<128x128xi32>
    %shift_left3A_365 = arith.shli %xor3A_361, %shift_left3A_364 : vector<128x128xi32>
    %shift_right_logical3A_366 = arith.constant 16 : i32
    %shift_right_logical3A_367 = vector.broadcast %shift_right_logical3A_366 : i32 to vector<128x128xi32>
    %shift_right_logical3A_368 = arith.shrui %xor3A_361, %shift_right_logical3A_367 : vector<128x128xi32>
    %or3A_369 = arith.ori %shift_left3A_365, %shift_right_logical3A_368 : vector<128x128xi32>
    %xor3A_370 = arith.xori %or3A_369, %add3A_362 : vector<128x128xi32>
    %add3A_371 = arith.addi %add3A_362, %xor3A_370 : vector<128x128xi32>
    %shift_left3A_372 = arith.constant 24 : i32
    %shift_left3A_373 = vector.broadcast %shift_left3A_372 : i32 to vector<128x128xi32>
    %shift_left3A_374 = arith.shli %xor3A_370, %shift_left3A_373 : vector<128x128xi32>
    %shift_right_logical3A_375 = arith.constant 8 : i32
    %shift_right_logical3A_376 = vector.broadcast %shift_right_logical3A_375 : i32 to vector<128x128xi32>
    %shift_right_logical3A_377 = arith.shrui %xor3A_370, %shift_right_logical3A_376 : vector<128x128xi32>
    %or3A_378 = arith.ori %shift_left3A_374, %shift_right_logical3A_377 : vector<128x128xi32>
    %xor3A_379 = arith.xori %or3A_378, %add3A_371 : vector<128x128xi32>
    %add3A_380 = arith.addi %add3A_371, %add3A_210 : vector<128x128xi32>
    %add3A_381 = arith.addi %xor3A_379, %xor3A_218 : vector<128x128xi32>
    %add3A_382 = arith.constant 4 : i32
    %add3A_383 = vector.broadcast %add3A_382 : i32 to vector<128x128xi32>
    %add3A_384 = arith.addi %add3A_381, %add3A_383 : vector<128x128xi32>
    %add3A_385 = arith.addi %add3A_380, %add3A_384 : vector<128x128xi32>
    %shift_left3A_386 = arith.constant 13 : i32
    %shift_left3A_387 = vector.broadcast %shift_left3A_386 : i32 to vector<128x128xi32>
    %shift_left3A_388 = arith.shli %add3A_384, %shift_left3A_387 : vector<128x128xi32>
    %shift_right_logical3A_389 = arith.constant 19 : i32
    %shift_right_logical3A_390 = vector.broadcast %shift_right_logical3A_389 : i32 to vector<128x128xi32>
    %shift_right_logical3A_391 = arith.shrui %add3A_384, %shift_right_logical3A_390 : vector<128x128xi32>
    %or3A_392 = arith.ori %shift_left3A_388, %shift_right_logical3A_391 : vector<128x128xi32>
    %xor3A_393 = arith.xori %or3A_392, %add3A_385 : vector<128x128xi32>
    %add3A_394 = arith.addi %add3A_385, %xor3A_393 : vector<128x128xi32>
    %shift_left3A_395 = arith.constant 15 : i32
    %shift_left3A_396 = vector.broadcast %shift_left3A_395 : i32 to vector<128x128xi32>
    %shift_left3A_397 = arith.shli %xor3A_393, %shift_left3A_396 : vector<128x128xi32>
    %shift_right_logical3A_398 = arith.constant 17 : i32
    %shift_right_logical3A_399 = vector.broadcast %shift_right_logical3A_398 : i32 to vector<128x128xi32>
    %shift_right_logical3A_400 = arith.shrui %xor3A_393, %shift_right_logical3A_399 : vector<128x128xi32>
    %or3A_401 = arith.ori %shift_left3A_397, %shift_right_logical3A_400 : vector<128x128xi32>
    %xor3A_402 = arith.xori %or3A_401, %add3A_394 : vector<128x128xi32>
    %add3A_403 = arith.addi %add3A_394, %xor3A_402 : vector<128x128xi32>
    %shift_left3A_404 = arith.constant 26 : i32
    %shift_left3A_405 = vector.broadcast %shift_left3A_404 : i32 to vector<128x128xi32>
    %shift_left3A_406 = arith.shli %xor3A_402, %shift_left3A_405 : vector<128x128xi32>
    %shift_right_logical3A_407 = arith.constant 6 : i32
    %shift_right_logical3A_408 = vector.broadcast %shift_right_logical3A_407 : i32 to vector<128x128xi32>
    %shift_right_logical3A_409 = arith.shrui %xor3A_402, %shift_right_logical3A_408 : vector<128x128xi32>
    %or3A_410 = arith.ori %shift_left3A_406, %shift_right_logical3A_409 : vector<128x128xi32>
    %xor3A_411 = arith.xori %or3A_410, %add3A_403 : vector<128x128xi32>
    %add3A_412 = arith.addi %add3A_403, %xor3A_411 : vector<128x128xi32>
    %shift_left3A_413 = arith.constant 6 : i32
    %shift_left3A_414 = vector.broadcast %shift_left3A_413 : i32 to vector<128x128xi32>
    %shift_left3A_415 = arith.shli %xor3A_411, %shift_left3A_414 : vector<128x128xi32>
    %shift_right_logical3A_416 = arith.constant 26 : i32
    %shift_right_logical3A_417 = vector.broadcast %shift_right_logical3A_416 : i32 to vector<128x128xi32>
    %shift_right_logical3A_418 = arith.shrui %xor3A_411, %shift_right_logical3A_417 : vector<128x128xi32>
    %or3A_419 = arith.ori %shift_left3A_415, %shift_right_logical3A_418 : vector<128x128xi32>
    %xor3A_420 = arith.xori %or3A_419, %add3A_412 : vector<128x128xi32>
    %add3A_421 = arith.addi %add3A_412, %xor3A_218 : vector<128x128xi32>
    %add3A_422 = arith.addi %xor3A_420, %add3A_206 : vector<128x128xi32>
    %add3A_423 = arith.constant 5 : i32
    %add3A_424 = vector.broadcast %add3A_423 : i32 to vector<128x128xi32>
    %add3A_425 = arith.addi %add3A_422, %add3A_424 : vector<128x128xi32>
    %xor3A_426 = arith.xori %add3A_421, %add3A_425 : vector<128x128xi32>
    %shift_right_logical3A_427 = arith.constant 9 : i32
    %shift_right_logical3A_428 = vector.broadcast %shift_right_logical3A_427 : i32 to vector<128x128xi32>
    %shift_right_logical3A_429 = arith.shrui %xor3A_426, %shift_right_logical3A_428 : vector<128x128xi32>
    %or3A_430 = arith.constant 1065353216 : i32
    %or3A_431 = vector.broadcast %or3A_430 : i32 to vector<128x128xi32>
    %or3A_432 = arith.ori %shift_right_logical3A_429, %or3A_431 : vector<128x128xi32>
    %bitcast_convert_type3A_433 = tpu.bitcast %or3A_432 : vector<128x128xi32> -> vector<128x128xf32>
    %sub3A = arith.constant 1.000000e+00 : f32
    %sub3A_434 = vector.broadcast %sub3A : f32 to vector<128x128xf32>
    %sub3A_435 = arith.subf %bitcast_convert_type3A_433, %sub3A_434 : vector<128x128xf32>
    %lt3A = arith.constant 1.000000e-01 : f32
    %lt3A_436 = vector.broadcast %lt3A : f32 to vector<128x128xf32>
    %lt3A_437 = arith.cmpf olt, %sub3A_435, %lt3A_436 : vector<128x128xf32>
    %convert_element_type3A = arith.extui %lt3A_437 : vector<128x128xi1> to vector<128x128xi32>
    %shift_left3A_438 = arith.constant 3 : i32
    %shift_left3A_439 = vector.broadcast %shift_left3A_438 : i32 to vector<128x128xi32>
    %shift_left3A_440 = arith.shli %convert_element_type3A, %shift_left3A_439 : vector<128x128xi32>
    %or3A_441 = arith.ori %broadcast_in_dim3A_212, %shift_left3A_440 : vector<128x128xi32>
    %broadcast_in_dim3A_442 = arith.constant 1 : i32
    %broadcast_in_dim3A_443 = vector.broadcast %broadcast_in_dim3A_442 : i32 to vector<128x128xi32>
    %xor3A_444 = arith.xori %add3A_206, %add3A_210 : vector<128x128xi32>
    %xor3A_445 = arith.constant 466688986 : i32
    %xor3A_446 = vector.broadcast %xor3A_445 : i32 to vector<128x128xi32>
    %xor3A_447 = arith.xori %xor3A_444, %xor3A_446 : vector<128x128xi32>
    %add3A_448 = arith.addi %broadcast_in_dim3A_2, %add3A_206 : vector<128x128xi32>
    %add3A_449 = arith.addi %broadcast_in_dim3A_443, %add3A_210 : vector<128x128xi32>
    %add3A_450 = arith.addi %add3A_448, %add3A_449 : vector<128x128xi32>
    %shift_left3A_451 = arith.constant 13 : i32
    %shift_left3A_452 = vector.broadcast %shift_left3A_451 : i32 to vector<128x128xi32>
    %shift_left3A_453 = arith.shli %add3A_449, %shift_left3A_452 : vector<128x128xi32>
    %shift_right_logical3A_454 = arith.constant 19 : i32
    %shift_right_logical3A_455 = vector.broadcast %shift_right_logical3A_454 : i32 to vector<128x128xi32>
    %shift_right_logical3A_456 = arith.shrui %add3A_449, %shift_right_logical3A_455 : vector<128x128xi32>
    %or3A_457 = arith.ori %shift_left3A_453, %shift_right_logical3A_456 : vector<128x128xi32>
    %xor3A_458 = arith.xori %or3A_457, %add3A_450 : vector<128x128xi32>
    %add3A_459 = arith.addi %add3A_450, %xor3A_458 : vector<128x128xi32>
    %shift_left3A_460 = arith.constant 15 : i32
    %shift_left3A_461 = vector.broadcast %shift_left3A_460 : i32 to vector<128x128xi32>
    %shift_left3A_462 = arith.shli %xor3A_458, %shift_left3A_461 : vector<128x128xi32>
    %shift_right_logical3A_463 = arith.constant 17 : i32
    %shift_right_logical3A_464 = vector.broadcast %shift_right_logical3A_463 : i32 to vector<128x128xi32>
    %shift_right_logical3A_465 = arith.shrui %xor3A_458, %shift_right_logical3A_464 : vector<128x128xi32>
    %or3A_466 = arith.ori %shift_left3A_462, %shift_right_logical3A_465 : vector<128x128xi32>
    %xor3A_467 = arith.xori %or3A_466, %add3A_459 : vector<128x128xi32>
    %add3A_468 = arith.addi %add3A_459, %xor3A_467 : vector<128x128xi32>
    %shift_left3A_469 = arith.constant 26 : i32
    %shift_left3A_470 = vector.broadcast %shift_left3A_469 : i32 to vector<128x128xi32>
    %shift_left3A_471 = arith.shli %xor3A_467, %shift_left3A_470 : vector<128x128xi32>
    %shift_right_logical3A_472 = arith.constant 6 : i32
    %shift_right_logical3A_473 = vector.broadcast %shift_right_logical3A_472 : i32 to vector<128x128xi32>
    %shift_right_logical3A_474 = arith.shrui %xor3A_467, %shift_right_logical3A_473 : vector<128x128xi32>
    %or3A_475 = arith.ori %shift_left3A_471, %shift_right_logical3A_474 : vector<128x128xi32>
    %xor3A_476 = arith.xori %or3A_475, %add3A_468 : vector<128x128xi32>
    %add3A_477 = arith.addi %add3A_468, %xor3A_476 : vector<128x128xi32>
    %shift_left3A_478 = arith.constant 6 : i32
    %shift_left3A_479 = vector.broadcast %shift_left3A_478 : i32 to vector<128x128xi32>
    %shift_left3A_480 = arith.shli %xor3A_476, %shift_left3A_479 : vector<128x128xi32>
    %shift_right_logical3A_481 = arith.constant 26 : i32
    %shift_right_logical3A_482 = vector.broadcast %shift_right_logical3A_481 : i32 to vector<128x128xi32>
    %shift_right_logical3A_483 = arith.shrui %xor3A_476, %shift_right_logical3A_482 : vector<128x128xi32>
    %or3A_484 = arith.ori %shift_left3A_480, %shift_right_logical3A_483 : vector<128x128xi32>
    %xor3A_485 = arith.xori %or3A_484, %add3A_477 : vector<128x128xi32>
    %add3A_486 = arith.addi %add3A_477, %add3A_210 : vector<128x128xi32>
    %add3A_487 = arith.addi %xor3A_485, %xor3A_447 : vector<128x128xi32>
    %add3A_488 = arith.constant 1 : i32
    %add3A_489 = vector.broadcast %add3A_488 : i32 to vector<128x128xi32>
    %add3A_490 = arith.addi %add3A_487, %add3A_489 : vector<128x128xi32>
    %add3A_491 = arith.addi %add3A_486, %add3A_490 : vector<128x128xi32>
    %shift_left3A_492 = arith.constant 17 : i32
    %shift_left3A_493 = vector.broadcast %shift_left3A_492 : i32 to vector<128x128xi32>
    %shift_left3A_494 = arith.shli %add3A_490, %shift_left3A_493 : vector<128x128xi32>
    %shift_right_logical3A_495 = arith.constant 15 : i32
    %shift_right_logical3A_496 = vector.broadcast %shift_right_logical3A_495 : i32 to vector<128x128xi32>
    %shift_right_logical3A_497 = arith.shrui %add3A_490, %shift_right_logical3A_496 : vector<128x128xi32>
    %or3A_498 = arith.ori %shift_left3A_494, %shift_right_logical3A_497 : vector<128x128xi32>
    %xor3A_499 = arith.xori %or3A_498, %add3A_491 : vector<128x128xi32>
    %add3A_500 = arith.addi %add3A_491, %xor3A_499 : vector<128x128xi32>
    %shift_left3A_501 = arith.constant 29 : i32
    %shift_left3A_502 = vector.broadcast %shift_left3A_501 : i32 to vector<128x128xi32>
    %shift_left3A_503 = arith.shli %xor3A_499, %shift_left3A_502 : vector<128x128xi32>
    %shift_right_logical3A_504 = arith.constant 3 : i32
    %shift_right_logical3A_505 = vector.broadcast %shift_right_logical3A_504 : i32 to vector<128x128xi32>
    %shift_right_logical3A_506 = arith.shrui %xor3A_499, %shift_right_logical3A_505 : vector<128x128xi32>
    %or3A_507 = arith.ori %shift_left3A_503, %shift_right_logical3A_506 : vector<128x128xi32>
    %xor3A_508 = arith.xori %or3A_507, %add3A_500 : vector<128x128xi32>
    %add3A_509 = arith.addi %add3A_500, %xor3A_508 : vector<128x128xi32>
    %shift_left3A_510 = arith.constant 16 : i32
    %shift_left3A_511 = vector.broadcast %shift_left3A_510 : i32 to vector<128x128xi32>
    %shift_left3A_512 = arith.shli %xor3A_508, %shift_left3A_511 : vector<128x128xi32>
    %shift_right_logical3A_513 = arith.constant 16 : i32
    %shift_right_logical3A_514 = vector.broadcast %shift_right_logical3A_513 : i32 to vector<128x128xi32>
    %shift_right_logical3A_515 = arith.shrui %xor3A_508, %shift_right_logical3A_514 : vector<128x128xi32>
    %or3A_516 = arith.ori %shift_left3A_512, %shift_right_logical3A_515 : vector<128x128xi32>
    %xor3A_517 = arith.xori %or3A_516, %add3A_509 : vector<128x128xi32>
    %add3A_518 = arith.addi %add3A_509, %xor3A_517 : vector<128x128xi32>
    %shift_left3A_519 = arith.constant 24 : i32
    %shift_left3A_520 = vector.broadcast %shift_left3A_519 : i32 to vector<128x128xi32>
    %shift_left3A_521 = arith.shli %xor3A_517, %shift_left3A_520 : vector<128x128xi32>
    %shift_right_logical3A_522 = arith.constant 8 : i32
    %shift_right_logical3A_523 = vector.broadcast %shift_right_logical3A_522 : i32 to vector<128x128xi32>
    %shift_right_logical3A_524 = arith.shrui %xor3A_517, %shift_right_logical3A_523 : vector<128x128xi32>
    %or3A_525 = arith.ori %shift_left3A_521, %shift_right_logical3A_524 : vector<128x128xi32>
    %xor3A_526 = arith.xori %or3A_525, %add3A_518 : vector<128x128xi32>
    %add3A_527 = arith.addi %add3A_518, %xor3A_447 : vector<128x128xi32>
    %add3A_528 = arith.addi %xor3A_526, %add3A_206 : vector<128x128xi32>
    %add3A_529 = arith.constant 2 : i32
    %add3A_530 = vector.broadcast %add3A_529 : i32 to vector<128x128xi32>
    %add3A_531 = arith.addi %add3A_528, %add3A_530 : vector<128x128xi32>
    %add3A_532 = arith.addi %add3A_527, %add3A_531 : vector<128x128xi32>
    %shift_left3A_533 = arith.constant 13 : i32
    %shift_left3A_534 = vector.broadcast %shift_left3A_533 : i32 to vector<128x128xi32>
    %shift_left3A_535 = arith.shli %add3A_531, %shift_left3A_534 : vector<128x128xi32>
    %shift_right_logical3A_536 = arith.constant 19 : i32
    %shift_right_logical3A_537 = vector.broadcast %shift_right_logical3A_536 : i32 to vector<128x128xi32>
    %shift_right_logical3A_538 = arith.shrui %add3A_531, %shift_right_logical3A_537 : vector<128x128xi32>
    %or3A_539 = arith.ori %shift_left3A_535, %shift_right_logical3A_538 : vector<128x128xi32>
    %xor3A_540 = arith.xori %or3A_539, %add3A_532 : vector<128x128xi32>
    %add3A_541 = arith.addi %add3A_532, %xor3A_540 : vector<128x128xi32>
    %shift_left3A_542 = arith.constant 15 : i32
    %shift_left3A_543 = vector.broadcast %shift_left3A_542 : i32 to vector<128x128xi32>
    %shift_left3A_544 = arith.shli %xor3A_540, %shift_left3A_543 : vector<128x128xi32>
    %shift_right_logical3A_545 = arith.constant 17 : i32
    %shift_right_logical3A_546 = vector.broadcast %shift_right_logical3A_545 : i32 to vector<128x128xi32>
    %shift_right_logical3A_547 = arith.shrui %xor3A_540, %shift_right_logical3A_546 : vector<128x128xi32>
    %or3A_548 = arith.ori %shift_left3A_544, %shift_right_logical3A_547 : vector<128x128xi32>
    %xor3A_549 = arith.xori %or3A_548, %add3A_541 : vector<128x128xi32>
    %add3A_550 = arith.addi %add3A_541, %xor3A_549 : vector<128x128xi32>
    %shift_left3A_551 = arith.constant 26 : i32
    %shift_left3A_552 = vector.broadcast %shift_left3A_551 : i32 to vector<128x128xi32>
    %shift_left3A_553 = arith.shli %xor3A_549, %shift_left3A_552 : vector<128x128xi32>
    %shift_right_logical3A_554 = arith.constant 6 : i32
    %shift_right_logical3A_555 = vector.broadcast %shift_right_logical3A_554 : i32 to vector<128x128xi32>
    %shift_right_logical3A_556 = arith.shrui %xor3A_549, %shift_right_logical3A_555 : vector<128x128xi32>
    %or3A_557 = arith.ori %shift_left3A_553, %shift_right_logical3A_556 : vector<128x128xi32>
    %xor3A_558 = arith.xori %or3A_557, %add3A_550 : vector<128x128xi32>
    %add3A_559 = arith.addi %add3A_550, %xor3A_558 : vector<128x128xi32>
    %shift_left3A_560 = arith.constant 6 : i32
    %shift_left3A_561 = vector.broadcast %shift_left3A_560 : i32 to vector<128x128xi32>
    %shift_left3A_562 = arith.shli %xor3A_558, %shift_left3A_561 : vector<128x128xi32>
    %shift_right_logical3A_563 = arith.constant 26 : i32
    %shift_right_logical3A_564 = vector.broadcast %shift_right_logical3A_563 : i32 to vector<128x128xi32>
    %shift_right_logical3A_565 = arith.shrui %xor3A_558, %shift_right_logical3A_564 : vector<128x128xi32>
    %or3A_566 = arith.ori %shift_left3A_562, %shift_right_logical3A_565 : vector<128x128xi32>
    %xor3A_567 = arith.xori %or3A_566, %add3A_559 : vector<128x128xi32>
    %add3A_568 = arith.addi %add3A_559, %add3A_206 : vector<128x128xi32>
    %add3A_569 = arith.addi %xor3A_567, %add3A_210 : vector<128x128xi32>
    %add3A_570 = arith.constant 3 : i32
    %add3A_571 = vector.broadcast %add3A_570 : i32 to vector<128x128xi32>
    %add3A_572 = arith.addi %add3A_569, %add3A_571 : vector<128x128xi32>
    %add3A_573 = arith.addi %add3A_568, %add3A_572 : vector<128x128xi32>
    %shift_left3A_574 = arith.constant 17 : i32
    %shift_left3A_575 = vector.broadcast %shift_left3A_574 : i32 to vector<128x128xi32>
    %shift_left3A_576 = arith.shli %add3A_572, %shift_left3A_575 : vector<128x128xi32>
    %shift_right_logical3A_577 = arith.constant 15 : i32
    %shift_right_logical3A_578 = vector.broadcast %shift_right_logical3A_577 : i32 to vector<128x128xi32>
    %shift_right_logical3A_579 = arith.shrui %add3A_572, %shift_right_logical3A_578 : vector<128x128xi32>
    %or3A_580 = arith.ori %shift_left3A_576, %shift_right_logical3A_579 : vector<128x128xi32>
    %xor3A_581 = arith.xori %or3A_580, %add3A_573 : vector<128x128xi32>
    %add3A_582 = arith.addi %add3A_573, %xor3A_581 : vector<128x128xi32>
    %shift_left3A_583 = arith.constant 29 : i32
    %shift_left3A_584 = vector.broadcast %shift_left3A_583 : i32 to vector<128x128xi32>
    %shift_left3A_585 = arith.shli %xor3A_581, %shift_left3A_584 : vector<128x128xi32>
    %shift_right_logical3A_586 = arith.constant 3 : i32
    %shift_right_logical3A_587 = vector.broadcast %shift_right_logical3A_586 : i32 to vector<128x128xi32>
    %shift_right_logical3A_588 = arith.shrui %xor3A_581, %shift_right_logical3A_587 : vector<128x128xi32>
    %or3A_589 = arith.ori %shift_left3A_585, %shift_right_logical3A_588 : vector<128x128xi32>
    %xor3A_590 = arith.xori %or3A_589, %add3A_582 : vector<128x128xi32>
    %add3A_591 = arith.addi %add3A_582, %xor3A_590 : vector<128x128xi32>
    %shift_left3A_592 = arith.constant 16 : i32
    %shift_left3A_593 = vector.broadcast %shift_left3A_592 : i32 to vector<128x128xi32>
    %shift_left3A_594 = arith.shli %xor3A_590, %shift_left3A_593 : vector<128x128xi32>
    %shift_right_logical3A_595 = arith.constant 16 : i32
    %shift_right_logical3A_596 = vector.broadcast %shift_right_logical3A_595 : i32 to vector<128x128xi32>
    %shift_right_logical3A_597 = arith.shrui %xor3A_590, %shift_right_logical3A_596 : vector<128x128xi32>
    %or3A_598 = arith.ori %shift_left3A_594, %shift_right_logical3A_597 : vector<128x128xi32>
    %xor3A_599 = arith.xori %or3A_598, %add3A_591 : vector<128x128xi32>
    %add3A_600 = arith.addi %add3A_591, %xor3A_599 : vector<128x128xi32>
    %shift_left3A_601 = arith.constant 24 : i32
    %shift_left3A_602 = vector.broadcast %shift_left3A_601 : i32 to vector<128x128xi32>
    %shift_left3A_603 = arith.shli %xor3A_599, %shift_left3A_602 : vector<128x128xi32>
    %shift_right_logical3A_604 = arith.constant 8 : i32
    %shift_right_logical3A_605 = vector.broadcast %shift_right_logical3A_604 : i32 to vector<128x128xi32>
    %shift_right_logical3A_606 = arith.shrui %xor3A_599, %shift_right_logical3A_605 : vector<128x128xi32>
    %or3A_607 = arith.ori %shift_left3A_603, %shift_right_logical3A_606 : vector<128x128xi32>
    %xor3A_608 = arith.xori %or3A_607, %add3A_600 : vector<128x128xi32>
    %add3A_609 = arith.addi %add3A_600, %add3A_210 : vector<128x128xi32>
    %add3A_610 = arith.addi %xor3A_608, %xor3A_447 : vector<128x128xi32>
    %add3A_611 = arith.constant 4 : i32
    %add3A_612 = vector.broadcast %add3A_611 : i32 to vector<128x128xi32>
    %add3A_613 = arith.addi %add3A_610, %add3A_612 : vector<128x128xi32>
    %add3A_614 = arith.addi %add3A_609, %add3A_613 : vector<128x128xi32>
    %shift_left3A_615 = arith.constant 13 : i32
    %shift_left3A_616 = vector.broadcast %shift_left3A_615 : i32 to vector<128x128xi32>
    %shift_left3A_617 = arith.shli %add3A_613, %shift_left3A_616 : vector<128x128xi32>
    %shift_right_logical3A_618 = arith.constant 19 : i32
    %shift_right_logical3A_619 = vector.broadcast %shift_right_logical3A_618 : i32 to vector<128x128xi32>
    %shift_right_logical3A_620 = arith.shrui %add3A_613, %shift_right_logical3A_619 : vector<128x128xi32>
    %or3A_621 = arith.ori %shift_left3A_617, %shift_right_logical3A_620 : vector<128x128xi32>
    %xor3A_622 = arith.xori %or3A_621, %add3A_614 : vector<128x128xi32>
    %add3A_623 = arith.addi %add3A_614, %xor3A_622 : vector<128x128xi32>
    %shift_left3A_624 = arith.constant 15 : i32
    %shift_left3A_625 = vector.broadcast %shift_left3A_624 : i32 to vector<128x128xi32>
    %shift_left3A_626 = arith.shli %xor3A_622, %shift_left3A_625 : vector<128x128xi32>
    %shift_right_logical3A_627 = arith.constant 17 : i32
    %shift_right_logical3A_628 = vector.broadcast %shift_right_logical3A_627 : i32 to vector<128x128xi32>
    %shift_right_logical3A_629 = arith.shrui %xor3A_622, %shift_right_logical3A_628 : vector<128x128xi32>
    %or3A_630 = arith.ori %shift_left3A_626, %shift_right_logical3A_629 : vector<128x128xi32>
    %xor3A_631 = arith.xori %or3A_630, %add3A_623 : vector<128x128xi32>
    %add3A_632 = arith.addi %add3A_623, %xor3A_631 : vector<128x128xi32>
    %shift_left3A_633 = arith.constant 26 : i32
    %shift_left3A_634 = vector.broadcast %shift_left3A_633 : i32 to vector<128x128xi32>
    %shift_left3A_635 = arith.shli %xor3A_631, %shift_left3A_634 : vector<128x128xi32>
    %shift_right_logical3A_636 = arith.constant 6 : i32
    %shift_right_logical3A_637 = vector.broadcast %shift_right_logical3A_636 : i32 to vector<128x128xi32>
    %shift_right_logical3A_638 = arith.shrui %xor3A_631, %shift_right_logical3A_637 : vector<128x128xi32>
    %or3A_639 = arith.ori %shift_left3A_635, %shift_right_logical3A_638 : vector<128x128xi32>
    %xor3A_640 = arith.xori %or3A_639, %add3A_632 : vector<128x128xi32>
    %add3A_641 = arith.addi %add3A_632, %xor3A_640 : vector<128x128xi32>
    %shift_left3A_642 = arith.constant 6 : i32
    %shift_left3A_643 = vector.broadcast %shift_left3A_642 : i32 to vector<128x128xi32>
    %shift_left3A_644 = arith.shli %xor3A_640, %shift_left3A_643 : vector<128x128xi32>
    %shift_right_logical3A_645 = arith.constant 26 : i32
    %shift_right_logical3A_646 = vector.broadcast %shift_right_logical3A_645 : i32 to vector<128x128xi32>
    %shift_right_logical3A_647 = arith.shrui %xor3A_640, %shift_right_logical3A_646 : vector<128x128xi32>
    %or3A_648 = arith.ori %shift_left3A_644, %shift_right_logical3A_647 : vector<128x128xi32>
    %xor3A_649 = arith.xori %or3A_648, %add3A_641 : vector<128x128xi32>
    %add3A_650 = arith.addi %add3A_641, %xor3A_447 : vector<128x128xi32>
    %add3A_651 = arith.addi %xor3A_649, %add3A_206 : vector<128x128xi32>
    %add3A_652 = arith.constant 5 : i32
    %add3A_653 = vector.broadcast %add3A_652 : i32 to vector<128x128xi32>
    %add3A_654 = arith.addi %add3A_651, %add3A_653 : vector<128x128xi32>
    %xor3A_655 = arith.xori %add3A_650, %add3A_654 : vector<128x128xi32>
    %shift_right_logical3A_656 = arith.constant 9 : i32
    %shift_right_logical3A_657 = vector.broadcast %shift_right_logical3A_656 : i32 to vector<128x128xi32>
    %shift_right_logical3A_658 = arith.shrui %xor3A_655, %shift_right_logical3A_657 : vector<128x128xi32>
    %or3A_659 = arith.constant 1065353216 : i32
    %or3A_660 = vector.broadcast %or3A_659 : i32 to vector<128x128xi32>
    %or3A_661 = arith.ori %shift_right_logical3A_658, %or3A_660 : vector<128x128xi32>
    %bitcast_convert_type3A_662 = tpu.bitcast %or3A_661 : vector<128x128xi32> -> vector<128x128xf32>
    %sub3A_663 = arith.constant 1.000000e+00 : f32
    %sub3A_664 = vector.broadcast %sub3A_663 : f32 to vector<128x128xf32>
    %sub3A_665 = arith.subf %bitcast_convert_type3A_662, %sub3A_664 : vector<128x128xf32>
    %lt3A_666 = arith.constant 1.000000e-01 : f32
    %lt3A_667 = vector.broadcast %lt3A_666 : f32 to vector<128x128xf32>
    %lt3A_668 = arith.cmpf olt, %sub3A_665, %lt3A_667 : vector<128x128xf32>
    %convert_element_type3A_669 = arith.extui %lt3A_668 : vector<128x128xi1> to vector<128x128xi32>
    %shift_left3A_670 = arith.constant 4 : i32
    %shift_left3A_671 = vector.broadcast %shift_left3A_670 : i32 to vector<128x128xi32>
    %shift_left3A_672 = arith.shli %convert_element_type3A_669, %shift_left3A_671 : vector<128x128xi32>
    %or3A_673 = arith.ori %or3A_441, %shift_left3A_672 : vector<128x128xi32>
    %broadcast_in_dim3A_674 = arith.constant 2 : i32
    %broadcast_in_dim3A_675 = vector.broadcast %broadcast_in_dim3A_674 : i32 to vector<128x128xi32>
    %xor3A_676 = arith.xori %add3A_206, %add3A_210 : vector<128x128xi32>
    %xor3A_677 = arith.constant 466688986 : i32
    %xor3A_678 = vector.broadcast %xor3A_677 : i32 to vector<128x128xi32>
    %xor3A_679 = arith.xori %xor3A_676, %xor3A_678 : vector<128x128xi32>
    %add3A_680 = arith.addi %broadcast_in_dim3A_2, %add3A_206 : vector<128x128xi32>
    %add3A_681 = arith.addi %broadcast_in_dim3A_675, %add3A_210 : vector<128x128xi32>
    %add3A_682 = arith.addi %add3A_680, %add3A_681 : vector<128x128xi32>
    %shift_left3A_683 = arith.constant 13 : i32
    %shift_left3A_684 = vector.broadcast %shift_left3A_683 : i32 to vector<128x128xi32>
    %shift_left3A_685 = arith.shli %add3A_681, %shift_left3A_684 : vector<128x128xi32>
    %shift_right_logical3A_686 = arith.constant 19 : i32
    %shift_right_logical3A_687 = vector.broadcast %shift_right_logical3A_686 : i32 to vector<128x128xi32>
    %shift_right_logical3A_688 = arith.shrui %add3A_681, %shift_right_logical3A_687 : vector<128x128xi32>
    %or3A_689 = arith.ori %shift_left3A_685, %shift_right_logical3A_688 : vector<128x128xi32>
    %xor3A_690 = arith.xori %or3A_689, %add3A_682 : vector<128x128xi32>
    %add3A_691 = arith.addi %add3A_682, %xor3A_690 : vector<128x128xi32>
    %shift_left3A_692 = arith.constant 15 : i32
    %shift_left3A_693 = vector.broadcast %shift_left3A_692 : i32 to vector<128x128xi32>
    %shift_left3A_694 = arith.shli %xor3A_690, %shift_left3A_693 : vector<128x128xi32>
    %shift_right_logical3A_695 = arith.constant 17 : i32
    %shift_right_logical3A_696 = vector.broadcast %shift_right_logical3A_695 : i32 to vector<128x128xi32>
    %shift_right_logical3A_697 = arith.shrui %xor3A_690, %shift_right_logical3A_696 : vector<128x128xi32>
    %or3A_698 = arith.ori %shift_left3A_694, %shift_right_logical3A_697 : vector<128x128xi32>
    %xor3A_699 = arith.xori %or3A_698, %add3A_691 : vector<128x128xi32>
    %add3A_700 = arith.addi %add3A_691, %xor3A_699 : vector<128x128xi32>
    %shift_left3A_701 = arith.constant 26 : i32
    %shift_left3A_702 = vector.broadcast %shift_left3A_701 : i32 to vector<128x128xi32>
    %shift_left3A_703 = arith.shli %xor3A_699, %shift_left3A_702 : vector<128x128xi32>
    %shift_right_logical3A_704 = arith.constant 6 : i32
    %shift_right_logical3A_705 = vector.broadcast %shift_right_logical3A_704 : i32 to vector<128x128xi32>
    %shift_right_logical3A_706 = arith.shrui %xor3A_699, %shift_right_logical3A_705 : vector<128x128xi32>
    %or3A_707 = arith.ori %shift_left3A_703, %shift_right_logical3A_706 : vector<128x128xi32>
    %xor3A_708 = arith.xori %or3A_707, %add3A_700 : vector<128x128xi32>
    %add3A_709 = arith.addi %add3A_700, %xor3A_708 : vector<128x128xi32>
    %shift_left3A_710 = arith.constant 6 : i32
    %shift_left3A_711 = vector.broadcast %shift_left3A_710 : i32 to vector<128x128xi32>
    %shift_left3A_712 = arith.shli %xor3A_708, %shift_left3A_711 : vector<128x128xi32>
    %shift_right_logical3A_713 = arith.constant 26 : i32
    %shift_right_logical3A_714 = vector.broadcast %shift_right_logical3A_713 : i32 to vector<128x128xi32>
    %shift_right_logical3A_715 = arith.shrui %xor3A_708, %shift_right_logical3A_714 : vector<128x128xi32>
    %or3A_716 = arith.ori %shift_left3A_712, %shift_right_logical3A_715 : vector<128x128xi32>
    %xor3A_717 = arith.xori %or3A_716, %add3A_709 : vector<128x128xi32>
    %add3A_718 = arith.addi %add3A_709, %add3A_210 : vector<128x128xi32>
    %add3A_719 = arith.addi %xor3A_717, %xor3A_679 : vector<128x128xi32>
    %add3A_720 = arith.constant 1 : i32
    %add3A_721 = vector.broadcast %add3A_720 : i32 to vector<128x128xi32>
    %add3A_722 = arith.addi %add3A_719, %add3A_721 : vector<128x128xi32>
    %add3A_723 = arith.addi %add3A_718, %add3A_722 : vector<128x128xi32>
    %shift_left3A_724 = arith.constant 17 : i32
    %shift_left3A_725 = vector.broadcast %shift_left3A_724 : i32 to vector<128x128xi32>
    %shift_left3A_726 = arith.shli %add3A_722, %shift_left3A_725 : vector<128x128xi32>
    %shift_right_logical3A_727 = arith.constant 15 : i32
    %shift_right_logical3A_728 = vector.broadcast %shift_right_logical3A_727 : i32 to vector<128x128xi32>
    %shift_right_logical3A_729 = arith.shrui %add3A_722, %shift_right_logical3A_728 : vector<128x128xi32>
    %or3A_730 = arith.ori %shift_left3A_726, %shift_right_logical3A_729 : vector<128x128xi32>
    %xor3A_731 = arith.xori %or3A_730, %add3A_723 : vector<128x128xi32>
    %add3A_732 = arith.addi %add3A_723, %xor3A_731 : vector<128x128xi32>
    %shift_left3A_733 = arith.constant 29 : i32
    %shift_left3A_734 = vector.broadcast %shift_left3A_733 : i32 to vector<128x128xi32>
    %shift_left3A_735 = arith.shli %xor3A_731, %shift_left3A_734 : vector<128x128xi32>
    %shift_right_logical3A_736 = arith.constant 3 : i32
    %shift_right_logical3A_737 = vector.broadcast %shift_right_logical3A_736 : i32 to vector<128x128xi32>
    %shift_right_logical3A_738 = arith.shrui %xor3A_731, %shift_right_logical3A_737 : vector<128x128xi32>
    %or3A_739 = arith.ori %shift_left3A_735, %shift_right_logical3A_738 : vector<128x128xi32>
    %xor3A_740 = arith.xori %or3A_739, %add3A_732 : vector<128x128xi32>
    %add3A_741 = arith.addi %add3A_732, %xor3A_740 : vector<128x128xi32>
    %shift_left3A_742 = arith.constant 16 : i32
    %shift_left3A_743 = vector.broadcast %shift_left3A_742 : i32 to vector<128x128xi32>
    %shift_left3A_744 = arith.shli %xor3A_740, %shift_left3A_743 : vector<128x128xi32>
    %shift_right_logical3A_745 = arith.constant 16 : i32
    %shift_right_logical3A_746 = vector.broadcast %shift_right_logical3A_745 : i32 to vector<128x128xi32>
    %shift_right_logical3A_747 = arith.shrui %xor3A_740, %shift_right_logical3A_746 : vector<128x128xi32>
    %or3A_748 = arith.ori %shift_left3A_744, %shift_right_logical3A_747 : vector<128x128xi32>
    %xor3A_749 = arith.xori %or3A_748, %add3A_741 : vector<128x128xi32>
    %add3A_750 = arith.addi %add3A_741, %xor3A_749 : vector<128x128xi32>
    %shift_left3A_751 = arith.constant 24 : i32
    %shift_left3A_752 = vector.broadcast %shift_left3A_751 : i32 to vector<128x128xi32>
    %shift_left3A_753 = arith.shli %xor3A_749, %shift_left3A_752 : vector<128x128xi32>
    %shift_right_logical3A_754 = arith.constant 8 : i32
    %shift_right_logical3A_755 = vector.broadcast %shift_right_logical3A_754 : i32 to vector<128x128xi32>
    %shift_right_logical3A_756 = arith.shrui %xor3A_749, %shift_right_logical3A_755 : vector<128x128xi32>
    %or3A_757 = arith.ori %shift_left3A_753, %shift_right_logical3A_756 : vector<128x128xi32>
    %xor3A_758 = arith.xori %or3A_757, %add3A_750 : vector<128x128xi32>
    %add3A_759 = arith.addi %add3A_750, %xor3A_679 : vector<128x128xi32>
    %add3A_760 = arith.addi %xor3A_758, %add3A_206 : vector<128x128xi32>
    %add3A_761 = arith.constant 2 : i32
    %add3A_762 = vector.broadcast %add3A_761 : i32 to vector<128x128xi32>
    %add3A_763 = arith.addi %add3A_760, %add3A_762 : vector<128x128xi32>
    %add3A_764 = arith.addi %add3A_759, %add3A_763 : vector<128x128xi32>
    %shift_left3A_765 = arith.constant 13 : i32
    %shift_left3A_766 = vector.broadcast %shift_left3A_765 : i32 to vector<128x128xi32>
    %shift_left3A_767 = arith.shli %add3A_763, %shift_left3A_766 : vector<128x128xi32>
    %shift_right_logical3A_768 = arith.constant 19 : i32
    %shift_right_logical3A_769 = vector.broadcast %shift_right_logical3A_768 : i32 to vector<128x128xi32>
    %shift_right_logical3A_770 = arith.shrui %add3A_763, %shift_right_logical3A_769 : vector<128x128xi32>
    %or3A_771 = arith.ori %shift_left3A_767, %shift_right_logical3A_770 : vector<128x128xi32>
    %xor3A_772 = arith.xori %or3A_771, %add3A_764 : vector<128x128xi32>
    %add3A_773 = arith.addi %add3A_764, %xor3A_772 : vector<128x128xi32>
    %shift_left3A_774 = arith.constant 15 : i32
    %shift_left3A_775 = vector.broadcast %shift_left3A_774 : i32 to vector<128x128xi32>
    %shift_left3A_776 = arith.shli %xor3A_772, %shift_left3A_775 : vector<128x128xi32>
    %shift_right_logical3A_777 = arith.constant 17 : i32
    %shift_right_logical3A_778 = vector.broadcast %shift_right_logical3A_777 : i32 to vector<128x128xi32>
    %shift_right_logical3A_779 = arith.shrui %xor3A_772, %shift_right_logical3A_778 : vector<128x128xi32>
    %or3A_780 = arith.ori %shift_left3A_776, %shift_right_logical3A_779 : vector<128x128xi32>
    %xor3A_781 = arith.xori %or3A_780, %add3A_773 : vector<128x128xi32>
    %add3A_782 = arith.addi %add3A_773, %xor3A_781 : vector<128x128xi32>
    %shift_left3A_783 = arith.constant 26 : i32
    %shift_left3A_784 = vector.broadcast %shift_left3A_783 : i32 to vector<128x128xi32>
    %shift_left3A_785 = arith.shli %xor3A_781, %shift_left3A_784 : vector<128x128xi32>
    %shift_right_logical3A_786 = arith.constant 6 : i32
    %shift_right_logical3A_787 = vector.broadcast %shift_right_logical3A_786 : i32 to vector<128x128xi32>
    %shift_right_logical3A_788 = arith.shrui %xor3A_781, %shift_right_logical3A_787 : vector<128x128xi32>
    %or3A_789 = arith.ori %shift_left3A_785, %shift_right_logical3A_788 : vector<128x128xi32>
    %xor3A_790 = arith.xori %or3A_789, %add3A_782 : vector<128x128xi32>
    %add3A_791 = arith.addi %add3A_782, %xor3A_790 : vector<128x128xi32>
    %shift_left3A_792 = arith.constant 6 : i32
    %shift_left3A_793 = vector.broadcast %shift_left3A_792 : i32 to vector<128x128xi32>
    %shift_left3A_794 = arith.shli %xor3A_790, %shift_left3A_793 : vector<128x128xi32>
    %shift_right_logical3A_795 = arith.constant 26 : i32
    %shift_right_logical3A_796 = vector.broadcast %shift_right_logical3A_795 : i32 to vector<128x128xi32>
    %shift_right_logical3A_797 = arith.shrui %xor3A_790, %shift_right_logical3A_796 : vector<128x128xi32>
    %or3A_798 = arith.ori %shift_left3A_794, %shift_right_logical3A_797 : vector<128x128xi32>
    %xor3A_799 = arith.xori %or3A_798, %add3A_791 : vector<128x128xi32>
    %add3A_800 = arith.addi %add3A_791, %add3A_206 : vector<128x128xi32>
    %add3A_801 = arith.addi %xor3A_799, %add3A_210 : vector<128x128xi32>
    %add3A_802 = arith.constant 3 : i32
    %add3A_803 = vector.broadcast %add3A_802 : i32 to vector<128x128xi32>
    %add3A_804 = arith.addi %add3A_801, %add3A_803 : vector<128x128xi32>
    %add3A_805 = arith.addi %add3A_800, %add3A_804 : vector<128x128xi32>
    %shift_left3A_806 = arith.constant 17 : i32
    %shift_left3A_807 = vector.broadcast %shift_left3A_806 : i32 to vector<128x128xi32>
    %shift_left3A_808 = arith.shli %add3A_804, %shift_left3A_807 : vector<128x128xi32>
    %shift_right_logical3A_809 = arith.constant 15 : i32
    %shift_right_logical3A_810 = vector.broadcast %shift_right_logical3A_809 : i32 to vector<128x128xi32>
    %shift_right_logical3A_811 = arith.shrui %add3A_804, %shift_right_logical3A_810 : vector<128x128xi32>
    %or3A_812 = arith.ori %shift_left3A_808, %shift_right_logical3A_811 : vector<128x128xi32>
    %xor3A_813 = arith.xori %or3A_812, %add3A_805 : vector<128x128xi32>
    %add3A_814 = arith.addi %add3A_805, %xor3A_813 : vector<128x128xi32>
    %shift_left3A_815 = arith.constant 29 : i32
    %shift_left3A_816 = vector.broadcast %shift_left3A_815 : i32 to vector<128x128xi32>
    %shift_left3A_817 = arith.shli %xor3A_813, %shift_left3A_816 : vector<128x128xi32>
    %shift_right_logical3A_818 = arith.constant 3 : i32
    %shift_right_logical3A_819 = vector.broadcast %shift_right_logical3A_818 : i32 to vector<128x128xi32>
    %shift_right_logical3A_820 = arith.shrui %xor3A_813, %shift_right_logical3A_819 : vector<128x128xi32>
    %or3A_821 = arith.ori %shift_left3A_817, %shift_right_logical3A_820 : vector<128x128xi32>
    %xor3A_822 = arith.xori %or3A_821, %add3A_814 : vector<128x128xi32>
    %add3A_823 = arith.addi %add3A_814, %xor3A_822 : vector<128x128xi32>
    %shift_left3A_824 = arith.constant 16 : i32
    %shift_left3A_825 = vector.broadcast %shift_left3A_824 : i32 to vector<128x128xi32>
    %shift_left3A_826 = arith.shli %xor3A_822, %shift_left3A_825 : vector<128x128xi32>
    %shift_right_logical3A_827 = arith.constant 16 : i32
    %shift_right_logical3A_828 = vector.broadcast %shift_right_logical3A_827 : i32 to vector<128x128xi32>
    %shift_right_logical3A_829 = arith.shrui %xor3A_822, %shift_right_logical3A_828 : vector<128x128xi32>
    %or3A_830 = arith.ori %shift_left3A_826, %shift_right_logical3A_829 : vector<128x128xi32>
    %xor3A_831 = arith.xori %or3A_830, %add3A_823 : vector<128x128xi32>
    %add3A_832 = arith.addi %add3A_823, %xor3A_831 : vector<128x128xi32>
    %shift_left3A_833 = arith.constant 24 : i32
    %shift_left3A_834 = vector.broadcast %shift_left3A_833 : i32 to vector<128x128xi32>
    %shift_left3A_835 = arith.shli %xor3A_831, %shift_left3A_834 : vector<128x128xi32>
    %shift_right_logical3A_836 = arith.constant 8 : i32
    %shift_right_logical3A_837 = vector.broadcast %shift_right_logical3A_836 : i32 to vector<128x128xi32>
    %shift_right_logical3A_838 = arith.shrui %xor3A_831, %shift_right_logical3A_837 : vector<128x128xi32>
    %or3A_839 = arith.ori %shift_left3A_835, %shift_right_logical3A_838 : vector<128x128xi32>
    %xor3A_840 = arith.xori %or3A_839, %add3A_832 : vector<128x128xi32>
    %add3A_841 = arith.addi %add3A_832, %add3A_210 : vector<128x128xi32>
    %add3A_842 = arith.addi %xor3A_840, %xor3A_679 : vector<128x128xi32>
    %add3A_843 = arith.constant 4 : i32
    %add3A_844 = vector.broadcast %add3A_843 : i32 to vector<128x128xi32>
    %add3A_845 = arith.addi %add3A_842, %add3A_844 : vector<128x128xi32>
    %add3A_846 = arith.addi %add3A_841, %add3A_845 : vector<128x128xi32>
    %shift_left3A_847 = arith.constant 13 : i32
    %shift_left3A_848 = vector.broadcast %shift_left3A_847 : i32 to vector<128x128xi32>
    %shift_left3A_849 = arith.shli %add3A_845, %shift_left3A_848 : vector<128x128xi32>
    %shift_right_logical3A_850 = arith.constant 19 : i32
    %shift_right_logical3A_851 = vector.broadcast %shift_right_logical3A_850 : i32 to vector<128x128xi32>
    %shift_right_logical3A_852 = arith.shrui %add3A_845, %shift_right_logical3A_851 : vector<128x128xi32>
    %or3A_853 = arith.ori %shift_left3A_849, %shift_right_logical3A_852 : vector<128x128xi32>
    %xor3A_854 = arith.xori %or3A_853, %add3A_846 : vector<128x128xi32>
    %add3A_855 = arith.addi %add3A_846, %xor3A_854 : vector<128x128xi32>
    %shift_left3A_856 = arith.constant 15 : i32
    %shift_left3A_857 = vector.broadcast %shift_left3A_856 : i32 to vector<128x128xi32>
    %shift_left3A_858 = arith.shli %xor3A_854, %shift_left3A_857 : vector<128x128xi32>
    %shift_right_logical3A_859 = arith.constant 17 : i32
    %shift_right_logical3A_860 = vector.broadcast %shift_right_logical3A_859 : i32 to vector<128x128xi32>
    %shift_right_logical3A_861 = arith.shrui %xor3A_854, %shift_right_logical3A_860 : vector<128x128xi32>
    %or3A_862 = arith.ori %shift_left3A_858, %shift_right_logical3A_861 : vector<128x128xi32>
    %xor3A_863 = arith.xori %or3A_862, %add3A_855 : vector<128x128xi32>
    %add3A_864 = arith.addi %add3A_855, %xor3A_863 : vector<128x128xi32>
    %shift_left3A_865 = arith.constant 26 : i32
    %shift_left3A_866 = vector.broadcast %shift_left3A_865 : i32 to vector<128x128xi32>
    %shift_left3A_867 = arith.shli %xor3A_863, %shift_left3A_866 : vector<128x128xi32>
    %shift_right_logical3A_868 = arith.constant 6 : i32
    %shift_right_logical3A_869 = vector.broadcast %shift_right_logical3A_868 : i32 to vector<128x128xi32>
    %shift_right_logical3A_870 = arith.shrui %xor3A_863, %shift_right_logical3A_869 : vector<128x128xi32>
    %or3A_871 = arith.ori %shift_left3A_867, %shift_right_logical3A_870 : vector<128x128xi32>
    %xor3A_872 = arith.xori %or3A_871, %add3A_864 : vector<128x128xi32>
    %add3A_873 = arith.addi %add3A_864, %xor3A_872 : vector<128x128xi32>
    %shift_left3A_874 = arith.constant 6 : i32
    %shift_left3A_875 = vector.broadcast %shift_left3A_874 : i32 to vector<128x128xi32>
    %shift_left3A_876 = arith.shli %xor3A_872, %shift_left3A_875 : vector<128x128xi32>
    %shift_right_logical3A_877 = arith.constant 26 : i32
    %shift_right_logical3A_878 = vector.broadcast %shift_right_logical3A_877 : i32 to vector<128x128xi32>
    %shift_right_logical3A_879 = arith.shrui %xor3A_872, %shift_right_logical3A_878 : vector<128x128xi32>
    %or3A_880 = arith.ori %shift_left3A_876, %shift_right_logical3A_879 : vector<128x128xi32>
    %xor3A_881 = arith.xori %or3A_880, %add3A_873 : vector<128x128xi32>
    %add3A_882 = arith.addi %add3A_873, %xor3A_679 : vector<128x128xi32>
    %add3A_883 = arith.addi %xor3A_881, %add3A_206 : vector<128x128xi32>
    %add3A_884 = arith.constant 5 : i32
    %add3A_885 = vector.broadcast %add3A_884 : i32 to vector<128x128xi32>
    %add3A_886 = arith.addi %add3A_883, %add3A_885 : vector<128x128xi32>
    %xor3A_887 = arith.xori %add3A_882, %add3A_886 : vector<128x128xi32>
    %shift_right_logical3A_888 = arith.constant 9 : i32
    %shift_right_logical3A_889 = vector.broadcast %shift_right_logical3A_888 : i32 to vector<128x128xi32>
    %shift_right_logical3A_890 = arith.shrui %xor3A_887, %shift_right_logical3A_889 : vector<128x128xi32>
    %or3A_891 = arith.constant 1065353216 : i32
    %or3A_892 = vector.broadcast %or3A_891 : i32 to vector<128x128xi32>
    %or3A_893 = arith.ori %shift_right_logical3A_890, %or3A_892 : vector<128x128xi32>
    %bitcast_convert_type3A_894 = tpu.bitcast %or3A_893 : vector<128x128xi32> -> vector<128x128xf32>
    %sub3A_895 = arith.constant 1.000000e+00 : f32
    %sub3A_896 = vector.broadcast %sub3A_895 : f32 to vector<128x128xf32>
    %sub3A_897 = arith.subf %bitcast_convert_type3A_894, %sub3A_896 : vector<128x128xf32>
    %lt3A_898 = arith.constant 1.000000e-01 : f32
    %lt3A_899 = vector.broadcast %lt3A_898 : f32 to vector<128x128xf32>
    %lt3A_900 = arith.cmpf olt, %sub3A_897, %lt3A_899 : vector<128x128xf32>
    %convert_element_type3A_901 = arith.extui %lt3A_900 : vector<128x128xi1> to vector<128x128xi32>
    %shift_left3A_902 = arith.constant 5 : i32
    %shift_left3A_903 = vector.broadcast %shift_left3A_902 : i32 to vector<128x128xi32>
    %shift_left3A_904 = arith.shli %convert_element_type3A_901, %shift_left3A_903 : vector<128x128xi32>
    %or3A_905 = arith.ori %or3A_673, %shift_left3A_904 : vector<128x128xi32>
    %broadcast_in_dim3A_906 = arith.constant 3 : i32
    %broadcast_in_dim3A_907 = vector.broadcast %broadcast_in_dim3A_906 : i32 to vector<128x128xi32>
    %xor3A_908 = arith.xori %add3A_206, %add3A_210 : vector<128x128xi32>
    %xor3A_909 = arith.constant 466688986 : i32
    %xor3A_910 = vector.broadcast %xor3A_909 : i32 to vector<128x128xi32>
    %xor3A_911 = arith.xori %xor3A_908, %xor3A_910 : vector<128x128xi32>
    %add3A_912 = arith.addi %broadcast_in_dim3A_2, %add3A_206 : vector<128x128xi32>
    %add3A_913 = arith.addi %broadcast_in_dim3A_907, %add3A_210 : vector<128x128xi32>
    %add3A_914 = arith.addi %add3A_912, %add3A_913 : vector<128x128xi32>
    %shift_left3A_915 = arith.constant 13 : i32
    %shift_left3A_916 = vector.broadcast %shift_left3A_915 : i32 to vector<128x128xi32>
    %shift_left3A_917 = arith.shli %add3A_913, %shift_left3A_916 : vector<128x128xi32>
    %shift_right_logical3A_918 = arith.constant 19 : i32
    %shift_right_logical3A_919 = vector.broadcast %shift_right_logical3A_918 : i32 to vector<128x128xi32>
    %shift_right_logical3A_920 = arith.shrui %add3A_913, %shift_right_logical3A_919 : vector<128x128xi32>
    %or3A_921 = arith.ori %shift_left3A_917, %shift_right_logical3A_920 : vector<128x128xi32>
    %xor3A_922 = arith.xori %or3A_921, %add3A_914 : vector<128x128xi32>
    %add3A_923 = arith.addi %add3A_914, %xor3A_922 : vector<128x128xi32>
    %shift_left3A_924 = arith.constant 15 : i32
    %shift_left3A_925 = vector.broadcast %shift_left3A_924 : i32 to vector<128x128xi32>
    %shift_left3A_926 = arith.shli %xor3A_922, %shift_left3A_925 : vector<128x128xi32>
    %shift_right_logical3A_927 = arith.constant 17 : i32
    %shift_right_logical3A_928 = vector.broadcast %shift_right_logical3A_927 : i32 to vector<128x128xi32>
    %shift_right_logical3A_929 = arith.shrui %xor3A_922, %shift_right_logical3A_928 : vector<128x128xi32>
    %or3A_930 = arith.ori %shift_left3A_926, %shift_right_logical3A_929 : vector<128x128xi32>
    %xor3A_931 = arith.xori %or3A_930, %add3A_923 : vector<128x128xi32>
    %add3A_932 = arith.addi %add3A_923, %xor3A_931 : vector<128x128xi32>
    %shift_left3A_933 = arith.constant 26 : i32
    %shift_left3A_934 = vector.broadcast %shift_left3A_933 : i32 to vector<128x128xi32>
    %shift_left3A_935 = arith.shli %xor3A_931, %shift_left3A_934 : vector<128x128xi32>
    %shift_right_logical3A_936 = arith.constant 6 : i32
    %shift_right_logical3A_937 = vector.broadcast %shift_right_logical3A_936 : i32 to vector<128x128xi32>
    %shift_right_logical3A_938 = arith.shrui %xor3A_931, %shift_right_logical3A_937 : vector<128x128xi32>
    %or3A_939 = arith.ori %shift_left3A_935, %shift_right_logical3A_938 : vector<128x128xi32>
    %xor3A_940 = arith.xori %or3A_939, %add3A_932 : vector<128x128xi32>
    %add3A_941 = arith.addi %add3A_932, %xor3A_940 : vector<128x128xi32>
    %shift_left3A_942 = arith.constant 6 : i32
    %shift_left3A_943 = vector.broadcast %shift_left3A_942 : i32 to vector<128x128xi32>
    %shift_left3A_944 = arith.shli %xor3A_940, %shift_left3A_943 : vector<128x128xi32>
    %shift_right_logical3A_945 = arith.constant 26 : i32
    %shift_right_logical3A_946 = vector.broadcast %shift_right_logical3A_945 : i32 to vector<128x128xi32>
    %shift_right_logical3A_947 = arith.shrui %xor3A_940, %shift_right_logical3A_946 : vector<128x128xi32>
    %or3A_948 = arith.ori %shift_left3A_944, %shift_right_logical3A_947 : vector<128x128xi32>
    %xor3A_949 = arith.xori %or3A_948, %add3A_941 : vector<128x128xi32>
    %add3A_950 = arith.addi %add3A_941, %add3A_210 : vector<128x128xi32>
    %add3A_951 = arith.addi %xor3A_949, %xor3A_911 : vector<128x128xi32>
    %add3A_952 = arith.constant 1 : i32
    %add3A_953 = vector.broadcast %add3A_952 : i32 to vector<128x128xi32>
    %add3A_954 = arith.addi %add3A_951, %add3A_953 : vector<128x128xi32>
    %add3A_955 = arith.addi %add3A_950, %add3A_954 : vector<128x128xi32>
    %shift_left3A_956 = arith.constant 17 : i32
    %shift_left3A_957 = vector.broadcast %shift_left3A_956 : i32 to vector<128x128xi32>
    %shift_left3A_958 = arith.shli %add3A_954, %shift_left3A_957 : vector<128x128xi32>
    %shift_right_logical3A_959 = arith.constant 15 : i32
    %shift_right_logical3A_960 = vector.broadcast %shift_right_logical3A_959 : i32 to vector<128x128xi32>
    %shift_right_logical3A_961 = arith.shrui %add3A_954, %shift_right_logical3A_960 : vector<128x128xi32>
    %or3A_962 = arith.ori %shift_left3A_958, %shift_right_logical3A_961 : vector<128x128xi32>
    %xor3A_963 = arith.xori %or3A_962, %add3A_955 : vector<128x128xi32>
    %add3A_964 = arith.addi %add3A_955, %xor3A_963 : vector<128x128xi32>
    %shift_left3A_965 = arith.constant 29 : i32
    %shift_left3A_966 = vector.broadcast %shift_left3A_965 : i32 to vector<128x128xi32>
    %shift_left3A_967 = arith.shli %xor3A_963, %shift_left3A_966 : vector<128x128xi32>
    %shift_right_logical3A_968 = arith.constant 3 : i32
    %shift_right_logical3A_969 = vector.broadcast %shift_right_logical3A_968 : i32 to vector<128x128xi32>
    %shift_right_logical3A_970 = arith.shrui %xor3A_963, %shift_right_logical3A_969 : vector<128x128xi32>
    %or3A_971 = arith.ori %shift_left3A_967, %shift_right_logical3A_970 : vector<128x128xi32>
    %xor3A_972 = arith.xori %or3A_971, %add3A_964 : vector<128x128xi32>
    %add3A_973 = arith.addi %add3A_964, %xor3A_972 : vector<128x128xi32>
    %shift_left3A_974 = arith.constant 16 : i32
    %shift_left3A_975 = vector.broadcast %shift_left3A_974 : i32 to vector<128x128xi32>
    %shift_left3A_976 = arith.shli %xor3A_972, %shift_left3A_975 : vector<128x128xi32>
    %shift_right_logical3A_977 = arith.constant 16 : i32
    %shift_right_logical3A_978 = vector.broadcast %shift_right_logical3A_977 : i32 to vector<128x128xi32>
    %shift_right_logical3A_979 = arith.shrui %xor3A_972, %shift_right_logical3A_978 : vector<128x128xi32>
    %or3A_980 = arith.ori %shift_left3A_976, %shift_right_logical3A_979 : vector<128x128xi32>
    %xor3A_981 = arith.xori %or3A_980, %add3A_973 : vector<128x128xi32>
    %add3A_982 = arith.addi %add3A_973, %xor3A_981 : vector<128x128xi32>
    %shift_left3A_983 = arith.constant 24 : i32
    %shift_left3A_984 = vector.broadcast %shift_left3A_983 : i32 to vector<128x128xi32>
    %shift_left3A_985 = arith.shli %xor3A_981, %shift_left3A_984 : vector<128x128xi32>
    %shift_right_logical3A_986 = arith.constant 8 : i32
    %shift_right_logical3A_987 = vector.broadcast %shift_right_logical3A_986 : i32 to vector<128x128xi32>
    %shift_right_logical3A_988 = arith.shrui %xor3A_981, %shift_right_logical3A_987 : vector<128x128xi32>
    %or3A_989 = arith.ori %shift_left3A_985, %shift_right_logical3A_988 : vector<128x128xi32>
    %xor3A_990 = arith.xori %or3A_989, %add3A_982 : vector<128x128xi32>
    %add3A_991 = arith.addi %add3A_982, %xor3A_911 : vector<128x128xi32>
    %add3A_992 = arith.addi %xor3A_990, %add3A_206 : vector<128x128xi32>
    %add3A_993 = arith.constant 2 : i32
    %add3A_994 = vector.broadcast %add3A_993 : i32 to vector<128x128xi32>
    %add3A_995 = arith.addi %add3A_992, %add3A_994 : vector<128x128xi32>
    %add3A_996 = arith.addi %add3A_991, %add3A_995 : vector<128x128xi32>
    %shift_left3A_997 = arith.constant 13 : i32
    %shift_left3A_998 = vector.broadcast %shift_left3A_997 : i32 to vector<128x128xi32>
    %shift_left3A_999 = arith.shli %add3A_995, %shift_left3A_998 : vector<128x128xi32>
    %shift_right_logical3A_1000 = arith.constant 19 : i32
    %shift_right_logical3A_1001 = vector.broadcast %shift_right_logical3A_1000 : i32 to vector<128x128xi32>
    %shift_right_logical3A_1002 = arith.shrui %add3A_995, %shift_right_logical3A_1001 : vector<128x128xi32>
    %or3A_1003 = arith.ori %shift_left3A_999, %shift_right_logical3A_1002 : vector<128x128xi32>
    %xor3A_1004 = arith.xori %or3A_1003, %add3A_996 : vector<128x128xi32>
    %add3A_1005 = arith.addi %add3A_996, %xor3A_1004 : vector<128x128xi32>
    %shift_left3A_1006 = arith.constant 15 : i32
    %shift_left3A_1007 = vector.broadcast %shift_left3A_1006 : i32 to vector<128x128xi32>
    %shift_left3A_1008 = arith.shli %xor3A_1004, %shift_left3A_1007 : vector<128x128xi32>
    %shift_right_logical3A_1009 = arith.constant 17 : i32
    %shift_right_logical3A_1010 = vector.broadcast %shift_right_logical3A_1009 : i32 to vector<128x128xi32>
    %shift_right_logical3A_1011 = arith.shrui %xor3A_1004, %shift_right_logical3A_1010 : vector<128x128xi32>
    %or3A_1012 = arith.ori %shift_left3A_1008, %shift_right_logical3A_1011 : vector<128x128xi32>
    %xor3A_1013 = arith.xori %or3A_1012, %add3A_1005 : vector<128x128xi32>
    %add3A_1014 = arith.addi %add3A_1005, %xor3A_1013 : vector<128x128xi32>
    %shift_left3A_1015 = arith.constant 26 : i32
    %shift_left3A_1016 = vector.broadcast %shift_left3A_1015 : i32 to vector<128x128xi32>
    %shift_left3A_1017 = arith.shli %xor3A_1013, %shift_left3A_1016 : vector<128x128xi32>
    %shift_right_logical3A_1018 = arith.constant 6 : i32
    %shift_right_logical3A_1019 = vector.broadcast %shift_right_logical3A_1018 : i32 to vector<128x128xi32>
    %shift_right_logical3A_1020 = arith.shrui %xor3A_1013, %shift_right_logical3A_1019 : vector<128x128xi32>
    %or3A_1021 = arith.ori %shift_left3A_1017, %shift_right_logical3A_1020 : vector<128x128xi32>
    %xor3A_1022 = arith.xori %or3A_1021, %add3A_1014 : vector<128x128xi32>
    %add3A_1023 = arith.addi %add3A_1014, %xor3A_1022 : vector<128x128xi32>
    %shift_left3A_1024 = arith.constant 6 : i32
    %shift_left3A_1025 = vector.broadcast %shift_left3A_1024 : i32 to vector<128x128xi32>
    %shift_left3A_1026 = arith.shli %xor3A_1022, %shift_left3A_1025 : vector<128x128xi32>
    %shift_right_logical3A_1027 = arith.constant 26 : i32
    %shift_right_logical3A_1028 = vector.broadcast %shift_right_logical3A_1027 : i32 to vector<128x128xi32>
    %shift_right_logical3A_1029 = arith.shrui %xor3A_1022, %shift_right_logical3A_1028 : vector<128x128xi32>
    %or3A_1030 = arith.ori %shift_left3A_1026, %shift_right_logical3A_1029 : vector<128x128xi32>
    %xor3A_1031 = arith.xori %or3A_1030, %add3A_1023 : vector<128x128xi32>
    %add3A_1032 = arith.addi %add3A_1023, %add3A_206 : vector<128x128xi32>
    %add3A_1033 = arith.addi %xor3A_1031, %add3A_210 : vector<128x128xi32>
    %add3A_1034 = arith.constant 3 : i32
    %add3A_1035 = vector.broadcast %add3A_1034 : i32 to vector<128x128xi32>
    %add3A_1036 = arith.addi %add3A_1033, %add3A_1035 : vector<128x128xi32>
    %add3A_1037 = arith.addi %add3A_1032, %add3A_1036 : vector<128x128xi32>
    %shift_left3A_1038 = arith.constant 17 : i32
    %shift_left3A_1039 = vector.broadcast %shift_left3A_1038 : i32 to vector<128x128xi32>
    %shift_left3A_1040 = arith.shli %add3A_1036, %shift_left3A_1039 : vector<128x128xi32>
    %shift_right_logical3A_1041 = arith.constant 15 : i32
    %shift_right_logical3A_1042 = vector.broadcast %shift_right_logical3A_1041 : i32 to vector<128x128xi32>
    %shift_right_logical3A_1043 = arith.shrui %add3A_1036, %shift_right_logical3A_1042 : vector<128x128xi32>
    %or3A_1044 = arith.ori %shift_left3A_1040, %shift_right_logical3A_1043 : vector<128x128xi32>
    %xor3A_1045 = arith.xori %or3A_1044, %add3A_1037 : vector<128x128xi32>
    %add3A_1046 = arith.addi %add3A_1037, %xor3A_1045 : vector<128x128xi32>
    %shift_left3A_1047 = arith.constant 29 : i32
    %shift_left3A_1048 = vector.broadcast %shift_left3A_1047 : i32 to vector<128x128xi32>
    %shift_left3A_1049 = arith.shli %xor3A_1045, %shift_left3A_1048 : vector<128x128xi32>
    %shift_right_logical3A_1050 = arith.constant 3 : i32
    %shift_right_logical3A_1051 = vector.broadcast %shift_right_logical3A_1050 : i32 to vector<128x128xi32>
    %shift_right_logical3A_1052 = arith.shrui %xor3A_1045, %shift_right_logical3A_1051 : vector<128x128xi32>
    %or3A_1053 = arith.ori %shift_left3A_1049, %shift_right_logical3A_1052 : vector<128x128xi32>
    %xor3A_1054 = arith.xori %or3A_1053, %add3A_1046 : vector<128x128xi32>
    %add3A_1055 = arith.addi %add3A_1046, %xor3A_1054 : vector<128x128xi32>
    %shift_left3A_1056 = arith.constant 16 : i32
    %shift_left3A_1057 = vector.broadcast %shift_left3A_1056 : i32 to vector<128x128xi32>
    %shift_left3A_1058 = arith.shli %xor3A_1054, %shift_left3A_1057 : vector<128x128xi32>
    %shift_right_logical3A_1059 = arith.constant 16 : i32
    %shift_right_logical3A_1060 = vector.broadcast %shift_right_logical3A_1059 : i32 to vector<128x128xi32>
    %shift_right_logical3A_1061 = arith.shrui %xor3A_1054, %shift_right_logical3A_1060 : vector<128x128xi32>
    %or3A_1062 = arith.ori %shift_left3A_1058, %shift_right_logical3A_1061 : vector<128x128xi32>
    %xor3A_1063 = arith.xori %or3A_1062, %add3A_1055 : vector<128x128xi32>
    %add3A_1064 = arith.addi %add3A_1055, %xor3A_1063 : vector<128x128xi32>
    %shift_left3A_1065 = arith.constant 24 : i32
    %shift_left3A_1066 = vector.broadcast %shift_left3A_1065 : i32 to vector<128x128xi32>
    %shift_left3A_1067 = arith.shli %xor3A_1063, %shift_left3A_1066 : vector<128x128xi32>
    %shift_right_logical3A_1068 = arith.constant 8 : i32
    %shift_right_logical3A_1069 = vector.broadcast %shift_right_logical3A_1068 : i32 to vector<128x128xi32>
    %shift_right_logical3A_1070 = arith.shrui %xor3A_1063, %shift_right_logical3A_1069 : vector<128x128xi32>
    %or3A_1071 = arith.ori %shift_left3A_1067, %shift_right_logical3A_1070 : vector<128x128xi32>
    %xor3A_1072 = arith.xori %or3A_1071, %add3A_1064 : vector<128x128xi32>
    %add3A_1073 = arith.addi %add3A_1064, %add3A_210 : vector<128x128xi32>
    %add3A_1074 = arith.addi %xor3A_1072, %xor3A_911 : vector<128x128xi32>
    %add3A_1075 = arith.constant 4 : i32
    %add3A_1076 = vector.broadcast %add3A_1075 : i32 to vector<128x128xi32>
    %add3A_1077 = arith.addi %add3A_1074, %add3A_1076 : vector<128x128xi32>
    %add3A_1078 = arith.addi %add3A_1073, %add3A_1077 : vector<128x128xi32>
    %shift_left3A_1079 = arith.constant 13 : i32
    %shift_left3A_1080 = vector.broadcast %shift_left3A_1079 : i32 to vector<128x128xi32>
    %shift_left3A_1081 = arith.shli %add3A_1077, %shift_left3A_1080 : vector<128x128xi32>
    %shift_right_logical3A_1082 = arith.constant 19 : i32
    %shift_right_logical3A_1083 = vector.broadcast %shift_right_logical3A_1082 : i32 to vector<128x128xi32>
    %shift_right_logical3A_1084 = arith.shrui %add3A_1077, %shift_right_logical3A_1083 : vector<128x128xi32>
    %or3A_1085 = arith.ori %shift_left3A_1081, %shift_right_logical3A_1084 : vector<128x128xi32>
    %xor3A_1086 = arith.xori %or3A_1085, %add3A_1078 : vector<128x128xi32>
    %add3A_1087 = arith.addi %add3A_1078, %xor3A_1086 : vector<128x128xi32>
    %shift_left3A_1088 = arith.constant 15 : i32
    %shift_left3A_1089 = vector.broadcast %shift_left3A_1088 : i32 to vector<128x128xi32>
    %shift_left3A_1090 = arith.shli %xor3A_1086, %shift_left3A_1089 : vector<128x128xi32>
    %shift_right_logical3A_1091 = arith.constant 17 : i32
    %shift_right_logical3A_1092 = vector.broadcast %shift_right_logical3A_1091 : i32 to vector<128x128xi32>
    %shift_right_logical3A_1093 = arith.shrui %xor3A_1086, %shift_right_logical3A_1092 : vector<128x128xi32>
    %or3A_1094 = arith.ori %shift_left3A_1090, %shift_right_logical3A_1093 : vector<128x128xi32>
    %xor3A_1095 = arith.xori %or3A_1094, %add3A_1087 : vector<128x128xi32>
    %add3A_1096 = arith.addi %add3A_1087, %xor3A_1095 : vector<128x128xi32>
    %shift_left3A_1097 = arith.constant 26 : i32
    %shift_left3A_1098 = vector.broadcast %shift_left3A_1097 : i32 to vector<128x128xi32>
    %shift_left3A_1099 = arith.shli %xor3A_1095, %shift_left3A_1098 : vector<128x128xi32>
    %shift_right_logical3A_1100 = arith.constant 6 : i32
    %shift_right_logical3A_1101 = vector.broadcast %shift_right_logical3A_1100 : i32 to vector<128x128xi32>
    %shift_right_logical3A_1102 = arith.shrui %xor3A_1095, %shift_right_logical3A_1101 : vector<128x128xi32>
    %or3A_1103 = arith.ori %shift_left3A_1099, %shift_right_logical3A_1102 : vector<128x128xi32>
    %xor3A_1104 = arith.xori %or3A_1103, %add3A_1096 : vector<128x128xi32>
    %add3A_1105 = arith.addi %add3A_1096, %xor3A_1104 : vector<128x128xi32>
    %shift_left3A_1106 = arith.constant 6 : i32
    %shift_left3A_1107 = vector.broadcast %shift_left3A_1106 : i32 to vector<128x128xi32>
    %shift_left3A_1108 = arith.shli %xor3A_1104, %shift_left3A_1107 : vector<128x128xi32>
    %shift_right_logical3A_1109 = arith.constant 26 : i32
    %shift_right_logical3A_1110 = vector.broadcast %shift_right_logical3A_1109 : i32 to vector<128x128xi32>
    %shift_right_logical3A_1111 = arith.shrui %xor3A_1104, %shift_right_logical3A_1110 : vector<128x128xi32>
    %or3A_1112 = arith.ori %shift_left3A_1108, %shift_right_logical3A_1111 : vector<128x128xi32>
    %xor3A_1113 = arith.xori %or3A_1112, %add3A_1105 : vector<128x128xi32>
    %add3A_1114 = arith.addi %add3A_1105, %xor3A_911 : vector<128x128xi32>
    %add3A_1115 = arith.addi %xor3A_1113, %add3A_206 : vector<128x128xi32>
    %add3A_1116 = arith.constant 5 : i32
    %add3A_1117 = vector.broadcast %add3A_1116 : i32 to vector<128x128xi32>
    %add3A_1118 = arith.addi %add3A_1115, %add3A_1117 : vector<128x128xi32>
    %xor3A_1119 = arith.xori %add3A_1114, %add3A_1118 : vector<128x128xi32>
    %shift_right_logical3A_1120 = arith.constant 9 : i32
    %shift_right_logical3A_1121 = vector.broadcast %shift_right_logical3A_1120 : i32 to vector<128x128xi32>
    %shift_right_logical3A_1122 = arith.shrui %xor3A_1119, %shift_right_logical3A_1121 : vector<128x128xi32>
    %or3A_1123 = arith.constant 1065353216 : i32
    %or3A_1124 = vector.broadcast %or3A_1123 : i32 to vector<128x128xi32>
    %or3A_1125 = arith.ori %shift_right_logical3A_1122, %or3A_1124 : vector<128x128xi32>
    %bitcast_convert_type3A_1126 = tpu.bitcast %or3A_1125 : vector<128x128xi32> -> vector<128x128xf32>
    %sub3A_1127 = arith.constant 1.000000e+00 : f32
    %sub3A_1128 = vector.broadcast %sub3A_1127 : f32 to vector<128x128xf32>
    %sub3A_1129 = arith.subf %bitcast_convert_type3A_1126, %sub3A_1128 : vector<128x128xf32>
    %lt3A_1130 = arith.constant 1.000000e-01 : f32
    %lt3A_1131 = vector.broadcast %lt3A_1130 : f32 to vector<128x128xf32>
    %lt3A_1132 = arith.cmpf olt, %sub3A_1129, %lt3A_1131 : vector<128x128xf32>
    %convert_element_type3A_1133 = arith.extui %lt3A_1132 : vector<128x128xi1> to vector<128x128xi32>
    %shift_left3A_1134 = arith.constant 6 : i32
    %shift_left3A_1135 = vector.broadcast %shift_left3A_1134 : i32 to vector<128x128xi32>
    %shift_left3A_1136 = arith.shli %convert_element_type3A_1133, %shift_left3A_1135 : vector<128x128xi32>
    %or3A_1137 = arith.ori %or3A_905, %shift_left3A_1136 : vector<128x128xi32>
    %broadcast_in_dim3A_1138 = arith.constant 4 : i32
    %broadcast_in_dim3A_1139 = vector.broadcast %broadcast_in_dim3A_1138 : i32 to vector<128x128xi32>
    %xor3A_1140 = arith.xori %add3A_206, %add3A_210 : vector<128x128xi32>
    %xor3A_1141 = arith.constant 466688986 : i32
    %xor3A_1142 = vector.broadcast %xor3A_1141 : i32 to vector<128x128xi32>
    %xor3A_1143 = arith.xori %xor3A_1140, %xor3A_1142 : vector<128x128xi32>
    %add3A_1144 = arith.addi %broadcast_in_dim3A_2, %add3A_206 : vector<128x128xi32>
    %add3A_1145 = arith.addi %broadcast_in_dim3A_1139, %add3A_210 : vector<128x128xi32>
    %add3A_1146 = arith.addi %add3A_1144, %add3A_1145 : vector<128x128xi32>
    %shift_left3A_1147 = arith.constant 13 : i32
    %shift_left3A_1148 = vector.broadcast %shift_left3A_1147 : i32 to vector<128x128xi32>
    %shift_left3A_1149 = arith.shli %add3A_1145, %shift_left3A_1148 : vector<128x128xi32>
    %shift_right_logical3A_1150 = arith.constant 19 : i32
    %shift_right_logical3A_1151 = vector.broadcast %shift_right_logical3A_1150 : i32 to vector<128x128xi32>
    %shift_right_logical3A_1152 = arith.shrui %add3A_1145, %shift_right_logical3A_1151 : vector<128x128xi32>
    %or3A_1153 = arith.ori %shift_left3A_1149, %shift_right_logical3A_1152 : vector<128x128xi32>
    %xor3A_1154 = arith.xori %or3A_1153, %add3A_1146 : vector<128x128xi32>
    %add3A_1155 = arith.addi %add3A_1146, %xor3A_1154 : vector<128x128xi32>
    %shift_left3A_1156 = arith.constant 15 : i32
    %shift_left3A_1157 = vector.broadcast %shift_left3A_1156 : i32 to vector<128x128xi32>
    %shift_left3A_1158 = arith.shli %xor3A_1154, %shift_left3A_1157 : vector<128x128xi32>
    %shift_right_logical3A_1159 = arith.constant 17 : i32
    %shift_right_logical3A_1160 = vector.broadcast %shift_right_logical3A_1159 : i32 to vector<128x128xi32>
    %shift_right_logical3A_1161 = arith.shrui %xor3A_1154, %shift_right_logical3A_1160 : vector<128x128xi32>
    %or3A_1162 = arith.ori %shift_left3A_1158, %shift_right_logical3A_1161 : vector<128x128xi32>
    %xor3A_1163 = arith.xori %or3A_1162, %add3A_1155 : vector<128x128xi32>
    %add3A_1164 = arith.addi %add3A_1155, %xor3A_1163 : vector<128x128xi32>
    %shift_left3A_1165 = arith.constant 26 : i32
    %shift_left3A_1166 = vector.broadcast %shift_left3A_1165 : i32 to vector<128x128xi32>
    %shift_left3A_1167 = arith.shli %xor3A_1163, %shift_left3A_1166 : vector<128x128xi32>
    %shift_right_logical3A_1168 = arith.constant 6 : i32
    %shift_right_logical3A_1169 = vector.broadcast %shift_right_logical3A_1168 : i32 to vector<128x128xi32>
    %shift_right_logical3A_1170 = arith.shrui %xor3A_1163, %shift_right_logical3A_1169 : vector<128x128xi32>
    %or3A_1171 = arith.ori %shift_left3A_1167, %shift_right_logical3A_1170 : vector<128x128xi32>
    %xor3A_1172 = arith.xori %or3A_1171, %add3A_1164 : vector<128x128xi32>
    %add3A_1173 = arith.addi %add3A_1164, %xor3A_1172 : vector<128x128xi32>
    %shift_left3A_1174 = arith.constant 6 : i32
    %shift_left3A_1175 = vector.broadcast %shift_left3A_1174 : i32 to vector<128x128xi32>
    %shift_left3A_1176 = arith.shli %xor3A_1172, %shift_left3A_1175 : vector<128x128xi32>
    %shift_right_logical3A_1177 = arith.constant 26 : i32
    %shift_right_logical3A_1178 = vector.broadcast %shift_right_logical3A_1177 : i32 to vector<128x128xi32>
    %shift_right_logical3A_1179 = arith.shrui %xor3A_1172, %shift_right_logical3A_1178 : vector<128x128xi32>
    %or3A_1180 = arith.ori %shift_left3A_1176, %shift_right_logical3A_1179 : vector<128x128xi32>
    %xor3A_1181 = arith.xori %or3A_1180, %add3A_1173 : vector<128x128xi32>
    %add3A_1182 = arith.addi %add3A_1173, %add3A_210 : vector<128x128xi32>
    %add3A_1183 = arith.addi %xor3A_1181, %xor3A_1143 : vector<128x128xi32>
    %add3A_1184 = arith.constant 1 : i32
    %add3A_1185 = vector.broadcast %add3A_1184 : i32 to vector<128x128xi32>
    %add3A_1186 = arith.addi %add3A_1183, %add3A_1185 : vector<128x128xi32>
    %add3A_1187 = arith.addi %add3A_1182, %add3A_1186 : vector<128x128xi32>
    %shift_left3A_1188 = arith.constant 17 : i32
    %shift_left3A_1189 = vector.broadcast %shift_left3A_1188 : i32 to vector<128x128xi32>
    %shift_left3A_1190 = arith.shli %add3A_1186, %shift_left3A_1189 : vector<128x128xi32>
    %shift_right_logical3A_1191 = arith.constant 15 : i32
    %shift_right_logical3A_1192 = vector.broadcast %shift_right_logical3A_1191 : i32 to vector<128x128xi32>
    %shift_right_logical3A_1193 = arith.shrui %add3A_1186, %shift_right_logical3A_1192 : vector<128x128xi32>
    %or3A_1194 = arith.ori %shift_left3A_1190, %shift_right_logical3A_1193 : vector<128x128xi32>
    %xor3A_1195 = arith.xori %or3A_1194, %add3A_1187 : vector<128x128xi32>
    %add3A_1196 = arith.addi %add3A_1187, %xor3A_1195 : vector<128x128xi32>
    %shift_left3A_1197 = arith.constant 29 : i32
    %shift_left3A_1198 = vector.broadcast %shift_left3A_1197 : i32 to vector<128x128xi32>
    %shift_left3A_1199 = arith.shli %xor3A_1195, %shift_left3A_1198 : vector<128x128xi32>
    %shift_right_logical3A_1200 = arith.constant 3 : i32
    %shift_right_logical3A_1201 = vector.broadcast %shift_right_logical3A_1200 : i32 to vector<128x128xi32>
    %shift_right_logical3A_1202 = arith.shrui %xor3A_1195, %shift_right_logical3A_1201 : vector<128x128xi32>
    %or3A_1203 = arith.ori %shift_left3A_1199, %shift_right_logical3A_1202 : vector<128x128xi32>
    %xor3A_1204 = arith.xori %or3A_1203, %add3A_1196 : vector<128x128xi32>
    %add3A_1205 = arith.addi %add3A_1196, %xor3A_1204 : vector<128x128xi32>
    %shift_left3A_1206 = arith.constant 16 : i32
    %shift_left3A_1207 = vector.broadcast %shift_left3A_1206 : i32 to vector<128x128xi32>
    %shift_left3A_1208 = arith.shli %xor3A_1204, %shift_left3A_1207 : vector<128x128xi32>
    %shift_right_logical3A_1209 = arith.constant 16 : i32
    %shift_right_logical3A_1210 = vector.broadcast %shift_right_logical3A_1209 : i32 to vector<128x128xi32>
    %shift_right_logical3A_1211 = arith.shrui %xor3A_1204, %shift_right_logical3A_1210 : vector<128x128xi32>
    %or3A_1212 = arith.ori %shift_left3A_1208, %shift_right_logical3A_1211 : vector<128x128xi32>
    %xor3A_1213 = arith.xori %or3A_1212, %add3A_1205 : vector<128x128xi32>
    %add3A_1214 = arith.addi %add3A_1205, %xor3A_1213 : vector<128x128xi32>
    %shift_left3A_1215 = arith.constant 24 : i32
    %shift_left3A_1216 = vector.broadcast %shift_left3A_1215 : i32 to vector<128x128xi32>
    %shift_left3A_1217 = arith.shli %xor3A_1213, %shift_left3A_1216 : vector<128x128xi32>
    %shift_right_logical3A_1218 = arith.constant 8 : i32
    %shift_right_logical3A_1219 = vector.broadcast %shift_right_logical3A_1218 : i32 to vector<128x128xi32>
    %shift_right_logical3A_1220 = arith.shrui %xor3A_1213, %shift_right_logical3A_1219 : vector<128x128xi32>
    %or3A_1221 = arith.ori %shift_left3A_1217, %shift_right_logical3A_1220 : vector<128x128xi32>
    %xor3A_1222 = arith.xori %or3A_1221, %add3A_1214 : vector<128x128xi32>
    %add3A_1223 = arith.addi %add3A_1214, %xor3A_1143 : vector<128x128xi32>
    %add3A_1224 = arith.addi %xor3A_1222, %add3A_206 : vector<128x128xi32>
    %add3A_1225 = arith.constant 2 : i32
    %add3A_1226 = vector.broadcast %add3A_1225 : i32 to vector<128x128xi32>
    %add3A_1227 = arith.addi %add3A_1224, %add3A_1226 : vector<128x128xi32>
    %add3A_1228 = arith.addi %add3A_1223, %add3A_1227 : vector<128x128xi32>
    %shift_left3A_1229 = arith.constant 13 : i32
    %shift_left3A_1230 = vector.broadcast %shift_left3A_1229 : i32 to vector<128x128xi32>
    %shift_left3A_1231 = arith.shli %add3A_1227, %shift_left3A_1230 : vector<128x128xi32>
    %shift_right_logical3A_1232 = arith.constant 19 : i32
    %shift_right_logical3A_1233 = vector.broadcast %shift_right_logical3A_1232 : i32 to vector<128x128xi32>
    %shift_right_logical3A_1234 = arith.shrui %add3A_1227, %shift_right_logical3A_1233 : vector<128x128xi32>
    %or3A_1235 = arith.ori %shift_left3A_1231, %shift_right_logical3A_1234 : vector<128x128xi32>
    %xor3A_1236 = arith.xori %or3A_1235, %add3A_1228 : vector<128x128xi32>
    %add3A_1237 = arith.addi %add3A_1228, %xor3A_1236 : vector<128x128xi32>
    %shift_left3A_1238 = arith.constant 15 : i32
    %shift_left3A_1239 = vector.broadcast %shift_left3A_1238 : i32 to vector<128x128xi32>
    %shift_left3A_1240 = arith.shli %xor3A_1236, %shift_left3A_1239 : vector<128x128xi32>
    %shift_right_logical3A_1241 = arith.constant 17 : i32
    %shift_right_logical3A_1242 = vector.broadcast %shift_right_logical3A_1241 : i32 to vector<128x128xi32>
    %shift_right_logical3A_1243 = arith.shrui %xor3A_1236, %shift_right_logical3A_1242 : vector<128x128xi32>
    %or3A_1244 = arith.ori %shift_left3A_1240, %shift_right_logical3A_1243 : vector<128x128xi32>
    %xor3A_1245 = arith.xori %or3A_1244, %add3A_1237 : vector<128x128xi32>
    %add3A_1246 = arith.addi %add3A_1237, %xor3A_1245 : vector<128x128xi32>
    %shift_left3A_1247 = arith.constant 26 : i32
    %shift_left3A_1248 = vector.broadcast %shift_left3A_1247 : i32 to vector<128x128xi32>
    %shift_left3A_1249 = arith.shli %xor3A_1245, %shift_left3A_1248 : vector<128x128xi32>
    %shift_right_logical3A_1250 = arith.constant 6 : i32
    %shift_right_logical3A_1251 = vector.broadcast %shift_right_logical3A_1250 : i32 to vector<128x128xi32>
    %shift_right_logical3A_1252 = arith.shrui %xor3A_1245, %shift_right_logical3A_1251 : vector<128x128xi32>
    %or3A_1253 = arith.ori %shift_left3A_1249, %shift_right_logical3A_1252 : vector<128x128xi32>
    %xor3A_1254 = arith.xori %or3A_1253, %add3A_1246 : vector<128x128xi32>
    %add3A_1255 = arith.addi %add3A_1246, %xor3A_1254 : vector<128x128xi32>
    %shift_left3A_1256 = arith.constant 6 : i32
    %shift_left3A_1257 = vector.broadcast %shift_left3A_1256 : i32 to vector<128x128xi32>
    %shift_left3A_1258 = arith.shli %xor3A_1254, %shift_left3A_1257 : vector<128x128xi32>
    %shift_right_logical3A_1259 = arith.constant 26 : i32
    %shift_right_logical3A_1260 = vector.broadcast %shift_right_logical3A_1259 : i32 to vector<128x128xi32>
    %shift_right_logical3A_1261 = arith.shrui %xor3A_1254, %shift_right_logical3A_1260 : vector<128x128xi32>
    %or3A_1262 = arith.ori %shift_left3A_1258, %shift_right_logical3A_1261 : vector<128x128xi32>
    %xor3A_1263 = arith.xori %or3A_1262, %add3A_1255 : vector<128x128xi32>
    %add3A_1264 = arith.addi %add3A_1255, %add3A_206 : vector<128x128xi32>
    %add3A_1265 = arith.addi %xor3A_1263, %add3A_210 : vector<128x128xi32>
    %add3A_1266 = arith.constant 3 : i32
    %add3A_1267 = vector.broadcast %add3A_1266 : i32 to vector<128x128xi32>
    %add3A_1268 = arith.addi %add3A_1265, %add3A_1267 : vector<128x128xi32>
    %add3A_1269 = arith.addi %add3A_1264, %add3A_1268 : vector<128x128xi32>
    %shift_left3A_1270 = arith.constant 17 : i32
    %shift_left3A_1271 = vector.broadcast %shift_left3A_1270 : i32 to vector<128x128xi32>
    %shift_left3A_1272 = arith.shli %add3A_1268, %shift_left3A_1271 : vector<128x128xi32>
    %shift_right_logical3A_1273 = arith.constant 15 : i32
    %shift_right_logical3A_1274 = vector.broadcast %shift_right_logical3A_1273 : i32 to vector<128x128xi32>
    %shift_right_logical3A_1275 = arith.shrui %add3A_1268, %shift_right_logical3A_1274 : vector<128x128xi32>
    %or3A_1276 = arith.ori %shift_left3A_1272, %shift_right_logical3A_1275 : vector<128x128xi32>
    %xor3A_1277 = arith.xori %or3A_1276, %add3A_1269 : vector<128x128xi32>
    %add3A_1278 = arith.addi %add3A_1269, %xor3A_1277 : vector<128x128xi32>
    %shift_left3A_1279 = arith.constant 29 : i32
    %shift_left3A_1280 = vector.broadcast %shift_left3A_1279 : i32 to vector<128x128xi32>
    %shift_left3A_1281 = arith.shli %xor3A_1277, %shift_left3A_1280 : vector<128x128xi32>
    %shift_right_logical3A_1282 = arith.constant 3 : i32
    %shift_right_logical3A_1283 = vector.broadcast %shift_right_logical3A_1282 : i32 to vector<128x128xi32>
    %shift_right_logical3A_1284 = arith.shrui %xor3A_1277, %shift_right_logical3A_1283 : vector<128x128xi32>
    %or3A_1285 = arith.ori %shift_left3A_1281, %shift_right_logical3A_1284 : vector<128x128xi32>
    %xor3A_1286 = arith.xori %or3A_1285, %add3A_1278 : vector<128x128xi32>
    %add3A_1287 = arith.addi %add3A_1278, %xor3A_1286 : vector<128x128xi32>
    %shift_left3A_1288 = arith.constant 16 : i32
    %shift_left3A_1289 = vector.broadcast %shift_left3A_1288 : i32 to vector<128x128xi32>
    %shift_left3A_1290 = arith.shli %xor3A_1286, %shift_left3A_1289 : vector<128x128xi32>
    %shift_right_logical3A_1291 = arith.constant 16 : i32
    %shift_right_logical3A_1292 = vector.broadcast %shift_right_logical3A_1291 : i32 to vector<128x128xi32>
    %shift_right_logical3A_1293 = arith.shrui %xor3A_1286, %shift_right_logical3A_1292 : vector<128x128xi32>
    %or3A_1294 = arith.ori %shift_left3A_1290, %shift_right_logical3A_1293 : vector<128x128xi32>
    %xor3A_1295 = arith.xori %or3A_1294, %add3A_1287 : vector<128x128xi32>
    %add3A_1296 = arith.addi %add3A_1287, %xor3A_1295 : vector<128x128xi32>
    %shift_left3A_1297 = arith.constant 24 : i32
    %shift_left3A_1298 = vector.broadcast %shift_left3A_1297 : i32 to vector<128x128xi32>
    %shift_left3A_1299 = arith.shli %xor3A_1295, %shift_left3A_1298 : vector<128x128xi32>
    %shift_right_logical3A_1300 = arith.constant 8 : i32
    %shift_right_logical3A_1301 = vector.broadcast %shift_right_logical3A_1300 : i32 to vector<128x128xi32>
    %shift_right_logical3A_1302 = arith.shrui %xor3A_1295, %shift_right_logical3A_1301 : vector<128x128xi32>
    %or3A_1303 = arith.ori %shift_left3A_1299, %shift_right_logical3A_1302 : vector<128x128xi32>
    %xor3A_1304 = arith.xori %or3A_1303, %add3A_1296 : vector<128x128xi32>
    %add3A_1305 = arith.addi %add3A_1296, %add3A_210 : vector<128x128xi32>
    %add3A_1306 = arith.addi %xor3A_1304, %xor3A_1143 : vector<128x128xi32>
    %add3A_1307 = arith.constant 4 : i32
    %add3A_1308 = vector.broadcast %add3A_1307 : i32 to vector<128x128xi32>
    %add3A_1309 = arith.addi %add3A_1306, %add3A_1308 : vector<128x128xi32>
    %add3A_1310 = arith.addi %add3A_1305, %add3A_1309 : vector<128x128xi32>
    %shift_left3A_1311 = arith.constant 13 : i32
    %shift_left3A_1312 = vector.broadcast %shift_left3A_1311 : i32 to vector<128x128xi32>
    %shift_left3A_1313 = arith.shli %add3A_1309, %shift_left3A_1312 : vector<128x128xi32>
    %shift_right_logical3A_1314 = arith.constant 19 : i32
    %shift_right_logical3A_1315 = vector.broadcast %shift_right_logical3A_1314 : i32 to vector<128x128xi32>
    %shift_right_logical3A_1316 = arith.shrui %add3A_1309, %shift_right_logical3A_1315 : vector<128x128xi32>
    %or3A_1317 = arith.ori %shift_left3A_1313, %shift_right_logical3A_1316 : vector<128x128xi32>
    %xor3A_1318 = arith.xori %or3A_1317, %add3A_1310 : vector<128x128xi32>
    %add3A_1319 = arith.addi %add3A_1310, %xor3A_1318 : vector<128x128xi32>
    %shift_left3A_1320 = arith.constant 15 : i32
    %shift_left3A_1321 = vector.broadcast %shift_left3A_1320 : i32 to vector<128x128xi32>
    %shift_left3A_1322 = arith.shli %xor3A_1318, %shift_left3A_1321 : vector<128x128xi32>
    %shift_right_logical3A_1323 = arith.constant 17 : i32
    %shift_right_logical3A_1324 = vector.broadcast %shift_right_logical3A_1323 : i32 to vector<128x128xi32>
    %shift_right_logical3A_1325 = arith.shrui %xor3A_1318, %shift_right_logical3A_1324 : vector<128x128xi32>
    %or3A_1326 = arith.ori %shift_left3A_1322, %shift_right_logical3A_1325 : vector<128x128xi32>
    %xor3A_1327 = arith.xori %or3A_1326, %add3A_1319 : vector<128x128xi32>
    %add3A_1328 = arith.addi %add3A_1319, %xor3A_1327 : vector<128x128xi32>
    %shift_left3A_1329 = arith.constant 26 : i32
    %shift_left3A_1330 = vector.broadcast %shift_left3A_1329 : i32 to vector<128x128xi32>
    %shift_left3A_1331 = arith.shli %xor3A_1327, %shift_left3A_1330 : vector<128x128xi32>
    %shift_right_logical3A_1332 = arith.constant 6 : i32
    %shift_right_logical3A_1333 = vector.broadcast %shift_right_logical3A_1332 : i32 to vector<128x128xi32>
    %shift_right_logical3A_1334 = arith.shrui %xor3A_1327, %shift_right_logical3A_1333 : vector<128x128xi32>
    %or3A_1335 = arith.ori %shift_left3A_1331, %shift_right_logical3A_1334 : vector<128x128xi32>
    %xor3A_1336 = arith.xori %or3A_1335, %add3A_1328 : vector<128x128xi32>
    %add3A_1337 = arith.addi %add3A_1328, %xor3A_1336 : vector<128x128xi32>
    %shift_left3A_1338 = arith.constant 6 : i32
    %shift_left3A_1339 = vector.broadcast %shift_left3A_1338 : i32 to vector<128x128xi32>
    %shift_left3A_1340 = arith.shli %xor3A_1336, %shift_left3A_1339 : vector<128x128xi32>
    %shift_right_logical3A_1341 = arith.constant 26 : i32
    %shift_right_logical3A_1342 = vector.broadcast %shift_right_logical3A_1341 : i32 to vector<128x128xi32>
    %shift_right_logical3A_1343 = arith.shrui %xor3A_1336, %shift_right_logical3A_1342 : vector<128x128xi32>
    %or3A_1344 = arith.ori %shift_left3A_1340, %shift_right_logical3A_1343 : vector<128x128xi32>
    %xor3A_1345 = arith.xori %or3A_1344, %add3A_1337 : vector<128x128xi32>
    %add3A_1346 = arith.addi %add3A_1337, %xor3A_1143 : vector<128x128xi32>
    %add3A_1347 = arith.addi %xor3A_1345, %add3A_206 : vector<128x128xi32>
    %add3A_1348 = arith.constant 5 : i32
    %add3A_1349 = vector.broadcast %add3A_1348 : i32 to vector<128x128xi32>
    %add3A_1350 = arith.addi %add3A_1347, %add3A_1349 : vector<128x128xi32>
    %xor3A_1351 = arith.xori %add3A_1346, %add3A_1350 : vector<128x128xi32>
    %shift_right_logical3A_1352 = arith.constant 9 : i32
    %shift_right_logical3A_1353 = vector.broadcast %shift_right_logical3A_1352 : i32 to vector<128x128xi32>
    %shift_right_logical3A_1354 = arith.shrui %xor3A_1351, %shift_right_logical3A_1353 : vector<128x128xi32>
    %or3A_1355 = arith.constant 1065353216 : i32
    %or3A_1356 = vector.broadcast %or3A_1355 : i32 to vector<128x128xi32>
    %or3A_1357 = arith.ori %shift_right_logical3A_1354, %or3A_1356 : vector<128x128xi32>
    %bitcast_convert_type3A_1358 = tpu.bitcast %or3A_1357 : vector<128x128xi32> -> vector<128x128xf32>
    %sub3A_1359 = arith.constant 1.000000e+00 : f32
    %sub3A_1360 = vector.broadcast %sub3A_1359 : f32 to vector<128x128xf32>
    %sub3A_1361 = arith.subf %bitcast_convert_type3A_1358, %sub3A_1360 : vector<128x128xf32>
    %lt3A_1362 = arith.constant 1.000000e-01 : f32
    %lt3A_1363 = vector.broadcast %lt3A_1362 : f32 to vector<128x128xf32>
    %lt3A_1364 = arith.cmpf olt, %sub3A_1361, %lt3A_1363 : vector<128x128xf32>
    %convert_element_type3A_1365 = arith.extui %lt3A_1364 : vector<128x128xi1> to vector<128x128xi32>
    %shift_left3A_1366 = arith.constant 7 : i32
    %shift_left3A_1367 = vector.broadcast %shift_left3A_1366 : i32 to vector<128x128xi32>
    %shift_left3A_1368 = arith.shli %convert_element_type3A_1365, %shift_left3A_1367 : vector<128x128xi32>
    %or3A_1369 = arith.ori %or3A_1137, %shift_left3A_1368 : vector<128x128xi32>
    %broadcast_in_dim3A_1370 = arith.constant 5 : i32
    %broadcast_in_dim3A_1371 = vector.broadcast %broadcast_in_dim3A_1370 : i32 to vector<128x128xi32>
    %xor3A_1372 = arith.xori %add3A_206, %add3A_210 : vector<128x128xi32>
    %xor3A_1373 = arith.constant 466688986 : i32
    %xor3A_1374 = vector.broadcast %xor3A_1373 : i32 to vector<128x128xi32>
    %xor3A_1375 = arith.xori %xor3A_1372, %xor3A_1374 : vector<128x128xi32>
    %add3A_1376 = arith.addi %broadcast_in_dim3A_2, %add3A_206 : vector<128x128xi32>
    %add3A_1377 = arith.addi %broadcast_in_dim3A_1371, %add3A_210 : vector<128x128xi32>
    %add3A_1378 = arith.addi %add3A_1376, %add3A_1377 : vector<128x128xi32>
    %shift_left3A_1379 = arith.constant 13 : i32
    %shift_left3A_1380 = vector.broadcast %shift_left3A_1379 : i32 to vector<128x128xi32>
    %shift_left3A_1381 = arith.shli %add3A_1377, %shift_left3A_1380 : vector<128x128xi32>
    %shift_right_logical3A_1382 = arith.constant 19 : i32
    %shift_right_logical3A_1383 = vector.broadcast %shift_right_logical3A_1382 : i32 to vector<128x128xi32>
    %shift_right_logical3A_1384 = arith.shrui %add3A_1377, %shift_right_logical3A_1383 : vector<128x128xi32>
    %or3A_1385 = arith.ori %shift_left3A_1381, %shift_right_logical3A_1384 : vector<128x128xi32>
    %xor3A_1386 = arith.xori %or3A_1385, %add3A_1378 : vector<128x128xi32>
    %add3A_1387 = arith.addi %add3A_1378, %xor3A_1386 : vector<128x128xi32>
    %shift_left3A_1388 = arith.constant 15 : i32
    %shift_left3A_1389 = vector.broadcast %shift_left3A_1388 : i32 to vector<128x128xi32>
    %shift_left3A_1390 = arith.shli %xor3A_1386, %shift_left3A_1389 : vector<128x128xi32>
    %shift_right_logical3A_1391 = arith.constant 17 : i32
    %shift_right_logical3A_1392 = vector.broadcast %shift_right_logical3A_1391 : i32 to vector<128x128xi32>
    %shift_right_logical3A_1393 = arith.shrui %xor3A_1386, %shift_right_logical3A_1392 : vector<128x128xi32>
    %or3A_1394 = arith.ori %shift_left3A_1390, %shift_right_logical3A_1393 : vector<128x128xi32>
    %xor3A_1395 = arith.xori %or3A_1394, %add3A_1387 : vector<128x128xi32>
    %add3A_1396 = arith.addi %add3A_1387, %xor3A_1395 : vector<128x128xi32>
    %shift_left3A_1397 = arith.constant 26 : i32
    %shift_left3A_1398 = vector.broadcast %shift_left3A_1397 : i32 to vector<128x128xi32>
    %shift_left3A_1399 = arith.shli %xor3A_1395, %shift_left3A_1398 : vector<128x128xi32>
    %shift_right_logical3A_1400 = arith.constant 6 : i32
    %shift_right_logical3A_1401 = vector.broadcast %shift_right_logical3A_1400 : i32 to vector<128x128xi32>
    %shift_right_logical3A_1402 = arith.shrui %xor3A_1395, %shift_right_logical3A_1401 : vector<128x128xi32>
    %or3A_1403 = arith.ori %shift_left3A_1399, %shift_right_logical3A_1402 : vector<128x128xi32>
    %xor3A_1404 = arith.xori %or3A_1403, %add3A_1396 : vector<128x128xi32>
    %add3A_1405 = arith.addi %add3A_1396, %xor3A_1404 : vector<128x128xi32>
    %shift_left3A_1406 = arith.constant 6 : i32
    %shift_left3A_1407 = vector.broadcast %shift_left3A_1406 : i32 to vector<128x128xi32>
    %shift_left3A_1408 = arith.shli %xor3A_1404, %shift_left3A_1407 : vector<128x128xi32>
    %shift_right_logical3A_1409 = arith.constant 26 : i32
    %shift_right_logical3A_1410 = vector.broadcast %shift_right_logical3A_1409 : i32 to vector<128x128xi32>
    %shift_right_logical3A_1411 = arith.shrui %xor3A_1404, %shift_right_logical3A_1410 : vector<128x128xi32>
    %or3A_1412 = arith.ori %shift_left3A_1408, %shift_right_logical3A_1411 : vector<128x128xi32>
    %xor3A_1413 = arith.xori %or3A_1412, %add3A_1405 : vector<128x128xi32>
    %add3A_1414 = arith.addi %add3A_1405, %add3A_210 : vector<128x128xi32>
    %add3A_1415 = arith.addi %xor3A_1413, %xor3A_1375 : vector<128x128xi32>
    %add3A_1416 = arith.constant 1 : i32
    %add3A_1417 = vector.broadcast %add3A_1416 : i32 to vector<128x128xi32>
    %add3A_1418 = arith.addi %add3A_1415, %add3A_1417 : vector<128x128xi32>
    %add3A_1419 = arith.addi %add3A_1414, %add3A_1418 : vector<128x128xi32>
    %shift_left3A_1420 = arith.constant 17 : i32
    %shift_left3A_1421 = vector.broadcast %shift_left3A_1420 : i32 to vector<128x128xi32>
    %shift_left3A_1422 = arith.shli %add3A_1418, %shift_left3A_1421 : vector<128x128xi32>
    %shift_right_logical3A_1423 = arith.constant 15 : i32
    %shift_right_logical3A_1424 = vector.broadcast %shift_right_logical3A_1423 : i32 to vector<128x128xi32>
    %shift_right_logical3A_1425 = arith.shrui %add3A_1418, %shift_right_logical3A_1424 : vector<128x128xi32>
    %or3A_1426 = arith.ori %shift_left3A_1422, %shift_right_logical3A_1425 : vector<128x128xi32>
    %xor3A_1427 = arith.xori %or3A_1426, %add3A_1419 : vector<128x128xi32>
    %add3A_1428 = arith.addi %add3A_1419, %xor3A_1427 : vector<128x128xi32>
    %shift_left3A_1429 = arith.constant 29 : i32
    %shift_left3A_1430 = vector.broadcast %shift_left3A_1429 : i32 to vector<128x128xi32>
    %shift_left3A_1431 = arith.shli %xor3A_1427, %shift_left3A_1430 : vector<128x128xi32>
    %shift_right_logical3A_1432 = arith.constant 3 : i32
    %shift_right_logical3A_1433 = vector.broadcast %shift_right_logical3A_1432 : i32 to vector<128x128xi32>
    %shift_right_logical3A_1434 = arith.shrui %xor3A_1427, %shift_right_logical3A_1433 : vector<128x128xi32>
    %or3A_1435 = arith.ori %shift_left3A_1431, %shift_right_logical3A_1434 : vector<128x128xi32>
    %xor3A_1436 = arith.xori %or3A_1435, %add3A_1428 : vector<128x128xi32>
    %add3A_1437 = arith.addi %add3A_1428, %xor3A_1436 : vector<128x128xi32>
    %shift_left3A_1438 = arith.constant 16 : i32
    %shift_left3A_1439 = vector.broadcast %shift_left3A_1438 : i32 to vector<128x128xi32>
    %shift_left3A_1440 = arith.shli %xor3A_1436, %shift_left3A_1439 : vector<128x128xi32>
    %shift_right_logical3A_1441 = arith.constant 16 : i32
    %shift_right_logical3A_1442 = vector.broadcast %shift_right_logical3A_1441 : i32 to vector<128x128xi32>
    %shift_right_logical3A_1443 = arith.shrui %xor3A_1436, %shift_right_logical3A_1442 : vector<128x128xi32>
    %or3A_1444 = arith.ori %shift_left3A_1440, %shift_right_logical3A_1443 : vector<128x128xi32>
    %xor3A_1445 = arith.xori %or3A_1444, %add3A_1437 : vector<128x128xi32>
    %add3A_1446 = arith.addi %add3A_1437, %xor3A_1445 : vector<128x128xi32>
    %shift_left3A_1447 = arith.constant 24 : i32
    %shift_left3A_1448 = vector.broadcast %shift_left3A_1447 : i32 to vector<128x128xi32>
    %shift_left3A_1449 = arith.shli %xor3A_1445, %shift_left3A_1448 : vector<128x128xi32>
    %shift_right_logical3A_1450 = arith.constant 8 : i32
    %shift_right_logical3A_1451 = vector.broadcast %shift_right_logical3A_1450 : i32 to vector<128x128xi32>
    %shift_right_logical3A_1452 = arith.shrui %xor3A_1445, %shift_right_logical3A_1451 : vector<128x128xi32>
    %or3A_1453 = arith.ori %shift_left3A_1449, %shift_right_logical3A_1452 : vector<128x128xi32>
    %xor3A_1454 = arith.xori %or3A_1453, %add3A_1446 : vector<128x128xi32>
    %add3A_1455 = arith.addi %add3A_1446, %xor3A_1375 : vector<128x128xi32>
    %add3A_1456 = arith.addi %xor3A_1454, %add3A_206 : vector<128x128xi32>
    %add3A_1457 = arith.constant 2 : i32
    %add3A_1458 = vector.broadcast %add3A_1457 : i32 to vector<128x128xi32>
    %add3A_1459 = arith.addi %add3A_1456, %add3A_1458 : vector<128x128xi32>
    %add3A_1460 = arith.addi %add3A_1455, %add3A_1459 : vector<128x128xi32>
    %shift_left3A_1461 = arith.constant 13 : i32
    %shift_left3A_1462 = vector.broadcast %shift_left3A_1461 : i32 to vector<128x128xi32>
    %shift_left3A_1463 = arith.shli %add3A_1459, %shift_left3A_1462 : vector<128x128xi32>
    %shift_right_logical3A_1464 = arith.constant 19 : i32
    %shift_right_logical3A_1465 = vector.broadcast %shift_right_logical3A_1464 : i32 to vector<128x128xi32>
    %shift_right_logical3A_1466 = arith.shrui %add3A_1459, %shift_right_logical3A_1465 : vector<128x128xi32>
    %or3A_1467 = arith.ori %shift_left3A_1463, %shift_right_logical3A_1466 : vector<128x128xi32>
    %xor3A_1468 = arith.xori %or3A_1467, %add3A_1460 : vector<128x128xi32>
    %add3A_1469 = arith.addi %add3A_1460, %xor3A_1468 : vector<128x128xi32>
    %shift_left3A_1470 = arith.constant 15 : i32
    %shift_left3A_1471 = vector.broadcast %shift_left3A_1470 : i32 to vector<128x128xi32>
    %shift_left3A_1472 = arith.shli %xor3A_1468, %shift_left3A_1471 : vector<128x128xi32>
    %shift_right_logical3A_1473 = arith.constant 17 : i32
    %shift_right_logical3A_1474 = vector.broadcast %shift_right_logical3A_1473 : i32 to vector<128x128xi32>
    %shift_right_logical3A_1475 = arith.shrui %xor3A_1468, %shift_right_logical3A_1474 : vector<128x128xi32>
    %or3A_1476 = arith.ori %shift_left3A_1472, %shift_right_logical3A_1475 : vector<128x128xi32>
    %xor3A_1477 = arith.xori %or3A_1476, %add3A_1469 : vector<128x128xi32>
    %add3A_1478 = arith.addi %add3A_1469, %xor3A_1477 : vector<128x128xi32>
    %shift_left3A_1479 = arith.constant 26 : i32
    %shift_left3A_1480 = vector.broadcast %shift_left3A_1479 : i32 to vector<128x128xi32>
    %shift_left3A_1481 = arith.shli %xor3A_1477, %shift_left3A_1480 : vector<128x128xi32>
    %shift_right_logical3A_1482 = arith.constant 6 : i32
    %shift_right_logical3A_1483 = vector.broadcast %shift_right_logical3A_1482 : i32 to vector<128x128xi32>
    %shift_right_logical3A_1484 = arith.shrui %xor3A_1477, %shift_right_logical3A_1483 : vector<128x128xi32>
    %or3A_1485 = arith.ori %shift_left3A_1481, %shift_right_logical3A_1484 : vector<128x128xi32>
    %xor3A_1486 = arith.xori %or3A_1485, %add3A_1478 : vector<128x128xi32>
    %add3A_1487 = arith.addi %add3A_1478, %xor3A_1486 : vector<128x128xi32>
    %shift_left3A_1488 = arith.constant 6 : i32
    %shift_left3A_1489 = vector.broadcast %shift_left3A_1488 : i32 to vector<128x128xi32>
    %shift_left3A_1490 = arith.shli %xor3A_1486, %shift_left3A_1489 : vector<128x128xi32>
    %shift_right_logical3A_1491 = arith.constant 26 : i32
    %shift_right_logical3A_1492 = vector.broadcast %shift_right_logical3A_1491 : i32 to vector<128x128xi32>
    %shift_right_logical3A_1493 = arith.shrui %xor3A_1486, %shift_right_logical3A_1492 : vector<128x128xi32>
    %or3A_1494 = arith.ori %shift_left3A_1490, %shift_right_logical3A_1493 : vector<128x128xi32>
    %xor3A_1495 = arith.xori %or3A_1494, %add3A_1487 : vector<128x128xi32>
    %add3A_1496 = arith.addi %add3A_1487, %add3A_206 : vector<128x128xi32>
    %add3A_1497 = arith.addi %xor3A_1495, %add3A_210 : vector<128x128xi32>
    %add3A_1498 = arith.constant 3 : i32
    %add3A_1499 = vector.broadcast %add3A_1498 : i32 to vector<128x128xi32>
    %add3A_1500 = arith.addi %add3A_1497, %add3A_1499 : vector<128x128xi32>
    %add3A_1501 = arith.addi %add3A_1496, %add3A_1500 : vector<128x128xi32>
    %shift_left3A_1502 = arith.constant 17 : i32
    %shift_left3A_1503 = vector.broadcast %shift_left3A_1502 : i32 to vector<128x128xi32>
    %shift_left3A_1504 = arith.shli %add3A_1500, %shift_left3A_1503 : vector<128x128xi32>
    %shift_right_logical3A_1505 = arith.constant 15 : i32
    %shift_right_logical3A_1506 = vector.broadcast %shift_right_logical3A_1505 : i32 to vector<128x128xi32>
    %shift_right_logical3A_1507 = arith.shrui %add3A_1500, %shift_right_logical3A_1506 : vector<128x128xi32>
    %or3A_1508 = arith.ori %shift_left3A_1504, %shift_right_logical3A_1507 : vector<128x128xi32>
    %xor3A_1509 = arith.xori %or3A_1508, %add3A_1501 : vector<128x128xi32>
    %add3A_1510 = arith.addi %add3A_1501, %xor3A_1509 : vector<128x128xi32>
    %shift_left3A_1511 = arith.constant 29 : i32
    %shift_left3A_1512 = vector.broadcast %shift_left3A_1511 : i32 to vector<128x128xi32>
    %shift_left3A_1513 = arith.shli %xor3A_1509, %shift_left3A_1512 : vector<128x128xi32>
    %shift_right_logical3A_1514 = arith.constant 3 : i32
    %shift_right_logical3A_1515 = vector.broadcast %shift_right_logical3A_1514 : i32 to vector<128x128xi32>
    %shift_right_logical3A_1516 = arith.shrui %xor3A_1509, %shift_right_logical3A_1515 : vector<128x128xi32>
    %or3A_1517 = arith.ori %shift_left3A_1513, %shift_right_logical3A_1516 : vector<128x128xi32>
    %xor3A_1518 = arith.xori %or3A_1517, %add3A_1510 : vector<128x128xi32>
    %add3A_1519 = arith.addi %add3A_1510, %xor3A_1518 : vector<128x128xi32>
    %shift_left3A_1520 = arith.constant 16 : i32
    %shift_left3A_1521 = vector.broadcast %shift_left3A_1520 : i32 to vector<128x128xi32>
    %shift_left3A_1522 = arith.shli %xor3A_1518, %shift_left3A_1521 : vector<128x128xi32>
    %shift_right_logical3A_1523 = arith.constant 16 : i32
    %shift_right_logical3A_1524 = vector.broadcast %shift_right_logical3A_1523 : i32 to vector<128x128xi32>
    %shift_right_logical3A_1525 = arith.shrui %xor3A_1518, %shift_right_logical3A_1524 : vector<128x128xi32>
    %or3A_1526 = arith.ori %shift_left3A_1522, %shift_right_logical3A_1525 : vector<128x128xi32>
    %xor3A_1527 = arith.xori %or3A_1526, %add3A_1519 : vector<128x128xi32>
    %add3A_1528 = arith.addi %add3A_1519, %xor3A_1527 : vector<128x128xi32>
    %shift_left3A_1529 = arith.constant 24 : i32
    %shift_left3A_1530 = vector.broadcast %shift_left3A_1529 : i32 to vector<128x128xi32>
    %shift_left3A_1531 = arith.shli %xor3A_1527, %shift_left3A_1530 : vector<128x128xi32>
    %shift_right_logical3A_1532 = arith.constant 8 : i32
    %shift_right_logical3A_1533 = vector.broadcast %shift_right_logical3A_1532 : i32 to vector<128x128xi32>
    %shift_right_logical3A_1534 = arith.shrui %xor3A_1527, %shift_right_logical3A_1533 : vector<128x128xi32>
    %or3A_1535 = arith.ori %shift_left3A_1531, %shift_right_logical3A_1534 : vector<128x128xi32>
    %xor3A_1536 = arith.xori %or3A_1535, %add3A_1528 : vector<128x128xi32>
    %add3A_1537 = arith.addi %add3A_1528, %add3A_210 : vector<128x128xi32>
    %add3A_1538 = arith.addi %xor3A_1536, %xor3A_1375 : vector<128x128xi32>
    %add3A_1539 = arith.constant 4 : i32
    %add3A_1540 = vector.broadcast %add3A_1539 : i32 to vector<128x128xi32>
    %add3A_1541 = arith.addi %add3A_1538, %add3A_1540 : vector<128x128xi32>
    %add3A_1542 = arith.addi %add3A_1537, %add3A_1541 : vector<128x128xi32>
    %shift_left3A_1543 = arith.constant 13 : i32
    %shift_left3A_1544 = vector.broadcast %shift_left3A_1543 : i32 to vector<128x128xi32>
    %shift_left3A_1545 = arith.shli %add3A_1541, %shift_left3A_1544 : vector<128x128xi32>
    %shift_right_logical3A_1546 = arith.constant 19 : i32
    %shift_right_logical3A_1547 = vector.broadcast %shift_right_logical3A_1546 : i32 to vector<128x128xi32>
    %shift_right_logical3A_1548 = arith.shrui %add3A_1541, %shift_right_logical3A_1547 : vector<128x128xi32>
    %or3A_1549 = arith.ori %shift_left3A_1545, %shift_right_logical3A_1548 : vector<128x128xi32>
    %xor3A_1550 = arith.xori %or3A_1549, %add3A_1542 : vector<128x128xi32>
    %add3A_1551 = arith.addi %add3A_1542, %xor3A_1550 : vector<128x128xi32>
    %shift_left3A_1552 = arith.constant 15 : i32
    %shift_left3A_1553 = vector.broadcast %shift_left3A_1552 : i32 to vector<128x128xi32>
    %shift_left3A_1554 = arith.shli %xor3A_1550, %shift_left3A_1553 : vector<128x128xi32>
    %shift_right_logical3A_1555 = arith.constant 17 : i32
    %shift_right_logical3A_1556 = vector.broadcast %shift_right_logical3A_1555 : i32 to vector<128x128xi32>
    %shift_right_logical3A_1557 = arith.shrui %xor3A_1550, %shift_right_logical3A_1556 : vector<128x128xi32>
    %or3A_1558 = arith.ori %shift_left3A_1554, %shift_right_logical3A_1557 : vector<128x128xi32>
    %xor3A_1559 = arith.xori %or3A_1558, %add3A_1551 : vector<128x128xi32>
    %add3A_1560 = arith.addi %add3A_1551, %xor3A_1559 : vector<128x128xi32>
    %shift_left3A_1561 = arith.constant 26 : i32
    %shift_left3A_1562 = vector.broadcast %shift_left3A_1561 : i32 to vector<128x128xi32>
    %shift_left3A_1563 = arith.shli %xor3A_1559, %shift_left3A_1562 : vector<128x128xi32>
    %shift_right_logical3A_1564 = arith.constant 6 : i32
    %shift_right_logical3A_1565 = vector.broadcast %shift_right_logical3A_1564 : i32 to vector<128x128xi32>
    %shift_right_logical3A_1566 = arith.shrui %xor3A_1559, %shift_right_logical3A_1565 : vector<128x128xi32>
    %or3A_1567 = arith.ori %shift_left3A_1563, %shift_right_logical3A_1566 : vector<128x128xi32>
    %xor3A_1568 = arith.xori %or3A_1567, %add3A_1560 : vector<128x128xi32>
    %add3A_1569 = arith.addi %add3A_1560, %xor3A_1568 : vector<128x128xi32>
    %shift_left3A_1570 = arith.constant 6 : i32
    %shift_left3A_1571 = vector.broadcast %shift_left3A_1570 : i32 to vector<128x128xi32>
    %shift_left3A_1572 = arith.shli %xor3A_1568, %shift_left3A_1571 : vector<128x128xi32>
    %shift_right_logical3A_1573 = arith.constant 26 : i32
    %shift_right_logical3A_1574 = vector.broadcast %shift_right_logical3A_1573 : i32 to vector<128x128xi32>
    %shift_right_logical3A_1575 = arith.shrui %xor3A_1568, %shift_right_logical3A_1574 : vector<128x128xi32>
    %or3A_1576 = arith.ori %shift_left3A_1572, %shift_right_logical3A_1575 : vector<128x128xi32>
    %xor3A_1577 = arith.xori %or3A_1576, %add3A_1569 : vector<128x128xi32>
    %add3A_1578 = arith.addi %add3A_1569, %xor3A_1375 : vector<128x128xi32>
    %add3A_1579 = arith.addi %xor3A_1577, %add3A_206 : vector<128x128xi32>
    %add3A_1580 = arith.constant 5 : i32
    %add3A_1581 = vector.broadcast %add3A_1580 : i32 to vector<128x128xi32>
    %add3A_1582 = arith.addi %add3A_1579, %add3A_1581 : vector<128x128xi32>
    %xor3A_1583 = arith.xori %add3A_1578, %add3A_1582 : vector<128x128xi32>
    %shift_right_logical3A_1584 = arith.constant 9 : i32
    %shift_right_logical3A_1585 = vector.broadcast %shift_right_logical3A_1584 : i32 to vector<128x128xi32>
    %shift_right_logical3A_1586 = arith.shrui %xor3A_1583, %shift_right_logical3A_1585 : vector<128x128xi32>
    %or3A_1587 = arith.constant 1065353216 : i32
    %or3A_1588 = vector.broadcast %or3A_1587 : i32 to vector<128x128xi32>
    %or3A_1589 = arith.ori %shift_right_logical3A_1586, %or3A_1588 : vector<128x128xi32>
    %bitcast_convert_type3A_1590 = tpu.bitcast %or3A_1589 : vector<128x128xi32> -> vector<128x128xf32>
    %sub3A_1591 = arith.constant 1.000000e+00 : f32
    %sub3A_1592 = vector.broadcast %sub3A_1591 : f32 to vector<128x128xf32>
    %sub3A_1593 = arith.subf %bitcast_convert_type3A_1590, %sub3A_1592 : vector<128x128xf32>
    %lt3A_1594 = arith.constant 1.000000e-01 : f32
    %lt3A_1595 = vector.broadcast %lt3A_1594 : f32 to vector<128x128xf32>
    %lt3A_1596 = arith.cmpf olt, %sub3A_1593, %lt3A_1595 : vector<128x128xf32>
    %convert_element_type3A_1597 = arith.extui %lt3A_1596 : vector<128x128xi1> to vector<128x128xi32>
    %shift_left3A_1598 = arith.constant 8 : i32
    %shift_left3A_1599 = vector.broadcast %shift_left3A_1598 : i32 to vector<128x128xi32>
    %shift_left3A_1600 = arith.shli %convert_element_type3A_1597, %shift_left3A_1599 : vector<128x128xi32>
    %or3A_1601 = arith.ori %or3A_1369, %shift_left3A_1600 : vector<128x128xi32>
    %broadcast_in_dim3A_1602 = arith.constant 6 : i32
    %broadcast_in_dim3A_1603 = vector.broadcast %broadcast_in_dim3A_1602 : i32 to vector<128x128xi32>
    %xor3A_1604 = arith.xori %add3A_206, %add3A_210 : vector<128x128xi32>
    %xor3A_1605 = arith.constant 466688986 : i32
    %xor3A_1606 = vector.broadcast %xor3A_1605 : i32 to vector<128x128xi32>
    %xor3A_1607 = arith.xori %xor3A_1604, %xor3A_1606 : vector<128x128xi32>
    %add3A_1608 = arith.addi %broadcast_in_dim3A_2, %add3A_206 : vector<128x128xi32>
    %add3A_1609 = arith.addi %broadcast_in_dim3A_1603, %add3A_210 : vector<128x128xi32>
    %add3A_1610 = arith.addi %add3A_1608, %add3A_1609 : vector<128x128xi32>
    %shift_left3A_1611 = arith.constant 13 : i32
    %shift_left3A_1612 = vector.broadcast %shift_left3A_1611 : i32 to vector<128x128xi32>
    %shift_left3A_1613 = arith.shli %add3A_1609, %shift_left3A_1612 : vector<128x128xi32>
    %shift_right_logical3A_1614 = arith.constant 19 : i32
    %shift_right_logical3A_1615 = vector.broadcast %shift_right_logical3A_1614 : i32 to vector<128x128xi32>
    %shift_right_logical3A_1616 = arith.shrui %add3A_1609, %shift_right_logical3A_1615 : vector<128x128xi32>
    %or3A_1617 = arith.ori %shift_left3A_1613, %shift_right_logical3A_1616 : vector<128x128xi32>
    %xor3A_1618 = arith.xori %or3A_1617, %add3A_1610 : vector<128x128xi32>
    %add3A_1619 = arith.addi %add3A_1610, %xor3A_1618 : vector<128x128xi32>
    %shift_left3A_1620 = arith.constant 15 : i32
    %shift_left3A_1621 = vector.broadcast %shift_left3A_1620 : i32 to vector<128x128xi32>
    %shift_left3A_1622 = arith.shli %xor3A_1618, %shift_left3A_1621 : vector<128x128xi32>
    %shift_right_logical3A_1623 = arith.constant 17 : i32
    %shift_right_logical3A_1624 = vector.broadcast %shift_right_logical3A_1623 : i32 to vector<128x128xi32>
    %shift_right_logical3A_1625 = arith.shrui %xor3A_1618, %shift_right_logical3A_1624 : vector<128x128xi32>
    %or3A_1626 = arith.ori %shift_left3A_1622, %shift_right_logical3A_1625 : vector<128x128xi32>
    %xor3A_1627 = arith.xori %or3A_1626, %add3A_1619 : vector<128x128xi32>
    %add3A_1628 = arith.addi %add3A_1619, %xor3A_1627 : vector<128x128xi32>
    %shift_left3A_1629 = arith.constant 26 : i32
    %shift_left3A_1630 = vector.broadcast %shift_left3A_1629 : i32 to vector<128x128xi32>
    %shift_left3A_1631 = arith.shli %xor3A_1627, %shift_left3A_1630 : vector<128x128xi32>
    %shift_right_logical3A_1632 = arith.constant 6 : i32
    %shift_right_logical3A_1633 = vector.broadcast %shift_right_logical3A_1632 : i32 to vector<128x128xi32>
    %shift_right_logical3A_1634 = arith.shrui %xor3A_1627, %shift_right_logical3A_1633 : vector<128x128xi32>
    %or3A_1635 = arith.ori %shift_left3A_1631, %shift_right_logical3A_1634 : vector<128x128xi32>
    %xor3A_1636 = arith.xori %or3A_1635, %add3A_1628 : vector<128x128xi32>
    %add3A_1637 = arith.addi %add3A_1628, %xor3A_1636 : vector<128x128xi32>
    %shift_left3A_1638 = arith.constant 6 : i32
    %shift_left3A_1639 = vector.broadcast %shift_left3A_1638 : i32 to vector<128x128xi32>
    %shift_left3A_1640 = arith.shli %xor3A_1636, %shift_left3A_1639 : vector<128x128xi32>
    %shift_right_logical3A_1641 = arith.constant 26 : i32
    %shift_right_logical3A_1642 = vector.broadcast %shift_right_logical3A_1641 : i32 to vector<128x128xi32>
    %shift_right_logical3A_1643 = arith.shrui %xor3A_1636, %shift_right_logical3A_1642 : vector<128x128xi32>
    %or3A_1644 = arith.ori %shift_left3A_1640, %shift_right_logical3A_1643 : vector<128x128xi32>
    %xor3A_1645 = arith.xori %or3A_1644, %add3A_1637 : vector<128x128xi32>
    %add3A_1646 = arith.addi %add3A_1637, %add3A_210 : vector<128x128xi32>
    %add3A_1647 = arith.addi %xor3A_1645, %xor3A_1607 : vector<128x128xi32>
    %add3A_1648 = arith.constant 1 : i32
    %add3A_1649 = vector.broadcast %add3A_1648 : i32 to vector<128x128xi32>
    %add3A_1650 = arith.addi %add3A_1647, %add3A_1649 : vector<128x128xi32>
    %add3A_1651 = arith.addi %add3A_1646, %add3A_1650 : vector<128x128xi32>
    %shift_left3A_1652 = arith.constant 17 : i32
    %shift_left3A_1653 = vector.broadcast %shift_left3A_1652 : i32 to vector<128x128xi32>
    %shift_left3A_1654 = arith.shli %add3A_1650, %shift_left3A_1653 : vector<128x128xi32>
    %shift_right_logical3A_1655 = arith.constant 15 : i32
    %shift_right_logical3A_1656 = vector.broadcast %shift_right_logical3A_1655 : i32 to vector<128x128xi32>
    %shift_right_logical3A_1657 = arith.shrui %add3A_1650, %shift_right_logical3A_1656 : vector<128x128xi32>
    %or3A_1658 = arith.ori %shift_left3A_1654, %shift_right_logical3A_1657 : vector<128x128xi32>
    %xor3A_1659 = arith.xori %or3A_1658, %add3A_1651 : vector<128x128xi32>
    %add3A_1660 = arith.addi %add3A_1651, %xor3A_1659 : vector<128x128xi32>
    %shift_left3A_1661 = arith.constant 29 : i32
    %shift_left3A_1662 = vector.broadcast %shift_left3A_1661 : i32 to vector<128x128xi32>
    %shift_left3A_1663 = arith.shli %xor3A_1659, %shift_left3A_1662 : vector<128x128xi32>
    %shift_right_logical3A_1664 = arith.constant 3 : i32
    %shift_right_logical3A_1665 = vector.broadcast %shift_right_logical3A_1664 : i32 to vector<128x128xi32>
    %shift_right_logical3A_1666 = arith.shrui %xor3A_1659, %shift_right_logical3A_1665 : vector<128x128xi32>
    %or3A_1667 = arith.ori %shift_left3A_1663, %shift_right_logical3A_1666 : vector<128x128xi32>
    %xor3A_1668 = arith.xori %or3A_1667, %add3A_1660 : vector<128x128xi32>
    %add3A_1669 = arith.addi %add3A_1660, %xor3A_1668 : vector<128x128xi32>
    %shift_left3A_1670 = arith.constant 16 : i32
    %shift_left3A_1671 = vector.broadcast %shift_left3A_1670 : i32 to vector<128x128xi32>
    %shift_left3A_1672 = arith.shli %xor3A_1668, %shift_left3A_1671 : vector<128x128xi32>
    %shift_right_logical3A_1673 = arith.constant 16 : i32
    %shift_right_logical3A_1674 = vector.broadcast %shift_right_logical3A_1673 : i32 to vector<128x128xi32>
    %shift_right_logical3A_1675 = arith.shrui %xor3A_1668, %shift_right_logical3A_1674 : vector<128x128xi32>
    %or3A_1676 = arith.ori %shift_left3A_1672, %shift_right_logical3A_1675 : vector<128x128xi32>
    %xor3A_1677 = arith.xori %or3A_1676, %add3A_1669 : vector<128x128xi32>
    %add3A_1678 = arith.addi %add3A_1669, %xor3A_1677 : vector<128x128xi32>
    %shift_left3A_1679 = arith.constant 24 : i32
    %shift_left3A_1680 = vector.broadcast %shift_left3A_1679 : i32 to vector<128x128xi32>
    %shift_left3A_1681 = arith.shli %xor3A_1677, %shift_left3A_1680 : vector<128x128xi32>
    %shift_right_logical3A_1682 = arith.constant 8 : i32
    %shift_right_logical3A_1683 = vector.broadcast %shift_right_logical3A_1682 : i32 to vector<128x128xi32>
    %shift_right_logical3A_1684 = arith.shrui %xor3A_1677, %shift_right_logical3A_1683 : vector<128x128xi32>
    %or3A_1685 = arith.ori %shift_left3A_1681, %shift_right_logical3A_1684 : vector<128x128xi32>
    %xor3A_1686 = arith.xori %or3A_1685, %add3A_1678 : vector<128x128xi32>
    %add3A_1687 = arith.addi %add3A_1678, %xor3A_1607 : vector<128x128xi32>
    %add3A_1688 = arith.addi %xor3A_1686, %add3A_206 : vector<128x128xi32>
    %add3A_1689 = arith.constant 2 : i32
    %add3A_1690 = vector.broadcast %add3A_1689 : i32 to vector<128x128xi32>
    %add3A_1691 = arith.addi %add3A_1688, %add3A_1690 : vector<128x128xi32>
    %add3A_1692 = arith.addi %add3A_1687, %add3A_1691 : vector<128x128xi32>
    %shift_left3A_1693 = arith.constant 13 : i32
    %shift_left3A_1694 = vector.broadcast %shift_left3A_1693 : i32 to vector<128x128xi32>
    %shift_left3A_1695 = arith.shli %add3A_1691, %shift_left3A_1694 : vector<128x128xi32>
    %shift_right_logical3A_1696 = arith.constant 19 : i32
    %shift_right_logical3A_1697 = vector.broadcast %shift_right_logical3A_1696 : i32 to vector<128x128xi32>
    %shift_right_logical3A_1698 = arith.shrui %add3A_1691, %shift_right_logical3A_1697 : vector<128x128xi32>
    %or3A_1699 = arith.ori %shift_left3A_1695, %shift_right_logical3A_1698 : vector<128x128xi32>
    %xor3A_1700 = arith.xori %or3A_1699, %add3A_1692 : vector<128x128xi32>
    %add3A_1701 = arith.addi %add3A_1692, %xor3A_1700 : vector<128x128xi32>
    %shift_left3A_1702 = arith.constant 15 : i32
    %shift_left3A_1703 = vector.broadcast %shift_left3A_1702 : i32 to vector<128x128xi32>
    %shift_left3A_1704 = arith.shli %xor3A_1700, %shift_left3A_1703 : vector<128x128xi32>
    %shift_right_logical3A_1705 = arith.constant 17 : i32
    %shift_right_logical3A_1706 = vector.broadcast %shift_right_logical3A_1705 : i32 to vector<128x128xi32>
    %shift_right_logical3A_1707 = arith.shrui %xor3A_1700, %shift_right_logical3A_1706 : vector<128x128xi32>
    %or3A_1708 = arith.ori %shift_left3A_1704, %shift_right_logical3A_1707 : vector<128x128xi32>
    %xor3A_1709 = arith.xori %or3A_1708, %add3A_1701 : vector<128x128xi32>
    %add3A_1710 = arith.addi %add3A_1701, %xor3A_1709 : vector<128x128xi32>
    %shift_left3A_1711 = arith.constant 26 : i32
    %shift_left3A_1712 = vector.broadcast %shift_left3A_1711 : i32 to vector<128x128xi32>
    %shift_left3A_1713 = arith.shli %xor3A_1709, %shift_left3A_1712 : vector<128x128xi32>
    %shift_right_logical3A_1714 = arith.constant 6 : i32
    %shift_right_logical3A_1715 = vector.broadcast %shift_right_logical3A_1714 : i32 to vector<128x128xi32>
    %shift_right_logical3A_1716 = arith.shrui %xor3A_1709, %shift_right_logical3A_1715 : vector<128x128xi32>
    %or3A_1717 = arith.ori %shift_left3A_1713, %shift_right_logical3A_1716 : vector<128x128xi32>
    %xor3A_1718 = arith.xori %or3A_1717, %add3A_1710 : vector<128x128xi32>
    %add3A_1719 = arith.addi %add3A_1710, %xor3A_1718 : vector<128x128xi32>
    %shift_left3A_1720 = arith.constant 6 : i32
    %shift_left3A_1721 = vector.broadcast %shift_left3A_1720 : i32 to vector<128x128xi32>
    %shift_left3A_1722 = arith.shli %xor3A_1718, %shift_left3A_1721 : vector<128x128xi32>
    %shift_right_logical3A_1723 = arith.constant 26 : i32
    %shift_right_logical3A_1724 = vector.broadcast %shift_right_logical3A_1723 : i32 to vector<128x128xi32>
    %shift_right_logical3A_1725 = arith.shrui %xor3A_1718, %shift_right_logical3A_1724 : vector<128x128xi32>
    %or3A_1726 = arith.ori %shift_left3A_1722, %shift_right_logical3A_1725 : vector<128x128xi32>
    %xor3A_1727 = arith.xori %or3A_1726, %add3A_1719 : vector<128x128xi32>
    %add3A_1728 = arith.addi %add3A_1719, %add3A_206 : vector<128x128xi32>
    %add3A_1729 = arith.addi %xor3A_1727, %add3A_210 : vector<128x128xi32>
    %add3A_1730 = arith.constant 3 : i32
    %add3A_1731 = vector.broadcast %add3A_1730 : i32 to vector<128x128xi32>
    %add3A_1732 = arith.addi %add3A_1729, %add3A_1731 : vector<128x128xi32>
    %add3A_1733 = arith.addi %add3A_1728, %add3A_1732 : vector<128x128xi32>
    %shift_left3A_1734 = arith.constant 17 : i32
    %shift_left3A_1735 = vector.broadcast %shift_left3A_1734 : i32 to vector<128x128xi32>
    %shift_left3A_1736 = arith.shli %add3A_1732, %shift_left3A_1735 : vector<128x128xi32>
    %shift_right_logical3A_1737 = arith.constant 15 : i32
    %shift_right_logical3A_1738 = vector.broadcast %shift_right_logical3A_1737 : i32 to vector<128x128xi32>
    %shift_right_logical3A_1739 = arith.shrui %add3A_1732, %shift_right_logical3A_1738 : vector<128x128xi32>
    %or3A_1740 = arith.ori %shift_left3A_1736, %shift_right_logical3A_1739 : vector<128x128xi32>
    %xor3A_1741 = arith.xori %or3A_1740, %add3A_1733 : vector<128x128xi32>
    %add3A_1742 = arith.addi %add3A_1733, %xor3A_1741 : vector<128x128xi32>
    %shift_left3A_1743 = arith.constant 29 : i32
    %shift_left3A_1744 = vector.broadcast %shift_left3A_1743 : i32 to vector<128x128xi32>
    %shift_left3A_1745 = arith.shli %xor3A_1741, %shift_left3A_1744 : vector<128x128xi32>
    %shift_right_logical3A_1746 = arith.constant 3 : i32
    %shift_right_logical3A_1747 = vector.broadcast %shift_right_logical3A_1746 : i32 to vector<128x128xi32>
    %shift_right_logical3A_1748 = arith.shrui %xor3A_1741, %shift_right_logical3A_1747 : vector<128x128xi32>
    %or3A_1749 = arith.ori %shift_left3A_1745, %shift_right_logical3A_1748 : vector<128x128xi32>
    %xor3A_1750 = arith.xori %or3A_1749, %add3A_1742 : vector<128x128xi32>
    %add3A_1751 = arith.addi %add3A_1742, %xor3A_1750 : vector<128x128xi32>
    %shift_left3A_1752 = arith.constant 16 : i32
    %shift_left3A_1753 = vector.broadcast %shift_left3A_1752 : i32 to vector<128x128xi32>
    %shift_left3A_1754 = arith.shli %xor3A_1750, %shift_left3A_1753 : vector<128x128xi32>
    %shift_right_logical3A_1755 = arith.constant 16 : i32
    %shift_right_logical3A_1756 = vector.broadcast %shift_right_logical3A_1755 : i32 to vector<128x128xi32>
    %shift_right_logical3A_1757 = arith.shrui %xor3A_1750, %shift_right_logical3A_1756 : vector<128x128xi32>
    %or3A_1758 = arith.ori %shift_left3A_1754, %shift_right_logical3A_1757 : vector<128x128xi32>
    %xor3A_1759 = arith.xori %or3A_1758, %add3A_1751 : vector<128x128xi32>
    %add3A_1760 = arith.addi %add3A_1751, %xor3A_1759 : vector<128x128xi32>
    %shift_left3A_1761 = arith.constant 24 : i32
    %shift_left3A_1762 = vector.broadcast %shift_left3A_1761 : i32 to vector<128x128xi32>
    %shift_left3A_1763 = arith.shli %xor3A_1759, %shift_left3A_1762 : vector<128x128xi32>
    %shift_right_logical3A_1764 = arith.constant 8 : i32
    %shift_right_logical3A_1765 = vector.broadcast %shift_right_logical3A_1764 : i32 to vector<128x128xi32>
    %shift_right_logical3A_1766 = arith.shrui %xor3A_1759, %shift_right_logical3A_1765 : vector<128x128xi32>
    %or3A_1767 = arith.ori %shift_left3A_1763, %shift_right_logical3A_1766 : vector<128x128xi32>
    %xor3A_1768 = arith.xori %or3A_1767, %add3A_1760 : vector<128x128xi32>
    %add3A_1769 = arith.addi %add3A_1760, %add3A_210 : vector<128x128xi32>
    %add3A_1770 = arith.addi %xor3A_1768, %xor3A_1607 : vector<128x128xi32>
    %add3A_1771 = arith.constant 4 : i32
    %add3A_1772 = vector.broadcast %add3A_1771 : i32 to vector<128x128xi32>
    %add3A_1773 = arith.addi %add3A_1770, %add3A_1772 : vector<128x128xi32>
    %add3A_1774 = arith.addi %add3A_1769, %add3A_1773 : vector<128x128xi32>
    %shift_left3A_1775 = arith.constant 13 : i32
    %shift_left3A_1776 = vector.broadcast %shift_left3A_1775 : i32 to vector<128x128xi32>
    %shift_left3A_1777 = arith.shli %add3A_1773, %shift_left3A_1776 : vector<128x128xi32>
    %shift_right_logical3A_1778 = arith.constant 19 : i32
    %shift_right_logical3A_1779 = vector.broadcast %shift_right_logical3A_1778 : i32 to vector<128x128xi32>
    %shift_right_logical3A_1780 = arith.shrui %add3A_1773, %shift_right_logical3A_1779 : vector<128x128xi32>
    %or3A_1781 = arith.ori %shift_left3A_1777, %shift_right_logical3A_1780 : vector<128x128xi32>
    %xor3A_1782 = arith.xori %or3A_1781, %add3A_1774 : vector<128x128xi32>
    %add3A_1783 = arith.addi %add3A_1774, %xor3A_1782 : vector<128x128xi32>
    %shift_left3A_1784 = arith.constant 15 : i32
    %shift_left3A_1785 = vector.broadcast %shift_left3A_1784 : i32 to vector<128x128xi32>
    %shift_left3A_1786 = arith.shli %xor3A_1782, %shift_left3A_1785 : vector<128x128xi32>
    %shift_right_logical3A_1787 = arith.constant 17 : i32
    %shift_right_logical3A_1788 = vector.broadcast %shift_right_logical3A_1787 : i32 to vector<128x128xi32>
    %shift_right_logical3A_1789 = arith.shrui %xor3A_1782, %shift_right_logical3A_1788 : vector<128x128xi32>
    %or3A_1790 = arith.ori %shift_left3A_1786, %shift_right_logical3A_1789 : vector<128x128xi32>
    %xor3A_1791 = arith.xori %or3A_1790, %add3A_1783 : vector<128x128xi32>
    %add3A_1792 = arith.addi %add3A_1783, %xor3A_1791 : vector<128x128xi32>
    %shift_left3A_1793 = arith.constant 26 : i32
    %shift_left3A_1794 = vector.broadcast %shift_left3A_1793 : i32 to vector<128x128xi32>
    %shift_left3A_1795 = arith.shli %xor3A_1791, %shift_left3A_1794 : vector<128x128xi32>
    %shift_right_logical3A_1796 = arith.constant 6 : i32
    %shift_right_logical3A_1797 = vector.broadcast %shift_right_logical3A_1796 : i32 to vector<128x128xi32>
    %shift_right_logical3A_1798 = arith.shrui %xor3A_1791, %shift_right_logical3A_1797 : vector<128x128xi32>
    %or3A_1799 = arith.ori %shift_left3A_1795, %shift_right_logical3A_1798 : vector<128x128xi32>
    %xor3A_1800 = arith.xori %or3A_1799, %add3A_1792 : vector<128x128xi32>
    %add3A_1801 = arith.addi %add3A_1792, %xor3A_1800 : vector<128x128xi32>
    %shift_left3A_1802 = arith.constant 6 : i32
    %shift_left3A_1803 = vector.broadcast %shift_left3A_1802 : i32 to vector<128x128xi32>
    %shift_left3A_1804 = arith.shli %xor3A_1800, %shift_left3A_1803 : vector<128x128xi32>
    %shift_right_logical3A_1805 = arith.constant 26 : i32
    %shift_right_logical3A_1806 = vector.broadcast %shift_right_logical3A_1805 : i32 to vector<128x128xi32>
    %shift_right_logical3A_1807 = arith.shrui %xor3A_1800, %shift_right_logical3A_1806 : vector<128x128xi32>
    %or3A_1808 = arith.ori %shift_left3A_1804, %shift_right_logical3A_1807 : vector<128x128xi32>
    %xor3A_1809 = arith.xori %or3A_1808, %add3A_1801 : vector<128x128xi32>
    %add3A_1810 = arith.addi %add3A_1801, %xor3A_1607 : vector<128x128xi32>
    %add3A_1811 = arith.addi %xor3A_1809, %add3A_206 : vector<128x128xi32>
    %add3A_1812 = arith.constant 5 : i32
    %add3A_1813 = vector.broadcast %add3A_1812 : i32 to vector<128x128xi32>
    %add3A_1814 = arith.addi %add3A_1811, %add3A_1813 : vector<128x128xi32>
    %xor3A_1815 = arith.xori %add3A_1810, %add3A_1814 : vector<128x128xi32>
    %shift_right_logical3A_1816 = arith.constant 9 : i32
    %shift_right_logical3A_1817 = vector.broadcast %shift_right_logical3A_1816 : i32 to vector<128x128xi32>
    %shift_right_logical3A_1818 = arith.shrui %xor3A_1815, %shift_right_logical3A_1817 : vector<128x128xi32>
    %or3A_1819 = arith.constant 1065353216 : i32
    %or3A_1820 = vector.broadcast %or3A_1819 : i32 to vector<128x128xi32>
    %or3A_1821 = arith.ori %shift_right_logical3A_1818, %or3A_1820 : vector<128x128xi32>
    %bitcast_convert_type3A_1822 = tpu.bitcast %or3A_1821 : vector<128x128xi32> -> vector<128x128xf32>
    %sub3A_1823 = arith.constant 1.000000e+00 : f32
    %sub3A_1824 = vector.broadcast %sub3A_1823 : f32 to vector<128x128xf32>
    %sub3A_1825 = arith.subf %bitcast_convert_type3A_1822, %sub3A_1824 : vector<128x128xf32>
    %lt3A_1826 = arith.constant 1.000000e-01 : f32
    %lt3A_1827 = vector.broadcast %lt3A_1826 : f32 to vector<128x128xf32>
    %lt3A_1828 = arith.cmpf olt, %sub3A_1825, %lt3A_1827 : vector<128x128xf32>
    %convert_element_type3A_1829 = arith.extui %lt3A_1828 : vector<128x128xi1> to vector<128x128xi32>
    %shift_left3A_1830 = arith.constant 9 : i32
    %shift_left3A_1831 = vector.broadcast %shift_left3A_1830 : i32 to vector<128x128xi32>
    %shift_left3A_1832 = arith.shli %convert_element_type3A_1829, %shift_left3A_1831 : vector<128x128xi32>
    %or3A_1833 = arith.ori %or3A_1601, %shift_left3A_1832 : vector<128x128xi32>
    %broadcast_in_dim3A_1834 = arith.constant 7 : i32
    %broadcast_in_dim3A_1835 = vector.broadcast %broadcast_in_dim3A_1834 : i32 to vector<128x128xi32>
    %xor3A_1836 = arith.xori %add3A_206, %add3A_210 : vector<128x128xi32>
    %xor3A_1837 = arith.constant 466688986 : i32
    %xor3A_1838 = vector.broadcast %xor3A_1837 : i32 to vector<128x128xi32>
    %xor3A_1839 = arith.xori %xor3A_1836, %xor3A_1838 : vector<128x128xi32>
    %add3A_1840 = arith.addi %broadcast_in_dim3A_2, %add3A_206 : vector<128x128xi32>
    %add3A_1841 = arith.addi %broadcast_in_dim3A_1835, %add3A_210 : vector<128x128xi32>
    %add3A_1842 = arith.addi %add3A_1840, %add3A_1841 : vector<128x128xi32>
    %shift_left3A_1843 = arith.constant 13 : i32
    %shift_left3A_1844 = vector.broadcast %shift_left3A_1843 : i32 to vector<128x128xi32>
    %shift_left3A_1845 = arith.shli %add3A_1841, %shift_left3A_1844 : vector<128x128xi32>
    %shift_right_logical3A_1846 = arith.constant 19 : i32
    %shift_right_logical3A_1847 = vector.broadcast %shift_right_logical3A_1846 : i32 to vector<128x128xi32>
    %shift_right_logical3A_1848 = arith.shrui %add3A_1841, %shift_right_logical3A_1847 : vector<128x128xi32>
    %or3A_1849 = arith.ori %shift_left3A_1845, %shift_right_logical3A_1848 : vector<128x128xi32>
    %xor3A_1850 = arith.xori %or3A_1849, %add3A_1842 : vector<128x128xi32>
    %add3A_1851 = arith.addi %add3A_1842, %xor3A_1850 : vector<128x128xi32>
    %shift_left3A_1852 = arith.constant 15 : i32
    %shift_left3A_1853 = vector.broadcast %shift_left3A_1852 : i32 to vector<128x128xi32>
    %shift_left3A_1854 = arith.shli %xor3A_1850, %shift_left3A_1853 : vector<128x128xi32>
    %shift_right_logical3A_1855 = arith.constant 17 : i32
    %shift_right_logical3A_1856 = vector.broadcast %shift_right_logical3A_1855 : i32 to vector<128x128xi32>
    %shift_right_logical3A_1857 = arith.shrui %xor3A_1850, %shift_right_logical3A_1856 : vector<128x128xi32>
    %or3A_1858 = arith.ori %shift_left3A_1854, %shift_right_logical3A_1857 : vector<128x128xi32>
    %xor3A_1859 = arith.xori %or3A_1858, %add3A_1851 : vector<128x128xi32>
    %add3A_1860 = arith.addi %add3A_1851, %xor3A_1859 : vector<128x128xi32>
    %shift_left3A_1861 = arith.constant 26 : i32
    %shift_left3A_1862 = vector.broadcast %shift_left3A_1861 : i32 to vector<128x128xi32>
    %shift_left3A_1863 = arith.shli %xor3A_1859, %shift_left3A_1862 : vector<128x128xi32>
    %shift_right_logical3A_1864 = arith.constant 6 : i32
    %shift_right_logical3A_1865 = vector.broadcast %shift_right_logical3A_1864 : i32 to vector<128x128xi32>
    %shift_right_logical3A_1866 = arith.shrui %xor3A_1859, %shift_right_logical3A_1865 : vector<128x128xi32>
    %or3A_1867 = arith.ori %shift_left3A_1863, %shift_right_logical3A_1866 : vector<128x128xi32>
    %xor3A_1868 = arith.xori %or3A_1867, %add3A_1860 : vector<128x128xi32>
    %add3A_1869 = arith.addi %add3A_1860, %xor3A_1868 : vector<128x128xi32>
    %shift_left3A_1870 = arith.constant 6 : i32
    %shift_left3A_1871 = vector.broadcast %shift_left3A_1870 : i32 to vector<128x128xi32>
    %shift_left3A_1872 = arith.shli %xor3A_1868, %shift_left3A_1871 : vector<128x128xi32>
    %shift_right_logical3A_1873 = arith.constant 26 : i32
    %shift_right_logical3A_1874 = vector.broadcast %shift_right_logical3A_1873 : i32 to vector<128x128xi32>
    %shift_right_logical3A_1875 = arith.shrui %xor3A_1868, %shift_right_logical3A_1874 : vector<128x128xi32>
    %or3A_1876 = arith.ori %shift_left3A_1872, %shift_right_logical3A_1875 : vector<128x128xi32>
    %xor3A_1877 = arith.xori %or3A_1876, %add3A_1869 : vector<128x128xi32>
    %add3A_1878 = arith.addi %add3A_1869, %add3A_210 : vector<128x128xi32>
    %add3A_1879 = arith.addi %xor3A_1877, %xor3A_1839 : vector<128x128xi32>
    %add3A_1880 = arith.constant 1 : i32
    %add3A_1881 = vector.broadcast %add3A_1880 : i32 to vector<128x128xi32>
    %add3A_1882 = arith.addi %add3A_1879, %add3A_1881 : vector<128x128xi32>
    %add3A_1883 = arith.addi %add3A_1878, %add3A_1882 : vector<128x128xi32>
    %shift_left3A_1884 = arith.constant 17 : i32
    %shift_left3A_1885 = vector.broadcast %shift_left3A_1884 : i32 to vector<128x128xi32>
    %shift_left3A_1886 = arith.shli %add3A_1882, %shift_left3A_1885 : vector<128x128xi32>
    %shift_right_logical3A_1887 = arith.constant 15 : i32
    %shift_right_logical3A_1888 = vector.broadcast %shift_right_logical3A_1887 : i32 to vector<128x128xi32>
    %shift_right_logical3A_1889 = arith.shrui %add3A_1882, %shift_right_logical3A_1888 : vector<128x128xi32>
    %or3A_1890 = arith.ori %shift_left3A_1886, %shift_right_logical3A_1889 : vector<128x128xi32>
    %xor3A_1891 = arith.xori %or3A_1890, %add3A_1883 : vector<128x128xi32>
    %add3A_1892 = arith.addi %add3A_1883, %xor3A_1891 : vector<128x128xi32>
    %shift_left3A_1893 = arith.constant 29 : i32
    %shift_left3A_1894 = vector.broadcast %shift_left3A_1893 : i32 to vector<128x128xi32>
    %shift_left3A_1895 = arith.shli %xor3A_1891, %shift_left3A_1894 : vector<128x128xi32>
    %shift_right_logical3A_1896 = arith.constant 3 : i32
    %shift_right_logical3A_1897 = vector.broadcast %shift_right_logical3A_1896 : i32 to vector<128x128xi32>
    %shift_right_logical3A_1898 = arith.shrui %xor3A_1891, %shift_right_logical3A_1897 : vector<128x128xi32>
    %or3A_1899 = arith.ori %shift_left3A_1895, %shift_right_logical3A_1898 : vector<128x128xi32>
    %xor3A_1900 = arith.xori %or3A_1899, %add3A_1892 : vector<128x128xi32>
    %add3A_1901 = arith.addi %add3A_1892, %xor3A_1900 : vector<128x128xi32>
    %shift_left3A_1902 = arith.constant 16 : i32
    %shift_left3A_1903 = vector.broadcast %shift_left3A_1902 : i32 to vector<128x128xi32>
    %shift_left3A_1904 = arith.shli %xor3A_1900, %shift_left3A_1903 : vector<128x128xi32>
    %shift_right_logical3A_1905 = arith.constant 16 : i32
    %shift_right_logical3A_1906 = vector.broadcast %shift_right_logical3A_1905 : i32 to vector<128x128xi32>
    %shift_right_logical3A_1907 = arith.shrui %xor3A_1900, %shift_right_logical3A_1906 : vector<128x128xi32>
    %or3A_1908 = arith.ori %shift_left3A_1904, %shift_right_logical3A_1907 : vector<128x128xi32>
    %xor3A_1909 = arith.xori %or3A_1908, %add3A_1901 : vector<128x128xi32>
    %add3A_1910 = arith.addi %add3A_1901, %xor3A_1909 : vector<128x128xi32>
    %shift_left3A_1911 = arith.constant 24 : i32
    %shift_left3A_1912 = vector.broadcast %shift_left3A_1911 : i32 to vector<128x128xi32>
    %shift_left3A_1913 = arith.shli %xor3A_1909, %shift_left3A_1912 : vector<128x128xi32>
    %shift_right_logical3A_1914 = arith.constant 8 : i32
    %shift_right_logical3A_1915 = vector.broadcast %shift_right_logical3A_1914 : i32 to vector<128x128xi32>
    %shift_right_logical3A_1916 = arith.shrui %xor3A_1909, %shift_right_logical3A_1915 : vector<128x128xi32>
    %or3A_1917 = arith.ori %shift_left3A_1913, %shift_right_logical3A_1916 : vector<128x128xi32>
    %xor3A_1918 = arith.xori %or3A_1917, %add3A_1910 : vector<128x128xi32>
    %add3A_1919 = arith.addi %add3A_1910, %xor3A_1839 : vector<128x128xi32>
    %add3A_1920 = arith.addi %xor3A_1918, %add3A_206 : vector<128x128xi32>
    %add3A_1921 = arith.constant 2 : i32
    %add3A_1922 = vector.broadcast %add3A_1921 : i32 to vector<128x128xi32>
    %add3A_1923 = arith.addi %add3A_1920, %add3A_1922 : vector<128x128xi32>
    %add3A_1924 = arith.addi %add3A_1919, %add3A_1923 : vector<128x128xi32>
    %shift_left3A_1925 = arith.constant 13 : i32
    %shift_left3A_1926 = vector.broadcast %shift_left3A_1925 : i32 to vector<128x128xi32>
    %shift_left3A_1927 = arith.shli %add3A_1923, %shift_left3A_1926 : vector<128x128xi32>
    %shift_right_logical3A_1928 = arith.constant 19 : i32
    %shift_right_logical3A_1929 = vector.broadcast %shift_right_logical3A_1928 : i32 to vector<128x128xi32>
    %shift_right_logical3A_1930 = arith.shrui %add3A_1923, %shift_right_logical3A_1929 : vector<128x128xi32>
    %or3A_1931 = arith.ori %shift_left3A_1927, %shift_right_logical3A_1930 : vector<128x128xi32>
    %xor3A_1932 = arith.xori %or3A_1931, %add3A_1924 : vector<128x128xi32>
    %add3A_1933 = arith.addi %add3A_1924, %xor3A_1932 : vector<128x128xi32>
    %shift_left3A_1934 = arith.constant 15 : i32
    %shift_left3A_1935 = vector.broadcast %shift_left3A_1934 : i32 to vector<128x128xi32>
    %shift_left3A_1936 = arith.shli %xor3A_1932, %shift_left3A_1935 : vector<128x128xi32>
    %shift_right_logical3A_1937 = arith.constant 17 : i32
    %shift_right_logical3A_1938 = vector.broadcast %shift_right_logical3A_1937 : i32 to vector<128x128xi32>
    %shift_right_logical3A_1939 = arith.shrui %xor3A_1932, %shift_right_logical3A_1938 : vector<128x128xi32>
    %or3A_1940 = arith.ori %shift_left3A_1936, %shift_right_logical3A_1939 : vector<128x128xi32>
    %xor3A_1941 = arith.xori %or3A_1940, %add3A_1933 : vector<128x128xi32>
    %add3A_1942 = arith.addi %add3A_1933, %xor3A_1941 : vector<128x128xi32>
    %shift_left3A_1943 = arith.constant 26 : i32
    %shift_left3A_1944 = vector.broadcast %shift_left3A_1943 : i32 to vector<128x128xi32>
    %shift_left3A_1945 = arith.shli %xor3A_1941, %shift_left3A_1944 : vector<128x128xi32>
    %shift_right_logical3A_1946 = arith.constant 6 : i32
    %shift_right_logical3A_1947 = vector.broadcast %shift_right_logical3A_1946 : i32 to vector<128x128xi32>
    %shift_right_logical3A_1948 = arith.shrui %xor3A_1941, %shift_right_logical3A_1947 : vector<128x128xi32>
    %or3A_1949 = arith.ori %shift_left3A_1945, %shift_right_logical3A_1948 : vector<128x128xi32>
    %xor3A_1950 = arith.xori %or3A_1949, %add3A_1942 : vector<128x128xi32>
    %add3A_1951 = arith.addi %add3A_1942, %xor3A_1950 : vector<128x128xi32>
    %shift_left3A_1952 = arith.constant 6 : i32
    %shift_left3A_1953 = vector.broadcast %shift_left3A_1952 : i32 to vector<128x128xi32>
    %shift_left3A_1954 = arith.shli %xor3A_1950, %shift_left3A_1953 : vector<128x128xi32>
    %shift_right_logical3A_1955 = arith.constant 26 : i32
    %shift_right_logical3A_1956 = vector.broadcast %shift_right_logical3A_1955 : i32 to vector<128x128xi32>
    %shift_right_logical3A_1957 = arith.shrui %xor3A_1950, %shift_right_logical3A_1956 : vector<128x128xi32>
    %or3A_1958 = arith.ori %shift_left3A_1954, %shift_right_logical3A_1957 : vector<128x128xi32>
    %xor3A_1959 = arith.xori %or3A_1958, %add3A_1951 : vector<128x128xi32>
    %add3A_1960 = arith.addi %add3A_1951, %add3A_206 : vector<128x128xi32>
    %add3A_1961 = arith.addi %xor3A_1959, %add3A_210 : vector<128x128xi32>
    %add3A_1962 = arith.constant 3 : i32
    %add3A_1963 = vector.broadcast %add3A_1962 : i32 to vector<128x128xi32>
    %add3A_1964 = arith.addi %add3A_1961, %add3A_1963 : vector<128x128xi32>
    %add3A_1965 = arith.addi %add3A_1960, %add3A_1964 : vector<128x128xi32>
    %shift_left3A_1966 = arith.constant 17 : i32
    %shift_left3A_1967 = vector.broadcast %shift_left3A_1966 : i32 to vector<128x128xi32>
    %shift_left3A_1968 = arith.shli %add3A_1964, %shift_left3A_1967 : vector<128x128xi32>
    %shift_right_logical3A_1969 = arith.constant 15 : i32
    %shift_right_logical3A_1970 = vector.broadcast %shift_right_logical3A_1969 : i32 to vector<128x128xi32>
    %shift_right_logical3A_1971 = arith.shrui %add3A_1964, %shift_right_logical3A_1970 : vector<128x128xi32>
    %or3A_1972 = arith.ori %shift_left3A_1968, %shift_right_logical3A_1971 : vector<128x128xi32>
    %xor3A_1973 = arith.xori %or3A_1972, %add3A_1965 : vector<128x128xi32>
    %add3A_1974 = arith.addi %add3A_1965, %xor3A_1973 : vector<128x128xi32>
    %shift_left3A_1975 = arith.constant 29 : i32
    %shift_left3A_1976 = vector.broadcast %shift_left3A_1975 : i32 to vector<128x128xi32>
    %shift_left3A_1977 = arith.shli %xor3A_1973, %shift_left3A_1976 : vector<128x128xi32>
    %shift_right_logical3A_1978 = arith.constant 3 : i32
    %shift_right_logical3A_1979 = vector.broadcast %shift_right_logical3A_1978 : i32 to vector<128x128xi32>
    %shift_right_logical3A_1980 = arith.shrui %xor3A_1973, %shift_right_logical3A_1979 : vector<128x128xi32>
    %or3A_1981 = arith.ori %shift_left3A_1977, %shift_right_logical3A_1980 : vector<128x128xi32>
    %xor3A_1982 = arith.xori %or3A_1981, %add3A_1974 : vector<128x128xi32>
    %add3A_1983 = arith.addi %add3A_1974, %xor3A_1982 : vector<128x128xi32>
    %shift_left3A_1984 = arith.constant 16 : i32
    %shift_left3A_1985 = vector.broadcast %shift_left3A_1984 : i32 to vector<128x128xi32>
    %shift_left3A_1986 = arith.shli %xor3A_1982, %shift_left3A_1985 : vector<128x128xi32>
    %shift_right_logical3A_1987 = arith.constant 16 : i32
    %shift_right_logical3A_1988 = vector.broadcast %shift_right_logical3A_1987 : i32 to vector<128x128xi32>
    %shift_right_logical3A_1989 = arith.shrui %xor3A_1982, %shift_right_logical3A_1988 : vector<128x128xi32>
    %or3A_1990 = arith.ori %shift_left3A_1986, %shift_right_logical3A_1989 : vector<128x128xi32>
    %xor3A_1991 = arith.xori %or3A_1990, %add3A_1983 : vector<128x128xi32>
    %add3A_1992 = arith.addi %add3A_1983, %xor3A_1991 : vector<128x128xi32>
    %shift_left3A_1993 = arith.constant 24 : i32
    %shift_left3A_1994 = vector.broadcast %shift_left3A_1993 : i32 to vector<128x128xi32>
    %shift_left3A_1995 = arith.shli %xor3A_1991, %shift_left3A_1994 : vector<128x128xi32>
    %shift_right_logical3A_1996 = arith.constant 8 : i32
    %shift_right_logical3A_1997 = vector.broadcast %shift_right_logical3A_1996 : i32 to vector<128x128xi32>
    %shift_right_logical3A_1998 = arith.shrui %xor3A_1991, %shift_right_logical3A_1997 : vector<128x128xi32>
    %or3A_1999 = arith.ori %shift_left3A_1995, %shift_right_logical3A_1998 : vector<128x128xi32>
    %xor3A_2000 = arith.xori %or3A_1999, %add3A_1992 : vector<128x128xi32>
    %add3A_2001 = arith.addi %add3A_1992, %add3A_210 : vector<128x128xi32>
    %add3A_2002 = arith.addi %xor3A_2000, %xor3A_1839 : vector<128x128xi32>
    %add3A_2003 = arith.constant 4 : i32
    %add3A_2004 = vector.broadcast %add3A_2003 : i32 to vector<128x128xi32>
    %add3A_2005 = arith.addi %add3A_2002, %add3A_2004 : vector<128x128xi32>
    %add3A_2006 = arith.addi %add3A_2001, %add3A_2005 : vector<128x128xi32>
    %shift_left3A_2007 = arith.constant 13 : i32
    %shift_left3A_2008 = vector.broadcast %shift_left3A_2007 : i32 to vector<128x128xi32>
    %shift_left3A_2009 = arith.shli %add3A_2005, %shift_left3A_2008 : vector<128x128xi32>
    %shift_right_logical3A_2010 = arith.constant 19 : i32
    %shift_right_logical3A_2011 = vector.broadcast %shift_right_logical3A_2010 : i32 to vector<128x128xi32>
    %shift_right_logical3A_2012 = arith.shrui %add3A_2005, %shift_right_logical3A_2011 : vector<128x128xi32>
    %or3A_2013 = arith.ori %shift_left3A_2009, %shift_right_logical3A_2012 : vector<128x128xi32>
    %xor3A_2014 = arith.xori %or3A_2013, %add3A_2006 : vector<128x128xi32>
    %add3A_2015 = arith.addi %add3A_2006, %xor3A_2014 : vector<128x128xi32>
    %shift_left3A_2016 = arith.constant 15 : i32
    %shift_left3A_2017 = vector.broadcast %shift_left3A_2016 : i32 to vector<128x128xi32>
    %shift_left3A_2018 = arith.shli %xor3A_2014, %shift_left3A_2017 : vector<128x128xi32>
    %shift_right_logical3A_2019 = arith.constant 17 : i32
    %shift_right_logical3A_2020 = vector.broadcast %shift_right_logical3A_2019 : i32 to vector<128x128xi32>
    %shift_right_logical3A_2021 = arith.shrui %xor3A_2014, %shift_right_logical3A_2020 : vector<128x128xi32>
    %or3A_2022 = arith.ori %shift_left3A_2018, %shift_right_logical3A_2021 : vector<128x128xi32>
    %xor3A_2023 = arith.xori %or3A_2022, %add3A_2015 : vector<128x128xi32>
    %add3A_2024 = arith.addi %add3A_2015, %xor3A_2023 : vector<128x128xi32>
    %shift_left3A_2025 = arith.constant 26 : i32
    %shift_left3A_2026 = vector.broadcast %shift_left3A_2025 : i32 to vector<128x128xi32>
    %shift_left3A_2027 = arith.shli %xor3A_2023, %shift_left3A_2026 : vector<128x128xi32>
    %shift_right_logical3A_2028 = arith.constant 6 : i32
    %shift_right_logical3A_2029 = vector.broadcast %shift_right_logical3A_2028 : i32 to vector<128x128xi32>
    %shift_right_logical3A_2030 = arith.shrui %xor3A_2023, %shift_right_logical3A_2029 : vector<128x128xi32>
    %or3A_2031 = arith.ori %shift_left3A_2027, %shift_right_logical3A_2030 : vector<128x128xi32>
    %xor3A_2032 = arith.xori %or3A_2031, %add3A_2024 : vector<128x128xi32>
    %add3A_2033 = arith.addi %add3A_2024, %xor3A_2032 : vector<128x128xi32>
    %shift_left3A_2034 = arith.constant 6 : i32
    %shift_left3A_2035 = vector.broadcast %shift_left3A_2034 : i32 to vector<128x128xi32>
    %shift_left3A_2036 = arith.shli %xor3A_2032, %shift_left3A_2035 : vector<128x128xi32>
    %shift_right_logical3A_2037 = arith.constant 26 : i32
    %shift_right_logical3A_2038 = vector.broadcast %shift_right_logical3A_2037 : i32 to vector<128x128xi32>
    %shift_right_logical3A_2039 = arith.shrui %xor3A_2032, %shift_right_logical3A_2038 : vector<128x128xi32>
    %or3A_2040 = arith.ori %shift_left3A_2036, %shift_right_logical3A_2039 : vector<128x128xi32>
    %xor3A_2041 = arith.xori %or3A_2040, %add3A_2033 : vector<128x128xi32>
    %add3A_2042 = arith.addi %add3A_2033, %xor3A_1839 : vector<128x128xi32>
    %add3A_2043 = arith.addi %xor3A_2041, %add3A_206 : vector<128x128xi32>
    %add3A_2044 = arith.constant 5 : i32
    %add3A_2045 = vector.broadcast %add3A_2044 : i32 to vector<128x128xi32>
    %add3A_2046 = arith.addi %add3A_2043, %add3A_2045 : vector<128x128xi32>
    %xor3A_2047 = arith.xori %add3A_2042, %add3A_2046 : vector<128x128xi32>
    %shift_right_logical3A_2048 = arith.constant 9 : i32
    %shift_right_logical3A_2049 = vector.broadcast %shift_right_logical3A_2048 : i32 to vector<128x128xi32>
    %shift_right_logical3A_2050 = arith.shrui %xor3A_2047, %shift_right_logical3A_2049 : vector<128x128xi32>
    %or3A_2051 = arith.constant 1065353216 : i32
    %or3A_2052 = vector.broadcast %or3A_2051 : i32 to vector<128x128xi32>
    %or3A_2053 = arith.ori %shift_right_logical3A_2050, %or3A_2052 : vector<128x128xi32>
    %bitcast_convert_type3A_2054 = tpu.bitcast %or3A_2053 : vector<128x128xi32> -> vector<128x128xf32>
    %sub3A_2055 = arith.constant 1.000000e+00 : f32
    %sub3A_2056 = vector.broadcast %sub3A_2055 : f32 to vector<128x128xf32>
    %sub3A_2057 = arith.subf %bitcast_convert_type3A_2054, %sub3A_2056 : vector<128x128xf32>
    %lt3A_2058 = arith.constant 1.000000e-01 : f32
    %lt3A_2059 = vector.broadcast %lt3A_2058 : f32 to vector<128x128xf32>
    %lt3A_2060 = arith.cmpf olt, %sub3A_2057, %lt3A_2059 : vector<128x128xf32>
    %convert_element_type3A_2061 = arith.extui %lt3A_2060 : vector<128x128xi1> to vector<128x128xi32>
    %shift_left3A_2062 = arith.constant 10 : i32
    %shift_left3A_2063 = vector.broadcast %shift_left3A_2062 : i32 to vector<128x128xi32>
    %shift_left3A_2064 = arith.shli %convert_element_type3A_2061, %shift_left3A_2063 : vector<128x128xi32>
    %or3A_2065 = arith.ori %or3A_1833, %shift_left3A_2064 : vector<128x128xi32>
    %broadcast_in_dim3A_2066 = arith.constant 8 : i32
    %broadcast_in_dim3A_2067 = vector.broadcast %broadcast_in_dim3A_2066 : i32 to vector<128x128xi32>
    %xor3A_2068 = arith.xori %add3A_206, %add3A_210 : vector<128x128xi32>
    %xor3A_2069 = arith.constant 466688986 : i32
    %xor3A_2070 = vector.broadcast %xor3A_2069 : i32 to vector<128x128xi32>
    %xor3A_2071 = arith.xori %xor3A_2068, %xor3A_2070 : vector<128x128xi32>
    %add3A_2072 = arith.addi %broadcast_in_dim3A_2, %add3A_206 : vector<128x128xi32>
    %add3A_2073 = arith.addi %broadcast_in_dim3A_2067, %add3A_210 : vector<128x128xi32>
    %add3A_2074 = arith.addi %add3A_2072, %add3A_2073 : vector<128x128xi32>
    %shift_left3A_2075 = arith.constant 13 : i32
    %shift_left3A_2076 = vector.broadcast %shift_left3A_2075 : i32 to vector<128x128xi32>
    %shift_left3A_2077 = arith.shli %add3A_2073, %shift_left3A_2076 : vector<128x128xi32>
    %shift_right_logical3A_2078 = arith.constant 19 : i32
    %shift_right_logical3A_2079 = vector.broadcast %shift_right_logical3A_2078 : i32 to vector<128x128xi32>
    %shift_right_logical3A_2080 = arith.shrui %add3A_2073, %shift_right_logical3A_2079 : vector<128x128xi32>
    %or3A_2081 = arith.ori %shift_left3A_2077, %shift_right_logical3A_2080 : vector<128x128xi32>
    %xor3A_2082 = arith.xori %or3A_2081, %add3A_2074 : vector<128x128xi32>
    %add3A_2083 = arith.addi %add3A_2074, %xor3A_2082 : vector<128x128xi32>
    %shift_left3A_2084 = arith.constant 15 : i32
    %shift_left3A_2085 = vector.broadcast %shift_left3A_2084 : i32 to vector<128x128xi32>
    %shift_left3A_2086 = arith.shli %xor3A_2082, %shift_left3A_2085 : vector<128x128xi32>
    %shift_right_logical3A_2087 = arith.constant 17 : i32
    %shift_right_logical3A_2088 = vector.broadcast %shift_right_logical3A_2087 : i32 to vector<128x128xi32>
    %shift_right_logical3A_2089 = arith.shrui %xor3A_2082, %shift_right_logical3A_2088 : vector<128x128xi32>
    %or3A_2090 = arith.ori %shift_left3A_2086, %shift_right_logical3A_2089 : vector<128x128xi32>
    %xor3A_2091 = arith.xori %or3A_2090, %add3A_2083 : vector<128x128xi32>
    %add3A_2092 = arith.addi %add3A_2083, %xor3A_2091 : vector<128x128xi32>
    %shift_left3A_2093 = arith.constant 26 : i32
    %shift_left3A_2094 = vector.broadcast %shift_left3A_2093 : i32 to vector<128x128xi32>
    %shift_left3A_2095 = arith.shli %xor3A_2091, %shift_left3A_2094 : vector<128x128xi32>
    %shift_right_logical3A_2096 = arith.constant 6 : i32
    %shift_right_logical3A_2097 = vector.broadcast %shift_right_logical3A_2096 : i32 to vector<128x128xi32>
    %shift_right_logical3A_2098 = arith.shrui %xor3A_2091, %shift_right_logical3A_2097 : vector<128x128xi32>
    %or3A_2099 = arith.ori %shift_left3A_2095, %shift_right_logical3A_2098 : vector<128x128xi32>
    %xor3A_2100 = arith.xori %or3A_2099, %add3A_2092 : vector<128x128xi32>
    %add3A_2101 = arith.addi %add3A_2092, %xor3A_2100 : vector<128x128xi32>
    %shift_left3A_2102 = arith.constant 6 : i32
    %shift_left3A_2103 = vector.broadcast %shift_left3A_2102 : i32 to vector<128x128xi32>
    %shift_left3A_2104 = arith.shli %xor3A_2100, %shift_left3A_2103 : vector<128x128xi32>
    %shift_right_logical3A_2105 = arith.constant 26 : i32
    %shift_right_logical3A_2106 = vector.broadcast %shift_right_logical3A_2105 : i32 to vector<128x128xi32>
    %shift_right_logical3A_2107 = arith.shrui %xor3A_2100, %shift_right_logical3A_2106 : vector<128x128xi32>
    %or3A_2108 = arith.ori %shift_left3A_2104, %shift_right_logical3A_2107 : vector<128x128xi32>
    %xor3A_2109 = arith.xori %or3A_2108, %add3A_2101 : vector<128x128xi32>
    %add3A_2110 = arith.addi %add3A_2101, %add3A_210 : vector<128x128xi32>
    %add3A_2111 = arith.addi %xor3A_2109, %xor3A_2071 : vector<128x128xi32>
    %add3A_2112 = arith.constant 1 : i32
    %add3A_2113 = vector.broadcast %add3A_2112 : i32 to vector<128x128xi32>
    %add3A_2114 = arith.addi %add3A_2111, %add3A_2113 : vector<128x128xi32>
    %add3A_2115 = arith.addi %add3A_2110, %add3A_2114 : vector<128x128xi32>
    %shift_left3A_2116 = arith.constant 17 : i32
    %shift_left3A_2117 = vector.broadcast %shift_left3A_2116 : i32 to vector<128x128xi32>
    %shift_left3A_2118 = arith.shli %add3A_2114, %shift_left3A_2117 : vector<128x128xi32>
    %shift_right_logical3A_2119 = arith.constant 15 : i32
    %shift_right_logical3A_2120 = vector.broadcast %shift_right_logical3A_2119 : i32 to vector<128x128xi32>
    %shift_right_logical3A_2121 = arith.shrui %add3A_2114, %shift_right_logical3A_2120 : vector<128x128xi32>
    %or3A_2122 = arith.ori %shift_left3A_2118, %shift_right_logical3A_2121 : vector<128x128xi32>
    %xor3A_2123 = arith.xori %or3A_2122, %add3A_2115 : vector<128x128xi32>
    %add3A_2124 = arith.addi %add3A_2115, %xor3A_2123 : vector<128x128xi32>
    %shift_left3A_2125 = arith.constant 29 : i32
    %shift_left3A_2126 = vector.broadcast %shift_left3A_2125 : i32 to vector<128x128xi32>
    %shift_left3A_2127 = arith.shli %xor3A_2123, %shift_left3A_2126 : vector<128x128xi32>
    %shift_right_logical3A_2128 = arith.constant 3 : i32
    %shift_right_logical3A_2129 = vector.broadcast %shift_right_logical3A_2128 : i32 to vector<128x128xi32>
    %shift_right_logical3A_2130 = arith.shrui %xor3A_2123, %shift_right_logical3A_2129 : vector<128x128xi32>
    %or3A_2131 = arith.ori %shift_left3A_2127, %shift_right_logical3A_2130 : vector<128x128xi32>
    %xor3A_2132 = arith.xori %or3A_2131, %add3A_2124 : vector<128x128xi32>
    %add3A_2133 = arith.addi %add3A_2124, %xor3A_2132 : vector<128x128xi32>
    %shift_left3A_2134 = arith.constant 16 : i32
    %shift_left3A_2135 = vector.broadcast %shift_left3A_2134 : i32 to vector<128x128xi32>
    %shift_left3A_2136 = arith.shli %xor3A_2132, %shift_left3A_2135 : vector<128x128xi32>
    %shift_right_logical3A_2137 = arith.constant 16 : i32
    %shift_right_logical3A_2138 = vector.broadcast %shift_right_logical3A_2137 : i32 to vector<128x128xi32>
    %shift_right_logical3A_2139 = arith.shrui %xor3A_2132, %shift_right_logical3A_2138 : vector<128x128xi32>
    %or3A_2140 = arith.ori %shift_left3A_2136, %shift_right_logical3A_2139 : vector<128x128xi32>
    %xor3A_2141 = arith.xori %or3A_2140, %add3A_2133 : vector<128x128xi32>
    %add3A_2142 = arith.addi %add3A_2133, %xor3A_2141 : vector<128x128xi32>
    %shift_left3A_2143 = arith.constant 24 : i32
    %shift_left3A_2144 = vector.broadcast %shift_left3A_2143 : i32 to vector<128x128xi32>
    %shift_left3A_2145 = arith.shli %xor3A_2141, %shift_left3A_2144 : vector<128x128xi32>
    %shift_right_logical3A_2146 = arith.constant 8 : i32
    %shift_right_logical3A_2147 = vector.broadcast %shift_right_logical3A_2146 : i32 to vector<128x128xi32>
    %shift_right_logical3A_2148 = arith.shrui %xor3A_2141, %shift_right_logical3A_2147 : vector<128x128xi32>
    %or3A_2149 = arith.ori %shift_left3A_2145, %shift_right_logical3A_2148 : vector<128x128xi32>
    %xor3A_2150 = arith.xori %or3A_2149, %add3A_2142 : vector<128x128xi32>
    %add3A_2151 = arith.addi %add3A_2142, %xor3A_2071 : vector<128x128xi32>
    %add3A_2152 = arith.addi %xor3A_2150, %add3A_206 : vector<128x128xi32>
    %add3A_2153 = arith.constant 2 : i32
    %add3A_2154 = vector.broadcast %add3A_2153 : i32 to vector<128x128xi32>
    %add3A_2155 = arith.addi %add3A_2152, %add3A_2154 : vector<128x128xi32>
    %add3A_2156 = arith.addi %add3A_2151, %add3A_2155 : vector<128x128xi32>
    %shift_left3A_2157 = arith.constant 13 : i32
    %shift_left3A_2158 = vector.broadcast %shift_left3A_2157 : i32 to vector<128x128xi32>
    %shift_left3A_2159 = arith.shli %add3A_2155, %shift_left3A_2158 : vector<128x128xi32>
    %shift_right_logical3A_2160 = arith.constant 19 : i32
    %shift_right_logical3A_2161 = vector.broadcast %shift_right_logical3A_2160 : i32 to vector<128x128xi32>
    %shift_right_logical3A_2162 = arith.shrui %add3A_2155, %shift_right_logical3A_2161 : vector<128x128xi32>
    %or3A_2163 = arith.ori %shift_left3A_2159, %shift_right_logical3A_2162 : vector<128x128xi32>
    %xor3A_2164 = arith.xori %or3A_2163, %add3A_2156 : vector<128x128xi32>
    %add3A_2165 = arith.addi %add3A_2156, %xor3A_2164 : vector<128x128xi32>
    %shift_left3A_2166 = arith.constant 15 : i32
    %shift_left3A_2167 = vector.broadcast %shift_left3A_2166 : i32 to vector<128x128xi32>
    %shift_left3A_2168 = arith.shli %xor3A_2164, %shift_left3A_2167 : vector<128x128xi32>
    %shift_right_logical3A_2169 = arith.constant 17 : i32
    %shift_right_logical3A_2170 = vector.broadcast %shift_right_logical3A_2169 : i32 to vector<128x128xi32>
    %shift_right_logical3A_2171 = arith.shrui %xor3A_2164, %shift_right_logical3A_2170 : vector<128x128xi32>
    %or3A_2172 = arith.ori %shift_left3A_2168, %shift_right_logical3A_2171 : vector<128x128xi32>
    %xor3A_2173 = arith.xori %or3A_2172, %add3A_2165 : vector<128x128xi32>
    %add3A_2174 = arith.addi %add3A_2165, %xor3A_2173 : vector<128x128xi32>
    %shift_left3A_2175 = arith.constant 26 : i32
    %shift_left3A_2176 = vector.broadcast %shift_left3A_2175 : i32 to vector<128x128xi32>
    %shift_left3A_2177 = arith.shli %xor3A_2173, %shift_left3A_2176 : vector<128x128xi32>
    %shift_right_logical3A_2178 = arith.constant 6 : i32
    %shift_right_logical3A_2179 = vector.broadcast %shift_right_logical3A_2178 : i32 to vector<128x128xi32>
    %shift_right_logical3A_2180 = arith.shrui %xor3A_2173, %shift_right_logical3A_2179 : vector<128x128xi32>
    %or3A_2181 = arith.ori %shift_left3A_2177, %shift_right_logical3A_2180 : vector<128x128xi32>
    %xor3A_2182 = arith.xori %or3A_2181, %add3A_2174 : vector<128x128xi32>
    %add3A_2183 = arith.addi %add3A_2174, %xor3A_2182 : vector<128x128xi32>
    %shift_left3A_2184 = arith.constant 6 : i32
    %shift_left3A_2185 = vector.broadcast %shift_left3A_2184 : i32 to vector<128x128xi32>
    %shift_left3A_2186 = arith.shli %xor3A_2182, %shift_left3A_2185 : vector<128x128xi32>
    %shift_right_logical3A_2187 = arith.constant 26 : i32
    %shift_right_logical3A_2188 = vector.broadcast %shift_right_logical3A_2187 : i32 to vector<128x128xi32>
    %shift_right_logical3A_2189 = arith.shrui %xor3A_2182, %shift_right_logical3A_2188 : vector<128x128xi32>
    %or3A_2190 = arith.ori %shift_left3A_2186, %shift_right_logical3A_2189 : vector<128x128xi32>
    %xor3A_2191 = arith.xori %or3A_2190, %add3A_2183 : vector<128x128xi32>
    %add3A_2192 = arith.addi %add3A_2183, %add3A_206 : vector<128x128xi32>
    %add3A_2193 = arith.addi %xor3A_2191, %add3A_210 : vector<128x128xi32>
    %add3A_2194 = arith.constant 3 : i32
    %add3A_2195 = vector.broadcast %add3A_2194 : i32 to vector<128x128xi32>
    %add3A_2196 = arith.addi %add3A_2193, %add3A_2195 : vector<128x128xi32>
    %add3A_2197 = arith.addi %add3A_2192, %add3A_2196 : vector<128x128xi32>
    %shift_left3A_2198 = arith.constant 17 : i32
    %shift_left3A_2199 = vector.broadcast %shift_left3A_2198 : i32 to vector<128x128xi32>
    %shift_left3A_2200 = arith.shli %add3A_2196, %shift_left3A_2199 : vector<128x128xi32>
    %shift_right_logical3A_2201 = arith.constant 15 : i32
    %shift_right_logical3A_2202 = vector.broadcast %shift_right_logical3A_2201 : i32 to vector<128x128xi32>
    %shift_right_logical3A_2203 = arith.shrui %add3A_2196, %shift_right_logical3A_2202 : vector<128x128xi32>
    %or3A_2204 = arith.ori %shift_left3A_2200, %shift_right_logical3A_2203 : vector<128x128xi32>
    %xor3A_2205 = arith.xori %or3A_2204, %add3A_2197 : vector<128x128xi32>
    %add3A_2206 = arith.addi %add3A_2197, %xor3A_2205 : vector<128x128xi32>
    %shift_left3A_2207 = arith.constant 29 : i32
    %shift_left3A_2208 = vector.broadcast %shift_left3A_2207 : i32 to vector<128x128xi32>
    %shift_left3A_2209 = arith.shli %xor3A_2205, %shift_left3A_2208 : vector<128x128xi32>
    %shift_right_logical3A_2210 = arith.constant 3 : i32
    %shift_right_logical3A_2211 = vector.broadcast %shift_right_logical3A_2210 : i32 to vector<128x128xi32>
    %shift_right_logical3A_2212 = arith.shrui %xor3A_2205, %shift_right_logical3A_2211 : vector<128x128xi32>
    %or3A_2213 = arith.ori %shift_left3A_2209, %shift_right_logical3A_2212 : vector<128x128xi32>
    %xor3A_2214 = arith.xori %or3A_2213, %add3A_2206 : vector<128x128xi32>
    %add3A_2215 = arith.addi %add3A_2206, %xor3A_2214 : vector<128x128xi32>
    %shift_left3A_2216 = arith.constant 16 : i32
    %shift_left3A_2217 = vector.broadcast %shift_left3A_2216 : i32 to vector<128x128xi32>
    %shift_left3A_2218 = arith.shli %xor3A_2214, %shift_left3A_2217 : vector<128x128xi32>
    %shift_right_logical3A_2219 = arith.constant 16 : i32
    %shift_right_logical3A_2220 = vector.broadcast %shift_right_logical3A_2219 : i32 to vector<128x128xi32>
    %shift_right_logical3A_2221 = arith.shrui %xor3A_2214, %shift_right_logical3A_2220 : vector<128x128xi32>
    %or3A_2222 = arith.ori %shift_left3A_2218, %shift_right_logical3A_2221 : vector<128x128xi32>
    %xor3A_2223 = arith.xori %or3A_2222, %add3A_2215 : vector<128x128xi32>
    %add3A_2224 = arith.addi %add3A_2215, %xor3A_2223 : vector<128x128xi32>
    %shift_left3A_2225 = arith.constant 24 : i32
    %shift_left3A_2226 = vector.broadcast %shift_left3A_2225 : i32 to vector<128x128xi32>
    %shift_left3A_2227 = arith.shli %xor3A_2223, %shift_left3A_2226 : vector<128x128xi32>
    %shift_right_logical3A_2228 = arith.constant 8 : i32
    %shift_right_logical3A_2229 = vector.broadcast %shift_right_logical3A_2228 : i32 to vector<128x128xi32>
    %shift_right_logical3A_2230 = arith.shrui %xor3A_2223, %shift_right_logical3A_2229 : vector<128x128xi32>
    %or3A_2231 = arith.ori %shift_left3A_2227, %shift_right_logical3A_2230 : vector<128x128xi32>
    %xor3A_2232 = arith.xori %or3A_2231, %add3A_2224 : vector<128x128xi32>
    %add3A_2233 = arith.addi %add3A_2224, %add3A_210 : vector<128x128xi32>
    %add3A_2234 = arith.addi %xor3A_2232, %xor3A_2071 : vector<128x128xi32>
    %add3A_2235 = arith.constant 4 : i32
    %add3A_2236 = vector.broadcast %add3A_2235 : i32 to vector<128x128xi32>
    %add3A_2237 = arith.addi %add3A_2234, %add3A_2236 : vector<128x128xi32>
    %add3A_2238 = arith.addi %add3A_2233, %add3A_2237 : vector<128x128xi32>
    %shift_left3A_2239 = arith.constant 13 : i32
    %shift_left3A_2240 = vector.broadcast %shift_left3A_2239 : i32 to vector<128x128xi32>
    %shift_left3A_2241 = arith.shli %add3A_2237, %shift_left3A_2240 : vector<128x128xi32>
    %shift_right_logical3A_2242 = arith.constant 19 : i32
    %shift_right_logical3A_2243 = vector.broadcast %shift_right_logical3A_2242 : i32 to vector<128x128xi32>
    %shift_right_logical3A_2244 = arith.shrui %add3A_2237, %shift_right_logical3A_2243 : vector<128x128xi32>
    %or3A_2245 = arith.ori %shift_left3A_2241, %shift_right_logical3A_2244 : vector<128x128xi32>
    %xor3A_2246 = arith.xori %or3A_2245, %add3A_2238 : vector<128x128xi32>
    %add3A_2247 = arith.addi %add3A_2238, %xor3A_2246 : vector<128x128xi32>
    %shift_left3A_2248 = arith.constant 15 : i32
    %shift_left3A_2249 = vector.broadcast %shift_left3A_2248 : i32 to vector<128x128xi32>
    %shift_left3A_2250 = arith.shli %xor3A_2246, %shift_left3A_2249 : vector<128x128xi32>
    %shift_right_logical3A_2251 = arith.constant 17 : i32
    %shift_right_logical3A_2252 = vector.broadcast %shift_right_logical3A_2251 : i32 to vector<128x128xi32>
    %shift_right_logical3A_2253 = arith.shrui %xor3A_2246, %shift_right_logical3A_2252 : vector<128x128xi32>
    %or3A_2254 = arith.ori %shift_left3A_2250, %shift_right_logical3A_2253 : vector<128x128xi32>
    %xor3A_2255 = arith.xori %or3A_2254, %add3A_2247 : vector<128x128xi32>
    %add3A_2256 = arith.addi %add3A_2247, %xor3A_2255 : vector<128x128xi32>
    %shift_left3A_2257 = arith.constant 26 : i32
    %shift_left3A_2258 = vector.broadcast %shift_left3A_2257 : i32 to vector<128x128xi32>
    %shift_left3A_2259 = arith.shli %xor3A_2255, %shift_left3A_2258 : vector<128x128xi32>
    %shift_right_logical3A_2260 = arith.constant 6 : i32
    %shift_right_logical3A_2261 = vector.broadcast %shift_right_logical3A_2260 : i32 to vector<128x128xi32>
    %shift_right_logical3A_2262 = arith.shrui %xor3A_2255, %shift_right_logical3A_2261 : vector<128x128xi32>
    %or3A_2263 = arith.ori %shift_left3A_2259, %shift_right_logical3A_2262 : vector<128x128xi32>
    %xor3A_2264 = arith.xori %or3A_2263, %add3A_2256 : vector<128x128xi32>
    %add3A_2265 = arith.addi %add3A_2256, %xor3A_2264 : vector<128x128xi32>
    %shift_left3A_2266 = arith.constant 6 : i32
    %shift_left3A_2267 = vector.broadcast %shift_left3A_2266 : i32 to vector<128x128xi32>
    %shift_left3A_2268 = arith.shli %xor3A_2264, %shift_left3A_2267 : vector<128x128xi32>
    %shift_right_logical3A_2269 = arith.constant 26 : i32
    %shift_right_logical3A_2270 = vector.broadcast %shift_right_logical3A_2269 : i32 to vector<128x128xi32>
    %shift_right_logical3A_2271 = arith.shrui %xor3A_2264, %shift_right_logical3A_2270 : vector<128x128xi32>
    %or3A_2272 = arith.ori %shift_left3A_2268, %shift_right_logical3A_2271 : vector<128x128xi32>
    %xor3A_2273 = arith.xori %or3A_2272, %add3A_2265 : vector<128x128xi32>
    %add3A_2274 = arith.addi %add3A_2265, %xor3A_2071 : vector<128x128xi32>
    %add3A_2275 = arith.addi %xor3A_2273, %add3A_206 : vector<128x128xi32>
    %add3A_2276 = arith.constant 5 : i32
    %add3A_2277 = vector.broadcast %add3A_2276 : i32 to vector<128x128xi32>
    %add3A_2278 = arith.addi %add3A_2275, %add3A_2277 : vector<128x128xi32>
    %xor3A_2279 = arith.xori %add3A_2274, %add3A_2278 : vector<128x128xi32>
    %shift_right_logical3A_2280 = arith.constant 9 : i32
    %shift_right_logical3A_2281 = vector.broadcast %shift_right_logical3A_2280 : i32 to vector<128x128xi32>
    %shift_right_logical3A_2282 = arith.shrui %xor3A_2279, %shift_right_logical3A_2281 : vector<128x128xi32>
    %or3A_2283 = arith.constant 1065353216 : i32
    %or3A_2284 = vector.broadcast %or3A_2283 : i32 to vector<128x128xi32>
    %or3A_2285 = arith.ori %shift_right_logical3A_2282, %or3A_2284 : vector<128x128xi32>
    %bitcast_convert_type3A_2286 = tpu.bitcast %or3A_2285 : vector<128x128xi32> -> vector<128x128xf32>
    %sub3A_2287 = arith.constant 1.000000e+00 : f32
    %sub3A_2288 = vector.broadcast %sub3A_2287 : f32 to vector<128x128xf32>
    %sub3A_2289 = arith.subf %bitcast_convert_type3A_2286, %sub3A_2288 : vector<128x128xf32>
    %lt3A_2290 = arith.constant 1.000000e-01 : f32
    %lt3A_2291 = vector.broadcast %lt3A_2290 : f32 to vector<128x128xf32>
    %lt3A_2292 = arith.cmpf olt, %sub3A_2289, %lt3A_2291 : vector<128x128xf32>
    %convert_element_type3A_2293 = arith.extui %lt3A_2292 : vector<128x128xi1> to vector<128x128xi32>
    %shift_left3A_2294 = arith.constant 11 : i32
    %shift_left3A_2295 = vector.broadcast %shift_left3A_2294 : i32 to vector<128x128xi32>
    %shift_left3A_2296 = arith.shli %convert_element_type3A_2293, %shift_left3A_2295 : vector<128x128xi32>
    %or3A_2297 = arith.ori %or3A_2065, %shift_left3A_2296 : vector<128x128xi32>
    %broadcast_in_dim3A_2298 = arith.constant 9 : i32
    %broadcast_in_dim3A_2299 = vector.broadcast %broadcast_in_dim3A_2298 : i32 to vector<128x128xi32>
    %xor3A_2300 = arith.xori %add3A_206, %add3A_210 : vector<128x128xi32>
    %xor3A_2301 = arith.constant 466688986 : i32
    %xor3A_2302 = vector.broadcast %xor3A_2301 : i32 to vector<128x128xi32>
    %xor3A_2303 = arith.xori %xor3A_2300, %xor3A_2302 : vector<128x128xi32>
    %add3A_2304 = arith.addi %broadcast_in_dim3A_2, %add3A_206 : vector<128x128xi32>
    %add3A_2305 = arith.addi %broadcast_in_dim3A_2299, %add3A_210 : vector<128x128xi32>
    %add3A_2306 = arith.addi %add3A_2304, %add3A_2305 : vector<128x128xi32>
    %shift_left3A_2307 = arith.constant 13 : i32
    %shift_left3A_2308 = vector.broadcast %shift_left3A_2307 : i32 to vector<128x128xi32>
    %shift_left3A_2309 = arith.shli %add3A_2305, %shift_left3A_2308 : vector<128x128xi32>
    %shift_right_logical3A_2310 = arith.constant 19 : i32
    %shift_right_logical3A_2311 = vector.broadcast %shift_right_logical3A_2310 : i32 to vector<128x128xi32>
    %shift_right_logical3A_2312 = arith.shrui %add3A_2305, %shift_right_logical3A_2311 : vector<128x128xi32>
    %or3A_2313 = arith.ori %shift_left3A_2309, %shift_right_logical3A_2312 : vector<128x128xi32>
    %xor3A_2314 = arith.xori %or3A_2313, %add3A_2306 : vector<128x128xi32>
    %add3A_2315 = arith.addi %add3A_2306, %xor3A_2314 : vector<128x128xi32>
    %shift_left3A_2316 = arith.constant 15 : i32
    %shift_left3A_2317 = vector.broadcast %shift_left3A_2316 : i32 to vector<128x128xi32>
    %shift_left3A_2318 = arith.shli %xor3A_2314, %shift_left3A_2317 : vector<128x128xi32>
    %shift_right_logical3A_2319 = arith.constant 17 : i32
    %shift_right_logical3A_2320 = vector.broadcast %shift_right_logical3A_2319 : i32 to vector<128x128xi32>
    %shift_right_logical3A_2321 = arith.shrui %xor3A_2314, %shift_right_logical3A_2320 : vector<128x128xi32>
    %or3A_2322 = arith.ori %shift_left3A_2318, %shift_right_logical3A_2321 : vector<128x128xi32>
    %xor3A_2323 = arith.xori %or3A_2322, %add3A_2315 : vector<128x128xi32>
    %add3A_2324 = arith.addi %add3A_2315, %xor3A_2323 : vector<128x128xi32>
    %shift_left3A_2325 = arith.constant 26 : i32
    %shift_left3A_2326 = vector.broadcast %shift_left3A_2325 : i32 to vector<128x128xi32>
    %shift_left3A_2327 = arith.shli %xor3A_2323, %shift_left3A_2326 : vector<128x128xi32>
    %shift_right_logical3A_2328 = arith.constant 6 : i32
    %shift_right_logical3A_2329 = vector.broadcast %shift_right_logical3A_2328 : i32 to vector<128x128xi32>
    %shift_right_logical3A_2330 = arith.shrui %xor3A_2323, %shift_right_logical3A_2329 : vector<128x128xi32>
    %or3A_2331 = arith.ori %shift_left3A_2327, %shift_right_logical3A_2330 : vector<128x128xi32>
    %xor3A_2332 = arith.xori %or3A_2331, %add3A_2324 : vector<128x128xi32>
    %add3A_2333 = arith.addi %add3A_2324, %xor3A_2332 : vector<128x128xi32>
    %shift_left3A_2334 = arith.constant 6 : i32
    %shift_left3A_2335 = vector.broadcast %shift_left3A_2334 : i32 to vector<128x128xi32>
    %shift_left3A_2336 = arith.shli %xor3A_2332, %shift_left3A_2335 : vector<128x128xi32>
    %shift_right_logical3A_2337 = arith.constant 26 : i32
    %shift_right_logical3A_2338 = vector.broadcast %shift_right_logical3A_2337 : i32 to vector<128x128xi32>
    %shift_right_logical3A_2339 = arith.shrui %xor3A_2332, %shift_right_logical3A_2338 : vector<128x128xi32>
    %or3A_2340 = arith.ori %shift_left3A_2336, %shift_right_logical3A_2339 : vector<128x128xi32>
    %xor3A_2341 = arith.xori %or3A_2340, %add3A_2333 : vector<128x128xi32>
    %add3A_2342 = arith.addi %add3A_2333, %add3A_210 : vector<128x128xi32>
    %add3A_2343 = arith.addi %xor3A_2341, %xor3A_2303 : vector<128x128xi32>
    %add3A_2344 = arith.constant 1 : i32
    %add3A_2345 = vector.broadcast %add3A_2344 : i32 to vector<128x128xi32>
    %add3A_2346 = arith.addi %add3A_2343, %add3A_2345 : vector<128x128xi32>
    %add3A_2347 = arith.addi %add3A_2342, %add3A_2346 : vector<128x128xi32>
    %shift_left3A_2348 = arith.constant 17 : i32
    %shift_left3A_2349 = vector.broadcast %shift_left3A_2348 : i32 to vector<128x128xi32>
    %shift_left3A_2350 = arith.shli %add3A_2346, %shift_left3A_2349 : vector<128x128xi32>
    %shift_right_logical3A_2351 = arith.constant 15 : i32
    %shift_right_logical3A_2352 = vector.broadcast %shift_right_logical3A_2351 : i32 to vector<128x128xi32>
    %shift_right_logical3A_2353 = arith.shrui %add3A_2346, %shift_right_logical3A_2352 : vector<128x128xi32>
    %or3A_2354 = arith.ori %shift_left3A_2350, %shift_right_logical3A_2353 : vector<128x128xi32>
    %xor3A_2355 = arith.xori %or3A_2354, %add3A_2347 : vector<128x128xi32>
    %add3A_2356 = arith.addi %add3A_2347, %xor3A_2355 : vector<128x128xi32>
    %shift_left3A_2357 = arith.constant 29 : i32
    %shift_left3A_2358 = vector.broadcast %shift_left3A_2357 : i32 to vector<128x128xi32>
    %shift_left3A_2359 = arith.shli %xor3A_2355, %shift_left3A_2358 : vector<128x128xi32>
    %shift_right_logical3A_2360 = arith.constant 3 : i32
    %shift_right_logical3A_2361 = vector.broadcast %shift_right_logical3A_2360 : i32 to vector<128x128xi32>
    %shift_right_logical3A_2362 = arith.shrui %xor3A_2355, %shift_right_logical3A_2361 : vector<128x128xi32>
    %or3A_2363 = arith.ori %shift_left3A_2359, %shift_right_logical3A_2362 : vector<128x128xi32>
    %xor3A_2364 = arith.xori %or3A_2363, %add3A_2356 : vector<128x128xi32>
    %add3A_2365 = arith.addi %add3A_2356, %xor3A_2364 : vector<128x128xi32>
    %shift_left3A_2366 = arith.constant 16 : i32
    %shift_left3A_2367 = vector.broadcast %shift_left3A_2366 : i32 to vector<128x128xi32>
    %shift_left3A_2368 = arith.shli %xor3A_2364, %shift_left3A_2367 : vector<128x128xi32>
    %shift_right_logical3A_2369 = arith.constant 16 : i32
    %shift_right_logical3A_2370 = vector.broadcast %shift_right_logical3A_2369 : i32 to vector<128x128xi32>
    %shift_right_logical3A_2371 = arith.shrui %xor3A_2364, %shift_right_logical3A_2370 : vector<128x128xi32>
    %or3A_2372 = arith.ori %shift_left3A_2368, %shift_right_logical3A_2371 : vector<128x128xi32>
    %xor3A_2373 = arith.xori %or3A_2372, %add3A_2365 : vector<128x128xi32>
    %add3A_2374 = arith.addi %add3A_2365, %xor3A_2373 : vector<128x128xi32>
    %shift_left3A_2375 = arith.constant 24 : i32
    %shift_left3A_2376 = vector.broadcast %shift_left3A_2375 : i32 to vector<128x128xi32>
    %shift_left3A_2377 = arith.shli %xor3A_2373, %shift_left3A_2376 : vector<128x128xi32>
    %shift_right_logical3A_2378 = arith.constant 8 : i32
    %shift_right_logical3A_2379 = vector.broadcast %shift_right_logical3A_2378 : i32 to vector<128x128xi32>
    %shift_right_logical3A_2380 = arith.shrui %xor3A_2373, %shift_right_logical3A_2379 : vector<128x128xi32>
    %or3A_2381 = arith.ori %shift_left3A_2377, %shift_right_logical3A_2380 : vector<128x128xi32>
    %xor3A_2382 = arith.xori %or3A_2381, %add3A_2374 : vector<128x128xi32>
    %add3A_2383 = arith.addi %add3A_2374, %xor3A_2303 : vector<128x128xi32>
    %add3A_2384 = arith.addi %xor3A_2382, %add3A_206 : vector<128x128xi32>
    %add3A_2385 = arith.constant 2 : i32
    %add3A_2386 = vector.broadcast %add3A_2385 : i32 to vector<128x128xi32>
    %add3A_2387 = arith.addi %add3A_2384, %add3A_2386 : vector<128x128xi32>
    %add3A_2388 = arith.addi %add3A_2383, %add3A_2387 : vector<128x128xi32>
    %shift_left3A_2389 = arith.constant 13 : i32
    %shift_left3A_2390 = vector.broadcast %shift_left3A_2389 : i32 to vector<128x128xi32>
    %shift_left3A_2391 = arith.shli %add3A_2387, %shift_left3A_2390 : vector<128x128xi32>
    %shift_right_logical3A_2392 = arith.constant 19 : i32
    %shift_right_logical3A_2393 = vector.broadcast %shift_right_logical3A_2392 : i32 to vector<128x128xi32>
    %shift_right_logical3A_2394 = arith.shrui %add3A_2387, %shift_right_logical3A_2393 : vector<128x128xi32>
    %or3A_2395 = arith.ori %shift_left3A_2391, %shift_right_logical3A_2394 : vector<128x128xi32>
    %xor3A_2396 = arith.xori %or3A_2395, %add3A_2388 : vector<128x128xi32>
    %add3A_2397 = arith.addi %add3A_2388, %xor3A_2396 : vector<128x128xi32>
    %shift_left3A_2398 = arith.constant 15 : i32
    %shift_left3A_2399 = vector.broadcast %shift_left3A_2398 : i32 to vector<128x128xi32>
    %shift_left3A_2400 = arith.shli %xor3A_2396, %shift_left3A_2399 : vector<128x128xi32>
    %shift_right_logical3A_2401 = arith.constant 17 : i32
    %shift_right_logical3A_2402 = vector.broadcast %shift_right_logical3A_2401 : i32 to vector<128x128xi32>
    %shift_right_logical3A_2403 = arith.shrui %xor3A_2396, %shift_right_logical3A_2402 : vector<128x128xi32>
    %or3A_2404 = arith.ori %shift_left3A_2400, %shift_right_logical3A_2403 : vector<128x128xi32>
    %xor3A_2405 = arith.xori %or3A_2404, %add3A_2397 : vector<128x128xi32>
    %add3A_2406 = arith.addi %add3A_2397, %xor3A_2405 : vector<128x128xi32>
    %shift_left3A_2407 = arith.constant 26 : i32
    %shift_left3A_2408 = vector.broadcast %shift_left3A_2407 : i32 to vector<128x128xi32>
    %shift_left3A_2409 = arith.shli %xor3A_2405, %shift_left3A_2408 : vector<128x128xi32>
    %shift_right_logical3A_2410 = arith.constant 6 : i32
    %shift_right_logical3A_2411 = vector.broadcast %shift_right_logical3A_2410 : i32 to vector<128x128xi32>
    %shift_right_logical3A_2412 = arith.shrui %xor3A_2405, %shift_right_logical3A_2411 : vector<128x128xi32>
    %or3A_2413 = arith.ori %shift_left3A_2409, %shift_right_logical3A_2412 : vector<128x128xi32>
    %xor3A_2414 = arith.xori %or3A_2413, %add3A_2406 : vector<128x128xi32>
    %add3A_2415 = arith.addi %add3A_2406, %xor3A_2414 : vector<128x128xi32>
    %shift_left3A_2416 = arith.constant 6 : i32
    %shift_left3A_2417 = vector.broadcast %shift_left3A_2416 : i32 to vector<128x128xi32>
    %shift_left3A_2418 = arith.shli %xor3A_2414, %shift_left3A_2417 : vector<128x128xi32>
    %shift_right_logical3A_2419 = arith.constant 26 : i32
    %shift_right_logical3A_2420 = vector.broadcast %shift_right_logical3A_2419 : i32 to vector<128x128xi32>
    %shift_right_logical3A_2421 = arith.shrui %xor3A_2414, %shift_right_logical3A_2420 : vector<128x128xi32>
    %or3A_2422 = arith.ori %shift_left3A_2418, %shift_right_logical3A_2421 : vector<128x128xi32>
    %xor3A_2423 = arith.xori %or3A_2422, %add3A_2415 : vector<128x128xi32>
    %add3A_2424 = arith.addi %add3A_2415, %add3A_206 : vector<128x128xi32>
    %add3A_2425 = arith.addi %xor3A_2423, %add3A_210 : vector<128x128xi32>
    %add3A_2426 = arith.constant 3 : i32
    %add3A_2427 = vector.broadcast %add3A_2426 : i32 to vector<128x128xi32>
    %add3A_2428 = arith.addi %add3A_2425, %add3A_2427 : vector<128x128xi32>
    %add3A_2429 = arith.addi %add3A_2424, %add3A_2428 : vector<128x128xi32>
    %shift_left3A_2430 = arith.constant 17 : i32
    %shift_left3A_2431 = vector.broadcast %shift_left3A_2430 : i32 to vector<128x128xi32>
    %shift_left3A_2432 = arith.shli %add3A_2428, %shift_left3A_2431 : vector<128x128xi32>
    %shift_right_logical3A_2433 = arith.constant 15 : i32
    %shift_right_logical3A_2434 = vector.broadcast %shift_right_logical3A_2433 : i32 to vector<128x128xi32>
    %shift_right_logical3A_2435 = arith.shrui %add3A_2428, %shift_right_logical3A_2434 : vector<128x128xi32>
    %or3A_2436 = arith.ori %shift_left3A_2432, %shift_right_logical3A_2435 : vector<128x128xi32>
    %xor3A_2437 = arith.xori %or3A_2436, %add3A_2429 : vector<128x128xi32>
    %add3A_2438 = arith.addi %add3A_2429, %xor3A_2437 : vector<128x128xi32>
    %shift_left3A_2439 = arith.constant 29 : i32
    %shift_left3A_2440 = vector.broadcast %shift_left3A_2439 : i32 to vector<128x128xi32>
    %shift_left3A_2441 = arith.shli %xor3A_2437, %shift_left3A_2440 : vector<128x128xi32>
    %shift_right_logical3A_2442 = arith.constant 3 : i32
    %shift_right_logical3A_2443 = vector.broadcast %shift_right_logical3A_2442 : i32 to vector<128x128xi32>
    %shift_right_logical3A_2444 = arith.shrui %xor3A_2437, %shift_right_logical3A_2443 : vector<128x128xi32>
    %or3A_2445 = arith.ori %shift_left3A_2441, %shift_right_logical3A_2444 : vector<128x128xi32>
    %xor3A_2446 = arith.xori %or3A_2445, %add3A_2438 : vector<128x128xi32>
    %add3A_2447 = arith.addi %add3A_2438, %xor3A_2446 : vector<128x128xi32>
    %shift_left3A_2448 = arith.constant 16 : i32
    %shift_left3A_2449 = vector.broadcast %shift_left3A_2448 : i32 to vector<128x128xi32>
    %shift_left3A_2450 = arith.shli %xor3A_2446, %shift_left3A_2449 : vector<128x128xi32>
    %shift_right_logical3A_2451 = arith.constant 16 : i32
    %shift_right_logical3A_2452 = vector.broadcast %shift_right_logical3A_2451 : i32 to vector<128x128xi32>
    %shift_right_logical3A_2453 = arith.shrui %xor3A_2446, %shift_right_logical3A_2452 : vector<128x128xi32>
    %or3A_2454 = arith.ori %shift_left3A_2450, %shift_right_logical3A_2453 : vector<128x128xi32>
    %xor3A_2455 = arith.xori %or3A_2454, %add3A_2447 : vector<128x128xi32>
    %add3A_2456 = arith.addi %add3A_2447, %xor3A_2455 : vector<128x128xi32>
    %shift_left3A_2457 = arith.constant 24 : i32
    %shift_left3A_2458 = vector.broadcast %shift_left3A_2457 : i32 to vector<128x128xi32>
    %shift_left3A_2459 = arith.shli %xor3A_2455, %shift_left3A_2458 : vector<128x128xi32>
    %shift_right_logical3A_2460 = arith.constant 8 : i32
    %shift_right_logical3A_2461 = vector.broadcast %shift_right_logical3A_2460 : i32 to vector<128x128xi32>
    %shift_right_logical3A_2462 = arith.shrui %xor3A_2455, %shift_right_logical3A_2461 : vector<128x128xi32>
    %or3A_2463 = arith.ori %shift_left3A_2459, %shift_right_logical3A_2462 : vector<128x128xi32>
    %xor3A_2464 = arith.xori %or3A_2463, %add3A_2456 : vector<128x128xi32>
    %add3A_2465 = arith.addi %add3A_2456, %add3A_210 : vector<128x128xi32>
    %add3A_2466 = arith.addi %xor3A_2464, %xor3A_2303 : vector<128x128xi32>
    %add3A_2467 = arith.constant 4 : i32
    %add3A_2468 = vector.broadcast %add3A_2467 : i32 to vector<128x128xi32>
    %add3A_2469 = arith.addi %add3A_2466, %add3A_2468 : vector<128x128xi32>
    %add3A_2470 = arith.addi %add3A_2465, %add3A_2469 : vector<128x128xi32>
    %shift_left3A_2471 = arith.constant 13 : i32
    %shift_left3A_2472 = vector.broadcast %shift_left3A_2471 : i32 to vector<128x128xi32>
    %shift_left3A_2473 = arith.shli %add3A_2469, %shift_left3A_2472 : vector<128x128xi32>
    %shift_right_logical3A_2474 = arith.constant 19 : i32
    %shift_right_logical3A_2475 = vector.broadcast %shift_right_logical3A_2474 : i32 to vector<128x128xi32>
    %shift_right_logical3A_2476 = arith.shrui %add3A_2469, %shift_right_logical3A_2475 : vector<128x128xi32>
    %or3A_2477 = arith.ori %shift_left3A_2473, %shift_right_logical3A_2476 : vector<128x128xi32>
    %xor3A_2478 = arith.xori %or3A_2477, %add3A_2470 : vector<128x128xi32>
    %add3A_2479 = arith.addi %add3A_2470, %xor3A_2478 : vector<128x128xi32>
    %shift_left3A_2480 = arith.constant 15 : i32
    %shift_left3A_2481 = vector.broadcast %shift_left3A_2480 : i32 to vector<128x128xi32>
    %shift_left3A_2482 = arith.shli %xor3A_2478, %shift_left3A_2481 : vector<128x128xi32>
    %shift_right_logical3A_2483 = arith.constant 17 : i32
    %shift_right_logical3A_2484 = vector.broadcast %shift_right_logical3A_2483 : i32 to vector<128x128xi32>
    %shift_right_logical3A_2485 = arith.shrui %xor3A_2478, %shift_right_logical3A_2484 : vector<128x128xi32>
    %or3A_2486 = arith.ori %shift_left3A_2482, %shift_right_logical3A_2485 : vector<128x128xi32>
    %xor3A_2487 = arith.xori %or3A_2486, %add3A_2479 : vector<128x128xi32>
    %add3A_2488 = arith.addi %add3A_2479, %xor3A_2487 : vector<128x128xi32>
    %shift_left3A_2489 = arith.constant 26 : i32
    %shift_left3A_2490 = vector.broadcast %shift_left3A_2489 : i32 to vector<128x128xi32>
    %shift_left3A_2491 = arith.shli %xor3A_2487, %shift_left3A_2490 : vector<128x128xi32>
    %shift_right_logical3A_2492 = arith.constant 6 : i32
    %shift_right_logical3A_2493 = vector.broadcast %shift_right_logical3A_2492 : i32 to vector<128x128xi32>
    %shift_right_logical3A_2494 = arith.shrui %xor3A_2487, %shift_right_logical3A_2493 : vector<128x128xi32>
    %or3A_2495 = arith.ori %shift_left3A_2491, %shift_right_logical3A_2494 : vector<128x128xi32>
    %xor3A_2496 = arith.xori %or3A_2495, %add3A_2488 : vector<128x128xi32>
    %add3A_2497 = arith.addi %add3A_2488, %xor3A_2496 : vector<128x128xi32>
    %shift_left3A_2498 = arith.constant 6 : i32
    %shift_left3A_2499 = vector.broadcast %shift_left3A_2498 : i32 to vector<128x128xi32>
    %shift_left3A_2500 = arith.shli %xor3A_2496, %shift_left3A_2499 : vector<128x128xi32>
    %shift_right_logical3A_2501 = arith.constant 26 : i32
    %shift_right_logical3A_2502 = vector.broadcast %shift_right_logical3A_2501 : i32 to vector<128x128xi32>
    %shift_right_logical3A_2503 = arith.shrui %xor3A_2496, %shift_right_logical3A_2502 : vector<128x128xi32>
    %or3A_2504 = arith.ori %shift_left3A_2500, %shift_right_logical3A_2503 : vector<128x128xi32>
    %xor3A_2505 = arith.xori %or3A_2504, %add3A_2497 : vector<128x128xi32>
    %add3A_2506 = arith.addi %add3A_2497, %xor3A_2303 : vector<128x128xi32>
    %add3A_2507 = arith.addi %xor3A_2505, %add3A_206 : vector<128x128xi32>
    %add3A_2508 = arith.constant 5 : i32
    %add3A_2509 = vector.broadcast %add3A_2508 : i32 to vector<128x128xi32>
    %add3A_2510 = arith.addi %add3A_2507, %add3A_2509 : vector<128x128xi32>
    %xor3A_2511 = arith.xori %add3A_2506, %add3A_2510 : vector<128x128xi32>
    %shift_right_logical3A_2512 = arith.constant 9 : i32
    %shift_right_logical3A_2513 = vector.broadcast %shift_right_logical3A_2512 : i32 to vector<128x128xi32>
    %shift_right_logical3A_2514 = arith.shrui %xor3A_2511, %shift_right_logical3A_2513 : vector<128x128xi32>
    %or3A_2515 = arith.constant 1065353216 : i32
    %or3A_2516 = vector.broadcast %or3A_2515 : i32 to vector<128x128xi32>
    %or3A_2517 = arith.ori %shift_right_logical3A_2514, %or3A_2516 : vector<128x128xi32>
    %bitcast_convert_type3A_2518 = tpu.bitcast %or3A_2517 : vector<128x128xi32> -> vector<128x128xf32>
    %sub3A_2519 = arith.constant 1.000000e+00 : f32
    %sub3A_2520 = vector.broadcast %sub3A_2519 : f32 to vector<128x128xf32>
    %sub3A_2521 = arith.subf %bitcast_convert_type3A_2518, %sub3A_2520 : vector<128x128xf32>
    %lt3A_2522 = arith.constant 1.000000e-01 : f32
    %lt3A_2523 = vector.broadcast %lt3A_2522 : f32 to vector<128x128xf32>
    %lt3A_2524 = arith.cmpf olt, %sub3A_2521, %lt3A_2523 : vector<128x128xf32>
    %convert_element_type3A_2525 = arith.extui %lt3A_2524 : vector<128x128xi1> to vector<128x128xi32>
    %shift_left3A_2526 = arith.constant 12 : i32
    %shift_left3A_2527 = vector.broadcast %shift_left3A_2526 : i32 to vector<128x128xi32>
    %shift_left3A_2528 = arith.shli %convert_element_type3A_2525, %shift_left3A_2527 : vector<128x128xi32>
    %or3A_2529 = arith.ori %or3A_2297, %shift_left3A_2528 : vector<128x128xi32>
    %broadcast_in_dim3A_2530 = arith.constant 10 : i32
    %broadcast_in_dim3A_2531 = vector.broadcast %broadcast_in_dim3A_2530 : i32 to vector<128x128xi32>
    %xor3A_2532 = arith.xori %add3A_206, %add3A_210 : vector<128x128xi32>
    %xor3A_2533 = arith.constant 466688986 : i32
    %xor3A_2534 = vector.broadcast %xor3A_2533 : i32 to vector<128x128xi32>
    %xor3A_2535 = arith.xori %xor3A_2532, %xor3A_2534 : vector<128x128xi32>
    %add3A_2536 = arith.addi %broadcast_in_dim3A_2, %add3A_206 : vector<128x128xi32>
    %add3A_2537 = arith.addi %broadcast_in_dim3A_2531, %add3A_210 : vector<128x128xi32>
    %add3A_2538 = arith.addi %add3A_2536, %add3A_2537 : vector<128x128xi32>
    %shift_left3A_2539 = arith.constant 13 : i32
    %shift_left3A_2540 = vector.broadcast %shift_left3A_2539 : i32 to vector<128x128xi32>
    %shift_left3A_2541 = arith.shli %add3A_2537, %shift_left3A_2540 : vector<128x128xi32>
    %shift_right_logical3A_2542 = arith.constant 19 : i32
    %shift_right_logical3A_2543 = vector.broadcast %shift_right_logical3A_2542 : i32 to vector<128x128xi32>
    %shift_right_logical3A_2544 = arith.shrui %add3A_2537, %shift_right_logical3A_2543 : vector<128x128xi32>
    %or3A_2545 = arith.ori %shift_left3A_2541, %shift_right_logical3A_2544 : vector<128x128xi32>
    %xor3A_2546 = arith.xori %or3A_2545, %add3A_2538 : vector<128x128xi32>
    %add3A_2547 = arith.addi %add3A_2538, %xor3A_2546 : vector<128x128xi32>
    %shift_left3A_2548 = arith.constant 15 : i32
    %shift_left3A_2549 = vector.broadcast %shift_left3A_2548 : i32 to vector<128x128xi32>
    %shift_left3A_2550 = arith.shli %xor3A_2546, %shift_left3A_2549 : vector<128x128xi32>
    %shift_right_logical3A_2551 = arith.constant 17 : i32
    %shift_right_logical3A_2552 = vector.broadcast %shift_right_logical3A_2551 : i32 to vector<128x128xi32>
    %shift_right_logical3A_2553 = arith.shrui %xor3A_2546, %shift_right_logical3A_2552 : vector<128x128xi32>
    %or3A_2554 = arith.ori %shift_left3A_2550, %shift_right_logical3A_2553 : vector<128x128xi32>
    %xor3A_2555 = arith.xori %or3A_2554, %add3A_2547 : vector<128x128xi32>
    %add3A_2556 = arith.addi %add3A_2547, %xor3A_2555 : vector<128x128xi32>
    %shift_left3A_2557 = arith.constant 26 : i32
    %shift_left3A_2558 = vector.broadcast %shift_left3A_2557 : i32 to vector<128x128xi32>
    %shift_left3A_2559 = arith.shli %xor3A_2555, %shift_left3A_2558 : vector<128x128xi32>
    %shift_right_logical3A_2560 = arith.constant 6 : i32
    %shift_right_logical3A_2561 = vector.broadcast %shift_right_logical3A_2560 : i32 to vector<128x128xi32>
    %shift_right_logical3A_2562 = arith.shrui %xor3A_2555, %shift_right_logical3A_2561 : vector<128x128xi32>
    %or3A_2563 = arith.ori %shift_left3A_2559, %shift_right_logical3A_2562 : vector<128x128xi32>
    %xor3A_2564 = arith.xori %or3A_2563, %add3A_2556 : vector<128x128xi32>
    %add3A_2565 = arith.addi %add3A_2556, %xor3A_2564 : vector<128x128xi32>
    %shift_left3A_2566 = arith.constant 6 : i32
    %shift_left3A_2567 = vector.broadcast %shift_left3A_2566 : i32 to vector<128x128xi32>
    %shift_left3A_2568 = arith.shli %xor3A_2564, %shift_left3A_2567 : vector<128x128xi32>
    %shift_right_logical3A_2569 = arith.constant 26 : i32
    %shift_right_logical3A_2570 = vector.broadcast %shift_right_logical3A_2569 : i32 to vector<128x128xi32>
    %shift_right_logical3A_2571 = arith.shrui %xor3A_2564, %shift_right_logical3A_2570 : vector<128x128xi32>
    %or3A_2572 = arith.ori %shift_left3A_2568, %shift_right_logical3A_2571 : vector<128x128xi32>
    %xor3A_2573 = arith.xori %or3A_2572, %add3A_2565 : vector<128x128xi32>
    %add3A_2574 = arith.addi %add3A_2565, %add3A_210 : vector<128x128xi32>
    %add3A_2575 = arith.addi %xor3A_2573, %xor3A_2535 : vector<128x128xi32>
    %add3A_2576 = arith.constant 1 : i32
    %add3A_2577 = vector.broadcast %add3A_2576 : i32 to vector<128x128xi32>
    %add3A_2578 = arith.addi %add3A_2575, %add3A_2577 : vector<128x128xi32>
    %add3A_2579 = arith.addi %add3A_2574, %add3A_2578 : vector<128x128xi32>
    %shift_left3A_2580 = arith.constant 17 : i32
    %shift_left3A_2581 = vector.broadcast %shift_left3A_2580 : i32 to vector<128x128xi32>
    %shift_left3A_2582 = arith.shli %add3A_2578, %shift_left3A_2581 : vector<128x128xi32>
    %shift_right_logical3A_2583 = arith.constant 15 : i32
    %shift_right_logical3A_2584 = vector.broadcast %shift_right_logical3A_2583 : i32 to vector<128x128xi32>
    %shift_right_logical3A_2585 = arith.shrui %add3A_2578, %shift_right_logical3A_2584 : vector<128x128xi32>
    %or3A_2586 = arith.ori %shift_left3A_2582, %shift_right_logical3A_2585 : vector<128x128xi32>
    %xor3A_2587 = arith.xori %or3A_2586, %add3A_2579 : vector<128x128xi32>
    %add3A_2588 = arith.addi %add3A_2579, %xor3A_2587 : vector<128x128xi32>
    %shift_left3A_2589 = arith.constant 29 : i32
    %shift_left3A_2590 = vector.broadcast %shift_left3A_2589 : i32 to vector<128x128xi32>
    %shift_left3A_2591 = arith.shli %xor3A_2587, %shift_left3A_2590 : vector<128x128xi32>
    %shift_right_logical3A_2592 = arith.constant 3 : i32
    %shift_right_logical3A_2593 = vector.broadcast %shift_right_logical3A_2592 : i32 to vector<128x128xi32>
    %shift_right_logical3A_2594 = arith.shrui %xor3A_2587, %shift_right_logical3A_2593 : vector<128x128xi32>
    %or3A_2595 = arith.ori %shift_left3A_2591, %shift_right_logical3A_2594 : vector<128x128xi32>
    %xor3A_2596 = arith.xori %or3A_2595, %add3A_2588 : vector<128x128xi32>
    %add3A_2597 = arith.addi %add3A_2588, %xor3A_2596 : vector<128x128xi32>
    %shift_left3A_2598 = arith.constant 16 : i32
    %shift_left3A_2599 = vector.broadcast %shift_left3A_2598 : i32 to vector<128x128xi32>
    %shift_left3A_2600 = arith.shli %xor3A_2596, %shift_left3A_2599 : vector<128x128xi32>
    %shift_right_logical3A_2601 = arith.constant 16 : i32
    %shift_right_logical3A_2602 = vector.broadcast %shift_right_logical3A_2601 : i32 to vector<128x128xi32>
    %shift_right_logical3A_2603 = arith.shrui %xor3A_2596, %shift_right_logical3A_2602 : vector<128x128xi32>
    %or3A_2604 = arith.ori %shift_left3A_2600, %shift_right_logical3A_2603 : vector<128x128xi32>
    %xor3A_2605 = arith.xori %or3A_2604, %add3A_2597 : vector<128x128xi32>
    %add3A_2606 = arith.addi %add3A_2597, %xor3A_2605 : vector<128x128xi32>
    %shift_left3A_2607 = arith.constant 24 : i32
    %shift_left3A_2608 = vector.broadcast %shift_left3A_2607 : i32 to vector<128x128xi32>
    %shift_left3A_2609 = arith.shli %xor3A_2605, %shift_left3A_2608 : vector<128x128xi32>
    %shift_right_logical3A_2610 = arith.constant 8 : i32
    %shift_right_logical3A_2611 = vector.broadcast %shift_right_logical3A_2610 : i32 to vector<128x128xi32>
    %shift_right_logical3A_2612 = arith.shrui %xor3A_2605, %shift_right_logical3A_2611 : vector<128x128xi32>
    %or3A_2613 = arith.ori %shift_left3A_2609, %shift_right_logical3A_2612 : vector<128x128xi32>
    %xor3A_2614 = arith.xori %or3A_2613, %add3A_2606 : vector<128x128xi32>
    %add3A_2615 = arith.addi %add3A_2606, %xor3A_2535 : vector<128x128xi32>
    %add3A_2616 = arith.addi %xor3A_2614, %add3A_206 : vector<128x128xi32>
    %add3A_2617 = arith.constant 2 : i32
    %add3A_2618 = vector.broadcast %add3A_2617 : i32 to vector<128x128xi32>
    %add3A_2619 = arith.addi %add3A_2616, %add3A_2618 : vector<128x128xi32>
    %add3A_2620 = arith.addi %add3A_2615, %add3A_2619 : vector<128x128xi32>
    %shift_left3A_2621 = arith.constant 13 : i32
    %shift_left3A_2622 = vector.broadcast %shift_left3A_2621 : i32 to vector<128x128xi32>
    %shift_left3A_2623 = arith.shli %add3A_2619, %shift_left3A_2622 : vector<128x128xi32>
    %shift_right_logical3A_2624 = arith.constant 19 : i32
    %shift_right_logical3A_2625 = vector.broadcast %shift_right_logical3A_2624 : i32 to vector<128x128xi32>
    %shift_right_logical3A_2626 = arith.shrui %add3A_2619, %shift_right_logical3A_2625 : vector<128x128xi32>
    %or3A_2627 = arith.ori %shift_left3A_2623, %shift_right_logical3A_2626 : vector<128x128xi32>
    %xor3A_2628 = arith.xori %or3A_2627, %add3A_2620 : vector<128x128xi32>
    %add3A_2629 = arith.addi %add3A_2620, %xor3A_2628 : vector<128x128xi32>
    %shift_left3A_2630 = arith.constant 15 : i32
    %shift_left3A_2631 = vector.broadcast %shift_left3A_2630 : i32 to vector<128x128xi32>
    %shift_left3A_2632 = arith.shli %xor3A_2628, %shift_left3A_2631 : vector<128x128xi32>
    %shift_right_logical3A_2633 = arith.constant 17 : i32
    %shift_right_logical3A_2634 = vector.broadcast %shift_right_logical3A_2633 : i32 to vector<128x128xi32>
    %shift_right_logical3A_2635 = arith.shrui %xor3A_2628, %shift_right_logical3A_2634 : vector<128x128xi32>
    %or3A_2636 = arith.ori %shift_left3A_2632, %shift_right_logical3A_2635 : vector<128x128xi32>
    %xor3A_2637 = arith.xori %or3A_2636, %add3A_2629 : vector<128x128xi32>
    %add3A_2638 = arith.addi %add3A_2629, %xor3A_2637 : vector<128x128xi32>
    %shift_left3A_2639 = arith.constant 26 : i32
    %shift_left3A_2640 = vector.broadcast %shift_left3A_2639 : i32 to vector<128x128xi32>
    %shift_left3A_2641 = arith.shli %xor3A_2637, %shift_left3A_2640 : vector<128x128xi32>
    %shift_right_logical3A_2642 = arith.constant 6 : i32
    %shift_right_logical3A_2643 = vector.broadcast %shift_right_logical3A_2642 : i32 to vector<128x128xi32>
    %shift_right_logical3A_2644 = arith.shrui %xor3A_2637, %shift_right_logical3A_2643 : vector<128x128xi32>
    %or3A_2645 = arith.ori %shift_left3A_2641, %shift_right_logical3A_2644 : vector<128x128xi32>
    %xor3A_2646 = arith.xori %or3A_2645, %add3A_2638 : vector<128x128xi32>
    %add3A_2647 = arith.addi %add3A_2638, %xor3A_2646 : vector<128x128xi32>
    %shift_left3A_2648 = arith.constant 6 : i32
    %shift_left3A_2649 = vector.broadcast %shift_left3A_2648 : i32 to vector<128x128xi32>
    %shift_left3A_2650 = arith.shli %xor3A_2646, %shift_left3A_2649 : vector<128x128xi32>
    %shift_right_logical3A_2651 = arith.constant 26 : i32
    %shift_right_logical3A_2652 = vector.broadcast %shift_right_logical3A_2651 : i32 to vector<128x128xi32>
    %shift_right_logical3A_2653 = arith.shrui %xor3A_2646, %shift_right_logical3A_2652 : vector<128x128xi32>
    %or3A_2654 = arith.ori %shift_left3A_2650, %shift_right_logical3A_2653 : vector<128x128xi32>
    %xor3A_2655 = arith.xori %or3A_2654, %add3A_2647 : vector<128x128xi32>
    %add3A_2656 = arith.addi %add3A_2647, %add3A_206 : vector<128x128xi32>
    %add3A_2657 = arith.addi %xor3A_2655, %add3A_210 : vector<128x128xi32>
    %add3A_2658 = arith.constant 3 : i32
    %add3A_2659 = vector.broadcast %add3A_2658 : i32 to vector<128x128xi32>
    %add3A_2660 = arith.addi %add3A_2657, %add3A_2659 : vector<128x128xi32>
    %add3A_2661 = arith.addi %add3A_2656, %add3A_2660 : vector<128x128xi32>
    %shift_left3A_2662 = arith.constant 17 : i32
    %shift_left3A_2663 = vector.broadcast %shift_left3A_2662 : i32 to vector<128x128xi32>
    %shift_left3A_2664 = arith.shli %add3A_2660, %shift_left3A_2663 : vector<128x128xi32>
    %shift_right_logical3A_2665 = arith.constant 15 : i32
    %shift_right_logical3A_2666 = vector.broadcast %shift_right_logical3A_2665 : i32 to vector<128x128xi32>
    %shift_right_logical3A_2667 = arith.shrui %add3A_2660, %shift_right_logical3A_2666 : vector<128x128xi32>
    %or3A_2668 = arith.ori %shift_left3A_2664, %shift_right_logical3A_2667 : vector<128x128xi32>
    %xor3A_2669 = arith.xori %or3A_2668, %add3A_2661 : vector<128x128xi32>
    %add3A_2670 = arith.addi %add3A_2661, %xor3A_2669 : vector<128x128xi32>
    %shift_left3A_2671 = arith.constant 29 : i32
    %shift_left3A_2672 = vector.broadcast %shift_left3A_2671 : i32 to vector<128x128xi32>
    %shift_left3A_2673 = arith.shli %xor3A_2669, %shift_left3A_2672 : vector<128x128xi32>
    %shift_right_logical3A_2674 = arith.constant 3 : i32
    %shift_right_logical3A_2675 = vector.broadcast %shift_right_logical3A_2674 : i32 to vector<128x128xi32>
    %shift_right_logical3A_2676 = arith.shrui %xor3A_2669, %shift_right_logical3A_2675 : vector<128x128xi32>
    %or3A_2677 = arith.ori %shift_left3A_2673, %shift_right_logical3A_2676 : vector<128x128xi32>
    %xor3A_2678 = arith.xori %or3A_2677, %add3A_2670 : vector<128x128xi32>
    %add3A_2679 = arith.addi %add3A_2670, %xor3A_2678 : vector<128x128xi32>
    %shift_left3A_2680 = arith.constant 16 : i32
    %shift_left3A_2681 = vector.broadcast %shift_left3A_2680 : i32 to vector<128x128xi32>
    %shift_left3A_2682 = arith.shli %xor3A_2678, %shift_left3A_2681 : vector<128x128xi32>
    %shift_right_logical3A_2683 = arith.constant 16 : i32
    %shift_right_logical3A_2684 = vector.broadcast %shift_right_logical3A_2683 : i32 to vector<128x128xi32>
    %shift_right_logical3A_2685 = arith.shrui %xor3A_2678, %shift_right_logical3A_2684 : vector<128x128xi32>
    %or3A_2686 = arith.ori %shift_left3A_2682, %shift_right_logical3A_2685 : vector<128x128xi32>
    %xor3A_2687 = arith.xori %or3A_2686, %add3A_2679 : vector<128x128xi32>
    %add3A_2688 = arith.addi %add3A_2679, %xor3A_2687 : vector<128x128xi32>
    %shift_left3A_2689 = arith.constant 24 : i32
    %shift_left3A_2690 = vector.broadcast %shift_left3A_2689 : i32 to vector<128x128xi32>
    %shift_left3A_2691 = arith.shli %xor3A_2687, %shift_left3A_2690 : vector<128x128xi32>
    %shift_right_logical3A_2692 = arith.constant 8 : i32
    %shift_right_logical3A_2693 = vector.broadcast %shift_right_logical3A_2692 : i32 to vector<128x128xi32>
    %shift_right_logical3A_2694 = arith.shrui %xor3A_2687, %shift_right_logical3A_2693 : vector<128x128xi32>
    %or3A_2695 = arith.ori %shift_left3A_2691, %shift_right_logical3A_2694 : vector<128x128xi32>
    %xor3A_2696 = arith.xori %or3A_2695, %add3A_2688 : vector<128x128xi32>
    %add3A_2697 = arith.addi %add3A_2688, %add3A_210 : vector<128x128xi32>
    %add3A_2698 = arith.addi %xor3A_2696, %xor3A_2535 : vector<128x128xi32>
    %add3A_2699 = arith.constant 4 : i32
    %add3A_2700 = vector.broadcast %add3A_2699 : i32 to vector<128x128xi32>
    %add3A_2701 = arith.addi %add3A_2698, %add3A_2700 : vector<128x128xi32>
    %add3A_2702 = arith.addi %add3A_2697, %add3A_2701 : vector<128x128xi32>
    %shift_left3A_2703 = arith.constant 13 : i32
    %shift_left3A_2704 = vector.broadcast %shift_left3A_2703 : i32 to vector<128x128xi32>
    %shift_left3A_2705 = arith.shli %add3A_2701, %shift_left3A_2704 : vector<128x128xi32>
    %shift_right_logical3A_2706 = arith.constant 19 : i32
    %shift_right_logical3A_2707 = vector.broadcast %shift_right_logical3A_2706 : i32 to vector<128x128xi32>
    %shift_right_logical3A_2708 = arith.shrui %add3A_2701, %shift_right_logical3A_2707 : vector<128x128xi32>
    %or3A_2709 = arith.ori %shift_left3A_2705, %shift_right_logical3A_2708 : vector<128x128xi32>
    %xor3A_2710 = arith.xori %or3A_2709, %add3A_2702 : vector<128x128xi32>
    %add3A_2711 = arith.addi %add3A_2702, %xor3A_2710 : vector<128x128xi32>
    %shift_left3A_2712 = arith.constant 15 : i32
    %shift_left3A_2713 = vector.broadcast %shift_left3A_2712 : i32 to vector<128x128xi32>
    %shift_left3A_2714 = arith.shli %xor3A_2710, %shift_left3A_2713 : vector<128x128xi32>
    %shift_right_logical3A_2715 = arith.constant 17 : i32
    %shift_right_logical3A_2716 = vector.broadcast %shift_right_logical3A_2715 : i32 to vector<128x128xi32>
    %shift_right_logical3A_2717 = arith.shrui %xor3A_2710, %shift_right_logical3A_2716 : vector<128x128xi32>
    %or3A_2718 = arith.ori %shift_left3A_2714, %shift_right_logical3A_2717 : vector<128x128xi32>
    %xor3A_2719 = arith.xori %or3A_2718, %add3A_2711 : vector<128x128xi32>
    %add3A_2720 = arith.addi %add3A_2711, %xor3A_2719 : vector<128x128xi32>
    %shift_left3A_2721 = arith.constant 26 : i32
    %shift_left3A_2722 = vector.broadcast %shift_left3A_2721 : i32 to vector<128x128xi32>
    %shift_left3A_2723 = arith.shli %xor3A_2719, %shift_left3A_2722 : vector<128x128xi32>
    %shift_right_logical3A_2724 = arith.constant 6 : i32
    %shift_right_logical3A_2725 = vector.broadcast %shift_right_logical3A_2724 : i32 to vector<128x128xi32>
    %shift_right_logical3A_2726 = arith.shrui %xor3A_2719, %shift_right_logical3A_2725 : vector<128x128xi32>
    %or3A_2727 = arith.ori %shift_left3A_2723, %shift_right_logical3A_2726 : vector<128x128xi32>
    %xor3A_2728 = arith.xori %or3A_2727, %add3A_2720 : vector<128x128xi32>
    %add3A_2729 = arith.addi %add3A_2720, %xor3A_2728 : vector<128x128xi32>
    %shift_left3A_2730 = arith.constant 6 : i32
    %shift_left3A_2731 = vector.broadcast %shift_left3A_2730 : i32 to vector<128x128xi32>
    %shift_left3A_2732 = arith.shli %xor3A_2728, %shift_left3A_2731 : vector<128x128xi32>
    %shift_right_logical3A_2733 = arith.constant 26 : i32
    %shift_right_logical3A_2734 = vector.broadcast %shift_right_logical3A_2733 : i32 to vector<128x128xi32>
    %shift_right_logical3A_2735 = arith.shrui %xor3A_2728, %shift_right_logical3A_2734 : vector<128x128xi32>
    %or3A_2736 = arith.ori %shift_left3A_2732, %shift_right_logical3A_2735 : vector<128x128xi32>
    %xor3A_2737 = arith.xori %or3A_2736, %add3A_2729 : vector<128x128xi32>
    %add3A_2738 = arith.addi %add3A_2729, %xor3A_2535 : vector<128x128xi32>
    %add3A_2739 = arith.addi %xor3A_2737, %add3A_206 : vector<128x128xi32>
    %add3A_2740 = arith.constant 5 : i32
    %add3A_2741 = vector.broadcast %add3A_2740 : i32 to vector<128x128xi32>
    %add3A_2742 = arith.addi %add3A_2739, %add3A_2741 : vector<128x128xi32>
    %xor3A_2743 = arith.xori %add3A_2738, %add3A_2742 : vector<128x128xi32>
    %shift_right_logical3A_2744 = arith.constant 9 : i32
    %shift_right_logical3A_2745 = vector.broadcast %shift_right_logical3A_2744 : i32 to vector<128x128xi32>
    %shift_right_logical3A_2746 = arith.shrui %xor3A_2743, %shift_right_logical3A_2745 : vector<128x128xi32>
    %or3A_2747 = arith.constant 1065353216 : i32
    %or3A_2748 = vector.broadcast %or3A_2747 : i32 to vector<128x128xi32>
    %or3A_2749 = arith.ori %shift_right_logical3A_2746, %or3A_2748 : vector<128x128xi32>
    %bitcast_convert_type3A_2750 = tpu.bitcast %or3A_2749 : vector<128x128xi32> -> vector<128x128xf32>
    %sub3A_2751 = arith.constant 1.000000e+00 : f32
    %sub3A_2752 = vector.broadcast %sub3A_2751 : f32 to vector<128x128xf32>
    %sub3A_2753 = arith.subf %bitcast_convert_type3A_2750, %sub3A_2752 : vector<128x128xf32>
    %lt3A_2754 = arith.constant 1.000000e-01 : f32
    %lt3A_2755 = vector.broadcast %lt3A_2754 : f32 to vector<128x128xf32>
    %lt3A_2756 = arith.cmpf olt, %sub3A_2753, %lt3A_2755 : vector<128x128xf32>
    %convert_element_type3A_2757 = arith.extui %lt3A_2756 : vector<128x128xi1> to vector<128x128xi32>
    %shift_left3A_2758 = arith.constant 13 : i32
    %shift_left3A_2759 = vector.broadcast %shift_left3A_2758 : i32 to vector<128x128xi32>
    %shift_left3A_2760 = arith.shli %convert_element_type3A_2757, %shift_left3A_2759 : vector<128x128xi32>
    %or3A_2761 = arith.ori %or3A_2529, %shift_left3A_2760 : vector<128x128xi32>
    %broadcast_in_dim3A_2762 = arith.constant 11 : i32
    %broadcast_in_dim3A_2763 = vector.broadcast %broadcast_in_dim3A_2762 : i32 to vector<128x128xi32>
    %xor3A_2764 = arith.xori %add3A_206, %add3A_210 : vector<128x128xi32>
    %xor3A_2765 = arith.constant 466688986 : i32
    %xor3A_2766 = vector.broadcast %xor3A_2765 : i32 to vector<128x128xi32>
    %xor3A_2767 = arith.xori %xor3A_2764, %xor3A_2766 : vector<128x128xi32>
    %add3A_2768 = arith.addi %broadcast_in_dim3A_2, %add3A_206 : vector<128x128xi32>
    %add3A_2769 = arith.addi %broadcast_in_dim3A_2763, %add3A_210 : vector<128x128xi32>
    %add3A_2770 = arith.addi %add3A_2768, %add3A_2769 : vector<128x128xi32>
    %shift_left3A_2771 = arith.constant 13 : i32
    %shift_left3A_2772 = vector.broadcast %shift_left3A_2771 : i32 to vector<128x128xi32>
    %shift_left3A_2773 = arith.shli %add3A_2769, %shift_left3A_2772 : vector<128x128xi32>
    %shift_right_logical3A_2774 = arith.constant 19 : i32
    %shift_right_logical3A_2775 = vector.broadcast %shift_right_logical3A_2774 : i32 to vector<128x128xi32>
    %shift_right_logical3A_2776 = arith.shrui %add3A_2769, %shift_right_logical3A_2775 : vector<128x128xi32>
    %or3A_2777 = arith.ori %shift_left3A_2773, %shift_right_logical3A_2776 : vector<128x128xi32>
    %xor3A_2778 = arith.xori %or3A_2777, %add3A_2770 : vector<128x128xi32>
    %add3A_2779 = arith.addi %add3A_2770, %xor3A_2778 : vector<128x128xi32>
    %shift_left3A_2780 = arith.constant 15 : i32
    %shift_left3A_2781 = vector.broadcast %shift_left3A_2780 : i32 to vector<128x128xi32>
    %shift_left3A_2782 = arith.shli %xor3A_2778, %shift_left3A_2781 : vector<128x128xi32>
    %shift_right_logical3A_2783 = arith.constant 17 : i32
    %shift_right_logical3A_2784 = vector.broadcast %shift_right_logical3A_2783 : i32 to vector<128x128xi32>
    %shift_right_logical3A_2785 = arith.shrui %xor3A_2778, %shift_right_logical3A_2784 : vector<128x128xi32>
    %or3A_2786 = arith.ori %shift_left3A_2782, %shift_right_logical3A_2785 : vector<128x128xi32>
    %xor3A_2787 = arith.xori %or3A_2786, %add3A_2779 : vector<128x128xi32>
    %add3A_2788 = arith.addi %add3A_2779, %xor3A_2787 : vector<128x128xi32>
    %shift_left3A_2789 = arith.constant 26 : i32
    %shift_left3A_2790 = vector.broadcast %shift_left3A_2789 : i32 to vector<128x128xi32>
    %shift_left3A_2791 = arith.shli %xor3A_2787, %shift_left3A_2790 : vector<128x128xi32>
    %shift_right_logical3A_2792 = arith.constant 6 : i32
    %shift_right_logical3A_2793 = vector.broadcast %shift_right_logical3A_2792 : i32 to vector<128x128xi32>
    %shift_right_logical3A_2794 = arith.shrui %xor3A_2787, %shift_right_logical3A_2793 : vector<128x128xi32>
    %or3A_2795 = arith.ori %shift_left3A_2791, %shift_right_logical3A_2794 : vector<128x128xi32>
    %xor3A_2796 = arith.xori %or3A_2795, %add3A_2788 : vector<128x128xi32>
    %add3A_2797 = arith.addi %add3A_2788, %xor3A_2796 : vector<128x128xi32>
    %shift_left3A_2798 = arith.constant 6 : i32
    %shift_left3A_2799 = vector.broadcast %shift_left3A_2798 : i32 to vector<128x128xi32>
    %shift_left3A_2800 = arith.shli %xor3A_2796, %shift_left3A_2799 : vector<128x128xi32>
    %shift_right_logical3A_2801 = arith.constant 26 : i32
    %shift_right_logical3A_2802 = vector.broadcast %shift_right_logical3A_2801 : i32 to vector<128x128xi32>
    %shift_right_logical3A_2803 = arith.shrui %xor3A_2796, %shift_right_logical3A_2802 : vector<128x128xi32>
    %or3A_2804 = arith.ori %shift_left3A_2800, %shift_right_logical3A_2803 : vector<128x128xi32>
    %xor3A_2805 = arith.xori %or3A_2804, %add3A_2797 : vector<128x128xi32>
    %add3A_2806 = arith.addi %add3A_2797, %add3A_210 : vector<128x128xi32>
    %add3A_2807 = arith.addi %xor3A_2805, %xor3A_2767 : vector<128x128xi32>
    %add3A_2808 = arith.constant 1 : i32
    %add3A_2809 = vector.broadcast %add3A_2808 : i32 to vector<128x128xi32>
    %add3A_2810 = arith.addi %add3A_2807, %add3A_2809 : vector<128x128xi32>
    %add3A_2811 = arith.addi %add3A_2806, %add3A_2810 : vector<128x128xi32>
    %shift_left3A_2812 = arith.constant 17 : i32
    %shift_left3A_2813 = vector.broadcast %shift_left3A_2812 : i32 to vector<128x128xi32>
    %shift_left3A_2814 = arith.shli %add3A_2810, %shift_left3A_2813 : vector<128x128xi32>
    %shift_right_logical3A_2815 = arith.constant 15 : i32
    %shift_right_logical3A_2816 = vector.broadcast %shift_right_logical3A_2815 : i32 to vector<128x128xi32>
    %shift_right_logical3A_2817 = arith.shrui %add3A_2810, %shift_right_logical3A_2816 : vector<128x128xi32>
    %or3A_2818 = arith.ori %shift_left3A_2814, %shift_right_logical3A_2817 : vector<128x128xi32>
    %xor3A_2819 = arith.xori %or3A_2818, %add3A_2811 : vector<128x128xi32>
    %add3A_2820 = arith.addi %add3A_2811, %xor3A_2819 : vector<128x128xi32>
    %shift_left3A_2821 = arith.constant 29 : i32
    %shift_left3A_2822 = vector.broadcast %shift_left3A_2821 : i32 to vector<128x128xi32>
    %shift_left3A_2823 = arith.shli %xor3A_2819, %shift_left3A_2822 : vector<128x128xi32>
    %shift_right_logical3A_2824 = arith.constant 3 : i32
    %shift_right_logical3A_2825 = vector.broadcast %shift_right_logical3A_2824 : i32 to vector<128x128xi32>
    %shift_right_logical3A_2826 = arith.shrui %xor3A_2819, %shift_right_logical3A_2825 : vector<128x128xi32>
    %or3A_2827 = arith.ori %shift_left3A_2823, %shift_right_logical3A_2826 : vector<128x128xi32>
    %xor3A_2828 = arith.xori %or3A_2827, %add3A_2820 : vector<128x128xi32>
    %add3A_2829 = arith.addi %add3A_2820, %xor3A_2828 : vector<128x128xi32>
    %shift_left3A_2830 = arith.constant 16 : i32
    %shift_left3A_2831 = vector.broadcast %shift_left3A_2830 : i32 to vector<128x128xi32>
    %shift_left3A_2832 = arith.shli %xor3A_2828, %shift_left3A_2831 : vector<128x128xi32>
    %shift_right_logical3A_2833 = arith.constant 16 : i32
    %shift_right_logical3A_2834 = vector.broadcast %shift_right_logical3A_2833 : i32 to vector<128x128xi32>
    %shift_right_logical3A_2835 = arith.shrui %xor3A_2828, %shift_right_logical3A_2834 : vector<128x128xi32>
    %or3A_2836 = arith.ori %shift_left3A_2832, %shift_right_logical3A_2835 : vector<128x128xi32>
    %xor3A_2837 = arith.xori %or3A_2836, %add3A_2829 : vector<128x128xi32>
    %add3A_2838 = arith.addi %add3A_2829, %xor3A_2837 : vector<128x128xi32>
    %shift_left3A_2839 = arith.constant 24 : i32
    %shift_left3A_2840 = vector.broadcast %shift_left3A_2839 : i32 to vector<128x128xi32>
    %shift_left3A_2841 = arith.shli %xor3A_2837, %shift_left3A_2840 : vector<128x128xi32>
    %shift_right_logical3A_2842 = arith.constant 8 : i32
    %shift_right_logical3A_2843 = vector.broadcast %shift_right_logical3A_2842 : i32 to vector<128x128xi32>
    %shift_right_logical3A_2844 = arith.shrui %xor3A_2837, %shift_right_logical3A_2843 : vector<128x128xi32>
    %or3A_2845 = arith.ori %shift_left3A_2841, %shift_right_logical3A_2844 : vector<128x128xi32>
    %xor3A_2846 = arith.xori %or3A_2845, %add3A_2838 : vector<128x128xi32>
    %add3A_2847 = arith.addi %add3A_2838, %xor3A_2767 : vector<128x128xi32>
    %add3A_2848 = arith.addi %xor3A_2846, %add3A_206 : vector<128x128xi32>
    %add3A_2849 = arith.constant 2 : i32
    %add3A_2850 = vector.broadcast %add3A_2849 : i32 to vector<128x128xi32>
    %add3A_2851 = arith.addi %add3A_2848, %add3A_2850 : vector<128x128xi32>
    %add3A_2852 = arith.addi %add3A_2847, %add3A_2851 : vector<128x128xi32>
    %shift_left3A_2853 = arith.constant 13 : i32
    %shift_left3A_2854 = vector.broadcast %shift_left3A_2853 : i32 to vector<128x128xi32>
    %shift_left3A_2855 = arith.shli %add3A_2851, %shift_left3A_2854 : vector<128x128xi32>
    %shift_right_logical3A_2856 = arith.constant 19 : i32
    %shift_right_logical3A_2857 = vector.broadcast %shift_right_logical3A_2856 : i32 to vector<128x128xi32>
    %shift_right_logical3A_2858 = arith.shrui %add3A_2851, %shift_right_logical3A_2857 : vector<128x128xi32>
    %or3A_2859 = arith.ori %shift_left3A_2855, %shift_right_logical3A_2858 : vector<128x128xi32>
    %xor3A_2860 = arith.xori %or3A_2859, %add3A_2852 : vector<128x128xi32>
    %add3A_2861 = arith.addi %add3A_2852, %xor3A_2860 : vector<128x128xi32>
    %shift_left3A_2862 = arith.constant 15 : i32
    %shift_left3A_2863 = vector.broadcast %shift_left3A_2862 : i32 to vector<128x128xi32>
    %shift_left3A_2864 = arith.shli %xor3A_2860, %shift_left3A_2863 : vector<128x128xi32>
    %shift_right_logical3A_2865 = arith.constant 17 : i32
    %shift_right_logical3A_2866 = vector.broadcast %shift_right_logical3A_2865 : i32 to vector<128x128xi32>
    %shift_right_logical3A_2867 = arith.shrui %xor3A_2860, %shift_right_logical3A_2866 : vector<128x128xi32>
    %or3A_2868 = arith.ori %shift_left3A_2864, %shift_right_logical3A_2867 : vector<128x128xi32>
    %xor3A_2869 = arith.xori %or3A_2868, %add3A_2861 : vector<128x128xi32>
    %add3A_2870 = arith.addi %add3A_2861, %xor3A_2869 : vector<128x128xi32>
    %shift_left3A_2871 = arith.constant 26 : i32
    %shift_left3A_2872 = vector.broadcast %shift_left3A_2871 : i32 to vector<128x128xi32>
    %shift_left3A_2873 = arith.shli %xor3A_2869, %shift_left3A_2872 : vector<128x128xi32>
    %shift_right_logical3A_2874 = arith.constant 6 : i32
    %shift_right_logical3A_2875 = vector.broadcast %shift_right_logical3A_2874 : i32 to vector<128x128xi32>
    %shift_right_logical3A_2876 = arith.shrui %xor3A_2869, %shift_right_logical3A_2875 : vector<128x128xi32>
    %or3A_2877 = arith.ori %shift_left3A_2873, %shift_right_logical3A_2876 : vector<128x128xi32>
    %xor3A_2878 = arith.xori %or3A_2877, %add3A_2870 : vector<128x128xi32>
    %add3A_2879 = arith.addi %add3A_2870, %xor3A_2878 : vector<128x128xi32>
    %shift_left3A_2880 = arith.constant 6 : i32
    %shift_left3A_2881 = vector.broadcast %shift_left3A_2880 : i32 to vector<128x128xi32>
    %shift_left3A_2882 = arith.shli %xor3A_2878, %shift_left3A_2881 : vector<128x128xi32>
    %shift_right_logical3A_2883 = arith.constant 26 : i32
    %shift_right_logical3A_2884 = vector.broadcast %shift_right_logical3A_2883 : i32 to vector<128x128xi32>
    %shift_right_logical3A_2885 = arith.shrui %xor3A_2878, %shift_right_logical3A_2884 : vector<128x128xi32>
    %or3A_2886 = arith.ori %shift_left3A_2882, %shift_right_logical3A_2885 : vector<128x128xi32>
    %xor3A_2887 = arith.xori %or3A_2886, %add3A_2879 : vector<128x128xi32>
    %add3A_2888 = arith.addi %add3A_2879, %add3A_206 : vector<128x128xi32>
    %add3A_2889 = arith.addi %xor3A_2887, %add3A_210 : vector<128x128xi32>
    %add3A_2890 = arith.constant 3 : i32
    %add3A_2891 = vector.broadcast %add3A_2890 : i32 to vector<128x128xi32>
    %add3A_2892 = arith.addi %add3A_2889, %add3A_2891 : vector<128x128xi32>
    %add3A_2893 = arith.addi %add3A_2888, %add3A_2892 : vector<128x128xi32>
    %shift_left3A_2894 = arith.constant 17 : i32
    %shift_left3A_2895 = vector.broadcast %shift_left3A_2894 : i32 to vector<128x128xi32>
    %shift_left3A_2896 = arith.shli %add3A_2892, %shift_left3A_2895 : vector<128x128xi32>
    %shift_right_logical3A_2897 = arith.constant 15 : i32
    %shift_right_logical3A_2898 = vector.broadcast %shift_right_logical3A_2897 : i32 to vector<128x128xi32>
    %shift_right_logical3A_2899 = arith.shrui %add3A_2892, %shift_right_logical3A_2898 : vector<128x128xi32>
    %or3A_2900 = arith.ori %shift_left3A_2896, %shift_right_logical3A_2899 : vector<128x128xi32>
    %xor3A_2901 = arith.xori %or3A_2900, %add3A_2893 : vector<128x128xi32>
    %add3A_2902 = arith.addi %add3A_2893, %xor3A_2901 : vector<128x128xi32>
    %shift_left3A_2903 = arith.constant 29 : i32
    %shift_left3A_2904 = vector.broadcast %shift_left3A_2903 : i32 to vector<128x128xi32>
    %shift_left3A_2905 = arith.shli %xor3A_2901, %shift_left3A_2904 : vector<128x128xi32>
    %shift_right_logical3A_2906 = arith.constant 3 : i32
    %shift_right_logical3A_2907 = vector.broadcast %shift_right_logical3A_2906 : i32 to vector<128x128xi32>
    %shift_right_logical3A_2908 = arith.shrui %xor3A_2901, %shift_right_logical3A_2907 : vector<128x128xi32>
    %or3A_2909 = arith.ori %shift_left3A_2905, %shift_right_logical3A_2908 : vector<128x128xi32>
    %xor3A_2910 = arith.xori %or3A_2909, %add3A_2902 : vector<128x128xi32>
    %add3A_2911 = arith.addi %add3A_2902, %xor3A_2910 : vector<128x128xi32>
    %shift_left3A_2912 = arith.constant 16 : i32
    %shift_left3A_2913 = vector.broadcast %shift_left3A_2912 : i32 to vector<128x128xi32>
    %shift_left3A_2914 = arith.shli %xor3A_2910, %shift_left3A_2913 : vector<128x128xi32>
    %shift_right_logical3A_2915 = arith.constant 16 : i32
    %shift_right_logical3A_2916 = vector.broadcast %shift_right_logical3A_2915 : i32 to vector<128x128xi32>
    %shift_right_logical3A_2917 = arith.shrui %xor3A_2910, %shift_right_logical3A_2916 : vector<128x128xi32>
    %or3A_2918 = arith.ori %shift_left3A_2914, %shift_right_logical3A_2917 : vector<128x128xi32>
    %xor3A_2919 = arith.xori %or3A_2918, %add3A_2911 : vector<128x128xi32>
    %add3A_2920 = arith.addi %add3A_2911, %xor3A_2919 : vector<128x128xi32>
    %shift_left3A_2921 = arith.constant 24 : i32
    %shift_left3A_2922 = vector.broadcast %shift_left3A_2921 : i32 to vector<128x128xi32>
    %shift_left3A_2923 = arith.shli %xor3A_2919, %shift_left3A_2922 : vector<128x128xi32>
    %shift_right_logical3A_2924 = arith.constant 8 : i32
    %shift_right_logical3A_2925 = vector.broadcast %shift_right_logical3A_2924 : i32 to vector<128x128xi32>
    %shift_right_logical3A_2926 = arith.shrui %xor3A_2919, %shift_right_logical3A_2925 : vector<128x128xi32>
    %or3A_2927 = arith.ori %shift_left3A_2923, %shift_right_logical3A_2926 : vector<128x128xi32>
    %xor3A_2928 = arith.xori %or3A_2927, %add3A_2920 : vector<128x128xi32>
    %add3A_2929 = arith.addi %add3A_2920, %add3A_210 : vector<128x128xi32>
    %add3A_2930 = arith.addi %xor3A_2928, %xor3A_2767 : vector<128x128xi32>
    %add3A_2931 = arith.constant 4 : i32
    %add3A_2932 = vector.broadcast %add3A_2931 : i32 to vector<128x128xi32>
    %add3A_2933 = arith.addi %add3A_2930, %add3A_2932 : vector<128x128xi32>
    %add3A_2934 = arith.addi %add3A_2929, %add3A_2933 : vector<128x128xi32>
    %shift_left3A_2935 = arith.constant 13 : i32
    %shift_left3A_2936 = vector.broadcast %shift_left3A_2935 : i32 to vector<128x128xi32>
    %shift_left3A_2937 = arith.shli %add3A_2933, %shift_left3A_2936 : vector<128x128xi32>
    %shift_right_logical3A_2938 = arith.constant 19 : i32
    %shift_right_logical3A_2939 = vector.broadcast %shift_right_logical3A_2938 : i32 to vector<128x128xi32>
    %shift_right_logical3A_2940 = arith.shrui %add3A_2933, %shift_right_logical3A_2939 : vector<128x128xi32>
    %or3A_2941 = arith.ori %shift_left3A_2937, %shift_right_logical3A_2940 : vector<128x128xi32>
    %xor3A_2942 = arith.xori %or3A_2941, %add3A_2934 : vector<128x128xi32>
    %add3A_2943 = arith.addi %add3A_2934, %xor3A_2942 : vector<128x128xi32>
    %shift_left3A_2944 = arith.constant 15 : i32
    %shift_left3A_2945 = vector.broadcast %shift_left3A_2944 : i32 to vector<128x128xi32>
    %shift_left3A_2946 = arith.shli %xor3A_2942, %shift_left3A_2945 : vector<128x128xi32>
    %shift_right_logical3A_2947 = arith.constant 17 : i32
    %shift_right_logical3A_2948 = vector.broadcast %shift_right_logical3A_2947 : i32 to vector<128x128xi32>
    %shift_right_logical3A_2949 = arith.shrui %xor3A_2942, %shift_right_logical3A_2948 : vector<128x128xi32>
    %or3A_2950 = arith.ori %shift_left3A_2946, %shift_right_logical3A_2949 : vector<128x128xi32>
    %xor3A_2951 = arith.xori %or3A_2950, %add3A_2943 : vector<128x128xi32>
    %add3A_2952 = arith.addi %add3A_2943, %xor3A_2951 : vector<128x128xi32>
    %shift_left3A_2953 = arith.constant 26 : i32
    %shift_left3A_2954 = vector.broadcast %shift_left3A_2953 : i32 to vector<128x128xi32>
    %shift_left3A_2955 = arith.shli %xor3A_2951, %shift_left3A_2954 : vector<128x128xi32>
    %shift_right_logical3A_2956 = arith.constant 6 : i32
    %shift_right_logical3A_2957 = vector.broadcast %shift_right_logical3A_2956 : i32 to vector<128x128xi32>
    %shift_right_logical3A_2958 = arith.shrui %xor3A_2951, %shift_right_logical3A_2957 : vector<128x128xi32>
    %or3A_2959 = arith.ori %shift_left3A_2955, %shift_right_logical3A_2958 : vector<128x128xi32>
    %xor3A_2960 = arith.xori %or3A_2959, %add3A_2952 : vector<128x128xi32>
    %add3A_2961 = arith.addi %add3A_2952, %xor3A_2960 : vector<128x128xi32>
    %shift_left3A_2962 = arith.constant 6 : i32
    %shift_left3A_2963 = vector.broadcast %shift_left3A_2962 : i32 to vector<128x128xi32>
    %shift_left3A_2964 = arith.shli %xor3A_2960, %shift_left3A_2963 : vector<128x128xi32>
    %shift_right_logical3A_2965 = arith.constant 26 : i32
    %shift_right_logical3A_2966 = vector.broadcast %shift_right_logical3A_2965 : i32 to vector<128x128xi32>
    %shift_right_logical3A_2967 = arith.shrui %xor3A_2960, %shift_right_logical3A_2966 : vector<128x128xi32>
    %or3A_2968 = arith.ori %shift_left3A_2964, %shift_right_logical3A_2967 : vector<128x128xi32>
    %xor3A_2969 = arith.xori %or3A_2968, %add3A_2961 : vector<128x128xi32>
    %add3A_2970 = arith.addi %add3A_2961, %xor3A_2767 : vector<128x128xi32>
    %add3A_2971 = arith.addi %xor3A_2969, %add3A_206 : vector<128x128xi32>
    %add3A_2972 = arith.constant 5 : i32
    %add3A_2973 = vector.broadcast %add3A_2972 : i32 to vector<128x128xi32>
    %add3A_2974 = arith.addi %add3A_2971, %add3A_2973 : vector<128x128xi32>
    %xor3A_2975 = arith.xori %add3A_2970, %add3A_2974 : vector<128x128xi32>
    %shift_right_logical3A_2976 = arith.constant 9 : i32
    %shift_right_logical3A_2977 = vector.broadcast %shift_right_logical3A_2976 : i32 to vector<128x128xi32>
    %shift_right_logical3A_2978 = arith.shrui %xor3A_2975, %shift_right_logical3A_2977 : vector<128x128xi32>
    %or3A_2979 = arith.constant 1065353216 : i32
    %or3A_2980 = vector.broadcast %or3A_2979 : i32 to vector<128x128xi32>
    %or3A_2981 = arith.ori %shift_right_logical3A_2978, %or3A_2980 : vector<128x128xi32>
    %bitcast_convert_type3A_2982 = tpu.bitcast %or3A_2981 : vector<128x128xi32> -> vector<128x128xf32>
    %sub3A_2983 = arith.constant 1.000000e+00 : f32
    %sub3A_2984 = vector.broadcast %sub3A_2983 : f32 to vector<128x128xf32>
    %sub3A_2985 = arith.subf %bitcast_convert_type3A_2982, %sub3A_2984 : vector<128x128xf32>
    %lt3A_2986 = arith.constant 1.000000e-01 : f32
    %lt3A_2987 = vector.broadcast %lt3A_2986 : f32 to vector<128x128xf32>
    %lt3A_2988 = arith.cmpf olt, %sub3A_2985, %lt3A_2987 : vector<128x128xf32>
    %convert_element_type3A_2989 = arith.extui %lt3A_2988 : vector<128x128xi1> to vector<128x128xi32>
    %shift_left3A_2990 = arith.constant 14 : i32
    %shift_left3A_2991 = vector.broadcast %shift_left3A_2990 : i32 to vector<128x128xi32>
    %shift_left3A_2992 = arith.shli %convert_element_type3A_2989, %shift_left3A_2991 : vector<128x128xi32>
    %or3A_2993 = arith.ori %or3A_2761, %shift_left3A_2992 : vector<128x128xi32>
    %broadcast_in_dim3A_2994 = arith.constant 12 : i32
    %broadcast_in_dim3A_2995 = vector.broadcast %broadcast_in_dim3A_2994 : i32 to vector<128x128xi32>
    %xor3A_2996 = arith.xori %add3A_206, %add3A_210 : vector<128x128xi32>
    %xor3A_2997 = arith.constant 466688986 : i32
    %xor3A_2998 = vector.broadcast %xor3A_2997 : i32 to vector<128x128xi32>
    %xor3A_2999 = arith.xori %xor3A_2996, %xor3A_2998 : vector<128x128xi32>
    %add3A_3000 = arith.addi %broadcast_in_dim3A_2, %add3A_206 : vector<128x128xi32>
    %add3A_3001 = arith.addi %broadcast_in_dim3A_2995, %add3A_210 : vector<128x128xi32>
    %add3A_3002 = arith.addi %add3A_3000, %add3A_3001 : vector<128x128xi32>
    %shift_left3A_3003 = arith.constant 13 : i32
    %shift_left3A_3004 = vector.broadcast %shift_left3A_3003 : i32 to vector<128x128xi32>
    %shift_left3A_3005 = arith.shli %add3A_3001, %shift_left3A_3004 : vector<128x128xi32>
    %shift_right_logical3A_3006 = arith.constant 19 : i32
    %shift_right_logical3A_3007 = vector.broadcast %shift_right_logical3A_3006 : i32 to vector<128x128xi32>
    %shift_right_logical3A_3008 = arith.shrui %add3A_3001, %shift_right_logical3A_3007 : vector<128x128xi32>
    %or3A_3009 = arith.ori %shift_left3A_3005, %shift_right_logical3A_3008 : vector<128x128xi32>
    %xor3A_3010 = arith.xori %or3A_3009, %add3A_3002 : vector<128x128xi32>
    %add3A_3011 = arith.addi %add3A_3002, %xor3A_3010 : vector<128x128xi32>
    %shift_left3A_3012 = arith.constant 15 : i32
    %shift_left3A_3013 = vector.broadcast %shift_left3A_3012 : i32 to vector<128x128xi32>
    %shift_left3A_3014 = arith.shli %xor3A_3010, %shift_left3A_3013 : vector<128x128xi32>
    %shift_right_logical3A_3015 = arith.constant 17 : i32
    %shift_right_logical3A_3016 = vector.broadcast %shift_right_logical3A_3015 : i32 to vector<128x128xi32>
    %shift_right_logical3A_3017 = arith.shrui %xor3A_3010, %shift_right_logical3A_3016 : vector<128x128xi32>
    %or3A_3018 = arith.ori %shift_left3A_3014, %shift_right_logical3A_3017 : vector<128x128xi32>
    %xor3A_3019 = arith.xori %or3A_3018, %add3A_3011 : vector<128x128xi32>
    %add3A_3020 = arith.addi %add3A_3011, %xor3A_3019 : vector<128x128xi32>
    %shift_left3A_3021 = arith.constant 26 : i32
    %shift_left3A_3022 = vector.broadcast %shift_left3A_3021 : i32 to vector<128x128xi32>
    %shift_left3A_3023 = arith.shli %xor3A_3019, %shift_left3A_3022 : vector<128x128xi32>
    %shift_right_logical3A_3024 = arith.constant 6 : i32
    %shift_right_logical3A_3025 = vector.broadcast %shift_right_logical3A_3024 : i32 to vector<128x128xi32>
    %shift_right_logical3A_3026 = arith.shrui %xor3A_3019, %shift_right_logical3A_3025 : vector<128x128xi32>
    %or3A_3027 = arith.ori %shift_left3A_3023, %shift_right_logical3A_3026 : vector<128x128xi32>
    %xor3A_3028 = arith.xori %or3A_3027, %add3A_3020 : vector<128x128xi32>
    %add3A_3029 = arith.addi %add3A_3020, %xor3A_3028 : vector<128x128xi32>
    %shift_left3A_3030 = arith.constant 6 : i32
    %shift_left3A_3031 = vector.broadcast %shift_left3A_3030 : i32 to vector<128x128xi32>
    %shift_left3A_3032 = arith.shli %xor3A_3028, %shift_left3A_3031 : vector<128x128xi32>
    %shift_right_logical3A_3033 = arith.constant 26 : i32
    %shift_right_logical3A_3034 = vector.broadcast %shift_right_logical3A_3033 : i32 to vector<128x128xi32>
    %shift_right_logical3A_3035 = arith.shrui %xor3A_3028, %shift_right_logical3A_3034 : vector<128x128xi32>
    %or3A_3036 = arith.ori %shift_left3A_3032, %shift_right_logical3A_3035 : vector<128x128xi32>
    %xor3A_3037 = arith.xori %or3A_3036, %add3A_3029 : vector<128x128xi32>
    %add3A_3038 = arith.addi %add3A_3029, %add3A_210 : vector<128x128xi32>
    %add3A_3039 = arith.addi %xor3A_3037, %xor3A_2999 : vector<128x128xi32>
    %add3A_3040 = arith.constant 1 : i32
    %add3A_3041 = vector.broadcast %add3A_3040 : i32 to vector<128x128xi32>
    %add3A_3042 = arith.addi %add3A_3039, %add3A_3041 : vector<128x128xi32>
    %add3A_3043 = arith.addi %add3A_3038, %add3A_3042 : vector<128x128xi32>
    %shift_left3A_3044 = arith.constant 17 : i32
    %shift_left3A_3045 = vector.broadcast %shift_left3A_3044 : i32 to vector<128x128xi32>
    %shift_left3A_3046 = arith.shli %add3A_3042, %shift_left3A_3045 : vector<128x128xi32>
    %shift_right_logical3A_3047 = arith.constant 15 : i32
    %shift_right_logical3A_3048 = vector.broadcast %shift_right_logical3A_3047 : i32 to vector<128x128xi32>
    %shift_right_logical3A_3049 = arith.shrui %add3A_3042, %shift_right_logical3A_3048 : vector<128x128xi32>
    %or3A_3050 = arith.ori %shift_left3A_3046, %shift_right_logical3A_3049 : vector<128x128xi32>
    %xor3A_3051 = arith.xori %or3A_3050, %add3A_3043 : vector<128x128xi32>
    %add3A_3052 = arith.addi %add3A_3043, %xor3A_3051 : vector<128x128xi32>
    %shift_left3A_3053 = arith.constant 29 : i32
    %shift_left3A_3054 = vector.broadcast %shift_left3A_3053 : i32 to vector<128x128xi32>
    %shift_left3A_3055 = arith.shli %xor3A_3051, %shift_left3A_3054 : vector<128x128xi32>
    %shift_right_logical3A_3056 = arith.constant 3 : i32
    %shift_right_logical3A_3057 = vector.broadcast %shift_right_logical3A_3056 : i32 to vector<128x128xi32>
    %shift_right_logical3A_3058 = arith.shrui %xor3A_3051, %shift_right_logical3A_3057 : vector<128x128xi32>
    %or3A_3059 = arith.ori %shift_left3A_3055, %shift_right_logical3A_3058 : vector<128x128xi32>
    %xor3A_3060 = arith.xori %or3A_3059, %add3A_3052 : vector<128x128xi32>
    %add3A_3061 = arith.addi %add3A_3052, %xor3A_3060 : vector<128x128xi32>
    %shift_left3A_3062 = arith.constant 16 : i32
    %shift_left3A_3063 = vector.broadcast %shift_left3A_3062 : i32 to vector<128x128xi32>
    %shift_left3A_3064 = arith.shli %xor3A_3060, %shift_left3A_3063 : vector<128x128xi32>
    %shift_right_logical3A_3065 = arith.constant 16 : i32
    %shift_right_logical3A_3066 = vector.broadcast %shift_right_logical3A_3065 : i32 to vector<128x128xi32>
    %shift_right_logical3A_3067 = arith.shrui %xor3A_3060, %shift_right_logical3A_3066 : vector<128x128xi32>
    %or3A_3068 = arith.ori %shift_left3A_3064, %shift_right_logical3A_3067 : vector<128x128xi32>
    %xor3A_3069 = arith.xori %or3A_3068, %add3A_3061 : vector<128x128xi32>
    %add3A_3070 = arith.addi %add3A_3061, %xor3A_3069 : vector<128x128xi32>
    %shift_left3A_3071 = arith.constant 24 : i32
    %shift_left3A_3072 = vector.broadcast %shift_left3A_3071 : i32 to vector<128x128xi32>
    %shift_left3A_3073 = arith.shli %xor3A_3069, %shift_left3A_3072 : vector<128x128xi32>
    %shift_right_logical3A_3074 = arith.constant 8 : i32
    %shift_right_logical3A_3075 = vector.broadcast %shift_right_logical3A_3074 : i32 to vector<128x128xi32>
    %shift_right_logical3A_3076 = arith.shrui %xor3A_3069, %shift_right_logical3A_3075 : vector<128x128xi32>
    %or3A_3077 = arith.ori %shift_left3A_3073, %shift_right_logical3A_3076 : vector<128x128xi32>
    %xor3A_3078 = arith.xori %or3A_3077, %add3A_3070 : vector<128x128xi32>
    %add3A_3079 = arith.addi %add3A_3070, %xor3A_2999 : vector<128x128xi32>
    %add3A_3080 = arith.addi %xor3A_3078, %add3A_206 : vector<128x128xi32>
    %add3A_3081 = arith.constant 2 : i32
    %add3A_3082 = vector.broadcast %add3A_3081 : i32 to vector<128x128xi32>
    %add3A_3083 = arith.addi %add3A_3080, %add3A_3082 : vector<128x128xi32>
    %add3A_3084 = arith.addi %add3A_3079, %add3A_3083 : vector<128x128xi32>
    %shift_left3A_3085 = arith.constant 13 : i32
    %shift_left3A_3086 = vector.broadcast %shift_left3A_3085 : i32 to vector<128x128xi32>
    %shift_left3A_3087 = arith.shli %add3A_3083, %shift_left3A_3086 : vector<128x128xi32>
    %shift_right_logical3A_3088 = arith.constant 19 : i32
    %shift_right_logical3A_3089 = vector.broadcast %shift_right_logical3A_3088 : i32 to vector<128x128xi32>
    %shift_right_logical3A_3090 = arith.shrui %add3A_3083, %shift_right_logical3A_3089 : vector<128x128xi32>
    %or3A_3091 = arith.ori %shift_left3A_3087, %shift_right_logical3A_3090 : vector<128x128xi32>
    %xor3A_3092 = arith.xori %or3A_3091, %add3A_3084 : vector<128x128xi32>
    %add3A_3093 = arith.addi %add3A_3084, %xor3A_3092 : vector<128x128xi32>
    %shift_left3A_3094 = arith.constant 15 : i32
    %shift_left3A_3095 = vector.broadcast %shift_left3A_3094 : i32 to vector<128x128xi32>
    %shift_left3A_3096 = arith.shli %xor3A_3092, %shift_left3A_3095 : vector<128x128xi32>
    %shift_right_logical3A_3097 = arith.constant 17 : i32
    %shift_right_logical3A_3098 = vector.broadcast %shift_right_logical3A_3097 : i32 to vector<128x128xi32>
    %shift_right_logical3A_3099 = arith.shrui %xor3A_3092, %shift_right_logical3A_3098 : vector<128x128xi32>
    %or3A_3100 = arith.ori %shift_left3A_3096, %shift_right_logical3A_3099 : vector<128x128xi32>
    %xor3A_3101 = arith.xori %or3A_3100, %add3A_3093 : vector<128x128xi32>
    %add3A_3102 = arith.addi %add3A_3093, %xor3A_3101 : vector<128x128xi32>
    %shift_left3A_3103 = arith.constant 26 : i32
    %shift_left3A_3104 = vector.broadcast %shift_left3A_3103 : i32 to vector<128x128xi32>
    %shift_left3A_3105 = arith.shli %xor3A_3101, %shift_left3A_3104 : vector<128x128xi32>
    %shift_right_logical3A_3106 = arith.constant 6 : i32
    %shift_right_logical3A_3107 = vector.broadcast %shift_right_logical3A_3106 : i32 to vector<128x128xi32>
    %shift_right_logical3A_3108 = arith.shrui %xor3A_3101, %shift_right_logical3A_3107 : vector<128x128xi32>
    %or3A_3109 = arith.ori %shift_left3A_3105, %shift_right_logical3A_3108 : vector<128x128xi32>
    %xor3A_3110 = arith.xori %or3A_3109, %add3A_3102 : vector<128x128xi32>
    %add3A_3111 = arith.addi %add3A_3102, %xor3A_3110 : vector<128x128xi32>
    %shift_left3A_3112 = arith.constant 6 : i32
    %shift_left3A_3113 = vector.broadcast %shift_left3A_3112 : i32 to vector<128x128xi32>
    %shift_left3A_3114 = arith.shli %xor3A_3110, %shift_left3A_3113 : vector<128x128xi32>
    %shift_right_logical3A_3115 = arith.constant 26 : i32
    %shift_right_logical3A_3116 = vector.broadcast %shift_right_logical3A_3115 : i32 to vector<128x128xi32>
    %shift_right_logical3A_3117 = arith.shrui %xor3A_3110, %shift_right_logical3A_3116 : vector<128x128xi32>
    %or3A_3118 = arith.ori %shift_left3A_3114, %shift_right_logical3A_3117 : vector<128x128xi32>
    %xor3A_3119 = arith.xori %or3A_3118, %add3A_3111 : vector<128x128xi32>
    %add3A_3120 = arith.addi %add3A_3111, %add3A_206 : vector<128x128xi32>
    %add3A_3121 = arith.addi %xor3A_3119, %add3A_210 : vector<128x128xi32>
    %add3A_3122 = arith.constant 3 : i32
    %add3A_3123 = vector.broadcast %add3A_3122 : i32 to vector<128x128xi32>
    %add3A_3124 = arith.addi %add3A_3121, %add3A_3123 : vector<128x128xi32>
    %add3A_3125 = arith.addi %add3A_3120, %add3A_3124 : vector<128x128xi32>
    %shift_left3A_3126 = arith.constant 17 : i32
    %shift_left3A_3127 = vector.broadcast %shift_left3A_3126 : i32 to vector<128x128xi32>
    %shift_left3A_3128 = arith.shli %add3A_3124, %shift_left3A_3127 : vector<128x128xi32>
    %shift_right_logical3A_3129 = arith.constant 15 : i32
    %shift_right_logical3A_3130 = vector.broadcast %shift_right_logical3A_3129 : i32 to vector<128x128xi32>
    %shift_right_logical3A_3131 = arith.shrui %add3A_3124, %shift_right_logical3A_3130 : vector<128x128xi32>
    %or3A_3132 = arith.ori %shift_left3A_3128, %shift_right_logical3A_3131 : vector<128x128xi32>
    %xor3A_3133 = arith.xori %or3A_3132, %add3A_3125 : vector<128x128xi32>
    %add3A_3134 = arith.addi %add3A_3125, %xor3A_3133 : vector<128x128xi32>
    %shift_left3A_3135 = arith.constant 29 : i32
    %shift_left3A_3136 = vector.broadcast %shift_left3A_3135 : i32 to vector<128x128xi32>
    %shift_left3A_3137 = arith.shli %xor3A_3133, %shift_left3A_3136 : vector<128x128xi32>
    %shift_right_logical3A_3138 = arith.constant 3 : i32
    %shift_right_logical3A_3139 = vector.broadcast %shift_right_logical3A_3138 : i32 to vector<128x128xi32>
    %shift_right_logical3A_3140 = arith.shrui %xor3A_3133, %shift_right_logical3A_3139 : vector<128x128xi32>
    %or3A_3141 = arith.ori %shift_left3A_3137, %shift_right_logical3A_3140 : vector<128x128xi32>
    %xor3A_3142 = arith.xori %or3A_3141, %add3A_3134 : vector<128x128xi32>
    %add3A_3143 = arith.addi %add3A_3134, %xor3A_3142 : vector<128x128xi32>
    %shift_left3A_3144 = arith.constant 16 : i32
    %shift_left3A_3145 = vector.broadcast %shift_left3A_3144 : i32 to vector<128x128xi32>
    %shift_left3A_3146 = arith.shli %xor3A_3142, %shift_left3A_3145 : vector<128x128xi32>
    %shift_right_logical3A_3147 = arith.constant 16 : i32
    %shift_right_logical3A_3148 = vector.broadcast %shift_right_logical3A_3147 : i32 to vector<128x128xi32>
    %shift_right_logical3A_3149 = arith.shrui %xor3A_3142, %shift_right_logical3A_3148 : vector<128x128xi32>
    %or3A_3150 = arith.ori %shift_left3A_3146, %shift_right_logical3A_3149 : vector<128x128xi32>
    %xor3A_3151 = arith.xori %or3A_3150, %add3A_3143 : vector<128x128xi32>
    %add3A_3152 = arith.addi %add3A_3143, %xor3A_3151 : vector<128x128xi32>
    %shift_left3A_3153 = arith.constant 24 : i32
    %shift_left3A_3154 = vector.broadcast %shift_left3A_3153 : i32 to vector<128x128xi32>
    %shift_left3A_3155 = arith.shli %xor3A_3151, %shift_left3A_3154 : vector<128x128xi32>
    %shift_right_logical3A_3156 = arith.constant 8 : i32
    %shift_right_logical3A_3157 = vector.broadcast %shift_right_logical3A_3156 : i32 to vector<128x128xi32>
    %shift_right_logical3A_3158 = arith.shrui %xor3A_3151, %shift_right_logical3A_3157 : vector<128x128xi32>
    %or3A_3159 = arith.ori %shift_left3A_3155, %shift_right_logical3A_3158 : vector<128x128xi32>
    %xor3A_3160 = arith.xori %or3A_3159, %add3A_3152 : vector<128x128xi32>
    %add3A_3161 = arith.addi %add3A_3152, %add3A_210 : vector<128x128xi32>
    %add3A_3162 = arith.addi %xor3A_3160, %xor3A_2999 : vector<128x128xi32>
    %add3A_3163 = arith.constant 4 : i32
    %add3A_3164 = vector.broadcast %add3A_3163 : i32 to vector<128x128xi32>
    %add3A_3165 = arith.addi %add3A_3162, %add3A_3164 : vector<128x128xi32>
    %add3A_3166 = arith.addi %add3A_3161, %add3A_3165 : vector<128x128xi32>
    %shift_left3A_3167 = arith.constant 13 : i32
    %shift_left3A_3168 = vector.broadcast %shift_left3A_3167 : i32 to vector<128x128xi32>
    %shift_left3A_3169 = arith.shli %add3A_3165, %shift_left3A_3168 : vector<128x128xi32>
    %shift_right_logical3A_3170 = arith.constant 19 : i32
    %shift_right_logical3A_3171 = vector.broadcast %shift_right_logical3A_3170 : i32 to vector<128x128xi32>
    %shift_right_logical3A_3172 = arith.shrui %add3A_3165, %shift_right_logical3A_3171 : vector<128x128xi32>
    %or3A_3173 = arith.ori %shift_left3A_3169, %shift_right_logical3A_3172 : vector<128x128xi32>
    %xor3A_3174 = arith.xori %or3A_3173, %add3A_3166 : vector<128x128xi32>
    %add3A_3175 = arith.addi %add3A_3166, %xor3A_3174 : vector<128x128xi32>
    %shift_left3A_3176 = arith.constant 15 : i32
    %shift_left3A_3177 = vector.broadcast %shift_left3A_3176 : i32 to vector<128x128xi32>
    %shift_left3A_3178 = arith.shli %xor3A_3174, %shift_left3A_3177 : vector<128x128xi32>
    %shift_right_logical3A_3179 = arith.constant 17 : i32
    %shift_right_logical3A_3180 = vector.broadcast %shift_right_logical3A_3179 : i32 to vector<128x128xi32>
    %shift_right_logical3A_3181 = arith.shrui %xor3A_3174, %shift_right_logical3A_3180 : vector<128x128xi32>
    %or3A_3182 = arith.ori %shift_left3A_3178, %shift_right_logical3A_3181 : vector<128x128xi32>
    %xor3A_3183 = arith.xori %or3A_3182, %add3A_3175 : vector<128x128xi32>
    %add3A_3184 = arith.addi %add3A_3175, %xor3A_3183 : vector<128x128xi32>
    %shift_left3A_3185 = arith.constant 26 : i32
    %shift_left3A_3186 = vector.broadcast %shift_left3A_3185 : i32 to vector<128x128xi32>
    %shift_left3A_3187 = arith.shli %xor3A_3183, %shift_left3A_3186 : vector<128x128xi32>
    %shift_right_logical3A_3188 = arith.constant 6 : i32
    %shift_right_logical3A_3189 = vector.broadcast %shift_right_logical3A_3188 : i32 to vector<128x128xi32>
    %shift_right_logical3A_3190 = arith.shrui %xor3A_3183, %shift_right_logical3A_3189 : vector<128x128xi32>
    %or3A_3191 = arith.ori %shift_left3A_3187, %shift_right_logical3A_3190 : vector<128x128xi32>
    %xor3A_3192 = arith.xori %or3A_3191, %add3A_3184 : vector<128x128xi32>
    %add3A_3193 = arith.addi %add3A_3184, %xor3A_3192 : vector<128x128xi32>
    %shift_left3A_3194 = arith.constant 6 : i32
    %shift_left3A_3195 = vector.broadcast %shift_left3A_3194 : i32 to vector<128x128xi32>
    %shift_left3A_3196 = arith.shli %xor3A_3192, %shift_left3A_3195 : vector<128x128xi32>
    %shift_right_logical3A_3197 = arith.constant 26 : i32
    %shift_right_logical3A_3198 = vector.broadcast %shift_right_logical3A_3197 : i32 to vector<128x128xi32>
    %shift_right_logical3A_3199 = arith.shrui %xor3A_3192, %shift_right_logical3A_3198 : vector<128x128xi32>
    %or3A_3200 = arith.ori %shift_left3A_3196, %shift_right_logical3A_3199 : vector<128x128xi32>
    %xor3A_3201 = arith.xori %or3A_3200, %add3A_3193 : vector<128x128xi32>
    %add3A_3202 = arith.addi %add3A_3193, %xor3A_2999 : vector<128x128xi32>
    %add3A_3203 = arith.addi %xor3A_3201, %add3A_206 : vector<128x128xi32>
    %add3A_3204 = arith.constant 5 : i32
    %add3A_3205 = vector.broadcast %add3A_3204 : i32 to vector<128x128xi32>
    %add3A_3206 = arith.addi %add3A_3203, %add3A_3205 : vector<128x128xi32>
    %xor3A_3207 = arith.xori %add3A_3202, %add3A_3206 : vector<128x128xi32>
    %shift_right_logical3A_3208 = arith.constant 9 : i32
    %shift_right_logical3A_3209 = vector.broadcast %shift_right_logical3A_3208 : i32 to vector<128x128xi32>
    %shift_right_logical3A_3210 = arith.shrui %xor3A_3207, %shift_right_logical3A_3209 : vector<128x128xi32>
    %or3A_3211 = arith.constant 1065353216 : i32
    %or3A_3212 = vector.broadcast %or3A_3211 : i32 to vector<128x128xi32>
    %or3A_3213 = arith.ori %shift_right_logical3A_3210, %or3A_3212 : vector<128x128xi32>
    %bitcast_convert_type3A_3214 = tpu.bitcast %or3A_3213 : vector<128x128xi32> -> vector<128x128xf32>
    %sub3A_3215 = arith.constant 1.000000e+00 : f32
    %sub3A_3216 = vector.broadcast %sub3A_3215 : f32 to vector<128x128xf32>
    %sub3A_3217 = arith.subf %bitcast_convert_type3A_3214, %sub3A_3216 : vector<128x128xf32>
    %lt3A_3218 = arith.constant 1.000000e-01 : f32
    %lt3A_3219 = vector.broadcast %lt3A_3218 : f32 to vector<128x128xf32>
    %lt3A_3220 = arith.cmpf olt, %sub3A_3217, %lt3A_3219 : vector<128x128xf32>
    %convert_element_type3A_3221 = arith.extui %lt3A_3220 : vector<128x128xi1> to vector<128x128xi32>
    %shift_left3A_3222 = arith.constant 15 : i32
    %shift_left3A_3223 = vector.broadcast %shift_left3A_3222 : i32 to vector<128x128xi32>
    %shift_left3A_3224 = arith.shli %convert_element_type3A_3221, %shift_left3A_3223 : vector<128x128xi32>
    %or3A_3225 = arith.ori %or3A_2993, %shift_left3A_3224 : vector<128x128xi32>
    %or3A_3226 = arith.constant 7 : i32
    %or3A_3227 = vector.broadcast %or3A_3226 : i32 to vector<128x128xi32>
    %or3A_3228 = arith.ori %or3A_3225, %or3A_3227 : vector<128x128xi32>
    %bitcast_convert_type3A_3229 = tpu.bitcast %or3A_3228 : vector<128x128xi32> -> vector<128x128xi32>
    %swap3A = arith.constant 0 : index
    %swap3A_3230 = arith.constant 0 : index
    %swap3A_3231 = vector.load %arg2[%swap3A, %swap3A_3230] : memref<128x128xi32, #tpu.memory_space<vmem>>, vector<128x128xi32>
    tpu.vector_store %arg2[%swap3A, %swap3A_3230], %bitcast_convert_type3A_3229 {strides = array<i32>} : memref<128x128xi32, #tpu.memory_space<vmem>>, vector<128x128xi32>,
    %broadcast_in_dim3A_3232 = arith.constant 0 : i32
    %broadcast_in_dim3A_3233 = vector.broadcast %broadcast_in_dim3A_3232 : i32 to vector<61440xi32>
    %swap3A_3234 = arith.constant 0 : index
    %swap3A_3235 = vector.load %arg3[%swap3A_3234] : memref<61440xi32, #tpu.memory_space<vmem>>, vector<61440xi32>
    tpu.vector_store %arg3[%swap3A_3234], %broadcast_in_dim3A_3233 {strides = array<i32>} : memref<61440xi32, #tpu.memory_space<vmem>>, vector<61440xi32>,
    return
  }
  func.func @transform_0(%arg0: i32) -> (i32, i32) {
    %c0_i32 = arith.constant 0 : i32
    %c0_i32_0 = arith.constant 0 : i32
    %c0_i32_1 = arith.constant 0 : i32
    return %c0_i32, %c0_i32_0 : i32, i32
  }
  func.func @transform_1(%arg0: i32) -> (i32, i32) {
    %c0_i32 = arith.constant 0 : i32
    %c0_i32_0 = arith.constant 0 : i32
    %c0_i32_1 = arith.constant 0 : i32
    return %c0_i32, %c0_i32_0 : i32, i32
  }
  func.func @transform_2(%arg0: i32) -> i32 {
    %c0_i32 = arith.constant 0 : i32
    %c0_i32_0 = arith.constant 0 : i32
    return %c0_i32 : i32
  }
}

</mosaic_0001>

<sc_bundles>
// kernel: kernel.6.cloned.1.call-start
scs
__scs_entry_jumppad:
0x0: {  	(pc) =	sbr.rel $0x88, $3  }
0x1: {  	(tag) =	ssettag $0x0;
	lr =	simm.s32 $0x1  }
0x2: {  	[smem:$0x3F9F] =	sst lr;
	_ =	strace $0xD0000000  }
0x3: {  	_ = 	snop  }
0x4: {  	_ = 	snop  }
0x5: {  	_ = 	snop  }
0x6: {  	_ = 	snop  }
0x7: {  	_ = 	snop  }
__scs_overlays_trampoline_lowered:
0x8: {  	[smem:$0x3FAE] =	sst s0  }
0x9: {  	[smem:$0x3FAF] =	sst s1  }
0xa: {  	[smem:$0x3FB0] =	sst s2  }
0xb: {  	[smem:$0x3FB1] =	sst s3  }
0xc: {  	[smem:$0x3FB2] =	sst s4  }
0xd: {  	[smem:$0x3FB3] =	sst s5  }
0xe: {  	[smem:$0x3FB4] =	sst s6  }
0xf: {  	[smem:$0x3FB5] =	sst s7  }
0x10: {  	[smem:$0x3FB6] =	sst s8  }
0x11: {  	[smem:$0x3FB7] =	sst s9;
	s0 =	simm.s32 @!p0 $0x0  }
0x12: {  	s1 =	sld [smem:$0x3F9D];
	s0 =	simm.s32 @p0 $0x1  }
0x13: {  	[smem:$0x3FB8] =	sst s0;
	s0 =	simm.s32 @!p1 $0x0  }
0x14: {  	s2 =	sld [smem:$0x3F9C];
	s0 =	simm.s32 @p1 $0x1  }
0x15: {  	[smem:$0x3FB9] =	sst s0;
	s0 =	simm.s32 @!p2 $0x0  }
0x16: {  	s3 =	sld [smem:$0x3FDB];
	s0 =	simm.s32 @p2 $0x1  }
0x17: {  	s4 =	simm.s32 $0x1BF5;
	[smem:$0x3FBB] =	sst s0  }
0x18: {  	s0 =	sld [smem:$0x3F9E];
	_ =	swait.ge [sflag:s4], $0x0  }
0x19: {  	s7 =	sld [smem:$0x3F9F]  }
0x1a: {  	s8 =	sadd.s32 $0xFFFFE003, lr  }
0x1b: {  	s9 =	sadd.s32 $0xFFFFFEF7, lr;
	s5 =	simm.s32 $0xFFFFFFFF;
	p2 =	slt.u32 s8, $0xFFFFF086  }
0x1c: {  	p1 =	slt.u32 s9, $0xF7A;
	s5 =	simm.s32 @!p2 $0x0  }
0x1d: {  	s5 =	simm.s32 @p1 $0x1;
	p0 =	seq.s32 s7, s2  }
0x1e: {  	s7 =	smul.u32 @!p0 $0xF7A, s2;
	p2 =	seq.s32 @!p0 s5, $0x0  }
0x1f: {  	s9 =	smul.u32 $0xF7A, s1;
	s8 =	simm.s32 @!p0 $0x1BF5;
	p2 =	por !p2, p0  }
0x20: {  	[sflag:s8] =	ssyncset.s32 @!p0 $0xFFFFF086;
	s6 =	sadd.s32 @!p0 s3, s7;
	s7 =	simm.s32 @!p0 $0x108  }
0x21: {  	s3 =	sadd.s32 s3, s9;
	s6 =	sadd.s32 @!p0 $0x88, s6;
	s7 =	simm.s32 @p2 $0x1082  }
0x22: {  	[simem:s7], [sflag:s8] =	dma.local @!p0 [hbm:s6], $0xF7A  }
0x23: {  	s9 =	sor.u32 $0xD0000000, s2;
	s6 =	simm.s32 $0x108;
	_ =	swait.ge @!p0 [sflag:s8], $0x0  }
0x24: {  	s3 =	sadd.s32 $0x88, s3;
	s6 =	simm.s32 @!p1 $0x1082;
	[sflag:s4] =	ssyncset.s32 $0xFFFFF086  }
0x25: {  	[simem:s6], [sflag:s4] =	dma.local [hbm:s3], $0xF7A  }
0x26: {  	[smem:$0x3F9F] =	sst s1;
	(tag) =	ssettag s2;
	_ =	strace s9  }
0x27: {  	s1 =	sld [smem:$0x3FAF]  }
0x28: {  	s2 =	sld [smem:$0x3FB0]  }
0x29: {  	s4 =	sld [smem:$0x3FB2]  }
0x2a: {  	p0 =	seq.s32 s5, $0x0;
	s5 =	sld [smem:$0x3FB3]  }
0x2b: {  	s6 =	sld [smem:$0x3FB4]  }
0x2c: {  	s7 =	sld [smem:$0x3FB5]  }
0x2d: {  	s3 =	simm.s32 $0x108;
	s8 =	sld [smem:$0x3FB6]  }
0x2e: {  	s3 =	simm.s32 @!p0 $0x1082;
	s9 =	sld [smem:$0x3FB7]  }
0x2f: {  	lr =	sadd.s32 s0, s3;
	s0 =	sld [smem:$0x3FAE]  }
0x30: {  	s3 =	sld [smem:$0x3FB1]  }
0x31: {  	[smem:$0x3FBA] =	sst s10  }
0x32: {  	s10 =	sld [smem:$0x3FB8];
	_ =	sdelay $0x3  }
0x33: {  	p0 =	seq.s32 s10, $0x1;
	s10 =	sld [smem:$0x3FBA];
	_ =	sdelay $0x3  }
0x34: {  	[smem:$0x3FBA] =	sst s10  }
0x35: {  	s10 =	sld [smem:$0x3FB9];
	_ =	sdelay $0x3  }
0x36: {  	p1 =	seq.s32 s10, $0x1;
	s10 =	sld [smem:$0x3FBA];
	_ =	sdelay $0x3  }
0x37: {  	[smem:$0x3FBA] =	sst s10  }
0x38: {  	s10 =	sld [smem:$0x3FBB]  }
0x39: {  	_ = 	snop;
	(pc) =	sbr.ind lr, $3  }
0x3a: {  	_ = 	snop  }
0x3b: {  	_ = 	snop  }
0x3c: {  	p2 =	seq.s32 s10, $0x1;
	s10 =	sld [smem:$0x3FBA]  }
0x3d: {  	_ =	shalt  }
0x3e: {  	_ =	shalt  }
0x3f: {  	_ =	shalt  }
0x40: {  	_ =	shalt  }
0x41: {  	_ =	shalt  }
0x42: {  	_ =	shalt  }
0x43: {  	_ =	shalt  }
0x44: {  	_ =	shalt  }
0x45: {  	_ =	shalt  }
0x46: {  	_ =	shalt  }
0x47: {  	_ =	shalt  }
0x48: {  	_ =	shalt  }
0x49: {  	_ =	shalt  }
0x4a: {  	_ =	shalt  }
0x4b: {  	_ =	shalt  }
0x4c: {  	_ =	shalt  }
0x4d: {  	_ =	shalt  }
0x4e: {  	_ =	shalt  }
0x4f: {  	_ =	shalt  }
0x50: {  	_ =	shalt  }
0x51: {  	_ =	shalt  }
0x52: {  	_ =	shalt  }
0x53: {  	_ =	shalt  }
0x54: {  	_ =	shalt  }
0x55: {  	_ =	shalt  }
0x56: {  	_ =	shalt  }
0x57: {  	_ =	shalt  }
0x58: {  	_ =	shalt  }
0x59: {  	_ =	shalt  }
0x5a: {  	_ =	shalt  }
0x5b: {  	_ =	shalt  }
0x5c: {  	_ =	shalt  }
0x5d: {  	_ =	shalt  }
0x5e: {  	_ =	shalt  }
0x5f: {  	_ =	shalt  }
0x60: {  	_ =	shalt  }
0x61: {  	_ =	shalt  }
0x62: {  	_ =	shalt  }
0x63: {  	_ =	shalt  }
0x64: {  	_ =	shalt  }
0x65: {  	_ =	shalt  }
0x66: {  	_ =	shalt  }
0x67: {  	_ =	shalt  }
0x68: {  	_ =	shalt  }
0x69: {  	_ =	shalt  }
0x6a: {  	_ =	shalt  }
0x6b: {  	_ =	shalt  }
0x6c: {  	_ =	shalt  }
0x6d: {  	_ =	shalt  }
0x6e: {  	_ =	shalt  }
0x6f: {  	_ =	shalt  }
0x70: {  	_ =	shalt  }
0x71: {  	_ =	shalt  }
0x72: {  	_ =	shalt  }
0x73: {  	_ =	shalt  }
0x74: {  	_ =	shalt  }
0x75: {  	_ =	shalt  }
0x76: {  	_ =	shalt  }
0x77: {  	_ =	shalt  }
0x78: {  	_ =	shalt  }
0x79: {  	_ =	shalt  }
0x7a: {  	_ =	shalt  }
0x7b: {  	_ =	shalt  }
0x7c: {  	_ =	shalt  }
0x7d: {  	_ =	shalt  }
0x7e: {  	_ =	shalt  }
0x7f: {  	_ =	shalt  }
0x80: {  	_ =	shalt  }
0x81: {  	_ =	shalt  }
0x82: {  	_ =	shalt  }
0x83: {  	_ =	shalt  }
0x84: {  	_ =	shalt  }
0x85: {  	_ =	shalt  }
0x86: {  	_ =	shalt  }
0x87: {  	_ =	shalt  }
.Lfunc_end0:
.L_simem_size_0:
called_computation_lowered:
.L_overlay_start_0:
0x88: {  	s0 =	sld [smem:$0x3FD9]  }
0x89: {  	s1 =	sld [smem:$0x3FFE];
	_ =	sdelay $0x3  }
0x8a: {  	s0 =	sadd.s32 s1, s0  }
0x8b: {  	[smem:$0x3FC6] =	sst s0  }
0x8c: {  	_ = 	snop  }
0x8d: {  	s0 =	sld [smem:$0x3FD0];
	_ =	sdelay $0x2  }
0x8e: {  	s2 =	simm.s32 $0xA;
	s3 =	simm.s32 $0x10;
	s13 =	sld [smem:$0x3FC8]  }
0x8f: {  	[smem:s3], [sflag:s2] =	dma.local [hbm:s0], $0x1  }
0x90: {  	_ =	swait.eq [sflag:s2], $0x1  }
0x91: {  	[sflag:s2] =	ssyncset.done $0x0  }
0x92: {  	[sflag:s2] =	ssyncadd.s32 $0xFFFFFFFF  }
0x93: {  	s14 =	sld [smem:$0x11];
	(tm) =	ssettm $0x1  }
0x94: {  	s15 =	sld [smem:$0x3FFB];
	_ =	sdelay $0x3  }
0x95: {  	_ =	strace s15  }
0x96: {  	s2 =	sld [smem:$0x3FFC];
	_ =	sdelay $0x3  }
0x97: {  	_ =	strace s2  }
0x98: {  	s2 =	sld [smem:$0x3FFD];
	_ =	sdelay $0x3  }
0x99: {  	_ =	strace s2  }
0x9a: {  	_ =	strace $0x8FFFFFFF  }
0x9b: {  	s16 =	sld [smem:$0x3FDB];
	_ =	sdelay $0x1  }
0x9c: {  	s17 =	simm.s32 $_scs_section_size  }
0x9d: {  	s4 =	simm.s32 $_size__tile_overlayer_lowered;
	s5 =	simm.s32 $_tile_overlayer_lowered  }
0x9e: {  	s20 =	simm.s32 $0x1BFF;
	s19 =	sshll.u32 s5, $0x1;
	s2 =	sadd.s32 s17, s16  }
0x9f: {  	s6 =	simm.s32 $0x0;
	s18 =	sshll.u32 s4, $0x1;
	s4 =	sadd.s32 s19, s2  }
0xa0: {  	[timem:s6], [sflag:s20] =	dma.local [hbm:s4], s18  }
0xa1: {  	_ =	swait.ge [sflag:s20], s18  }
0xa2: {  	s3 =	ssub.s32 $0x0, s18;
	[sflag:s20] =	ssyncset.done $0x0  }
0xa3: {  	[sflag:s20] =	ssyncadd.s32 s3;
	_ =	sdelay $0x1  }
0xa4: {  	s21 =	simm.s32 $0x1B8B  }
0xa5: {  	_ =	swait.ge [sflag:s21], $0x1  }
0xa6: {  	[sflag:s21] =	ssyncset.done $0x0  }
0xa7: {  	s23 =	simm.s32 $0x1B8E;
	s22 =	sld [smem:$0x3FFE];
	[sflag:s21] =	ssyncadd.s32 $0xFFFFFFFF  }
0xa8: {  	s24 =	simm.s32 $execute0_lowered;
	[smem:$0x3FD2] =	sst s23  }
0xa9: {  	s4 =	sshll.u32 s24, $0x1;
	_ =	strace $0x80000046;
	[dreg:$0x1] =	wrdreg $0xFFFFFFFF  }
0xaa: {  	s25 =	simm.s32 $_size_execute0_lowered;
	s2 =	sadd.s32 s2, s4;
	[dreg:$0x0] =	wrdreg $0x0  }
0xab: {  	s4 =	sshll.u32 s25, $0x1;
	[dreg:$0x2] =	wrdreg s2  }
0xac: {  	[dreg:$0x3] =	wrdreg s4  }
0xad: {  	[dreg:$0x4] =	wrdreg $0xC0  }
0xae: {  	_ =	task [dreg:s6], $0x5FFFF  }
0xaf: {  	[dreg:$0x1] =	wrdreg $0xFFFFFFFF  }
0xb0: {  	[dreg:$0x0] =	wrdreg $0x60  }
0xb1: {  	[dreg:$0x2] =	wrdreg s13  }
0xb2: {  	[dreg:$0x3] =	wrdreg s22  }
0xb3: {  	[dreg:$0x4] =	wrdreg s14  }
0xb4: {  	[dreg:$0x5] =	wrdreg $0x9  }
0xb5: {  	_ =	task.clear_ibuf [dreg:s6], $0x6FFFF;
	_ =	strace $0x90000046  }
0xb6: {  	s26 =	simm.s32 $0x9;
	_ =	strace $0x80000048  }
0xb7: {  	_ =	swait.ge [sflag:s26], $0x1  }
0xb8: {  	[sflag:s26] =	ssyncadd.s32 $0xFFFFFFFF  }
0xb9: {  	_ =	strace $0x90000048  }
0xba: {  	_ =	sfence  }
0xbb: {  	s28 =	sld [smem:$0x0];
	_ =	sdelay $0x1  }
0xbc: {  	s29 =	srdreg.scid  }
0xbd: {  	s30 =	sshll.u32 s29, $0xD;
	s31 =	sshrl.u32 s29, $0x2  }
0xbe: {  	s1 =	sand.u32 $0x1, s29;
	s2 =	sand.u32 $0x4000, s30;
	s0 =	sadd.s32 s31, s28  }
0xbf: {  	s1 =	sor.u32 s2, s1;
	s0 =	sshll.u32 s0, $0x11  }
0xc0: {  	s0 =	sor.u32 s0, s1  }
0xc1: {  	s0 =	sadd.s32 $0x8F2B, s0  }
0xc2: {  	[sflag:s0] =	ssyncadd.remote.s32 $0x1  }
0xc3: {  	_ =	sfence.sel $0xFFFF  }
0xc4: {  	[dreg:$0x0] =	wrdreg $0xFFFFFFFF;
	(pc) =	sbr.abs _section_cstart, $3  }
0xc5: {  	[dreg:$0x1] =	wrdreg $0xFFFFFFFF  }
0xc6: {  	_ =	task.clear_ibuf [dreg:s6], $0x2FFFF;
	_ =	strace $0x9FFFFFFF  }
0xc7: {  	(tm) =	ssettm $0x7FFFFFFF  }
tec
execute0_lowered:
.L_overlay_start_1:
0x0: {  	(tag) =	ssettag $0x1  }
0x1: {  	s4 =	rddreg [dreg:$0x0]  }
0x2: {  	s3 =	rddreg [dreg:$0x1]  }
0x3: {  	s5 =	rddreg [dreg:$0x2];
	s1 =	stileid.u32  }
0x4: {  	s0 =	rddreg [dreg:$0x3];
	_ =	strace $0x80000047;
	p0 =	sne.s32 s1, $0x0  }
0x5: {  	_ =	sfence.sel @p0 $0x180000  }
0x6: {  	[bflag:$0x0] =	sbarrier.arrive @p0 $0xFFFF  }
0x7: {  	_ =	strace @p0 $0x90000047  }
0x8: {  	[bflag:$0x2] =	sbarrier.arrive @p0 $0xFFFF  }
0x9: {  	_ =	shalt @p0  }
.LBB2_1:
0xa: {  	s1 =	simm.s32 $0x0;
	s2 =	simm.s32 $0x8000;
	s30 =	simm.s32 $0x1  }
0xb: {  	[tilespmem:s2], [sflag:$0x1] =	stream.linear.gather [hbm4b:s5+s1], $0xF000, $0x38;
	[tilespmem:$0x17000] =	vst v63  }
0xc: {  	_ =	swait.ge [sflag:s30], $0xF000  }
0xd: {  	[sflag:s30] =	ssyncset.done $0x0  }
0xe: {  	[sflag:s30] =	ssyncadd.s32 $0xFFFF1000  }
0xf: {  	[tilespmem:s1], [sflag:$0x1] =	stream.linear.gather [hbm4b:s4+s1], $0x4000, $0x38;
	[tilespmem:$0x17000] =	vst v63  }
0x10: {  	_ =	swait.ge [sflag:s30], $0x4000  }
0x11: {  	[sflag:s30] =	ssyncset.done $0x0  }
0x12: {  	s31 =	sadd.s32 $0x1200, s3;
	s6 =	simm.s32 $0x4000;
	[sflag:s30] =	ssyncadd.s32 $0xFFFFC000  }
0x13: {  	[tilespmem:s6], [sflag:$0x1] =	stream.linear.gather [hbm4b:s31+s1], $0x4000, $0x38;
	[tilespmem:$0x17000] =	vst v63  }
0x14: {  	_ =	swait.ge [sflag:s30], $0x4000  }
0x15: {  	[sflag:s30] =	ssyncset.done $0x0  }
0x16: {  	s3 =	sadd.s32 $0x1A00, s3;
	[sflag:s30] =	ssyncadd.s32 $0xFFFFC000  }
.LBB2_2:
0x17: {  	s4 =	sshra.s32 s1, $0x2  }
0x18: {  	v0 =	vld [tilespmem:s4+$0x0];
	_ =	sdelay $0x2  }
0x19: {  	v1 =	vld [tilespmem:s4+$0x4000];
	_ =	sdelay $0x4  }
0x1a: {  	[tilespmem:v0+s2+$0x0] =	vst.idx.msk $0xffff, v1  }
0x1b: {  	v0 =	vld [tilespmem:s4+$0x10];
	_ =	sdelay $0x2  }
0x1c: {  	v1 =	vld [tilespmem:s4+$0x4010];
	_ =	sdelay $0x4  }
0x1d: {  	[tilespmem:v0+s2+$0x0] =	vst.idx.msk $0xffff, v1  }
0x1e: {  	v0 =	vld [tilespmem:s4+$0x20];
	_ =	sdelay $0x2  }
0x1f: {  	v1 =	vld [tilespmem:s4+$0x4020];
	_ =	sdelay $0x4  }
0x20: {  	[tilespmem:v0+s2+$0x0] =	vst.idx.msk $0xffff, v1  }
0x21: {  	v0 =	vld [tilespmem:s4+$0x30];
	_ =	sdelay $0x2  }
0x22: {  	p0 =	sne.s32 s1, $0xFF00;
	v1 =	vld [tilespmem:s4+$0x4030]  }
.Ltmp0:
0x23: {  	_ = 	snop;
	(pc) =	sbr.rel @p0 .LBB2_2-.Ltmp0, $2  }
0x24: {  	_ =	sdelay $0x2  }
0x25: {  	s1 =	sadd.s32 $0x100, s1;
	[tilespmem:v0+s2+$0x0] =	vst.idx.msk $0xffff, v1  }
0x26: {  	s1 =	simm.s32 $0x0;
	s2 =	simm.s32 $0x8000;
	s31 =	simm.s32 $0x1  }
0x27: {  	[hbm4b:s3+s1] =	stream.linear.scatter [tilespmem:s2], [sflag:$0x1], $0xF000, $0x38;
	[tilespmem:$0x17000] =	vst v63  }
0x28: {  	_ =	swait.ge [sflag:s31], $0xF000  }
0x29: {  	[sflag:s31] =	ssyncset.done $0x0  }
0x2a: {  	[sflag:s31] =	ssyncadd.s32 $0xFFFF1000  }
0x2b: {  	_ =	sfence.sel $0x180000  }
0x2c: {  	[bflag:$0x0] =	sbarrier.arrive $0xFFFF  }
0x2d: {  	_ =	strace $0x90000047  }
0x2e: {  	s0 =	sadd.s32 $0x100000, s0;
	[bflag:$0x2] =	sbarrier.arrive $0xFFFF  }
0x2f: {  	[sflag:s0] =	ssyncadd.tile.s32 $0x1;
	_ =	shalt  }
.Lfunc_end2:
_tile_overlayer_lowered:
.L_overlay_start_2:
0x30: {  	(tag) =	ssettag $0x2  }
0x31: {  	s0 =	rddreg [dreg:$0x0];
	s2 =	stileid.u32  }
0x32: {  	s1 =	rddreg [dreg:$0x1];
	p0 =	sne.s32 s2, $0x0  }
0x33: {  	s3 =	rddreg [dreg:$0x2];
	[bflag:$0x3] =	sbarrier.arrive $0xFFFF;
	s2 =	simm.s32 @!p0 $0x1C01  }
0x34: {  	[timem:s3], [sflag:s2] =	dma.local @!p0 [hbm:s0], s1  }
0x35: {  	s0 =	simm.s32 @!p0 $0x1  }
0x36: {  	_ =	swait.ge @!p0 [sflag:s0], s1  }
0x37: {  	s1 =	ssub.s32 @!p0 $0x0, s1;
	[sflag:s0] =	ssyncset.done @!p0 $0x0  }
0x38: {  	[sflag:s0] =	ssyncadd.s32 @!p0 s1  }
0x39: {  	[bflag:$0x3] =	sbarrier.arrive $0xFFFF  }
0x3a: {  	_ =	shalt  }

</sc_bundles>
